<compile_context>
chip_gen: v7x
topology: tpu7x:2x2x1
jax: 0.10.2.dev20260603
libtpu: 0.0.44.dev20260713+nightly
codegen_flags: <defaults>
</compile_context>

<pallas_src>
import jax
import jax.numpy as jnp
from jax import lax
from jax.experimental import pallas as pl
from jax.experimental.pallas import tpu as pltpu
from jax.experimental.pallas import tpu_sc as plsc


N = 10000
NP = 10240
DF = 128
D1 = 64
NC2 = 40
E_TOT = 320000 + N
NWORK = 32
EGRP = 128
GPW = 81
E_PAD = NWORK * GPW * EGRP
ROW1 = 80
ROW2 = 48
RPT = NP // 16
BLK = 256
GRID = NP // BLK


def _tc1_body(x_ref, w1_ref, ms_ref, md_ref, st_ref, dt_ref):
    h = jnp.dot(x_ref[...], w1_ref[...], preferred_element_type=jnp.float32)
    asrc = jnp.dot(h, ms_ref[...], preferred_element_type=jnp.float32)
    adst = jnp.dot(h, md_ref[...], preferred_element_type=jnp.float32)
    ones = jnp.ones((BLK, 8), jnp.float32)
    zeros = jnp.zeros((BLK, 8), jnp.float32)
    st_ref[...] = jnp.concatenate([h, asrc, ones], axis=1)
    dt_ref[...] = jnp.concatenate([adst, zeros], axis=1)


def _tc2_body(parts_ref, b1_ref, w2_ref, as2_ref, ad2_ref, r_ref,
              st_ref, as_ref, ad_ref):
    p = parts_ref[0] + parts_ref[1]
    num = p[:, 0:D1]
    den = p[:, 72:80] + 1e-16
    den_b = jnp.dot(den, r_ref[...], preferred_element_type=jnp.float32)
    h1 = num / den_b + b1_ref[...]
    h1 = jnp.where(h1 > 0, h1, jnp.exp(h1) - 1.0)
    h2 = jnp.dot(h1, w2_ref[...], preferred_element_type=jnp.float32)
    a2s = jnp.dot(h2, as2_ref[...], preferred_element_type=jnp.float32)
    a2d = jnp.dot(h2, ad2_ref[...], preferred_element_type=jnp.float32)
    onec = jnp.ones((BLK, 1), jnp.float32)
    pad7 = jnp.zeros((BLK, 7), jnp.float32)
    st_ref[...] = jnp.concatenate([h2, onec, pad7], axis=1)
    as_ref[...] = a2s
    ad_ref[...] = a2d


def _tc3_body(parts_ref, b2_ref, out_ref):
    q = parts_ref[0] + parts_ref[1]
    logits = q[:, 0:NC2] / (q[:, 40:41] + 1e-16) + b2_ref[...]
    m = jnp.max(logits, axis=1, keepdims=True)
    lse = m + jnp.log(jnp.sum(jnp.exp(logits - m), axis=1, keepdims=True))
    out_ref[...] = logits - lse


def _bcast_idx(lane, spec):
    if spec[0] == "pair":
        return jnp.right_shift(lane, 3) + spec[1]
    if spec[0] == "mod":
        return jnp.bitwise_and(lane, 7)
    return jnp.bitwise_and(lane, 0) + spec[1]


def _sc_pipe(row_w, c, s, w, st_hbm, sidx_hbm, didx_hbm, out_hbm,
             sidx, didx, S, MSG, acc, gsA, gsB, isem, ssem0, ssem1,
             start_extra, wait_extra, compute):
    nv = row_w // 16
    zero16 = jnp.zeros((16,), jnp.float32)

    @plsc.parallel_loop(0, EGRP, unroll=4)
    def _zb(i):
        for j in range(nv):
            MSG[0, i, pl.ds(16 * j, 16)] = zero16
    for k in range(RPT // EGRP):
        pltpu.sync_copy(MSG.at[0], acc.at[pl.ds(s * RPT + k * EGRP, EGRP)])
    plsc.subcore_barrier()

    def _start_gathers(p5, p3, m):
        @pl.when(m == 0)
        def _sg0():
            pltpu.async_copy(st_hbm.at[sidx.at[p5]], S.at[p3], gsA)

        @pl.when(m == 1)
        def _sg1():
            pltpu.async_copy(st_hbm.at[sidx.at[p5]], S.at[p3], gsB)
        start_extra(p5, p3, m)

    def _wait_gathers(p5, p3, m):
        @pl.when(m == 0)
        def _wg0():
            pltpu.make_async_copy(st_hbm.at[sidx.at[p5]], S.at[p3], gsA).wait()

        @pl.when(m == 1)
        def _wg1():
            pltpu.make_async_copy(st_hbm.at[sidx.at[p5]], S.at[p3], gsB).wait()
        wait_extra(p5, p3, m)

    for g0 in (0, 1):
        pltpu.sync_copy(sidx_hbm.at[w, g0], sidx.at[g0])
        pltpu.sync_copy(didx_hbm.at[w, g0], didx.at[g0])
        _start_gathers(g0, g0, jnp.int32(g0))
    pltpu.async_copy(sidx_hbm.at[w, 2], sidx.at[2], isem)
    pltpu.async_copy(didx_hbm.at[w, 2], didx.at[2], isem)

    def grp(g, carry):
        p5 = lax.rem(g, 5)
        p3 = lax.rem(g, 3)
        m = jnp.bitwise_and(g, 1)

        @pl.when((g >= 2) & (m == 0))
        def _wait_scatter0():
            pltpu.make_async_copy(
                MSG.at[0], acc.at[didx.at[p5]], ssem0).wait()

        @pl.when((g >= 2) & (m == 1))
        def _wait_scatter1():
            pltpu.make_async_copy(
                MSG.at[1], acc.at[didx.at[p5]], ssem1).wait()

        _wait_gathers(p5, p3, m)

        @pl.when(g + 2 < GPW)
        def _launch_ahead():
            q5 = lax.rem(g + 2, 5)
            q3 = lax.rem(g + 2, 3)
            pltpu.make_async_copy(sidx_hbm.at[w, g + 2], sidx.at[q5], isem).wait()
            pltpu.make_async_copy(didx_hbm.at[w, g + 2], didx.at[q5], isem).wait()
            _start_gathers(q5, q3, m)

        @pl.when(g + 3 < GPW)
        def _idx_ahead():
            r5 = lax.rem(g + 3, 5)
            pltpu.async_copy(sidx_hbm.at[w, g + 3], sidx.at[r5], isem)
            pltpu.async_copy(didx_hbm.at[w, g + 3], didx.at[r5], isem)

        compute(p3, m)

        @pl.when(m == 0)
        def _scat0():
            pltpu.async_copy(MSG.at[0], acc.at[didx.at[p5]], ssem0, add=True)

        @pl.when(m == 1)
        def _scat1():
            pltpu.async_copy(MSG.at[1], acc.at[didx.at[p5]], ssem1, add=True)
        return carry
    lax.fori_loop(0, GPW, grp, 0)

    for g, sem_e in ((GPW - 2, ssem1), (GPW - 1, ssem0)):
        pltpu.make_async_copy(
            MSG.at[g & 1], acc.at[didx.at[g % 5]], sem_e).wait()
    plsc.subcore_barrier()
    for k in range(RPT // EGRP):
        rows = pl.ds(s * RPT + k * EGRP, EGRP)
        pltpu.sync_copy(acc.at[rows], MSG.at[0])
        pltpu.sync_copy(MSG.at[0], out_hbm.at[c, rows])


def _make_sc1():
    row_w = ROW1

    def body(st_hbm, dt_hbm, sidx_hbm, didx_hbm, out_hbm,
             sidx, didx, S, D, MSG, TBA, acc, gsA, gsB, gs2A, gs2B, isem,
             ssem0, ssem1):
        c = lax.axis_index("c")
        s = lax.axis_index("s")
        w = c * 16 + s

        def start_extra(p5, p3, m):
            @pl.when(m == 0)
            def _se0():
                pltpu.async_copy(dt_hbm.at[didx.at[p5]], D.at[p3], gs2A)

            @pl.when(m == 1)
            def _se1():
                pltpu.async_copy(dt_hbm.at[didx.at[p5]], D.at[p3], gs2B)

        def wait_extra(p5, p3, m):
            @pl.when(m == 0)
            def _we0():
                pltpu.make_async_copy(
                    dt_hbm.at[didx.at[p5]], D.at[p3], gs2A).wait()

            @pl.when(m == 1)
            def _we1():
                pltpu.make_async_copy(
                    dt_hbm.at[didx.at[p5]], D.at[p3], gs2B).wait()

        def compute(p, m):
            @plsc.parallel_loop(0, EGRP, unroll=4)
            def _edge(i):
                lane = lax.broadcasted_iota(jnp.int32, (16,), 0)
                u = S[p, i, pl.ds(64, 16)] + D[p, i, :]
                u = jnp.where(u >= 0.0, u, 0.2 * u)
                TBA[i, :] = jnp.exp(u)
                irow = jnp.bitwise_and(lane, 0) + i
                for j, spec in enumerate([("pair", 0), ("pair", 2),
                                          ("pair", 4), ("pair", 6)]):
                    sb = plsc.load_gather(TBA, [irow, _bcast_idx(lane, spec)])
                    MSG[m, i, pl.ds(16 * j, 16)] = (
                        S[p, i, pl.ds(16 * j, 16)] * sb)
                sb4 = plsc.load_gather(TBA, [irow, _bcast_idx(lane, ("mod",))])
                MSG[m, i, pl.ds(64, 16)] = sb4

        _sc_pipe(row_w, c, s, w, st_hbm, sidx_hbm, didx_hbm, out_hbm,
                 sidx, didx, S, MSG, acc, gsA, gsB, isem, ssem0, ssem1,
                 start_extra, wait_extra, compute)

    mesh = plsc.VectorSubcoreMesh(core_axis_name="c", subcore_axis_name="s",
                                  num_cores=2, num_subcores=16)
    return pl.kernel(
        body,
        out_type=jax.ShapeDtypeStruct((2, NP, row_w), jnp.float32),
        mesh=mesh,
        compiler_params=pltpu.CompilerParams(use_tc_tiling_on_sc=False,
                                             needs_layout_passes=False),
        scratch_types=[
            pltpu.VMEM((5, EGRP), jnp.int32),
            pltpu.VMEM((5, EGRP), jnp.int32),
            pltpu.VMEM((3, EGRP, row_w), jnp.float32),
            pltpu.VMEM((3, EGRP, 16), jnp.float32),
            pltpu.VMEM((2, EGRP, row_w), jnp.float32),
            pltpu.VMEM((EGRP, 16), jnp.float32),
            pltpu.VMEM_SHARED((NP, row_w), jnp.float32),
            pltpu.SemaphoreType.DMA,
            pltpu.SemaphoreType.DMA,
            pltpu.SemaphoreType.DMA,
            pltpu.SemaphoreType.DMA,
            pltpu.SemaphoreType.DMA,
            pltpu.SemaphoreType.DMA,
            pltpu.SemaphoreType.DMA,
        ],
    )


def _make_sc2():
    row_w = ROW2

    def body(st_hbm, as_hbm, ad_hbm, sidx_hbm, didx_hbm, out_hbm,
             sidx, didx, S, AS, AD, SBUF, MSG, acc, gsA, gsB, isem, ssem0,
             ssem1):
        c = lax.axis_index("c")
        s = lax.axis_index("s")
        w = c * 16 + s
        pltpu.sync_copy(as_hbm, AS)
        pltpu.sync_copy(ad_hbm, AD)

        def start_extra(p5, p3, m):
            pass

        def wait_extra(p5, p3, m):
            pass

        def compute(p, m):
            @plsc.parallel_loop(0, EGRP // 16, unroll=2)
            def _att(k):
                sv = sidx[p, pl.ds(16 * k, 16)]
                dv = didx[p, pl.ds(16 * k, 16)]
                a = plsc.load_gather(AS, [sv]) + plsc.load_gather(AD, [dv])
                a = jnp.where(a >= 0.0, a, 0.2 * a)
                SBUF[pl.ds(16 * k, 16)] = jnp.exp(a)

            @plsc.parallel_loop(0, EGRP, unroll=4)
            def _edge(i):
                lane = lax.broadcasted_iota(jnp.int32, (16,), 0)
                sb = plsc.load_gather(SBUF, [jnp.bitwise_and(lane, 0) + i])
                for j in range(row_w // 16):
                    MSG[m, i, pl.ds(16 * j, 16)] = (
                        S[p, i, pl.ds(16 * j, 16)] * sb)

        _sc_pipe(row_w, c, s, w, st_hbm, sidx_hbm, didx_hbm, out_hbm,
                 sidx, didx, S, MSG, acc, gsA, gsB, isem, ssem0, ssem1,
                 start_extra, wait_extra, compute)

    mesh = plsc.VectorSubcoreMesh(core_axis_name="c", subcore_axis_name="s",
                                  num_cores=2, num_subcores=16)
    return pl.kernel(
        body,
        out_type=jax.ShapeDtypeStruct((2, NP, row_w), jnp.float32),
        mesh=mesh,
        compiler_params=pltpu.CompilerParams(use_tc_tiling_on_sc=False,
                                             needs_layout_passes=False),
        scratch_types=[
            pltpu.VMEM((5, EGRP), jnp.int32),
            pltpu.VMEM((5, EGRP), jnp.int32),
            pltpu.VMEM((3, EGRP, row_w), jnp.float32),
            pltpu.VMEM((NP,), jnp.float32),
            pltpu.VMEM((NP,), jnp.float32),
            pltpu.VMEM((EGRP,), jnp.float32),
            pltpu.VMEM((2, EGRP, row_w), jnp.float32),
            pltpu.VMEM_SHARED((NP, row_w), jnp.float32),
            pltpu.SemaphoreType.DMA,
            pltpu.SemaphoreType.DMA,
            pltpu.SemaphoreType.DMA,
            pltpu.SemaphoreType.DMA,
            pltpu.SemaphoreType.DMA,
        ],
    )


def kernel(x, edge_index, W1, att_src1, att_dst1, b1, W2, att_src2, att_dst2, b2):
    f32 = jnp.float32
    loop = jnp.arange(N, dtype=jnp.int32)
    padi = jnp.full((E_PAD - E_TOT,), N, jnp.int32)
    src = jnp.concatenate([edge_index[0].astype(jnp.int32), loop, padi])
    dst = jnp.concatenate([edge_index[1].astype(jnp.int32), loop, padi])
    src3 = src.reshape(NWORK, GPW, EGRP)
    dst3 = dst.reshape(NWORK, GPW, EGRP)

    eye8 = jnp.eye(8, dtype=f32)
    m1s = (att_src1[:, :, None] * eye8[:, None, :]).reshape(D1, 8)
    m1d = (att_dst1[:, :, None] * eye8[:, None, :]).reshape(D1, 8)
    rmat = jnp.kron(eye8, jnp.ones((1, 8), f32))

    full = lambda shp: pl.BlockSpec(shp, lambda i: (0, 0))
    rows = lambda wdt: pl.BlockSpec((BLK, wdt), lambda i: (i, 0))

    tc1 = pl.pallas_call(
        _tc1_body,
        grid=(GRID,),
        in_specs=[rows(DF), full((DF, D1)), full((D1, 8)), full((D1, 8))],
        out_specs=[rows(ROW1), rows(16)],
        out_shape=[jax.ShapeDtypeStruct((NP, ROW1), f32),
                   jax.ShapeDtypeStruct((NP, 16), f32)],
    )
    st1, dt1 = tc1(x, W1, m1s, m1d)

    sc1 = _make_sc1()
    parts1 = sc1(st1, dt1, src3, dst3)

    tc2 = pl.pallas_call(
        _tc2_body,
        grid=(GRID,),
        in_specs=[pl.BlockSpec((2, BLK, ROW1), lambda i: (0, i, 0)),
                  full((1, D1)), full((D1, NC2)),
                  full((NC2, 1)), full((NC2, 1)), full((8, D1))],
        out_specs=[rows(ROW2), rows(1), rows(1)],
        out_shape=[jax.ShapeDtypeStruct((NP, ROW2), f32),
                   jax.ShapeDtypeStruct((NP, 1), f32),
                   jax.ShapeDtypeStruct((NP, 1), f32)],
    )
    st2, a2s, a2d = tc2(parts1, b1.reshape(1, D1), W2,
                        att_src2.reshape(NC2, 1), att_dst2.reshape(NC2, 1),
                        rmat)

    sc2 = _make_sc2()
    parts2 = sc2(st2, a2s.reshape(NP), a2d.reshape(NP), src3, dst3)

    tc3 = pl.pallas_call(
        _tc3_body,
        grid=(GRID,),
        in_specs=[pl.BlockSpec((2, BLK, ROW2), lambda i: (0, i, 0)),
                  full((1, NC2))],
        out_specs=[rows(NC2)],
        out_shape=[jax.ShapeDtypeStruct((N, NC2), f32)],
    )
    return tc3(parts2, b2.reshape(1, NC2))[0]

# --- scband reference (transcript-rebuilt; emitter-appended) ---
"""Pipeline reference for scband-net-38079180047154 (READ-ONLY COPY).

The authoritative reference and input builder live on the scoring server;
editing this copy changes nothing except your own understanding.
"""

import jax, jax.numpy as jnp
import numpy as np

N_NODES = 10000
N_EDGES = 320000
D_FEAT = 128
H1, C1 = 8, 8
NUM_CLASSES = 40


def setup_inputs(seed: int = 0) -> dict:
    key = jax.random.key(seed)
    ks = jax.random.split(key, 12)
    x = jax.random.normal(ks[0], (N_NODES, D_FEAT), dtype=jnp.float32)
    edge_index = jax.random.randint(ks[1], (2, N_EDGES), 0, N_NODES, dtype=jnp.int64)
    # layer 1: GATConv(128 -> 8, heads=8, concat=True)
    W1 = jax.random.normal(ks[2], (D_FEAT, H1 * C1), dtype=jnp.float32) * (1.0 / np.sqrt(D_FEAT))
    att_src1 = jax.random.normal(ks[3], (H1, C1), dtype=jnp.float32) * 0.1
    att_dst1 = jax.random.normal(ks[4], (H1, C1), dtype=jnp.float32) * 0.1
    b1 = jnp.zeros((H1 * C1,), dtype=jnp.float32)
    # layer 2: GATConv(64 -> num_classes, heads=1, concat=False)
    W2 = jax.random.normal(ks[5], (H1 * C1, 1 * NUM_CLASSES), dtype=jnp.float32) * (1.0 / np.sqrt(H1 * C1))
    att_src2 = jax.random.normal(ks[6], (1, NUM_CLASSES), dtype=jnp.float32) * 0.1
    att_dst2 = jax.random.normal(ks[7], (1, NUM_CLASSES), dtype=jnp.float32) * 0.1
    b2 = jnp.zeros((NUM_CLASSES,), dtype=jnp.float32)
    return {"x": x, "edge_index": edge_index, "W1": W1, "att_src1": att_src1,
            "att_dst1": att_dst1, "b1": b1, "W2": W2, "att_src2": att_src2,
            "att_dst2": att_dst2, "b2": b2}


def gat_layer(x, edge_index, W, att_src, att_dst, bias, heads, out_ch, concat, negative_slope=0.2):
    N = x.shape[0]
    loop = jnp.arange(N, dtype=edge_index.dtype)
    ei = jnp.concatenate([edge_index, jnp.stack([loop, loop])], axis=1)
    src, dst = ei[0], ei[1]
    h = (x @ W).reshape(N, heads, out_ch)
    a_src = jnp.sum(h * att_src[None, :, :], axis=-1)  # [N, H]
    a_dst = jnp.sum(h * att_dst[None, :, :], axis=-1)  # [N, H]
    e = a_src[src] + a_dst[dst]                        # [E, H] gather
    e = jax.nn.leaky_relu(e, negative_slope)
    e_max = jax.ops.segment_max(e, dst, num_segments=N)
    e_max = jnp.where(jnp.isfinite(e_max), e_max, 0.0)
    ex = jnp.exp(e - e_max[dst])
    denom = jax.ops.segment_sum(ex, dst, num_segments=N)
    alpha = ex / (denom[dst] + 1e-16)                  # [E, H]
    msg = h[src] * alpha[:, :, None]                   # [E, H, C]
    out = jax.ops.segment_sum(msg, dst, num_segments=N)  # scatter-add
    if concat:
        out = out.reshape(N, heads * out_ch)
    else:
        out = out.mean(axis=1)
    return out + bias


def reference(x, edge_index, W1, att_src1, att_dst1, b1, W2, att_src2, att_dst2, b2):
    # eval mode: dropout is identity
    h = gat_layer(x, edge_index, W1, att_src1, att_dst1, b1, H1, C1, True)
    h = jax.nn.elu(h)
    h = gat_layer(h, edge_index, W2, att_src2, att_dst2, b2, 1, NUM_CLASSES, False)
    return jax.nn.log_softmax(h, axis=-1)

if __name__ == "__main__":
    import jax
    _d = setup_inputs()
    print(jax.jit(kernel)(*tuple(_d.values())))

</pallas_src>

<mosaic_0001>
#map = affine_map<(d0, d1) -> (0, 0)>
#map1 = affine_map<(d0, d1) -> (0, 0, 0)>
module attributes {stable_mosaic.version = 14 : i64} {
  func.func @body(%arg0: i32, %arg1: i32, %arg2: memref<10240x80xf32, #tpu.memory_space<hbm>>, %arg3: memref<10240x16xf32, #tpu.memory_space<hbm>>, %arg4: memref<32x81x128xi32, #tpu.memory_space<hbm>>, %arg5: memref<32x81x128xi32, #tpu.memory_space<hbm>>, %arg6: memref<2x10240x80xf32, #tpu.memory_space<hbm>>, %arg7: memref<5x128xi32, #tpu.memory_space<vmem>>, %arg8: memref<5x128xi32, #tpu.memory_space<vmem>>, %arg9: memref<3x128x80xf32, #tpu.memory_space<vmem>>, %arg10: memref<3x128x16xf32, #tpu.memory_space<vmem>>, %arg11: memref<2x128x80xf32, #tpu.memory_space<vmem>>, %arg12: memref<128x16xf32, #tpu.memory_space<vmem>>, %arg13: memref<10240x80xf32, #tpu.memory_space<vmem_shared>>, %arg14: memref<!tpu.dma_semaphore, #tpu.memory_space<semaphore_mem>>, %arg15: memref<!tpu.dma_semaphore, #tpu.memory_space<semaphore_mem>>, %arg16: memref<!tpu.dma_semaphore, #tpu.memory_space<semaphore_mem>>, %arg17: memref<!tpu.dma_semaphore, #tpu.memory_space<semaphore_mem>>, %arg18: memref<!tpu.dma_semaphore, #tpu.memory_space<semaphore_mem>>, %arg19: memref<!tpu.dma_semaphore, #tpu.memory_space<semaphore_mem>>, %arg20: memref<!tpu.dma_semaphore, #tpu.memory_space<semaphore_mem>>) attributes {dimension_semantics = [#tpu.dimension_semantics<core_parallel>, #tpu.dimension_semantics<subcore_parallel>], iteration_bounds = array<i64: 2, 16>, scalar_prefetch = 0 : i64, scratch_operands = 14 : i64, tpu.core_type = #tpu.core_type<sc_vector_subcore>, window_params = [{transform_indices = #map}, {transform_indices = #map}, {transform_indices = #map1}, {transform_indices = #map1}, {transform_indices = #map1}]} {
    %mul3A = arith.constant 16 : i32
    %mul3A_0 = arith.muli %arg0, %mul3A : i32
    %add3A = arith.addi %mul3A_0, %arg1 : i32
    %broadcast_in_dim3A = arith.constant 0.000000e+00 : f32
    %broadcast_in_dim3A_1 = vector.broadcast %broadcast_in_dim3A : f32 to vector<16xf32>
    %parallel_loop3A = arith.constant 0 : i32
    %parallel_loop3A_2 = arith.constant 128 : i32
    %parallel_loop3A_3 = arith.constant 1 : i32
    scf.for %parallel_loop3A_167 = %parallel_loop3A to %parallel_loop3A_2 step %parallel_loop3A_3  : i32 {
      %parallel_loop3A_168 = arith.constant 0 : i32
      %parallel_loop3A_169 = arith.index_cast %parallel_loop3A_168 : i32 to index
      %parallel_loop3A_170 = arith.index_cast %parallel_loop3A_167 : i32 to index
      %parallel_loop3A_171 = arith.constant 0 : index
      %parallel_loop3A_172 = tpu.vector_load %arg11[%parallel_loop3A_169, %parallel_loop3A_170, %parallel_loop3A_171] {strides = array<i32>} : memref<2x128x80xf32, #tpu.memory_space<vmem>>, vector<16xf32>,
      tpu.vector_store %arg11[%parallel_loop3A_169, %parallel_loop3A_170, %parallel_loop3A_171], %broadcast_in_dim3A_1 {strides = array<i32>} : memref<2x128x80xf32, #tpu.memory_space<vmem>>, vector<16xf32>,
      %parallel_loop3A_173 = arith.constant 0 : i32
      %parallel_loop3A_174 = arith.index_cast %parallel_loop3A_173 : i32 to index
      %parallel_loop3A_175 = arith.index_cast %parallel_loop3A_167 : i32 to index
      %parallel_loop3A_176 = arith.constant 16 : index
      %parallel_loop3A_177 = tpu.vector_load %arg11[%parallel_loop3A_174, %parallel_loop3A_175, %parallel_loop3A_176] {strides = array<i32>} : memref<2x128x80xf32, #tpu.memory_space<vmem>>, vector<16xf32>,
      tpu.vector_store %arg11[%parallel_loop3A_174, %parallel_loop3A_175, %parallel_loop3A_176], %broadcast_in_dim3A_1 {strides = array<i32>} : memref<2x128x80xf32, #tpu.memory_space<vmem>>, vector<16xf32>,
      %parallel_loop3A_178 = arith.constant 0 : i32
      %parallel_loop3A_179 = arith.index_cast %parallel_loop3A_178 : i32 to index
      %parallel_loop3A_180 = arith.index_cast %parallel_loop3A_167 : i32 to index
      %parallel_loop3A_181 = arith.constant 32 : index
      %parallel_loop3A_182 = tpu.vector_load %arg11[%parallel_loop3A_179, %parallel_loop3A_180, %parallel_loop3A_181] {strides = array<i32>} : memref<2x128x80xf32, #tpu.memory_space<vmem>>, vector<16xf32>,
      tpu.vector_store %arg11[%parallel_loop3A_179, %parallel_loop3A_180, %parallel_loop3A_181], %broadcast_in_dim3A_1 {strides = array<i32>} : memref<2x128x80xf32, #tpu.memory_space<vmem>>, vector<16xf32>,
      %parallel_loop3A_183 = arith.constant 0 : i32
      %parallel_loop3A_184 = arith.index_cast %parallel_loop3A_183 : i32 to index
      %parallel_loop3A_185 = arith.index_cast %parallel_loop3A_167 : i32 to index
      %parallel_loop3A_186 = arith.constant 48 : index
      %parallel_loop3A_187 = tpu.vector_load %arg11[%parallel_loop3A_184, %parallel_loop3A_185, %parallel_loop3A_186] {strides = array<i32>} : memref<2x128x80xf32, #tpu.memory_space<vmem>>, vector<16xf32>,
      tpu.vector_store %arg11[%parallel_loop3A_184, %parallel_loop3A_185, %parallel_loop3A_186], %broadcast_in_dim3A_1 {strides = array<i32>} : memref<2x128x80xf32, #tpu.memory_space<vmem>>, vector<16xf32>,
      %parallel_loop3A_188 = arith.constant 0 : i32
      %parallel_loop3A_189 = arith.index_cast %parallel_loop3A_188 : i32 to index
      %parallel_loop3A_190 = arith.index_cast %parallel_loop3A_167 : i32 to index
      %parallel_loop3A_191 = arith.constant 64 : index
      %parallel_loop3A_192 = tpu.vector_load %arg11[%parallel_loop3A_189, %parallel_loop3A_190, %parallel_loop3A_191] {strides = array<i32>} : memref<2x128x80xf32, #tpu.memory_space<vmem>>, vector<16xf32>,
      tpu.vector_store %arg11[%parallel_loop3A_189, %parallel_loop3A_190, %parallel_loop3A_191], %broadcast_in_dim3A_1 {strides = array<i32>} : memref<2x128x80xf32, #tpu.memory_space<vmem>>, vector<16xf32>,
    } {sc.loop_unroll_factor = 4 : i64, sc.parallel_access}
    %mul3A_4 = arith.constant 640 : i32
    %mul3A_5 = arith.muli %arg1, %mul3A_4 : i32
    %add3A_6 = arith.constant 0 : i32
    %add3A_7 = arith.addi %mul3A_5, %add3A_6 : i32
    %run_scoped3A = arith.constant 0 : i32
    "tpu.region"() ({
      %run_scoped3A_167 = tpu.sem_alloc : memref<!tpu.dma_semaphore, #tpu.memory_space<semaphore_mem>>
      %dma_start3A_168 = arith.constant 0 : i32
      %dma_start3A_169 = arith.constant 0 : i32
      %dma_start3A_170 = tpu.memref_slice %arg11[%run_scoped3A, %dma_start3A_168, %dma_start3A_169] : memref<2x128x80xf32, #tpu.memory_space<vmem>> -> memref<1x128x80xf32, #tpu.memory_space<vmem>>
      %dma_start3A_171 = tpu.memref_squeeze %dma_start3A_170 : memref<1x128x80xf32, #tpu.memory_space<vmem>> -> memref<128x80xf32, #tpu.memory_space<vmem>>
      %dma_start3A_172 = arith.constant 0 : i32
      %dma_start3A_173 = tpu.memref_slice %arg13[%add3A_7, %dma_start3A_172] : memref<10240x80xf32, #tpu.memory_space<vmem_shared>> -> memref<128x80xf32, #tpu.memory_space<vmem_shared>>
      %dma_start3A_174 = arith.constant 0 : i32
      %dma_start3A_175 = tpu.memref_slice %arg13[%add3A_7, %dma_start3A_174] : memref<10240x80xf32, #tpu.memory_space<vmem_shared>> -> memref<128x80xf32, #tpu.memory_space<vmem_shared>>
      %dma_start3A_176 = arith.constant 0 : i32
      %dma_start3A_177 = arith.constant 0 : i32
      %dma_start3A_178 = tpu.memref_slice %arg11[%run_scoped3A, %dma_start3A_176, %dma_start3A_177] : memref<2x128x80xf32, #tpu.memory_space<vmem>> -> memref<1x128x80xf32, #tpu.memory_space<vmem>>
      %dma_start3A_179 = tpu.memref_squeeze %dma_start3A_178 : memref<1x128x80xf32, #tpu.memory_space<vmem>> -> memref<128x80xf32, #tpu.memory_space<vmem>>
      tpu.enqueue_dma source(%dma_start3A_179 : memref<128x80xf32, #tpu.memory_space<vmem>>) target(%dma_start3A_175 : memref<128x80xf32, #tpu.memory_space<vmem_shared>>) target_semaphore(%run_scoped3A_167 : memref<!tpu.dma_semaphore, #tpu.memory_space<semaphore_mem>>)
      %dma_wait3A_180 = arith.constant 0 : i32
      %dma_wait3A_181 = arith.constant 0 : i32
      %dma_wait3A_182 = tpu.memref_slice %arg11[%run_scoped3A, %dma_wait3A_180, %dma_wait3A_181] : memref<2x128x80xf32, #tpu.memory_space<vmem>> -> memref<1x128x80xf32, #tpu.memory_space<vmem>>
      %dma_wait3A_183 = tpu.memref_squeeze %dma_wait3A_182 : memref<1x128x80xf32, #tpu.memory_space<vmem>> -> memref<128x80xf32, #tpu.memory_space<vmem>>
      %dma_wait3A_184 = arith.constant 0 : i32
      %dma_wait3A_185 = tpu.memref_slice %arg13[%add3A_7, %dma_wait3A_184] : memref<10240x80xf32, #tpu.memory_space<vmem_shared>> -> memref<128x80xf32, #tpu.memory_space<vmem_shared>>
      %dma_wait3A_186 = arith.constant 0 : i32
      %dma_wait3A_187 = tpu.memref_slice %arg13[%add3A_7, %dma_wait3A_186] : memref<10240x80xf32, #tpu.memory_space<vmem_shared>> -> memref<128x80xf32, #tpu.memory_space<vmem_shared>>
      %dma_wait3A_188 = arith.constant 0 : i32
      %dma_wait3A_189 = arith.constant 0 : i32
      %dma_wait3A_190 = tpu.memref_slice %arg11[%run_scoped3A, %dma_wait3A_188, %dma_wait3A_189] : memref<2x128x80xf32, #tpu.memory_space<vmem>> -> memref<1x128x80xf32, #tpu.memory_space<vmem>>
      %dma_wait3A_191 = tpu.memref_squeeze %dma_wait3A_190 : memref<1x128x80xf32, #tpu.memory_space<vmem>> -> memref<128x80xf32, #tpu.memory_space<vmem>>
      tpu.wait_dma2 semaphore(%run_scoped3A_167 : memref<!tpu.dma_semaphore, #tpu.memory_space<semaphore_mem>>) src(%dma_wait3A_191 : memref<128x80xf32, #tpu.memory_space<vmem>>) dst(%dma_wait3A_187 : memref<128x80xf32, #tpu.memory_space<vmem_shared>>)
      tpu.yield
    }) : () -> ()
    %mul3A_8 = arith.constant 640 : i32
    %mul3A_9 = arith.muli %arg1, %mul3A_8 : i32
    %add3A_10 = arith.constant 128 : i32
    %add3A_11 = arith.addi %mul3A_9, %add3A_10 : i32
    %run_scoped3A_12 = arith.constant 0 : i32
    "tpu.region"() ({
      %run_scoped3A_167 = tpu.sem_alloc : memref<!tpu.dma_semaphore, #tpu.memory_space<semaphore_mem>>
      %dma_start3A_168 = arith.constant 0 : i32
      %dma_start3A_169 = arith.constant 0 : i32
      %dma_start3A_170 = tpu.memref_slice %arg11[%run_scoped3A_12, %dma_start3A_168, %dma_start3A_169] : memref<2x128x80xf32, #tpu.memory_space<vmem>> -> memref<1x128x80xf32, #tpu.memory_space<vmem>>
      %dma_start3A_171 = tpu.memref_squeeze %dma_start3A_170 : memref<1x128x80xf32, #tpu.memory_space<vmem>> -> memref<128x80xf32, #tpu.memory_space<vmem>>
      %dma_start3A_172 = arith.constant 0 : i32
      %dma_start3A_173 = tpu.memref_slice %arg13[%add3A_11, %dma_start3A_172] : memref<10240x80xf32, #tpu.memory_space<vmem_shared>> -> memref<128x80xf32, #tpu.memory_space<vmem_shared>>
      %dma_start3A_174 = arith.constant 0 : i32
      %dma_start3A_175 = tpu.memref_slice %arg13[%add3A_11, %dma_start3A_174] : memref<10240x80xf32, #tpu.memory_space<vmem_shared>> -> memref<128x80xf32, #tpu.memory_space<vmem_shared>>
      %dma_start3A_176 = arith.constant 0 : i32
      %dma_start3A_177 = arith.constant 0 : i32
      %dma_start3A_178 = tpu.memref_slice %arg11[%run_scoped3A_12, %dma_start3A_176, %dma_start3A_177] : memref<2x128x80xf32, #tpu.memory_space<vmem>> -> memref<1x128x80xf32, #tpu.memory_space<vmem>>
      %dma_start3A_179 = tpu.memref_squeeze %dma_start3A_178 : memref<1x128x80xf32, #tpu.memory_space<vmem>> -> memref<128x80xf32, #tpu.memory_space<vmem>>
      tpu.enqueue_dma source(%dma_start3A_179 : memref<128x80xf32, #tpu.memory_space<vmem>>) target(%dma_start3A_175 : memref<128x80xf32, #tpu.memory_space<vmem_shared>>) target_semaphore(%run_scoped3A_167 : memref<!tpu.dma_semaphore, #tpu.memory_space<semaphore_mem>>)
      %dma_wait3A_180 = arith.constant 0 : i32
      %dma_wait3A_181 = arith.constant 0 : i32
      %dma_wait3A_182 = tpu.memref_slice %arg11[%run_scoped3A_12, %dma_wait3A_180, %dma_wait3A_181] : memref<2x128x80xf32, #tpu.memory_space<vmem>> -> memref<1x128x80xf32, #tpu.memory_space<vmem>>
      %dma_wait3A_183 = tpu.memref_squeeze %dma_wait3A_182 : memref<1x128x80xf32, #tpu.memory_space<vmem>> -> memref<128x80xf32, #tpu.memory_space<vmem>>
      %dma_wait3A_184 = arith.constant 0 : i32
      %dma_wait3A_185 = tpu.memref_slice %arg13[%add3A_11, %dma_wait3A_184] : memref<10240x80xf32, #tpu.memory_space<vmem_shared>> -> memref<128x80xf32, #tpu.memory_space<vmem_shared>>
      %dma_wait3A_186 = arith.constant 0 : i32
      %dma_wait3A_187 = tpu.memref_slice %arg13[%add3A_11, %dma_wait3A_186] : memref<10240x80xf32, #tpu.memory_space<vmem_shared>> -> memref<128x80xf32, #tpu.memory_space<vmem_shared>>
      %dma_wait3A_188 = arith.constant 0 : i32
      %dma_wait3A_189 = arith.constant 0 : i32
      %dma_wait3A_190 = tpu.memref_slice %arg11[%run_scoped3A_12, %dma_wait3A_188, %dma_wait3A_189] : memref<2x128x80xf32, #tpu.memory_space<vmem>> -> memref<1x128x80xf32, #tpu.memory_space<vmem>>
      %dma_wait3A_191 = tpu.memref_squeeze %dma_wait3A_190 : memref<1x128x80xf32, #tpu.memory_space<vmem>> -> memref<128x80xf32, #tpu.memory_space<vmem>>
      tpu.wait_dma2 semaphore(%run_scoped3A_167 : memref<!tpu.dma_semaphore, #tpu.memory_space<semaphore_mem>>) src(%dma_wait3A_191 : memref<128x80xf32, #tpu.memory_space<vmem>>) dst(%dma_wait3A_187 : memref<128x80xf32, #tpu.memory_space<vmem_shared>>)
      tpu.yield
    }) : () -> ()
    %mul3A_13 = arith.constant 640 : i32
    %mul3A_14 = arith.muli %arg1, %mul3A_13 : i32
    %add3A_15 = arith.constant 256 : i32
    %add3A_16 = arith.addi %mul3A_14, %add3A_15 : i32
    %run_scoped3A_17 = arith.constant 0 : i32
    "tpu.region"() ({
      %run_scoped3A_167 = tpu.sem_alloc : memref<!tpu.dma_semaphore, #tpu.memory_space<semaphore_mem>>
      %dma_start3A_168 = arith.constant 0 : i32
      %dma_start3A_169 = arith.constant 0 : i32
      %dma_start3A_170 = tpu.memref_slice %arg11[%run_scoped3A_17, %dma_start3A_168, %dma_start3A_169] : memref<2x128x80xf32, #tpu.memory_space<vmem>> -> memref<1x128x80xf32, #tpu.memory_space<vmem>>
      %dma_start3A_171 = tpu.memref_squeeze %dma_start3A_170 : memref<1x128x80xf32, #tpu.memory_space<vmem>> -> memref<128x80xf32, #tpu.memory_space<vmem>>
      %dma_start3A_172 = arith.constant 0 : i32
      %dma_start3A_173 = tpu.memref_slice %arg13[%add3A_16, %dma_start3A_172] : memref<10240x80xf32, #tpu.memory_space<vmem_shared>> -> memref<128x80xf32, #tpu.memory_space<vmem_shared>>
      %dma_start3A_174 = arith.constant 0 : i32
      %dma_start3A_175 = tpu.memref_slice %arg13[%add3A_16, %dma_start3A_174] : memref<10240x80xf32, #tpu.memory_space<vmem_shared>> -> memref<128x80xf32, #tpu.memory_space<vmem_shared>>
      %dma_start3A_176 = arith.constant 0 : i32
      %dma_start3A_177 = arith.constant 0 : i32
      %dma_start3A_178 = tpu.memref_slice %arg11[%run_scoped3A_17, %dma_start3A_176, %dma_start3A_177] : memref<2x128x80xf32, #tpu.memory_space<vmem>> -> memref<1x128x80xf32, #tpu.memory_space<vmem>>
      %dma_start3A_179 = tpu.memref_squeeze %dma_start3A_178 : memref<1x128x80xf32, #tpu.memory_space<vmem>> -> memref<128x80xf32, #tpu.memory_space<vmem>>
      tpu.enqueue_dma source(%dma_start3A_179 : memref<128x80xf32, #tpu.memory_space<vmem>>) target(%dma_start3A_175 : memref<128x80xf32, #tpu.memory_space<vmem_shared>>) target_semaphore(%run_scoped3A_167 : memref<!tpu.dma_semaphore, #tpu.memory_space<semaphore_mem>>)
      %dma_wait3A_180 = arith.constant 0 : i32
      %dma_wait3A_181 = arith.constant 0 : i32
      %dma_wait3A_182 = tpu.memref_slice %arg11[%run_scoped3A_17, %dma_wait3A_180, %dma_wait3A_181] : memref<2x128x80xf32, #tpu.memory_space<vmem>> -> memref<1x128x80xf32, #tpu.memory_space<vmem>>
      %dma_wait3A_183 = tpu.memref_squeeze %dma_wait3A_182 : memref<1x128x80xf32, #tpu.memory_space<vmem>> -> memref<128x80xf32, #tpu.memory_space<vmem>>
      %dma_wait3A_184 = arith.constant 0 : i32
      %dma_wait3A_185 = tpu.memref_slice %arg13[%add3A_16, %dma_wait3A_184] : memref<10240x80xf32, #tpu.memory_space<vmem_shared>> -> memref<128x80xf32, #tpu.memory_space<vmem_shared>>
      %dma_wait3A_186 = arith.constant 0 : i32
      %dma_wait3A_187 = tpu.memref_slice %arg13[%add3A_16, %dma_wait3A_186] : memref<10240x80xf32, #tpu.memory_space<vmem_shared>> -> memref<128x80xf32, #tpu.memory_space<vmem_shared>>
      %dma_wait3A_188 = arith.constant 0 : i32
      %dma_wait3A_189 = arith.constant 0 : i32
      %dma_wait3A_190 = tpu.memref_slice %arg11[%run_scoped3A_17, %dma_wait3A_188, %dma_wait3A_189] : memref<2x128x80xf32, #tpu.memory_space<vmem>> -> memref<1x128x80xf32, #tpu.memory_space<vmem>>
      %dma_wait3A_191 = tpu.memref_squeeze %dma_wait3A_190 : memref<1x128x80xf32, #tpu.memory_space<vmem>> -> memref<128x80xf32, #tpu.memory_space<vmem>>
      tpu.wait_dma2 semaphore(%run_scoped3A_167 : memref<!tpu.dma_semaphore, #tpu.memory_space<semaphore_mem>>) src(%dma_wait3A_191 : memref<128x80xf32, #tpu.memory_space<vmem>>) dst(%dma_wait3A_187 : memref<128x80xf32, #tpu.memory_space<vmem_shared>>)
      tpu.yield
    }) : () -> ()
    %mul3A_18 = arith.constant 640 : i32
    %mul3A_19 = arith.muli %arg1, %mul3A_18 : i32
    %add3A_20 = arith.constant 384 : i32
    %add3A_21 = arith.addi %mul3A_19, %add3A_20 : i32
    %run_scoped3A_22 = arith.constant 0 : i32
    "tpu.region"() ({
      %run_scoped3A_167 = tpu.sem_alloc : memref<!tpu.dma_semaphore, #tpu.memory_space<semaphore_mem>>
      %dma_start3A_168 = arith.constant 0 : i32
      %dma_start3A_169 = arith.constant 0 : i32
      %dma_start3A_170 = tpu.memref_slice %arg11[%run_scoped3A_22, %dma_start3A_168, %dma_start3A_169] : memref<2x128x80xf32, #tpu.memory_space<vmem>> -> memref<1x128x80xf32, #tpu.memory_space<vmem>>
      %dma_start3A_171 = tpu.memref_squeeze %dma_start3A_170 : memref<1x128x80xf32, #tpu.memory_space<vmem>> -> memref<128x80xf32, #tpu.memory_space<vmem>>
      %dma_start3A_172 = arith.constant 0 : i32
      %dma_start3A_173 = tpu.memref_slice %arg13[%add3A_21, %dma_start3A_172] : memref<10240x80xf32, #tpu.memory_space<vmem_shared>> -> memref<128x80xf32, #tpu.memory_space<vmem_shared>>
      %dma_start3A_174 = arith.constant 0 : i32
      %dma_start3A_175 = tpu.memref_slice %arg13[%add3A_21, %dma_start3A_174] : memref<10240x80xf32, #tpu.memory_space<vmem_shared>> -> memref<128x80xf32, #tpu.memory_space<vmem_shared>>
      %dma_start3A_176 = arith.constant 0 : i32
      %dma_start3A_177 = arith.constant 0 : i32
      %dma_start3A_178 = tpu.memref_slice %arg11[%run_scoped3A_22, %dma_start3A_176, %dma_start3A_177] : memref<2x128x80xf32, #tpu.memory_space<vmem>> -> memref<1x128x80xf32, #tpu.memory_space<vmem>>
      %dma_start3A_179 = tpu.memref_squeeze %dma_start3A_178 : memref<1x128x80xf32, #tpu.memory_space<vmem>> -> memref<128x80xf32, #tpu.memory_space<vmem>>
      tpu.enqueue_dma source(%dma_start3A_179 : memref<128x80xf32, #tpu.memory_space<vmem>>) target(%dma_start3A_175 : memref<128x80xf32, #tpu.memory_space<vmem_shared>>) target_semaphore(%run_scoped3A_167 : memref<!tpu.dma_semaphore, #tpu.memory_space<semaphore_mem>>)
      %dma_wait3A_180 = arith.constant 0 : i32
      %dma_wait3A_181 = arith.constant 0 : i32
      %dma_wait3A_182 = tpu.memref_slice %arg11[%run_scoped3A_22, %dma_wait3A_180, %dma_wait3A_181] : memref<2x128x80xf32, #tpu.memory_space<vmem>> -> memref<1x128x80xf32, #tpu.memory_space<vmem>>
      %dma_wait3A_183 = tpu.memref_squeeze %dma_wait3A_182 : memref<1x128x80xf32, #tpu.memory_space<vmem>> -> memref<128x80xf32, #tpu.memory_space<vmem>>
      %dma_wait3A_184 = arith.constant 0 : i32
      %dma_wait3A_185 = tpu.memref_slice %arg13[%add3A_21, %dma_wait3A_184] : memref<10240x80xf32, #tpu.memory_space<vmem_shared>> -> memref<128x80xf32, #tpu.memory_space<vmem_shared>>
      %dma_wait3A_186 = arith.constant 0 : i32
      %dma_wait3A_187 = tpu.memref_slice %arg13[%add3A_21, %dma_wait3A_186] : memref<10240x80xf32, #tpu.memory_space<vmem_shared>> -> memref<128x80xf32, #tpu.memory_space<vmem_shared>>
      %dma_wait3A_188 = arith.constant 0 : i32
      %dma_wait3A_189 = arith.constant 0 : i32
      %dma_wait3A_190 = tpu.memref_slice %arg11[%run_scoped3A_22, %dma_wait3A_188, %dma_wait3A_189] : memref<2x128x80xf32, #tpu.memory_space<vmem>> -> memref<1x128x80xf32, #tpu.memory_space<vmem>>
      %dma_wait3A_191 = tpu.memref_squeeze %dma_wait3A_190 : memref<1x128x80xf32, #tpu.memory_space<vmem>> -> memref<128x80xf32, #tpu.memory_space<vmem>>
      tpu.wait_dma2 semaphore(%run_scoped3A_167 : memref<!tpu.dma_semaphore, #tpu.memory_space<semaphore_mem>>) src(%dma_wait3A_191 : memref<128x80xf32, #tpu.memory_space<vmem>>) dst(%dma_wait3A_187 : memref<128x80xf32, #tpu.memory_space<vmem_shared>>)
      tpu.yield
    }) : () -> ()
    %mul3A_23 = arith.constant 640 : i32
    %mul3A_24 = arith.muli %arg1, %mul3A_23 : i32
    %add3A_25 = arith.constant 512 : i32
    %add3A_26 = arith.addi %mul3A_24, %add3A_25 : i32
    %run_scoped3A_27 = arith.constant 0 : i32
    "tpu.region"() ({
      %run_scoped3A_167 = tpu.sem_alloc : memref<!tpu.dma_semaphore, #tpu.memory_space<semaphore_mem>>
      %dma_start3A_168 = arith.constant 0 : i32
      %dma_start3A_169 = arith.constant 0 : i32
      %dma_start3A_170 = tpu.memref_slice %arg11[%run_scoped3A_27, %dma_start3A_168, %dma_start3A_169] : memref<2x128x80xf32, #tpu.memory_space<vmem>> -> memref<1x128x80xf32, #tpu.memory_space<vmem>>
      %dma_start3A_171 = tpu.memref_squeeze %dma_start3A_170 : memref<1x128x80xf32, #tpu.memory_space<vmem>> -> memref<128x80xf32, #tpu.memory_space<vmem>>
      %dma_start3A_172 = arith.constant 0 : i32
      %dma_start3A_173 = tpu.memref_slice %arg13[%add3A_26, %dma_start3A_172] : memref<10240x80xf32, #tpu.memory_space<vmem_shared>> -> memref<128x80xf32, #tpu.memory_space<vmem_shared>>
      %dma_start3A_174 = arith.constant 0 : i32
      %dma_start3A_175 = tpu.memref_slice %arg13[%add3A_26, %dma_start3A_174] : memref<10240x80xf32, #tpu.memory_space<vmem_shared>> -> memref<128x80xf32, #tpu.memory_space<vmem_shared>>
      %dma_start3A_176 = arith.constant 0 : i32
      %dma_start3A_177 = arith.constant 0 : i32
      %dma_start3A_178 = tpu.memref_slice %arg11[%run_scoped3A_27, %dma_start3A_176, %dma_start3A_177] : memref<2x128x80xf32, #tpu.memory_space<vmem>> -> memref<1x128x80xf32, #tpu.memory_space<vmem>>
      %dma_start3A_179 = tpu.memref_squeeze %dma_start3A_178 : memref<1x128x80xf32, #tpu.memory_space<vmem>> -> memref<128x80xf32, #tpu.memory_space<vmem>>
      tpu.enqueue_dma source(%dma_start3A_179 : memref<128x80xf32, #tpu.memory_space<vmem>>) target(%dma_start3A_175 : memref<128x80xf32, #tpu.memory_space<vmem_shared>>) target_semaphore(%run_scoped3A_167 : memref<!tpu.dma_semaphore, #tpu.memory_space<semaphore_mem>>)
      %dma_wait3A_180 = arith.constant 0 : i32
      %dma_wait3A_181 = arith.constant 0 : i32
      %dma_wait3A_182 = tpu.memref_slice %arg11[%run_scoped3A_27, %dma_wait3A_180, %dma_wait3A_181] : memref<2x128x80xf32, #tpu.memory_space<vmem>> -> memref<1x128x80xf32, #tpu.memory_space<vmem>>
      %dma_wait3A_183 = tpu.memref_squeeze %dma_wait3A_182 : memref<1x128x80xf32, #tpu.memory_space<vmem>> -> memref<128x80xf32, #tpu.memory_space<vmem>>
      %dma_wait3A_184 = arith.constant 0 : i32
      %dma_wait3A_185 = tpu.memref_slice %arg13[%add3A_26, %dma_wait3A_184] : memref<10240x80xf32, #tpu.memory_space<vmem_shared>> -> memref<128x80xf32, #tpu.memory_space<vmem_shared>>
      %dma_wait3A_186 = arith.constant 0 : i32
      %dma_wait3A_187 = tpu.memref_slice %arg13[%add3A_26, %dma_wait3A_186] : memref<10240x80xf32, #tpu.memory_space<vmem_shared>> -> memref<128x80xf32, #tpu.memory_space<vmem_shared>>
      %dma_wait3A_188 = arith.constant 0 : i32
      %dma_wait3A_189 = arith.constant 0 : i32
      %dma_wait3A_190 = tpu.memref_slice %arg11[%run_scoped3A_27, %dma_wait3A_188, %dma_wait3A_189] : memref<2x128x80xf32, #tpu.memory_space<vmem>> -> memref<1x128x80xf32, #tpu.memory_space<vmem>>
      %dma_wait3A_191 = tpu.memref_squeeze %dma_wait3A_190 : memref<1x128x80xf32, #tpu.memory_space<vmem>> -> memref<128x80xf32, #tpu.memory_space<vmem>>
      tpu.wait_dma2 semaphore(%run_scoped3A_167 : memref<!tpu.dma_semaphore, #tpu.memory_space<semaphore_mem>>) src(%dma_wait3A_191 : memref<128x80xf32, #tpu.memory_space<vmem>>) dst(%dma_wait3A_187 : memref<128x80xf32, #tpu.memory_space<vmem_shared>>)
      tpu.yield
    }) : () -> ()
    %barrier3A = arith.constant 0 : index
    tpu.barrier barrier_id(%barrier3A)
    %run_scoped3A_28 = arith.constant 0 : i32
    %run_scoped3A_29 = arith.constant 0 : i32
    "tpu.region"() ({
      %run_scoped3A_167 = tpu.sem_alloc : memref<!tpu.dma_semaphore, #tpu.memory_space<semaphore_mem>>
      %dma_start3A_168 = arith.constant 0 : i32
      %dma_start3A_169 = tpu.memref_slice %arg7[%run_scoped3A_29, %dma_start3A_168] : memref<5x128xi32, #tpu.memory_space<vmem>> -> memref<1x128xi32, #tpu.memory_space<vmem>>
      %dma_start3A_170 = tpu.memref_squeeze %dma_start3A_169 : memref<1x128xi32, #tpu.memory_space<vmem>> -> memref<128xi32, #tpu.memory_space<vmem>>
      %dma_start3A_171 = arith.constant 0 : i32
      %dma_start3A_172 = tpu.memref_slice %arg4[%add3A, %run_scoped3A_28, %dma_start3A_171] : memref<32x81x128xi32, #tpu.memory_space<hbm>> -> memref<1x1x128xi32, #tpu.memory_space<hbm>>
      %dma_start3A_173 = tpu.memref_squeeze %dma_start3A_172 : memref<1x1x128xi32, #tpu.memory_space<hbm>> -> memref<128xi32, #tpu.memory_space<hbm>>
      %dma_start3A_174 = arith.constant 0 : i32
      %dma_start3A_175 = tpu.memref_slice %arg7[%run_scoped3A_29, %dma_start3A_174] : memref<5x128xi32, #tpu.memory_space<vmem>> -> memref<1x128xi32, #tpu.memory_space<vmem>>
      %dma_start3A_176 = tpu.memref_squeeze %dma_start3A_175 : memref<1x128xi32, #tpu.memory_space<vmem>> -> memref<128xi32, #tpu.memory_space<vmem>>
      %dma_start3A_177 = arith.constant 0 : i32
      %dma_start3A_178 = tpu.memref_slice %arg4[%add3A, %run_scoped3A_28, %dma_start3A_177] : memref<32x81x128xi32, #tpu.memory_space<hbm>> -> memref<1x1x128xi32, #tpu.memory_space<hbm>>
      %dma_start3A_179 = tpu.memref_squeeze %dma_start3A_178 : memref<1x1x128xi32, #tpu.memory_space<hbm>> -> memref<128xi32, #tpu.memory_space<hbm>>
      tpu.enqueue_dma source(%dma_start3A_179 : memref<128xi32, #tpu.memory_space<hbm>>) target(%dma_start3A_176 : memref<128xi32, #tpu.memory_space<vmem>>) target_semaphore(%run_scoped3A_167 : memref<!tpu.dma_semaphore, #tpu.memory_space<semaphore_mem>>)
      %dma_wait3A_180 = arith.constant 0 : i32
      %dma_wait3A_181 = tpu.memref_slice %arg7[%run_scoped3A_29, %dma_wait3A_180] : memref<5x128xi32, #tpu.memory_space<vmem>> -> memref<1x128xi32, #tpu.memory_space<vmem>>
      %dma_wait3A_182 = tpu.memref_squeeze %dma_wait3A_181 : memref<1x128xi32, #tpu.memory_space<vmem>> -> memref<128xi32, #tpu.memory_space<vmem>>
      %dma_wait3A_183 = arith.constant 0 : i32
      %dma_wait3A_184 = tpu.memref_slice %arg4[%add3A, %run_scoped3A_28, %dma_wait3A_183] : memref<32x81x128xi32, #tpu.memory_space<hbm>> -> memref<1x1x128xi32, #tpu.memory_space<hbm>>
      %dma_wait3A_185 = tpu.memref_squeeze %dma_wait3A_184 : memref<1x1x128xi32, #tpu.memory_space<hbm>> -> memref<128xi32, #tpu.memory_space<hbm>>
      %dma_wait3A_186 = arith.constant 0 : i32
      %dma_wait3A_187 = tpu.memref_slice %arg7[%run_scoped3A_29, %dma_wait3A_186] : memref<5x128xi32, #tpu.memory_space<vmem>> -> memref<1x128xi32, #tpu.memory_space<vmem>>
      %dma_wait3A_188 = tpu.memref_squeeze %dma_wait3A_187 : memref<1x128xi32, #tpu.memory_space<vmem>> -> memref<128xi32, #tpu.memory_space<vmem>>
      %dma_wait3A_189 = arith.constant 0 : i32
      %dma_wait3A_190 = tpu.memref_slice %arg4[%add3A, %run_scoped3A_28, %dma_wait3A_189] : memref<32x81x128xi32, #tpu.memory_space<hbm>> -> memref<1x1x128xi32, #tpu.memory_space<hbm>>
      %dma_wait3A_191 = tpu.memref_squeeze %dma_wait3A_190 : memref<1x1x128xi32, #tpu.memory_space<hbm>> -> memref<128xi32, #tpu.memory_space<hbm>>
      tpu.wait_dma2 semaphore(%run_scoped3A_167 : memref<!tpu.dma_semaphore, #tpu.memory_space<semaphore_mem>>) src(%dma_wait3A_191 : memref<128xi32, #tpu.memory_space<hbm>>) dst(%dma_wait3A_188 : memref<128xi32, #tpu.memory_space<vmem>>)
      tpu.yield
    }) : () -> ()
    %run_scoped3A_30 = arith.constant 0 : i32
    %run_scoped3A_31 = arith.constant 0 : i32
    "tpu.region"() ({
      %run_scoped3A_167 = tpu.sem_alloc : memref<!tpu.dma_semaphore, #tpu.memory_space<semaphore_mem>>
      %dma_start3A_168 = arith.constant 0 : i32
      %dma_start3A_169 = tpu.memref_slice %arg8[%run_scoped3A_31, %dma_start3A_168] : memref<5x128xi32, #tpu.memory_space<vmem>> -> memref<1x128xi32, #tpu.memory_space<vmem>>
      %dma_start3A_170 = tpu.memref_squeeze %dma_start3A_169 : memref<1x128xi32, #tpu.memory_space<vmem>> -> memref<128xi32, #tpu.memory_space<vmem>>
      %dma_start3A_171 = arith.constant 0 : i32
      %dma_start3A_172 = tpu.memref_slice %arg5[%add3A, %run_scoped3A_30, %dma_start3A_171] : memref<32x81x128xi32, #tpu.memory_space<hbm>> -> memref<1x1x128xi32, #tpu.memory_space<hbm>>
      %dma_start3A_173 = tpu.memref_squeeze %dma_start3A_172 : memref<1x1x128xi32, #tpu.memory_space<hbm>> -> memref<128xi32, #tpu.memory_space<hbm>>
      %dma_start3A_174 = arith.constant 0 : i32
      %dma_start3A_175 = tpu.memref_slice %arg8[%run_scoped3A_31, %dma_start3A_174] : memref<5x128xi32, #tpu.memory_space<vmem>> -> memref<1x128xi32, #tpu.memory_space<vmem>>
      %dma_start3A_176 = tpu.memref_squeeze %dma_start3A_175 : memref<1x128xi32, #tpu.memory_space<vmem>> -> memref<128xi32, #tpu.memory_space<vmem>>
      %dma_start3A_177 = arith.constant 0 : i32
      %dma_start3A_178 = tpu.memref_slice %arg5[%add3A, %run_scoped3A_30, %dma_start3A_177] : memref<32x81x128xi32, #tpu.memory_space<hbm>> -> memref<1x1x128xi32, #tpu.memory_space<hbm>>
      %dma_start3A_179 = tpu.memref_squeeze %dma_start3A_178 : memref<1x1x128xi32, #tpu.memory_space<hbm>> -> memref<128xi32, #tpu.memory_space<hbm>>
      tpu.enqueue_dma source(%dma_start3A_179 : memref<128xi32, #tpu.memory_space<hbm>>) target(%dma_start3A_176 : memref<128xi32, #tpu.memory_space<vmem>>) target_semaphore(%run_scoped3A_167 : memref<!tpu.dma_semaphore, #tpu.memory_space<semaphore_mem>>)
      %dma_wait3A_180 = arith.constant 0 : i32
      %dma_wait3A_181 = tpu.memref_slice %arg8[%run_scoped3A_31, %dma_wait3A_180] : memref<5x128xi32, #tpu.memory_space<vmem>> -> memref<1x128xi32, #tpu.memory_space<vmem>>
      %dma_wait3A_182 = tpu.memref_squeeze %dma_wait3A_181 : memref<1x128xi32, #tpu.memory_space<vmem>> -> memref<128xi32, #tpu.memory_space<vmem>>
      %dma_wait3A_183 = arith.constant 0 : i32
      %dma_wait3A_184 = tpu.memref_slice %arg5[%add3A, %run_scoped3A_30, %dma_wait3A_183] : memref<32x81x128xi32, #tpu.memory_space<hbm>> -> memref<1x1x128xi32, #tpu.memory_space<hbm>>
      %dma_wait3A_185 = tpu.memref_squeeze %dma_wait3A_184 : memref<1x1x128xi32, #tpu.memory_space<hbm>> -> memref<128xi32, #tpu.memory_space<hbm>>
      %dma_wait3A_186 = arith.constant 0 : i32
      %dma_wait3A_187 = tpu.memref_slice %arg8[%run_scoped3A_31, %dma_wait3A_186] : memref<5x128xi32, #tpu.memory_space<vmem>> -> memref<1x128xi32, #tpu.memory_space<vmem>>
      %dma_wait3A_188 = tpu.memref_squeeze %dma_wait3A_187 : memref<1x128xi32, #tpu.memory_space<vmem>> -> memref<128xi32, #tpu.memory_space<vmem>>
      %dma_wait3A_189 = arith.constant 0 : i32
      %dma_wait3A_190 = tpu.memref_slice %arg5[%add3A, %run_scoped3A_30, %dma_wait3A_189] : memref<32x81x128xi32, #tpu.memory_space<hbm>> -> memref<1x1x128xi32, #tpu.memory_space<hbm>>
      %dma_wait3A_191 = tpu.memref_squeeze %dma_wait3A_190 : memref<1x1x128xi32, #tpu.memory_space<hbm>> -> memref<128xi32, #tpu.memory_space<hbm>>
      tpu.wait_dma2 semaphore(%run_scoped3A_167 : memref<!tpu.dma_semaphore, #tpu.memory_space<semaphore_mem>>) src(%dma_wait3A_191 : memref<128xi32, #tpu.memory_space<hbm>>) dst(%dma_wait3A_188 : memref<128xi32, #tpu.memory_space<vmem>>)
      tpu.yield
    }) : () -> ()
    %eq3A = arith.constant 0 : i32
    %eq3A_32 = arith.constant 0 : i32
    %eq3A_33 = arith.cmpi eq, %eq3A, %eq3A_32 : i32
    %convert_element_type3A = arith.extui %eq3A_33 : i1 to i32
    %cond3A = arith.constant 0 : i32
    %cond3A_34 = arith.cmpi ne, %convert_element_type3A, %cond3A : i32
    scf.if %cond3A_34 {
      %dma_start3A_167 = arith.constant 0 : i32
      %dma_start3A_168 = arith.constant 0 : i32
      %dma_start3A_169 = arith.constant 0 : i32
      %dma_start3A_170 = arith.constant 0 : i32
      %dma_start3A_171 = tpu.memref_slice %arg9[%dma_start3A_168, %dma_start3A_169, %dma_start3A_170] : memref<3x128x80xf32, #tpu.memory_space<vmem>> -> memref<1x128x80xf32, #tpu.memory_space<vmem>>
      %dma_start3A_172 = tpu.memref_squeeze %dma_start3A_171 : memref<1x128x80xf32, #tpu.memory_space<vmem>> -> memref<128x80xf32, #tpu.memory_space<vmem>>
      %dma_start3A_173 = arith.constant 0 : i32
      %dma_start3A_174 = tpu.memref_slice %arg7[%dma_start3A_167, %dma_start3A_173] : memref<5x128xi32, #tpu.memory_space<vmem>> -> memref<1x128xi32, #tpu.memory_space<vmem>>
      %dma_start3A_175 = tpu.memref_squeeze %dma_start3A_174 : memref<1x128xi32, #tpu.memory_space<vmem>> -> memref<128xi32, #tpu.memory_space<vmem>>
      %dma_start3A_176 = arith.constant 0 : i32
      %dma_start3A_177 = arith.constant 0 : i32
      %dma_start3A_178 = tpu.memref_slice %arg2[%dma_start3A_176, %dma_start3A_177] : memref<10240x80xf32, #tpu.memory_space<hbm>> -> memref<10240x80xf32, #tpu.memory_space<hbm>>
      tpu.enqueue_indirect_dma source(%dma_start3A_178 : memref<10240x80xf32, #tpu.memory_space<hbm>>) target(%dma_start3A_172 : memref<128x80xf32, #tpu.memory_space<vmem>>) offsets(%dma_start3A_175 : memref<128xi32, #tpu.memory_space<vmem>>) semaphore(%arg14 : memref<!tpu.dma_semaphore, #tpu.memory_space<semaphore_mem>>)
    } else {
    }
    %eq3A_35 = arith.constant 0 : i32
    %eq3A_36 = arith.constant 1 : i32
    %eq3A_37 = arith.cmpi eq, %eq3A_35, %eq3A_36 : i32
    %convert_element_type3A_38 = arith.extui %eq3A_37 : i1 to i32
    %cond3A_39 = arith.constant 0 : i32
    %cond3A_40 = arith.cmpi ne, %convert_element_type3A_38, %cond3A_39 : i32
    scf.if %cond3A_40 {
      %dma_start3A_167 = arith.constant 0 : i32
      %dma_start3A_168 = arith.constant 0 : i32
      %dma_start3A_169 = arith.constant 0 : i32
      %dma_start3A_170 = arith.constant 0 : i32
      %dma_start3A_171 = tpu.memref_slice %arg9[%dma_start3A_168, %dma_start3A_169, %dma_start3A_170] : memref<3x128x80xf32, #tpu.memory_space<vmem>> -> memref<1x128x80xf32, #tpu.memory_space<vmem>>
      %dma_start3A_172 = tpu.memref_squeeze %dma_start3A_171 : memref<1x128x80xf32, #tpu.memory_space<vmem>> -> memref<128x80xf32, #tpu.memory_space<vmem>>
      %dma_start3A_173 = arith.constant 0 : i32
      %dma_start3A_174 = tpu.memref_slice %arg7[%dma_start3A_167, %dma_start3A_173] : memref<5x128xi32, #tpu.memory_space<vmem>> -> memref<1x128xi32, #tpu.memory_space<vmem>>
      %dma_start3A_175 = tpu.memref_squeeze %dma_start3A_174 : memref<1x128xi32, #tpu.memory_space<vmem>> -> memref<128xi32, #tpu.memory_space<vmem>>
      %dma_start3A_176 = arith.constant 0 : i32
      %dma_start3A_177 = arith.constant 0 : i32
      %dma_start3A_178 = tpu.memref_slice %arg2[%dma_start3A_176, %dma_start3A_177] : memref<10240x80xf32, #tpu.memory_space<hbm>> -> memref<10240x80xf32, #tpu.memory_space<hbm>>
      tpu.enqueue_indirect_dma source(%dma_start3A_178 : memref<10240x80xf32, #tpu.memory_space<hbm>>) target(%dma_start3A_172 : memref<128x80xf32, #tpu.memory_space<vmem>>) offsets(%dma_start3A_175 : memref<128xi32, #tpu.memory_space<vmem>>) semaphore(%arg15 : memref<!tpu.dma_semaphore, #tpu.memory_space<semaphore_mem>>)
    } else {
    }
    %eq3A_41 = arith.constant 0 : i32
    %eq3A_42 = arith.constant 0 : i32
    %eq3A_43 = arith.cmpi eq, %eq3A_41, %eq3A_42 : i32
    %convert_element_type3A_44 = arith.extui %eq3A_43 : i1 to i32
    %cond3A_45 = arith.constant 0 : i32
    %cond3A_46 = arith.cmpi ne, %convert_element_type3A_44, %cond3A_45 : i32
    scf.if %cond3A_46 {
      %dma_start3A_167 = arith.constant 0 : i32
      %dma_start3A_168 = arith.constant 0 : i32
      %dma_start3A_169 = arith.constant 0 : i32
      %dma_start3A_170 = arith.constant 0 : i32
      %dma_start3A_171 = tpu.memref_slice %arg10[%dma_start3A_168, %dma_start3A_169, %dma_start3A_170] : memref<3x128x16xf32, #tpu.memory_space<vmem>> -> memref<1x128x16xf32, #tpu.memory_space<vmem>>
      %dma_start3A_172 = tpu.memref_squeeze %dma_start3A_171 : memref<1x128x16xf32, #tpu.memory_space<vmem>> -> memref<128x16xf32, #tpu.memory_space<vmem>>
      %dma_start3A_173 = arith.constant 0 : i32
      %dma_start3A_174 = tpu.memref_slice %arg8[%dma_start3A_167, %dma_start3A_173] : memref<5x128xi32, #tpu.memory_space<vmem>> -> memref<1x128xi32, #tpu.memory_space<vmem>>
      %dma_start3A_175 = tpu.memref_squeeze %dma_start3A_174 : memref<1x128xi32, #tpu.memory_space<vmem>> -> memref<128xi32, #tpu.memory_space<vmem>>
      %dma_start3A_176 = arith.constant 0 : i32
      %dma_start3A_177 = arith.constant 0 : i32
      %dma_start3A_178 = tpu.memref_slice %arg3[%dma_start3A_176, %dma_start3A_177] : memref<10240x16xf32, #tpu.memory_space<hbm>> -> memref<10240x16xf32, #tpu.memory_space<hbm>>
      tpu.enqueue_indirect_dma source(%dma_start3A_178 : memref<10240x16xf32, #tpu.memory_space<hbm>>) target(%dma_start3A_172 : memref<128x16xf32, #tpu.memory_space<vmem>>) offsets(%dma_start3A_175 : memref<128xi32, #tpu.memory_space<vmem>>) semaphore(%arg16 : memref<!tpu.dma_semaphore, #tpu.memory_space<semaphore_mem>>)
    } else {
    }
    %eq3A_47 = arith.constant 0 : i32
    %eq3A_48 = arith.constant 1 : i32
    %eq3A_49 = arith.cmpi eq, %eq3A_47, %eq3A_48 : i32
    %convert_element_type3A_50 = arith.extui %eq3A_49 : i1 to i32
    %cond3A_51 = arith.constant 0 : i32
    %cond3A_52 = arith.cmpi ne, %convert_element_type3A_50, %cond3A_51 : i32
    scf.if %cond3A_52 {
      %dma_start3A_167 = arith.constant 0 : i32
      %dma_start3A_168 = arith.constant 0 : i32
      %dma_start3A_169 = arith.constant 0 : i32
      %dma_start3A_170 = arith.constant 0 : i32
      %dma_start3A_171 = tpu.memref_slice %arg10[%dma_start3A_168, %dma_start3A_169, %dma_start3A_170] : memref<3x128x16xf32, #tpu.memory_space<vmem>> -> memref<1x128x16xf32, #tpu.memory_space<vmem>>
      %dma_start3A_172 = tpu.memref_squeeze %dma_start3A_171 : memref<1x128x16xf32, #tpu.memory_space<vmem>> -> memref<128x16xf32, #tpu.memory_space<vmem>>
      %dma_start3A_173 = arith.constant 0 : i32
      %dma_start3A_174 = tpu.memref_slice %arg8[%dma_start3A_167, %dma_start3A_173] : memref<5x128xi32, #tpu.memory_space<vmem>> -> memref<1x128xi32, #tpu.memory_space<vmem>>
      %dma_start3A_175 = tpu.memref_squeeze %dma_start3A_174 : memref<1x128xi32, #tpu.memory_space<vmem>> -> memref<128xi32, #tpu.memory_space<vmem>>
      %dma_start3A_176 = arith.constant 0 : i32
      %dma_start3A_177 = arith.constant 0 : i32
      %dma_start3A_178 = tpu.memref_slice %arg3[%dma_start3A_176, %dma_start3A_177] : memref<10240x16xf32, #tpu.memory_space<hbm>> -> memref<10240x16xf32, #tpu.memory_space<hbm>>
      tpu.enqueue_indirect_dma source(%dma_start3A_178 : memref<10240x16xf32, #tpu.memory_space<hbm>>) target(%dma_start3A_172 : memref<128x16xf32, #tpu.memory_space<vmem>>) offsets(%dma_start3A_175 : memref<128xi32, #tpu.memory_space<vmem>>) semaphore(%arg17 : memref<!tpu.dma_semaphore, #tpu.memory_space<semaphore_mem>>)
    } else {
    }
    %run_scoped3A_53 = arith.constant 1 : i32
    %run_scoped3A_54 = arith.constant 1 : i32
    "tpu.region"() ({
      %run_scoped3A_167 = tpu.sem_alloc : memref<!tpu.dma_semaphore, #tpu.memory_space<semaphore_mem>>
      %dma_start3A_168 = arith.constant 0 : i32
      %dma_start3A_169 = tpu.memref_slice %arg7[%run_scoped3A_54, %dma_start3A_168] : memref<5x128xi32, #tpu.memory_space<vmem>> -> memref<1x128xi32, #tpu.memory_space<vmem>>
      %dma_start3A_170 = tpu.memref_squeeze %dma_start3A_169 : memref<1x128xi32, #tpu.memory_space<vmem>> -> memref<128xi32, #tpu.memory_space<vmem>>
      %dma_start3A_171 = arith.constant 0 : i32
      %dma_start3A_172 = tpu.memref_slice %arg4[%add3A, %run_scoped3A_53, %dma_start3A_171] : memref<32x81x128xi32, #tpu.memory_space<hbm>> -> memref<1x1x128xi32, #tpu.memory_space<hbm>>
      %dma_start3A_173 = tpu.memref_squeeze %dma_start3A_172 : memref<1x1x128xi32, #tpu.memory_space<hbm>> -> memref<128xi32, #tpu.memory_space<hbm>>
      %dma_start3A_174 = arith.constant 0 : i32
      %dma_start3A_175 = tpu.memref_slice %arg7[%run_scoped3A_54, %dma_start3A_174] : memref<5x128xi32, #tpu.memory_space<vmem>> -> memref<1x128xi32, #tpu.memory_space<vmem>>
      %dma_start3A_176 = tpu.memref_squeeze %dma_start3A_175 : memref<1x128xi32, #tpu.memory_space<vmem>> -> memref<128xi32, #tpu.memory_space<vmem>>
      %dma_start3A_177 = arith.constant 0 : i32
      %dma_start3A_178 = tpu.memref_slice %arg4[%add3A, %run_scoped3A_53, %dma_start3A_177] : memref<32x81x128xi32, #tpu.memory_space<hbm>> -> memref<1x1x128xi32, #tpu.memory_space<hbm>>
      %dma_start3A_179 = tpu.memref_squeeze %dma_start3A_178 : memref<1x1x128xi32, #tpu.memory_space<hbm>> -> memref<128xi32, #tpu.memory_space<hbm>>
      tpu.enqueue_dma source(%dma_start3A_179 : memref<128xi32, #tpu.memory_space<hbm>>) target(%dma_start3A_176 : memref<128xi32, #tpu.memory_space<vmem>>) target_semaphore(%run_scoped3A_167 : memref<!tpu.dma_semaphore, #tpu.memory_space<semaphore_mem>>)
      %dma_wait3A_180 = arith.constant 0 : i32
      %dma_wait3A_181 = tpu.memref_slice %arg7[%run_scoped3A_54, %dma_wait3A_180] : memref<5x128xi32, #tpu.memory_space<vmem>> -> memref<1x128xi32, #tpu.memory_space<vmem>>
      %dma_wait3A_182 = tpu.memref_squeeze %dma_wait3A_181 : memref<1x128xi32, #tpu.memory_space<vmem>> -> memref<128xi32, #tpu.memory_space<vmem>>
      %dma_wait3A_183 = arith.constant 0 : i32
      %dma_wait3A_184 = tpu.memref_slice %arg4[%add3A, %run_scoped3A_53, %dma_wait3A_183] : memref<32x81x128xi32, #tpu.memory_space<hbm>> -> memref<1x1x128xi32, #tpu.memory_space<hbm>>
      %dma_wait3A_185 = tpu.memref_squeeze %dma_wait3A_184 : memref<1x1x128xi32, #tpu.memory_space<hbm>> -> memref<128xi32, #tpu.memory_space<hbm>>
      %dma_wait3A_186 = arith.constant 0 : i32
      %dma_wait3A_187 = tpu.memref_slice %arg7[%run_scoped3A_54, %dma_wait3A_186] : memref<5x128xi32, #tpu.memory_space<vmem>> -> memref<1x128xi32, #tpu.memory_space<vmem>>
      %dma_wait3A_188 = tpu.memref_squeeze %dma_wait3A_187 : memref<1x128xi32, #tpu.memory_space<vmem>> -> memref<128xi32, #tpu.memory_space<vmem>>
      %dma_wait3A_189 = arith.constant 0 : i32
      %dma_wait3A_190 = tpu.memref_slice %arg4[%add3A, %run_scoped3A_53, %dma_wait3A_189] : memref<32x81x128xi32, #tpu.memory_space<hbm>> -> memref<1x1x128xi32, #tpu.memory_space<hbm>>
      %dma_wait3A_191 = tpu.memref_squeeze %dma_wait3A_190 : memref<1x1x128xi32, #tpu.memory_space<hbm>> -> memref<128xi32, #tpu.memory_space<hbm>>
      tpu.wait_dma2 semaphore(%run_scoped3A_167 : memref<!tpu.dma_semaphore, #tpu.memory_space<semaphore_mem>>) src(%dma_wait3A_191 : memref<128xi32, #tpu.memory_space<hbm>>) dst(%dma_wait3A_188 : memref<128xi32, #tpu.memory_space<vmem>>)
      tpu.yield
    }) : () -> ()
    %run_scoped3A_55 = arith.constant 1 : i32
    %run_scoped3A_56 = arith.constant 1 : i32
    "tpu.region"() ({
      %run_scoped3A_167 = tpu.sem_alloc : memref<!tpu.dma_semaphore, #tpu.memory_space<semaphore_mem>>
      %dma_start3A_168 = arith.constant 0 : i32
      %dma_start3A_169 = tpu.memref_slice %arg8[%run_scoped3A_56, %dma_start3A_168] : memref<5x128xi32, #tpu.memory_space<vmem>> -> memref<1x128xi32, #tpu.memory_space<vmem>>
      %dma_start3A_170 = tpu.memref_squeeze %dma_start3A_169 : memref<1x128xi32, #tpu.memory_space<vmem>> -> memref<128xi32, #tpu.memory_space<vmem>>
      %dma_start3A_171 = arith.constant 0 : i32
      %dma_start3A_172 = tpu.memref_slice %arg5[%add3A, %run_scoped3A_55, %dma_start3A_171] : memref<32x81x128xi32, #tpu.memory_space<hbm>> -> memref<1x1x128xi32, #tpu.memory_space<hbm>>
      %dma_start3A_173 = tpu.memref_squeeze %dma_start3A_172 : memref<1x1x128xi32, #tpu.memory_space<hbm>> -> memref<128xi32, #tpu.memory_space<hbm>>
      %dma_start3A_174 = arith.constant 0 : i32
      %dma_start3A_175 = tpu.memref_slice %arg8[%run_scoped3A_56, %dma_start3A_174] : memref<5x128xi32, #tpu.memory_space<vmem>> -> memref<1x128xi32, #tpu.memory_space<vmem>>
      %dma_start3A_176 = tpu.memref_squeeze %dma_start3A_175 : memref<1x128xi32, #tpu.memory_space<vmem>> -> memref<128xi32, #tpu.memory_space<vmem>>
      %dma_start3A_177 = arith.constant 0 : i32
      %dma_start3A_178 = tpu.memref_slice %arg5[%add3A, %run_scoped3A_55, %dma_start3A_177] : memref<32x81x128xi32, #tpu.memory_space<hbm>> -> memref<1x1x128xi32, #tpu.memory_space<hbm>>
      %dma_start3A_179 = tpu.memref_squeeze %dma_start3A_178 : memref<1x1x128xi32, #tpu.memory_space<hbm>> -> memref<128xi32, #tpu.memory_space<hbm>>
      tpu.enqueue_dma source(%dma_start3A_179 : memref<128xi32, #tpu.memory_space<hbm>>) target(%dma_start3A_176 : memref<128xi32, #tpu.memory_space<vmem>>) target_semaphore(%run_scoped3A_167 : memref<!tpu.dma_semaphore, #tpu.memory_space<semaphore_mem>>)
      %dma_wait3A_180 = arith.constant 0 : i32
      %dma_wait3A_181 = tpu.memref_slice %arg8[%run_scoped3A_56, %dma_wait3A_180] : memref<5x128xi32, #tpu.memory_space<vmem>> -> memref<1x128xi32, #tpu.memory_space<vmem>>
      %dma_wait3A_182 = tpu.memref_squeeze %dma_wait3A_181 : memref<1x128xi32, #tpu.memory_space<vmem>> -> memref<128xi32, #tpu.memory_space<vmem>>
      %dma_wait3A_183 = arith.constant 0 : i32
      %dma_wait3A_184 = tpu.memref_slice %arg5[%add3A, %run_scoped3A_55, %dma_wait3A_183] : memref<32x81x128xi32, #tpu.memory_space<hbm>> -> memref<1x1x128xi32, #tpu.memory_space<hbm>>
      %dma_wait3A_185 = tpu.memref_squeeze %dma_wait3A_184 : memref<1x1x128xi32, #tpu.memory_space<hbm>> -> memref<128xi32, #tpu.memory_space<hbm>>
      %dma_wait3A_186 = arith.constant 0 : i32
      %dma_wait3A_187 = tpu.memref_slice %arg8[%run_scoped3A_56, %dma_wait3A_186] : memref<5x128xi32, #tpu.memory_space<vmem>> -> memref<1x128xi32, #tpu.memory_space<vmem>>
      %dma_wait3A_188 = tpu.memref_squeeze %dma_wait3A_187 : memref<1x128xi32, #tpu.memory_space<vmem>> -> memref<128xi32, #tpu.memory_space<vmem>>
      %dma_wait3A_189 = arith.constant 0 : i32
      %dma_wait3A_190 = tpu.memref_slice %arg5[%add3A, %run_scoped3A_55, %dma_wait3A_189] : memref<32x81x128xi32, #tpu.memory_space<hbm>> -> memref<1x1x128xi32, #tpu.memory_space<hbm>>
      %dma_wait3A_191 = tpu.memref_squeeze %dma_wait3A_190 : memref<1x1x128xi32, #tpu.memory_space<hbm>> -> memref<128xi32, #tpu.memory_space<hbm>>
      tpu.wait_dma2 semaphore(%run_scoped3A_167 : memref<!tpu.dma_semaphore, #tpu.memory_space<semaphore_mem>>) src(%dma_wait3A_191 : memref<128xi32, #tpu.memory_space<hbm>>) dst(%dma_wait3A_188 : memref<128xi32, #tpu.memory_space<vmem>>)
      tpu.yield
    }) : () -> ()
    %eq3A_57 = arith.constant 1 : i32
    %eq3A_58 = arith.constant 0 : i32
    %eq3A_59 = arith.cmpi eq, %eq3A_57, %eq3A_58 : i32
    %convert_element_type3A_60 = arith.extui %eq3A_59 : i1 to i32
    %cond3A_61 = arith.constant 0 : i32
    %cond3A_62 = arith.cmpi ne, %convert_element_type3A_60, %cond3A_61 : i32
    scf.if %cond3A_62 {
      %dma_start3A_167 = arith.constant 1 : i32
      %dma_start3A_168 = arith.constant 1 : i32
      %dma_start3A_169 = arith.constant 0 : i32
      %dma_start3A_170 = arith.constant 0 : i32
      %dma_start3A_171 = tpu.memref_slice %arg9[%dma_start3A_168, %dma_start3A_169, %dma_start3A_170] : memref<3x128x80xf32, #tpu.memory_space<vmem>> -> memref<1x128x80xf32, #tpu.memory_space<vmem>>
      %dma_start3A_172 = tpu.memref_squeeze %dma_start3A_171 : memref<1x128x80xf32, #tpu.memory_space<vmem>> -> memref<128x80xf32, #tpu.memory_space<vmem>>
      %dma_start3A_173 = arith.constant 0 : i32
      %dma_start3A_174 = tpu.memref_slice %arg7[%dma_start3A_167, %dma_start3A_173] : memref<5x128xi32, #tpu.memory_space<vmem>> -> memref<1x128xi32, #tpu.memory_space<vmem>>
      %dma_start3A_175 = tpu.memref_squeeze %dma_start3A_174 : memref<1x128xi32, #tpu.memory_space<vmem>> -> memref<128xi32, #tpu.memory_space<vmem>>
      %dma_start3A_176 = arith.constant 0 : i32
      %dma_start3A_177 = arith.constant 0 : i32
      %dma_start3A_178 = tpu.memref_slice %arg2[%dma_start3A_176, %dma_start3A_177] : memref<10240x80xf32, #tpu.memory_space<hbm>> -> memref<10240x80xf32, #tpu.memory_space<hbm>>
      tpu.enqueue_indirect_dma source(%dma_start3A_178 : memref<10240x80xf32, #tpu.memory_space<hbm>>) target(%dma_start3A_172 : memref<128x80xf32, #tpu.memory_space<vmem>>) offsets(%dma_start3A_175 : memref<128xi32, #tpu.memory_space<vmem>>) semaphore(%arg14 : memref<!tpu.dma_semaphore, #tpu.memory_space<semaphore_mem>>)
    } else {
    }
    %eq3A_63 = arith.constant 1 : i32
    %eq3A_64 = arith.constant 1 : i32
    %eq3A_65 = arith.cmpi eq, %eq3A_63, %eq3A_64 : i32
    %convert_element_type3A_66 = arith.extui %eq3A_65 : i1 to i32
    %cond3A_67 = arith.constant 0 : i32
    %cond3A_68 = arith.cmpi ne, %convert_element_type3A_66, %cond3A_67 : i32
    scf.if %cond3A_68 {
      %dma_start3A_167 = arith.constant 1 : i32
      %dma_start3A_168 = arith.constant 1 : i32
      %dma_start3A_169 = arith.constant 0 : i32
      %dma_start3A_170 = arith.constant 0 : i32
      %dma_start3A_171 = tpu.memref_slice %arg9[%dma_start3A_168, %dma_start3A_169, %dma_start3A_170] : memref<3x128x80xf32, #tpu.memory_space<vmem>> -> memref<1x128x80xf32, #tpu.memory_space<vmem>>
      %dma_start3A_172 = tpu.memref_squeeze %dma_start3A_171 : memref<1x128x80xf32, #tpu.memory_space<vmem>> -> memref<128x80xf32, #tpu.memory_space<vmem>>
      %dma_start3A_173 = arith.constant 0 : i32
      %dma_start3A_174 = tpu.memref_slice %arg7[%dma_start3A_167, %dma_start3A_173] : memref<5x128xi32, #tpu.memory_space<vmem>> -> memref<1x128xi32, #tpu.memory_space<vmem>>
      %dma_start3A_175 = tpu.memref_squeeze %dma_start3A_174 : memref<1x128xi32, #tpu.memory_space<vmem>> -> memref<128xi32, #tpu.memory_space<vmem>>
      %dma_start3A_176 = arith.constant 0 : i32
      %dma_start3A_177 = arith.constant 0 : i32
      %dma_start3A_178 = tpu.memref_slice %arg2[%dma_start3A_176, %dma_start3A_177] : memref<10240x80xf32, #tpu.memory_space<hbm>> -> memref<10240x80xf32, #tpu.memory_space<hbm>>
      tpu.enqueue_indirect_dma source(%dma_start3A_178 : memref<10240x80xf32, #tpu.memory_space<hbm>>) target(%dma_start3A_172 : memref<128x80xf32, #tpu.memory_space<vmem>>) offsets(%dma_start3A_175 : memref<128xi32, #tpu.memory_space<vmem>>) semaphore(%arg15 : memref<!tpu.dma_semaphore, #tpu.memory_space<semaphore_mem>>)
    } else {
    }
    %eq3A_69 = arith.constant 1 : i32
    %eq3A_70 = arith.constant 0 : i32
    %eq3A_71 = arith.cmpi eq, %eq3A_69, %eq3A_70 : i32
    %convert_element_type3A_72 = arith.extui %eq3A_71 : i1 to i32
    %cond3A_73 = arith.constant 0 : i32
    %cond3A_74 = arith.cmpi ne, %convert_element_type3A_72, %cond3A_73 : i32
    scf.if %cond3A_74 {
      %dma_start3A_167 = arith.constant 1 : i32
      %dma_start3A_168 = arith.constant 1 : i32
      %dma_start3A_169 = arith.constant 0 : i32
      %dma_start3A_170 = arith.constant 0 : i32
      %dma_start3A_171 = tpu.memref_slice %arg10[%dma_start3A_168, %dma_start3A_169, %dma_start3A_170] : memref<3x128x16xf32, #tpu.memory_space<vmem>> -> memref<1x128x16xf32, #tpu.memory_space<vmem>>
      %dma_start3A_172 = tpu.memref_squeeze %dma_start3A_171 : memref<1x128x16xf32, #tpu.memory_space<vmem>> -> memref<128x16xf32, #tpu.memory_space<vmem>>
      %dma_start3A_173 = arith.constant 0 : i32
      %dma_start3A_174 = tpu.memref_slice %arg8[%dma_start3A_167, %dma_start3A_173] : memref<5x128xi32, #tpu.memory_space<vmem>> -> memref<1x128xi32, #tpu.memory_space<vmem>>
      %dma_start3A_175 = tpu.memref_squeeze %dma_start3A_174 : memref<1x128xi32, #tpu.memory_space<vmem>> -> memref<128xi32, #tpu.memory_space<vmem>>
      %dma_start3A_176 = arith.constant 0 : i32
      %dma_start3A_177 = arith.constant 0 : i32
      %dma_start3A_178 = tpu.memref_slice %arg3[%dma_start3A_176, %dma_start3A_177] : memref<10240x16xf32, #tpu.memory_space<hbm>> -> memref<10240x16xf32, #tpu.memory_space<hbm>>
      tpu.enqueue_indirect_dma source(%dma_start3A_178 : memref<10240x16xf32, #tpu.memory_space<hbm>>) target(%dma_start3A_172 : memref<128x16xf32, #tpu.memory_space<vmem>>) offsets(%dma_start3A_175 : memref<128xi32, #tpu.memory_space<vmem>>) semaphore(%arg16 : memref<!tpu.dma_semaphore, #tpu.memory_space<semaphore_mem>>)
    } else {
    }
    %eq3A_75 = arith.constant 1 : i32
    %eq3A_76 = arith.constant 1 : i32
    %eq3A_77 = arith.cmpi eq, %eq3A_75, %eq3A_76 : i32
    %convert_element_type3A_78 = arith.extui %eq3A_77 : i1 to i32
    %cond3A_79 = arith.constant 0 : i32
    %cond3A_80 = arith.cmpi ne, %convert_element_type3A_78, %cond3A_79 : i32
    scf.if %cond3A_80 {
      %dma_start3A_167 = arith.constant 1 : i32
      %dma_start3A_168 = arith.constant 1 : i32
      %dma_start3A_169 = arith.constant 0 : i32
      %dma_start3A_170 = arith.constant 0 : i32
      %dma_start3A_171 = tpu.memref_slice %arg10[%dma_start3A_168, %dma_start3A_169, %dma_start3A_170] : memref<3x128x16xf32, #tpu.memory_space<vmem>> -> memref<1x128x16xf32, #tpu.memory_space<vmem>>
      %dma_start3A_172 = tpu.memref_squeeze %dma_start3A_171 : memref<1x128x16xf32, #tpu.memory_space<vmem>> -> memref<128x16xf32, #tpu.memory_space<vmem>>
      %dma_start3A_173 = arith.constant 0 : i32
      %dma_start3A_174 = tpu.memref_slice %arg8[%dma_start3A_167, %dma_start3A_173] : memref<5x128xi32, #tpu.memory_space<vmem>> -> memref<1x128xi32, #tpu.memory_space<vmem>>
      %dma_start3A_175 = tpu.memref_squeeze %dma_start3A_174 : memref<1x128xi32, #tpu.memory_space<vmem>> -> memref<128xi32, #tpu.memory_space<vmem>>
      %dma_start3A_176 = arith.constant 0 : i32
      %dma_start3A_177 = arith.constant 0 : i32
      %dma_start3A_178 = tpu.memref_slice %arg3[%dma_start3A_176, %dma_start3A_177] : memref<10240x16xf32, #tpu.memory_space<hbm>> -> memref<10240x16xf32, #tpu.memory_space<hbm>>
      tpu.enqueue_indirect_dma source(%dma_start3A_178 : memref<10240x16xf32, #tpu.memory_space<hbm>>) target(%dma_start3A_172 : memref<128x16xf32, #tpu.memory_space<vmem>>) offsets(%dma_start3A_175 : memref<128xi32, #tpu.memory_space<vmem>>) semaphore(%arg17 : memref<!tpu.dma_semaphore, #tpu.memory_space<semaphore_mem>>)
    } else {
    }
    %dma_start3A = arith.constant 2 : i32
    %dma_start3A_81 = arith.constant 2 : i32
    %dma_start3A_82 = arith.constant 0 : i32
    %dma_start3A_83 = tpu.memref_slice %arg7[%dma_start3A_81, %dma_start3A_82] : memref<5x128xi32, #tpu.memory_space<vmem>> -> memref<1x128xi32, #tpu.memory_space<vmem>>
    %dma_start3A_84 = tpu.memref_squeeze %dma_start3A_83 : memref<1x128xi32, #tpu.memory_space<vmem>> -> memref<128xi32, #tpu.memory_space<vmem>>
    %dma_start3A_85 = arith.constant 0 : i32
    %dma_start3A_86 = tpu.memref_slice %arg4[%add3A, %dma_start3A, %dma_start3A_85] : memref<32x81x128xi32, #tpu.memory_space<hbm>> -> memref<1x1x128xi32, #tpu.memory_space<hbm>>
    %dma_start3A_87 = tpu.memref_squeeze %dma_start3A_86 : memref<1x1x128xi32, #tpu.memory_space<hbm>> -> memref<128xi32, #tpu.memory_space<hbm>>
    %dma_start3A_88 = arith.constant 0 : i32
    %dma_start3A_89 = tpu.memref_slice %arg7[%dma_start3A_81, %dma_start3A_88] : memref<5x128xi32, #tpu.memory_space<vmem>> -> memref<1x128xi32, #tpu.memory_space<vmem>>
    %dma_start3A_90 = tpu.memref_squeeze %dma_start3A_89 : memref<1x128xi32, #tpu.memory_space<vmem>> -> memref<128xi32, #tpu.memory_space<vmem>>
    %dma_start3A_91 = arith.constant 0 : i32
    %dma_start3A_92 = tpu.memref_slice %arg4[%add3A, %dma_start3A, %dma_start3A_91] : memref<32x81x128xi32, #tpu.memory_space<hbm>> -> memref<1x1x128xi32, #tpu.memory_space<hbm>>
    %dma_start3A_93 = tpu.memref_squeeze %dma_start3A_92 : memref<1x1x128xi32, #tpu.memory_space<hbm>> -> memref<128xi32, #tpu.memory_space<hbm>>
    tpu.enqueue_dma source(%dma_start3A_93 : memref<128xi32, #tpu.memory_space<hbm>>) target(%dma_start3A_90 : memref<128xi32, #tpu.memory_space<vmem>>) target_semaphore(%arg18 : memref<!tpu.dma_semaphore, #tpu.memory_space<semaphore_mem>>)
    %dma_start3A_94 = arith.constant 2 : i32
    %dma_start3A_95 = arith.constant 2 : i32
    %dma_start3A_96 = arith.constant 0 : i32
    %dma_start3A_97 = tpu.memref_slice %arg8[%dma_start3A_95, %dma_start3A_96] : memref<5x128xi32, #tpu.memory_space<vmem>> -> memref<1x128xi32, #tpu.memory_space<vmem>>
    %dma_start3A_98 = tpu.memref_squeeze %dma_start3A_97 : memref<1x128xi32, #tpu.memory_space<vmem>> -> memref<128xi32, #tpu.memory_space<vmem>>
    %dma_start3A_99 = arith.constant 0 : i32
    %dma_start3A_100 = tpu.memref_slice %arg5[%add3A, %dma_start3A_94, %dma_start3A_99] : memref<32x81x128xi32, #tpu.memory_space<hbm>> -> memref<1x1x128xi32, #tpu.memory_space<hbm>>
    %dma_start3A_101 = tpu.memref_squeeze %dma_start3A_100 : memref<1x1x128xi32, #tpu.memory_space<hbm>> -> memref<128xi32, #tpu.memory_space<hbm>>
    %dma_start3A_102 = arith.constant 0 : i32
    %dma_start3A_103 = tpu.memref_slice %arg8[%dma_start3A_95, %dma_start3A_102] : memref<5x128xi32, #tpu.memory_space<vmem>> -> memref<1x128xi32, #tpu.memory_space<vmem>>
    %dma_start3A_104 = tpu.memref_squeeze %dma_start3A_103 : memref<1x128xi32, #tpu.memory_space<vmem>> -> memref<128xi32, #tpu.memory_space<vmem>>
    %dma_start3A_105 = arith.constant 0 : i32
    %dma_start3A_106 = tpu.memref_slice %arg5[%add3A, %dma_start3A_94, %dma_start3A_105] : memref<32x81x128xi32, #tpu.memory_space<hbm>> -> memref<1x1x128xi32, #tpu.memory_space<hbm>>
    %dma_start3A_107 = tpu.memref_squeeze %dma_start3A_106 : memref<1x1x128xi32, #tpu.memory_space<hbm>> -> memref<128xi32, #tpu.memory_space<hbm>>
    tpu.enqueue_dma source(%dma_start3A_107 : memref<128xi32, #tpu.memory_space<hbm>>) target(%dma_start3A_104 : memref<128xi32, #tpu.memory_space<vmem>>) target_semaphore(%arg18 : memref<!tpu.dma_semaphore, #tpu.memory_space<semaphore_mem>>)
    %scan3A = arith.constant 0 : i32
    %scan3A_108 = arith.constant 0 : i32
    %scan3A_109 = arith.constant 81 : i32
    %scan3A_110 = arith.addi %scan3A_108, %scan3A_109 : i32
    %scan3A_111 = arith.constant 1 : i32
    scf.for %scan3A_167 = %scan3A_108 to %scan3A_110 step %scan3A_111  : i32 {
      %rem3A = arith.constant 5 : i32
      %rem3A_168 = arith.remsi %scan3A_167, %rem3A : i32
      %rem3A_169 = arith.constant 3 : i32
      %rem3A_170 = arith.remsi %scan3A_167, %rem3A_169 : i32
      %and3A = arith.constant 1 : i32
      %and3A_171 = arith.andi %scan3A_167, %and3A : i32
      %ge3A = arith.constant 2 : i32
      %ge3A_172 = arith.cmpi sge, %scan3A_167, %ge3A : i32
      %eq3A_173 = arith.constant 0 : i32
      %eq3A_174 = arith.cmpi eq, %and3A_171, %eq3A_173 : i32
      %and3A_175 = arith.andi %ge3A_172, %eq3A_174 : i1
      %convert_element_type3A_176 = arith.extui %and3A_175 : i1 to i32
      %cond3A_177 = arith.constant 0 : i32
      %cond3A_178 = arith.cmpi ne, %convert_element_type3A_176, %cond3A_177 : i32
      scf.if %cond3A_178 {
        %dma_wait3A_233 = arith.constant 0 : i32
        %dma_wait3A_234 = arith.constant 0 : i32
        %dma_wait3A_235 = arith.constant 0 : i32
        %dma_wait3A_236 = tpu.memref_slice %arg11[%dma_wait3A_233, %dma_wait3A_234, %dma_wait3A_235] : memref<2x128x80xf32, #tpu.memory_space<vmem>> -> memref<1x128x80xf32, #tpu.memory_space<vmem>>
        %dma_wait3A_237 = tpu.memref_squeeze %dma_wait3A_236 : memref<1x128x80xf32, #tpu.memory_space<vmem>> -> memref<128x80xf32, #tpu.memory_space<vmem>>
        %dma_wait3A_238 = arith.constant 0 : i32
        %dma_wait3A_239 = tpu.memref_slice %arg8[%rem3A_168, %dma_wait3A_238] : memref<5x128xi32, #tpu.memory_space<vmem>> -> memref<1x128xi32, #tpu.memory_space<vmem>>
        %dma_wait3A_240 = tpu.memref_squeeze %dma_wait3A_239 : memref<1x128xi32, #tpu.memory_space<vmem>> -> memref<128xi32, #tpu.memory_space<vmem>>
        %dma_wait3A_241 = arith.constant 0 : i32
        %dma_wait3A_242 = arith.constant 0 : i32
        %dma_wait3A_243 = tpu.memref_slice %arg13[%dma_wait3A_241, %dma_wait3A_242] : memref<10240x80xf32, #tpu.memory_space<vmem_shared>> -> memref<10240x80xf32, #tpu.memory_space<vmem_shared>>
        tpu.wait_indirect_dma semaphore(%arg19 : memref<!tpu.dma_semaphore, #tpu.memory_space<semaphore_mem>>) src(%dma_wait3A_237 : memref<128x80xf32, #tpu.memory_space<vmem>>) dst(%dma_wait3A_243 : memref<10240x80xf32, #tpu.memory_space<vmem_shared>>)
      } else {
      }
      %ge3A_179 = arith.constant 2 : i32
      %ge3A_180 = arith.cmpi sge, %scan3A_167, %ge3A_179 : i32
      %eq3A_181 = arith.constant 1 : i32
      %eq3A_182 = arith.cmpi eq, %and3A_171, %eq3A_181 : i32
      %and3A_183 = arith.andi %ge3A_180, %eq3A_182 : i1
      %convert_element_type3A_184 = arith.extui %and3A_183 : i1 to i32
      %cond3A_185 = arith.constant 0 : i32
      %cond3A_186 = arith.cmpi ne, %convert_element_type3A_184, %cond3A_185 : i32
      scf.if %cond3A_186 {
        %dma_wait3A_233 = arith.constant 1 : i32
        %dma_wait3A_234 = arith.constant 0 : i32
        %dma_wait3A_235 = arith.constant 0 : i32
        %dma_wait3A_236 = tpu.memref_slice %arg11[%dma_wait3A_233, %dma_wait3A_234, %dma_wait3A_235] : memref<2x128x80xf32, #tpu.memory_space<vmem>> -> memref<1x128x80xf32, #tpu.memory_space<vmem>>
        %dma_wait3A_237 = tpu.memref_squeeze %dma_wait3A_236 : memref<1x128x80xf32, #tpu.memory_space<vmem>> -> memref<128x80xf32, #tpu.memory_space<vmem>>
        %dma_wait3A_238 = arith.constant 0 : i32
        %dma_wait3A_239 = tpu.memref_slice %arg8[%rem3A_168, %dma_wait3A_238] : memref<5x128xi32, #tpu.memory_space<vmem>> -> memref<1x128xi32, #tpu.memory_space<vmem>>
        %dma_wait3A_240 = tpu.memref_squeeze %dma_wait3A_239 : memref<1x128xi32, #tpu.memory_space<vmem>> -> memref<128xi32, #tpu.memory_space<vmem>>
        %dma_wait3A_241 = arith.constant 0 : i32
        %dma_wait3A_242 = arith.constant 0 : i32
        %dma_wait3A_243 = tpu.memref_slice %arg13[%dma_wait3A_241, %dma_wait3A_242] : memref<10240x80xf32, #tpu.memory_space<vmem_shared>> -> memref<10240x80xf32, #tpu.memory_space<vmem_shared>>
        tpu.wait_indirect_dma semaphore(%arg20 : memref<!tpu.dma_semaphore, #tpu.memory_space<semaphore_mem>>) src(%dma_wait3A_237 : memref<128x80xf32, #tpu.memory_space<vmem>>) dst(%dma_wait3A_243 : memref<10240x80xf32, #tpu.memory_space<vmem_shared>>)
      } else {
      }
      %eq3A_187 = arith.constant 0 : i32
      %eq3A_188 = arith.cmpi eq, %and3A_171, %eq3A_187 : i32
      %convert_element_type3A_189 = arith.extui %eq3A_188 : i1 to i32
      %cond3A_190 = arith.constant 0 : i32
      %cond3A_191 = arith.cmpi ne, %convert_element_type3A_189, %cond3A_190 : i32
      scf.if %cond3A_191 {
        %dma_wait3A_233 = arith.constant 0 : i32
        %dma_wait3A_234 = arith.constant 0 : i32
        %dma_wait3A_235 = tpu.memref_slice %arg9[%rem3A_170, %dma_wait3A_233, %dma_wait3A_234] : memref<3x128x80xf32, #tpu.memory_space<vmem>> -> memref<1x128x80xf32, #tpu.memory_space<vmem>>
        %dma_wait3A_236 = tpu.memref_squeeze %dma_wait3A_235 : memref<1x128x80xf32, #tpu.memory_space<vmem>> -> memref<128x80xf32, #tpu.memory_space<vmem>>
        %dma_wait3A_237 = arith.constant 0 : i32
        %dma_wait3A_238 = tpu.memref_slice %arg7[%rem3A_168, %dma_wait3A_237] : memref<5x128xi32, #tpu.memory_space<vmem>> -> memref<1x128xi32, #tpu.memory_space<vmem>>
        %dma_wait3A_239 = tpu.memref_squeeze %dma_wait3A_238 : memref<1x128xi32, #tpu.memory_space<vmem>> -> memref<128xi32, #tpu.memory_space<vmem>>
        %dma_wait3A_240 = arith.constant 0 : i32
        %dma_wait3A_241 = arith.constant 0 : i32
        %dma_wait3A_242 = tpu.memref_slice %arg2[%dma_wait3A_240, %dma_wait3A_241] : memref<10240x80xf32, #tpu.memory_space<hbm>> -> memref<10240x80xf32, #tpu.memory_space<hbm>>
        tpu.wait_indirect_dma semaphore(%arg14 : memref<!tpu.dma_semaphore, #tpu.memory_space<semaphore_mem>>) src(%dma_wait3A_242 : memref<10240x80xf32, #tpu.memory_space<hbm>>) dst(%dma_wait3A_236 : memref<128x80xf32, #tpu.memory_space<vmem>>)
      } else {
      }
      %eq3A_192 = arith.constant 1 : i32
      %eq3A_193 = arith.cmpi eq, %and3A_171, %eq3A_192 : i32
      %convert_element_type3A_194 = arith.extui %eq3A_193 : i1 to i32
      %cond3A_195 = arith.constant 0 : i32
      %cond3A_196 = arith.cmpi ne, %convert_element_type3A_194, %cond3A_195 : i32
      scf.if %cond3A_196 {
        %dma_wait3A_233 = arith.constant 0 : i32
        %dma_wait3A_234 = arith.constant 0 : i32
        %dma_wait3A_235 = tpu.memref_slice %arg9[%rem3A_170, %dma_wait3A_233, %dma_wait3A_234] : memref<3x128x80xf32, #tpu.memory_space<vmem>> -> memref<1x128x80xf32, #tpu.memory_space<vmem>>
        %dma_wait3A_236 = tpu.memref_squeeze %dma_wait3A_235 : memref<1x128x80xf32, #tpu.memory_space<vmem>> -> memref<128x80xf32, #tpu.memory_space<vmem>>
        %dma_wait3A_237 = arith.constant 0 : i32
        %dma_wait3A_238 = tpu.memref_slice %arg7[%rem3A_168, %dma_wait3A_237] : memref<5x128xi32, #tpu.memory_space<vmem>> -> memref<1x128xi32, #tpu.memory_space<vmem>>
        %dma_wait3A_239 = tpu.memref_squeeze %dma_wait3A_238 : memref<1x128xi32, #tpu.memory_space<vmem>> -> memref<128xi32, #tpu.memory_space<vmem>>
        %dma_wait3A_240 = arith.constant 0 : i32
        %dma_wait3A_241 = arith.constant 0 : i32
        %dma_wait3A_242 = tpu.memref_slice %arg2[%dma_wait3A_240, %dma_wait3A_241] : memref<10240x80xf32, #tpu.memory_space<hbm>> -> memref<10240x80xf32, #tpu.memory_space<hbm>>
        tpu.wait_indirect_dma semaphore(%arg15 : memref<!tpu.dma_semaphore, #tpu.memory_space<semaphore_mem>>) src(%dma_wait3A_242 : memref<10240x80xf32, #tpu.memory_space<hbm>>) dst(%dma_wait3A_236 : memref<128x80xf32, #tpu.memory_space<vmem>>)
      } else {
      }
      %eq3A_197 = arith.constant 0 : i32
      %eq3A_198 = arith.cmpi eq, %and3A_171, %eq3A_197 : i32
      %convert_element_type3A_199 = arith.extui %eq3A_198 : i1 to i32
      %cond3A_200 = arith.constant 0 : i32
      %cond3A_201 = arith.cmpi ne, %convert_element_type3A_199, %cond3A_200 : i32
      scf.if %cond3A_201 {
        %dma_wait3A_233 = arith.constant 0 : i32
        %dma_wait3A_234 = arith.constant 0 : i32
        %dma_wait3A_235 = tpu.memref_slice %arg10[%rem3A_170, %dma_wait3A_233, %dma_wait3A_234] : memref<3x128x16xf32, #tpu.memory_space<vmem>> -> memref<1x128x16xf32, #tpu.memory_space<vmem>>
        %dma_wait3A_236 = tpu.memref_squeeze %dma_wait3A_235 : memref<1x128x16xf32, #tpu.memory_space<vmem>> -> memref<128x16xf32, #tpu.memory_space<vmem>>
        %dma_wait3A_237 = arith.constant 0 : i32
        %dma_wait3A_238 = tpu.memref_slice %arg8[%rem3A_168, %dma_wait3A_237] : memref<5x128xi32, #tpu.memory_space<vmem>> -> memref<1x128xi32, #tpu.memory_space<vmem>>
        %dma_wait3A_239 = tpu.memref_squeeze %dma_wait3A_238 : memref<1x128xi32, #tpu.memory_space<vmem>> -> memref<128xi32, #tpu.memory_space<vmem>>
        %dma_wait3A_240 = arith.constant 0 : i32
        %dma_wait3A_241 = arith.constant 0 : i32
        %dma_wait3A_242 = tpu.memref_slice %arg3[%dma_wait3A_240, %dma_wait3A_241] : memref<10240x16xf32, #tpu.memory_space<hbm>> -> memref<10240x16xf32, #tpu.memory_space<hbm>>
        tpu.wait_indirect_dma semaphore(%arg16 : memref<!tpu.dma_semaphore, #tpu.memory_space<semaphore_mem>>) src(%dma_wait3A_242 : memref<10240x16xf32, #tpu.memory_space<hbm>>) dst(%dma_wait3A_236 : memref<128x16xf32, #tpu.memory_space<vmem>>)
      } else {
      }
      %eq3A_202 = arith.constant 1 : i32
      %eq3A_203 = arith.cmpi eq, %and3A_171, %eq3A_202 : i32
      %convert_element_type3A_204 = arith.extui %eq3A_203 : i1 to i32
      %cond3A_205 = arith.constant 0 : i32
      %cond3A_206 = arith.cmpi ne, %convert_element_type3A_204, %cond3A_205 : i32
      scf.if %cond3A_206 {
        %dma_wait3A_233 = arith.constant 0 : i32
        %dma_wait3A_234 = arith.constant 0 : i32
        %dma_wait3A_235 = tpu.memref_slice %arg10[%rem3A_170, %dma_wait3A_233, %dma_wait3A_234] : memref<3x128x16xf32, #tpu.memory_space<vmem>> -> memref<1x128x16xf32, #tpu.memory_space<vmem>>
        %dma_wait3A_236 = tpu.memref_squeeze %dma_wait3A_235 : memref<1x128x16xf32, #tpu.memory_space<vmem>> -> memref<128x16xf32, #tpu.memory_space<vmem>>
        %dma_wait3A_237 = arith.constant 0 : i32
        %dma_wait3A_238 = tpu.memref_slice %arg8[%rem3A_168, %dma_wait3A_237] : memref<5x128xi32, #tpu.memory_space<vmem>> -> memref<1x128xi32, #tpu.memory_space<vmem>>
        %dma_wait3A_239 = tpu.memref_squeeze %dma_wait3A_238 : memref<1x128xi32, #tpu.memory_space<vmem>> -> memref<128xi32, #tpu.memory_space<vmem>>
        %dma_wait3A_240 = arith.constant 0 : i32
        %dma_wait3A_241 = arith.constant 0 : i32
        %dma_wait3A_242 = tpu.memref_slice %arg3[%dma_wait3A_240, %dma_wait3A_241] : memref<10240x16xf32, #tpu.memory_space<hbm>> -> memref<10240x16xf32, #tpu.memory_space<hbm>>
        tpu.wait_indirect_dma semaphore(%arg17 : memref<!tpu.dma_semaphore, #tpu.memory_space<semaphore_mem>>) src(%dma_wait3A_242 : memref<10240x16xf32, #tpu.memory_space<hbm>>) dst(%dma_wait3A_236 : memref<128x16xf32, #tpu.memory_space<vmem>>)
      } else {
      }
      %add3A_207 = arith.constant 2 : i32
      %add3A_208 = arith.addi %scan3A_167, %add3A_207 : i32
      %lt3A = arith.constant 81 : i32
      %lt3A_209 = arith.cmpi slt, %add3A_208, %lt3A : i32
      %convert_element_type3A_210 = arith.extui %lt3A_209 : i1 to i32
      %cond3A_211 = arith.constant 0 : i32
      %cond3A_212 = arith.cmpi ne, %convert_element_type3A_210, %cond3A_211 : i32
      scf.if %cond3A_212 {
        %add3A_233 = arith.constant 2 : i32
        %add3A_234 = arith.addi %scan3A_167, %add3A_233 : i32
        %rem3A_235 = arith.constant 5 : i32
        %rem3A_236 = arith.remsi %add3A_234, %rem3A_235 : i32
        %add3A_237 = arith.constant 2 : i32
        %add3A_238 = arith.addi %scan3A_167, %add3A_237 : i32
        %rem3A_239 = arith.constant 3 : i32
        %rem3A_240 = arith.remsi %add3A_238, %rem3A_239 : i32
        %add3A_241 = arith.constant 2 : i32
        %add3A_242 = arith.addi %scan3A_167, %add3A_241 : i32
        %dma_wait3A_243 = arith.constant 0 : i32
        %dma_wait3A_244 = tpu.memref_slice %arg7[%rem3A_236, %dma_wait3A_243] : memref<5x128xi32, #tpu.memory_space<vmem>> -> memref<1x128xi32, #tpu.memory_space<vmem>>
        %dma_wait3A_245 = tpu.memref_squeeze %dma_wait3A_244 : memref<1x128xi32, #tpu.memory_space<vmem>> -> memref<128xi32, #tpu.memory_space<vmem>>
        %dma_wait3A_246 = arith.constant 0 : i32
        %dma_wait3A_247 = tpu.memref_slice %arg4[%add3A, %add3A_242, %dma_wait3A_246] : memref<32x81x128xi32, #tpu.memory_space<hbm>> -> memref<1x1x128xi32, #tpu.memory_space<hbm>>
        %dma_wait3A_248 = tpu.memref_squeeze %dma_wait3A_247 : memref<1x1x128xi32, #tpu.memory_space<hbm>> -> memref<128xi32, #tpu.memory_space<hbm>>
        %dma_wait3A_249 = arith.constant 0 : i32
        %dma_wait3A_250 = tpu.memref_slice %arg7[%rem3A_236, %dma_wait3A_249] : memref<5x128xi32, #tpu.memory_space<vmem>> -> memref<1x128xi32, #tpu.memory_space<vmem>>
        %dma_wait3A_251 = tpu.memref_squeeze %dma_wait3A_250 : memref<1x128xi32, #tpu.memory_space<vmem>> -> memref<128xi32, #tpu.memory_space<vmem>>
        %dma_wait3A_252 = arith.constant 0 : i32
        %dma_wait3A_253 = tpu.memref_slice %arg4[%add3A, %add3A_242, %dma_wait3A_252] : memref<32x81x128xi32, #tpu.memory_space<hbm>> -> memref<1x1x128xi32, #tpu.memory_space<hbm>>
        %dma_wait3A_254 = tpu.memref_squeeze %dma_wait3A_253 : memref<1x1x128xi32, #tpu.memory_space<hbm>> -> memref<128xi32, #tpu.memory_space<hbm>>
        tpu.wait_dma2 semaphore(%arg18 : memref<!tpu.dma_semaphore, #tpu.memory_space<semaphore_mem>>) src(%dma_wait3A_254 : memref<128xi32, #tpu.memory_space<hbm>>) dst(%dma_wait3A_251 : memref<128xi32, #tpu.memory_space<vmem>>)
        %add3A_255 = arith.constant 2 : i32
        %add3A_256 = arith.addi %scan3A_167, %add3A_255 : i32
        %dma_wait3A_257 = arith.constant 0 : i32
        %dma_wait3A_258 = tpu.memref_slice %arg8[%rem3A_236, %dma_wait3A_257] : memref<5x128xi32, #tpu.memory_space<vmem>> -> memref<1x128xi32, #tpu.memory_space<vmem>>
        %dma_wait3A_259 = tpu.memref_squeeze %dma_wait3A_258 : memref<1x128xi32, #tpu.memory_space<vmem>> -> memref<128xi32, #tpu.memory_space<vmem>>
        %dma_wait3A_260 = arith.constant 0 : i32
        %dma_wait3A_261 = tpu.memref_slice %arg5[%add3A, %add3A_256, %dma_wait3A_260] : memref<32x81x128xi32, #tpu.memory_space<hbm>> -> memref<1x1x128xi32, #tpu.memory_space<hbm>>
        %dma_wait3A_262 = tpu.memref_squeeze %dma_wait3A_261 : memref<1x1x128xi32, #tpu.memory_space<hbm>> -> memref<128xi32, #tpu.memory_space<hbm>>
        %dma_wait3A_263 = arith.constant 0 : i32
        %dma_wait3A_264 = tpu.memref_slice %arg8[%rem3A_236, %dma_wait3A_263] : memref<5x128xi32, #tpu.memory_space<vmem>> -> memref<1x128xi32, #tpu.memory_space<vmem>>
        %dma_wait3A_265 = tpu.memref_squeeze %dma_wait3A_264 : memref<1x128xi32, #tpu.memory_space<vmem>> -> memref<128xi32, #tpu.memory_space<vmem>>
        %dma_wait3A_266 = arith.constant 0 : i32
        %dma_wait3A_267 = tpu.memref_slice %arg5[%add3A, %add3A_256, %dma_wait3A_266] : memref<32x81x128xi32, #tpu.memory_space<hbm>> -> memref<1x1x128xi32, #tpu.memory_space<hbm>>
        %dma_wait3A_268 = tpu.memref_squeeze %dma_wait3A_267 : memref<1x1x128xi32, #tpu.memory_space<hbm>> -> memref<128xi32, #tpu.memory_space<hbm>>
        tpu.wait_dma2 semaphore(%arg18 : memref<!tpu.dma_semaphore, #tpu.memory_space<semaphore_mem>>) src(%dma_wait3A_268 : memref<128xi32, #tpu.memory_space<hbm>>) dst(%dma_wait3A_265 : memref<128xi32, #tpu.memory_space<vmem>>)
        %eq3A_269 = arith.constant 0 : i32
        %eq3A_270 = arith.cmpi eq, %and3A_171, %eq3A_269 : i32
        %convert_element_type3A_271 = arith.extui %eq3A_270 : i1 to i32
        %cond3A_272 = arith.constant 0 : i32
        %cond3A_273 = arith.cmpi ne, %convert_element_type3A_271, %cond3A_272 : i32
        scf.if %cond3A_273 {
          %dma_start3A_289 = arith.constant 0 : i32
          %dma_start3A_290 = arith.constant 0 : i32
          %dma_start3A_291 = tpu.memref_slice %arg9[%rem3A_240, %dma_start3A_289, %dma_start3A_290] : memref<3x128x80xf32, #tpu.memory_space<vmem>> -> memref<1x128x80xf32, #tpu.memory_space<vmem>>
          %dma_start3A_292 = tpu.memref_squeeze %dma_start3A_291 : memref<1x128x80xf32, #tpu.memory_space<vmem>> -> memref<128x80xf32, #tpu.memory_space<vmem>>
          %dma_start3A_293 = arith.constant 0 : i32
          %dma_start3A_294 = tpu.memref_slice %arg7[%rem3A_236, %dma_start3A_293] : memref<5x128xi32, #tpu.memory_space<vmem>> -> memref<1x128xi32, #tpu.memory_space<vmem>>
          %dma_start3A_295 = tpu.memref_squeeze %dma_start3A_294 : memref<1x128xi32, #tpu.memory_space<vmem>> -> memref<128xi32, #tpu.memory_space<vmem>>
          %dma_start3A_296 = arith.constant 0 : i32
          %dma_start3A_297 = arith.constant 0 : i32
          %dma_start3A_298 = tpu.memref_slice %arg2[%dma_start3A_296, %dma_start3A_297] : memref<10240x80xf32, #tpu.memory_space<hbm>> -> memref<10240x80xf32, #tpu.memory_space<hbm>>
          tpu.enqueue_indirect_dma source(%dma_start3A_298 : memref<10240x80xf32, #tpu.memory_space<hbm>>) target(%dma_start3A_292 : memref<128x80xf32, #tpu.memory_space<vmem>>) offsets(%dma_start3A_295 : memref<128xi32, #tpu.memory_space<vmem>>) semaphore(%arg14 : memref<!tpu.dma_semaphore, #tpu.memory_space<semaphore_mem>>)
        } else {
        }
        %eq3A_274 = arith.constant 1 : i32
        %eq3A_275 = arith.cmpi eq, %and3A_171, %eq3A_274 : i32
        %convert_element_type3A_276 = arith.extui %eq3A_275 : i1 to i32
        %cond3A_277 = arith.constant 0 : i32
        %cond3A_278 = arith.cmpi ne, %convert_element_type3A_276, %cond3A_277 : i32
        scf.if %cond3A_278 {
          %dma_start3A_289 = arith.constant 0 : i32
          %dma_start3A_290 = arith.constant 0 : i32
          %dma_start3A_291 = tpu.memref_slice %arg9[%rem3A_240, %dma_start3A_289, %dma_start3A_290] : memref<3x128x80xf32, #tpu.memory_space<vmem>> -> memref<1x128x80xf32, #tpu.memory_space<vmem>>
          %dma_start3A_292 = tpu.memref_squeeze %dma_start3A_291 : memref<1x128x80xf32, #tpu.memory_space<vmem>> -> memref<128x80xf32, #tpu.memory_space<vmem>>
          %dma_start3A_293 = arith.constant 0 : i32
          %dma_start3A_294 = tpu.memref_slice %arg7[%rem3A_236, %dma_start3A_293] : memref<5x128xi32, #tpu.memory_space<vmem>> -> memref<1x128xi32, #tpu.memory_space<vmem>>
          %dma_start3A_295 = tpu.memref_squeeze %dma_start3A_294 : memref<1x128xi32, #tpu.memory_space<vmem>> -> memref<128xi32, #tpu.memory_space<vmem>>
          %dma_start3A_296 = arith.constant 0 : i32
          %dma_start3A_297 = arith.constant 0 : i32
          %dma_start3A_298 = tpu.memref_slice %arg2[%dma_start3A_296, %dma_start3A_297] : memref<10240x80xf32, #tpu.memory_space<hbm>> -> memref<10240x80xf32, #tpu.memory_space<hbm>>
          tpu.enqueue_indirect_dma source(%dma_start3A_298 : memref<10240x80xf32, #tpu.memory_space<hbm>>) target(%dma_start3A_292 : memref<128x80xf32, #tpu.memory_space<vmem>>) offsets(%dma_start3A_295 : memref<128xi32, #tpu.memory_space<vmem>>) semaphore(%arg15 : memref<!tpu.dma_semaphore, #tpu.memory_space<semaphore_mem>>)
        } else {
        }
        %eq3A_279 = arith.constant 0 : i32
        %eq3A_280 = arith.cmpi eq, %and3A_171, %eq3A_279 : i32
        %convert_element_type3A_281 = arith.extui %eq3A_280 : i1 to i32
        %cond3A_282 = arith.constant 0 : i32
        %cond3A_283 = arith.cmpi ne, %convert_element_type3A_281, %cond3A_282 : i32
        scf.if %cond3A_283 {
          %dma_start3A_289 = arith.constant 0 : i32
          %dma_start3A_290 = arith.constant 0 : i32
          %dma_start3A_291 = tpu.memref_slice %arg10[%rem3A_240, %dma_start3A_289, %dma_start3A_290] : memref<3x128x16xf32, #tpu.memory_space<vmem>> -> memref<1x128x16xf32, #tpu.memory_space<vmem>>
          %dma_start3A_292 = tpu.memref_squeeze %dma_start3A_291 : memref<1x128x16xf32, #tpu.memory_space<vmem>> -> memref<128x16xf32, #tpu.memory_space<vmem>>
          %dma_start3A_293 = arith.constant 0 : i32
          %dma_start3A_294 = tpu.memref_slice %arg8[%rem3A_236, %dma_start3A_293] : memref<5x128xi32, #tpu.memory_space<vmem>> -> memref<1x128xi32, #tpu.memory_space<vmem>>
          %dma_start3A_295 = tpu.memref_squeeze %dma_start3A_294 : memref<1x128xi32, #tpu.memory_space<vmem>> -> memref<128xi32, #tpu.memory_space<vmem>>
          %dma_start3A_296 = arith.constant 0 : i32
          %dma_start3A_297 = arith.constant 0 : i32
          %dma_start3A_298 = tpu.memref_slice %arg3[%dma_start3A_296, %dma_start3A_297] : memref<10240x16xf32, #tpu.memory_space<hbm>> -> memref<10240x16xf32, #tpu.memory_space<hbm>>
          tpu.enqueue_indirect_dma source(%dma_start3A_298 : memref<10240x16xf32, #tpu.memory_space<hbm>>) target(%dma_start3A_292 : memref<128x16xf32, #tpu.memory_space<vmem>>) offsets(%dma_start3A_295 : memref<128xi32, #tpu.memory_space<vmem>>) semaphore(%arg16 : memref<!tpu.dma_semaphore, #tpu.memory_space<semaphore_mem>>)
        } else {
        }
        %eq3A_284 = arith.constant 1 : i32
        %eq3A_285 = arith.cmpi eq, %and3A_171, %eq3A_284 : i32
        %convert_element_type3A_286 = arith.extui %eq3A_285 : i1 to i32
        %cond3A_287 = arith.constant 0 : i32
        %cond3A_288 = arith.cmpi ne, %convert_element_type3A_286, %cond3A_287 : i32
        scf.if %cond3A_288 {
          %dma_start3A_289 = arith.constant 0 : i32
          %dma_start3A_290 = arith.constant 0 : i32
          %dma_start3A_291 = tpu.memref_slice %arg10[%rem3A_240, %dma_start3A_289, %dma_start3A_290] : memref<3x128x16xf32, #tpu.memory_space<vmem>> -> memref<1x128x16xf32, #tpu.memory_space<vmem>>
          %dma_start3A_292 = tpu.memref_squeeze %dma_start3A_291 : memref<1x128x16xf32, #tpu.memory_space<vmem>> -> memref<128x16xf32, #tpu.memory_space<vmem>>
          %dma_start3A_293 = arith.constant 0 : i32
          %dma_start3A_294 = tpu.memref_slice %arg8[%rem3A_236, %dma_start3A_293] : memref<5x128xi32, #tpu.memory_space<vmem>> -> memref<1x128xi32, #tpu.memory_space<vmem>>
          %dma_start3A_295 = tpu.memref_squeeze %dma_start3A_294 : memref<1x128xi32, #tpu.memory_space<vmem>> -> memref<128xi32, #tpu.memory_space<vmem>>
          %dma_start3A_296 = arith.constant 0 : i32
          %dma_start3A_297 = arith.constant 0 : i32
          %dma_start3A_298 = tpu.memref_slice %arg3[%dma_start3A_296, %dma_start3A_297] : memref<10240x16xf32, #tpu.memory_space<hbm>> -> memref<10240x16xf32, #tpu.memory_space<hbm>>
          tpu.enqueue_indirect_dma source(%dma_start3A_298 : memref<10240x16xf32, #tpu.memory_space<hbm>>) target(%dma_start3A_292 : memref<128x16xf32, #tpu.memory_space<vmem>>) offsets(%dma_start3A_295 : memref<128xi32, #tpu.memory_space<vmem>>) semaphore(%arg17 : memref<!tpu.dma_semaphore, #tpu.memory_space<semaphore_mem>>)
        } else {
        }
      } else {
      }
      %add3A_213 = arith.constant 3 : i32
      %add3A_214 = arith.addi %scan3A_167, %add3A_213 : i32
      %lt3A_215 = arith.constant 81 : i32
      %lt3A_216 = arith.cmpi slt, %add3A_214, %lt3A_215 : i32
      %convert_element_type3A_217 = arith.extui %lt3A_216 : i1 to i32
      %cond3A_218 = arith.constant 0 : i32
      %cond3A_219 = arith.cmpi ne, %convert_element_type3A_217, %cond3A_218 : i32
      scf.if %cond3A_219 {
        %add3A_233 = arith.constant 3 : i32
        %add3A_234 = arith.addi %scan3A_167, %add3A_233 : i32
        %rem3A_235 = arith.constant 5 : i32
        %rem3A_236 = arith.remsi %add3A_234, %rem3A_235 : i32
        %add3A_237 = arith.constant 3 : i32
        %add3A_238 = arith.addi %scan3A_167, %add3A_237 : i32
        %dma_start3A_239 = arith.constant 0 : i32
        %dma_start3A_240 = tpu.memref_slice %arg7[%rem3A_236, %dma_start3A_239] : memref<5x128xi32, #tpu.memory_space<vmem>> -> memref<1x128xi32, #tpu.memory_space<vmem>>
        %dma_start3A_241 = tpu.memref_squeeze %dma_start3A_240 : memref<1x128xi32, #tpu.memory_space<vmem>> -> memref<128xi32, #tpu.memory_space<vmem>>
        %dma_start3A_242 = arith.constant 0 : i32
        %dma_start3A_243 = tpu.memref_slice %arg4[%add3A, %add3A_238, %dma_start3A_242] : memref<32x81x128xi32, #tpu.memory_space<hbm>> -> memref<1x1x128xi32, #tpu.memory_space<hbm>>
        %dma_start3A_244 = tpu.memref_squeeze %dma_start3A_243 : memref<1x1x128xi32, #tpu.memory_space<hbm>> -> memref<128xi32, #tpu.memory_space<hbm>>
        %dma_start3A_245 = arith.constant 0 : i32
        %dma_start3A_246 = tpu.memref_slice %arg7[%rem3A_236, %dma_start3A_245] : memref<5x128xi32, #tpu.memory_space<vmem>> -> memref<1x128xi32, #tpu.memory_space<vmem>>
        %dma_start3A_247 = tpu.memref_squeeze %dma_start3A_246 : memref<1x128xi32, #tpu.memory_space<vmem>> -> memref<128xi32, #tpu.memory_space<vmem>>
        %dma_start3A_248 = arith.constant 0 : i32
        %dma_start3A_249 = tpu.memref_slice %arg4[%add3A, %add3A_238, %dma_start3A_248] : memref<32x81x128xi32, #tpu.memory_space<hbm>> -> memref<1x1x128xi32, #tpu.memory_space<hbm>>
        %dma_start3A_250 = tpu.memref_squeeze %dma_start3A_249 : memref<1x1x128xi32, #tpu.memory_space<hbm>> -> memref<128xi32, #tpu.memory_space<hbm>>
        tpu.enqueue_dma source(%dma_start3A_250 : memref<128xi32, #tpu.memory_space<hbm>>) target(%dma_start3A_247 : memref<128xi32, #tpu.memory_space<vmem>>) target_semaphore(%arg18 : memref<!tpu.dma_semaphore, #tpu.memory_space<semaphore_mem>>)
        %add3A_251 = arith.constant 3 : i32
        %add3A_252 = arith.addi %scan3A_167, %add3A_251 : i32
        %dma_start3A_253 = arith.constant 0 : i32
        %dma_start3A_254 = tpu.memref_slice %arg8[%rem3A_236, %dma_start3A_253] : memref<5x128xi32, #tpu.memory_space<vmem>> -> memref<1x128xi32, #tpu.memory_space<vmem>>
        %dma_start3A_255 = tpu.memref_squeeze %dma_start3A_254 : memref<1x128xi32, #tpu.memory_space<vmem>> -> memref<128xi32, #tpu.memory_space<vmem>>
        %dma_start3A_256 = arith.constant 0 : i32
        %dma_start3A_257 = tpu.memref_slice %arg5[%add3A, %add3A_252, %dma_start3A_256] : memref<32x81x128xi32, #tpu.memory_space<hbm>> -> memref<1x1x128xi32, #tpu.memory_space<hbm>>
        %dma_start3A_258 = tpu.memref_squeeze %dma_start3A_257 : memref<1x1x128xi32, #tpu.memory_space<hbm>> -> memref<128xi32, #tpu.memory_space<hbm>>
        %dma_start3A_259 = arith.constant 0 : i32
        %dma_start3A_260 = tpu.memref_slice %arg8[%rem3A_236, %dma_start3A_259] : memref<5x128xi32, #tpu.memory_space<vmem>> -> memref<1x128xi32, #tpu.memory_space<vmem>>
        %dma_start3A_261 = tpu.memref_squeeze %dma_start3A_260 : memref<1x128xi32, #tpu.memory_space<vmem>> -> memref<128xi32, #tpu.memory_space<vmem>>
        %dma_start3A_262 = arith.constant 0 : i32
        %dma_start3A_263 = tpu.memref_slice %arg5[%add3A, %add3A_252, %dma_start3A_262] : memref<32x81x128xi32, #tpu.memory_space<hbm>> -> memref<1x1x128xi32, #tpu.memory_space<hbm>>
        %dma_start3A_264 = tpu.memref_squeeze %dma_start3A_263 : memref<1x1x128xi32, #tpu.memory_space<hbm>> -> memref<128xi32, #tpu.memory_space<hbm>>
        tpu.enqueue_dma source(%dma_start3A_264 : memref<128xi32, #tpu.memory_space<hbm>>) target(%dma_start3A_261 : memref<128xi32, #tpu.memory_space<vmem>>) target_semaphore(%arg18 : memref<!tpu.dma_semaphore, #tpu.memory_space<semaphore_mem>>)
      } else {
      }
      %parallel_loop3A_220 = arith.constant 0 : i32
      %parallel_loop3A_221 = arith.constant 128 : i32
      %parallel_loop3A_222 = arith.constant 1 : i32
      scf.for %parallel_loop3A_233 = %parallel_loop3A_220 to %parallel_loop3A_221 step %parallel_loop3A_222  : i32 {
        %parallel_loop3A_234 = tpu.iota {dimensions = array<i32: 0>} : vector<16xi32>
        %parallel_loop3A_235 = arith.index_cast %rem3A_170 : i32 to index
        %parallel_loop3A_236 = arith.index_cast %parallel_loop3A_233 : i32 to index
        %parallel_loop3A_237 = arith.constant 64 : index
        %parallel_loop3A_238 = tpu.vector_load %arg9[%parallel_loop3A_235, %parallel_loop3A_236, %parallel_loop3A_237] {strides = array<i32>} : memref<3x128x80xf32, #tpu.memory_space<vmem>>, vector<16xf32>,
        %parallel_loop3A_239 = arith.index_cast %rem3A_170 : i32 to index
        %parallel_loop3A_240 = arith.index_cast %parallel_loop3A_233 : i32 to index
        %parallel_loop3A_241 = arith.constant 0 : index
        %parallel_loop3A_242 = tpu.vector_load %arg10[%parallel_loop3A_239, %parallel_loop3A_240, %parallel_loop3A_241] {strides = array<i32>} : memref<3x128x16xf32, #tpu.memory_space<vmem>>, vector<16xf32>,
        %parallel_loop3A_243 = arith.addf %parallel_loop3A_238, %parallel_loop3A_242 : vector<16xf32>
        %parallel_loop3A_244 = arith.constant 0.000000e+00 : f32
        %parallel_loop3A_245 = vector.broadcast %parallel_loop3A_244 : f32 to vector<16xf32>
        %parallel_loop3A_246 = arith.cmpf oge, %parallel_loop3A_243, %parallel_loop3A_245 : vector<16xf32>
        %parallel_loop3A_247 = arith.constant 2.000000e-01 : f32
        %parallel_loop3A_248 = vector.broadcast %parallel_loop3A_247 : f32 to vector<16xf32>
        %parallel_loop3A_249 = arith.mulf %parallel_loop3A_248, %parallel_loop3A_243 : vector<16xf32>
        %parallel_loop3A_250 = arith.select %parallel_loop3A_246, %parallel_loop3A_243, %parallel_loop3A_249 : vector<16xi1>, vector<16xf32>
        %parallel_loop3A_251 = math.exp %parallel_loop3A_250 : vector<16xf32>
        %parallel_loop3A_252 = arith.index_cast %parallel_loop3A_233 : i32 to index
        %parallel_loop3A_253 = arith.constant 0 : index
        %parallel_loop3A_254 = tpu.vector_load %arg12[%parallel_loop3A_252, %parallel_loop3A_253] {strides = array<i32>} : memref<128x16xf32, #tpu.memory_space<vmem>>, vector<16xf32>,
        tpu.vector_store %arg12[%parallel_loop3A_252, %parallel_loop3A_253], %parallel_loop3A_251 {strides = array<i32>} : memref<128x16xf32, #tpu.memory_space<vmem>>, vector<16xf32>,
        %parallel_loop3A_255 = arith.constant 0 : i32
        %parallel_loop3A_256 = vector.broadcast %parallel_loop3A_255 : i32 to vector<16xi32>
        %parallel_loop3A_257 = arith.andi %parallel_loop3A_234, %parallel_loop3A_256 : vector<16xi32>
        %parallel_loop3A_258 = vector.broadcast %parallel_loop3A_233 : i32 to vector<16xi32>
        %parallel_loop3A_259 = arith.addi %parallel_loop3A_257, %parallel_loop3A_258 : vector<16xi32>
        %parallel_loop3A_260 = arith.constant 3 : i32
        %parallel_loop3A_261 = vector.broadcast %parallel_loop3A_260 : i32 to vector<16xi32>
        %parallel_loop3A_262 = arith.shrsi %parallel_loop3A_234, %parallel_loop3A_261 : vector<16xi32>
        %parallel_loop3A_263 = arith.constant 0 : i32
        %parallel_loop3A_264 = vector.broadcast %parallel_loop3A_263 : i32 to vector<16xi32>
        %parallel_loop3A_265 = arith.addi %parallel_loop3A_262, %parallel_loop3A_264 : vector<16xi32>
        %parallel_loop3A_266 = tpu.vector_load_idx %arg12[%parallel_loop3A_259, %parallel_loop3A_265] : memref<128x16xf32, #tpu.memory_space<vmem>>[vector<16xi32>, vector<16xi32>], vector<16xf32>,
        %parallel_loop3A_267 = arith.index_cast %rem3A_170 : i32 to index
        %parallel_loop3A_268 = arith.index_cast %parallel_loop3A_233 : i32 to index
        %parallel_loop3A_269 = arith.constant 0 : index
        %parallel_loop3A_270 = tpu.vector_load %arg9[%parallel_loop3A_267, %parallel_loop3A_268, %parallel_loop3A_269] {strides = array<i32>} : memref<3x128x80xf32, #tpu.memory_space<vmem>>, vector<16xf32>,
        %parallel_loop3A_271 = arith.mulf %parallel_loop3A_270, %parallel_loop3A_266 : vector<16xf32>
        %parallel_loop3A_272 = arith.index_cast %and3A_171 : i32 to index
        %parallel_loop3A_273 = arith.index_cast %parallel_loop3A_233 : i32 to index
        %parallel_loop3A_274 = arith.constant 0 : index
        %parallel_loop3A_275 = tpu.vector_load %arg11[%parallel_loop3A_272, %parallel_loop3A_273, %parallel_loop3A_274] {strides = array<i32>} : memref<2x128x80xf32, #tpu.memory_space<vmem>>, vector<16xf32>,
        tpu.vector_store %arg11[%parallel_loop3A_272, %parallel_loop3A_273, %parallel_loop3A_274], %parallel_loop3A_271 {strides = array<i32>} : memref<2x128x80xf32, #tpu.memory_space<vmem>>, vector<16xf32>,
        %parallel_loop3A_276 = arith.constant 3 : i32
        %parallel_loop3A_277 = vector.broadcast %parallel_loop3A_276 : i32 to vector<16xi32>
        %parallel_loop3A_278 = arith.shrsi %parallel_loop3A_234, %parallel_loop3A_277 : vector<16xi32>
        %parallel_loop3A_279 = arith.constant 2 : i32
        %parallel_loop3A_280 = vector.broadcast %parallel_loop3A_279 : i32 to vector<16xi32>
        %parallel_loop3A_281 = arith.addi %parallel_loop3A_278, %parallel_loop3A_280 : vector<16xi32>
        %parallel_loop3A_282 = tpu.vector_load_idx %arg12[%parallel_loop3A_259, %parallel_loop3A_281] : memref<128x16xf32, #tpu.memory_space<vmem>>[vector<16xi32>, vector<16xi32>], vector<16xf32>,
        %parallel_loop3A_283 = arith.index_cast %rem3A_170 : i32 to index
        %parallel_loop3A_284 = arith.index_cast %parallel_loop3A_233 : i32 to index
        %parallel_loop3A_285 = arith.constant 16 : index
        %parallel_loop3A_286 = tpu.vector_load %arg9[%parallel_loop3A_283, %parallel_loop3A_284, %parallel_loop3A_285] {strides = array<i32>} : memref<3x128x80xf32, #tpu.memory_space<vmem>>, vector<16xf32>,
        %parallel_loop3A_287 = arith.mulf %parallel_loop3A_286, %parallel_loop3A_282 : vector<16xf32>
        %parallel_loop3A_288 = arith.index_cast %and3A_171 : i32 to index
        %parallel_loop3A_289 = arith.index_cast %parallel_loop3A_233 : i32 to index
        %parallel_loop3A_290 = arith.constant 16 : index
        %parallel_loop3A_291 = tpu.vector_load %arg11[%parallel_loop3A_288, %parallel_loop3A_289, %parallel_loop3A_290] {strides = array<i32>} : memref<2x128x80xf32, #tpu.memory_space<vmem>>, vector<16xf32>,
        tpu.vector_store %arg11[%parallel_loop3A_288, %parallel_loop3A_289, %parallel_loop3A_290], %parallel_loop3A_287 {strides = array<i32>} : memref<2x128x80xf32, #tpu.memory_space<vmem>>, vector<16xf32>,
        %parallel_loop3A_292 = arith.constant 3 : i32
        %parallel_loop3A_293 = vector.broadcast %parallel_loop3A_292 : i32 to vector<16xi32>
        %parallel_loop3A_294 = arith.shrsi %parallel_loop3A_234, %parallel_loop3A_293 : vector<16xi32>
        %parallel_loop3A_295 = arith.constant 4 : i32
        %parallel_loop3A_296 = vector.broadcast %parallel_loop3A_295 : i32 to vector<16xi32>
        %parallel_loop3A_297 = arith.addi %parallel_loop3A_294, %parallel_loop3A_296 : vector<16xi32>
        %parallel_loop3A_298 = tpu.vector_load_idx %arg12[%parallel_loop3A_259, %parallel_loop3A_297] : memref<128x16xf32, #tpu.memory_space<vmem>>[vector<16xi32>, vector<16xi32>], vector<16xf32>,
        %parallel_loop3A_299 = arith.index_cast %rem3A_170 : i32 to index
        %parallel_loop3A_300 = arith.index_cast %parallel_loop3A_233 : i32 to index
        %parallel_loop3A_301 = arith.constant 32 : index
        %parallel_loop3A_302 = tpu.vector_load %arg9[%parallel_loop3A_299, %parallel_loop3A_300, %parallel_loop3A_301] {strides = array<i32>} : memref<3x128x80xf32, #tpu.memory_space<vmem>>, vector<16xf32>,
        %parallel_loop3A_303 = arith.mulf %parallel_loop3A_302, %parallel_loop3A_298 : vector<16xf32>
        %parallel_loop3A_304 = arith.index_cast %and3A_171 : i32 to index
        %parallel_loop3A_305 = arith.index_cast %parallel_loop3A_233 : i32 to index
        %parallel_loop3A_306 = arith.constant 32 : index
        %parallel_loop3A_307 = tpu.vector_load %arg11[%parallel_loop3A_304, %parallel_loop3A_305, %parallel_loop3A_306] {strides = array<i32>} : memref<2x128x80xf32, #tpu.memory_space<vmem>>, vector<16xf32>,
        tpu.vector_store %arg11[%parallel_loop3A_304, %parallel_loop3A_305, %parallel_loop3A_306], %parallel_loop3A_303 {strides = array<i32>} : memref<2x128x80xf32, #tpu.memory_space<vmem>>, vector<16xf32>,
        %parallel_loop3A_308 = arith.constant 3 : i32
        %parallel_loop3A_309 = vector.broadcast %parallel_loop3A_308 : i32 to vector<16xi32>
        %parallel_loop3A_310 = arith.shrsi %parallel_loop3A_234, %parallel_loop3A_309 : vector<16xi32>
        %parallel_loop3A_311 = arith.constant 6 : i32
        %parallel_loop3A_312 = vector.broadcast %parallel_loop3A_311 : i32 to vector<16xi32>
        %parallel_loop3A_313 = arith.addi %parallel_loop3A_310, %parallel_loop3A_312 : vector<16xi32>
        %parallel_loop3A_314 = tpu.vector_load_idx %arg12[%parallel_loop3A_259, %parallel_loop3A_313] : memref<128x16xf32, #tpu.memory_space<vmem>>[vector<16xi32>, vector<16xi32>], vector<16xf32>,
        %parallel_loop3A_315 = arith.index_cast %rem3A_170 : i32 to index
        %parallel_loop3A_316 = arith.index_cast %parallel_loop3A_233 : i32 to index
        %parallel_loop3A_317 = arith.constant 48 : index
        %parallel_loop3A_318 = tpu.vector_load %arg9[%parallel_loop3A_315, %parallel_loop3A_316, %parallel_loop3A_317] {strides = array<i32>} : memref<3x128x80xf32, #tpu.memory_space<vmem>>, vector<16xf32>,
        %parallel_loop3A_319 = arith.mulf %parallel_loop3A_318, %parallel_loop3A_314 : vector<16xf32>
        %parallel_loop3A_320 = arith.index_cast %and3A_171 : i32 to index
        %parallel_loop3A_321 = arith.index_cast %parallel_loop3A_233 : i32 to index
        %parallel_loop3A_322 = arith.constant 48 : index
        %parallel_loop3A_323 = tpu.vector_load %arg11[%parallel_loop3A_320, %parallel_loop3A_321, %parallel_loop3A_322] {strides = array<i32>} : memref<2x128x80xf32, #tpu.memory_space<vmem>>, vector<16xf32>,
        tpu.vector_store %arg11[%parallel_loop3A_320, %parallel_loop3A_321, %parallel_loop3A_322], %parallel_loop3A_319 {strides = array<i32>} : memref<2x128x80xf32, #tpu.memory_space<vmem>>, vector<16xf32>,
        %parallel_loop3A_324 = arith.constant 7 : i32
        %parallel_loop3A_325 = vector.broadcast %parallel_loop3A_324 : i32 to vector<16xi32>
        %parallel_loop3A_326 = arith.andi %parallel_loop3A_234, %parallel_loop3A_325 : vector<16xi32>
        %parallel_loop3A_327 = tpu.vector_load_idx %arg12[%parallel_loop3A_259, %parallel_loop3A_326] : memref<128x16xf32, #tpu.memory_space<vmem>>[vector<16xi32>, vector<16xi32>], vector<16xf32>,
        %parallel_loop3A_328 = arith.index_cast %and3A_171 : i32 to index
        %parallel_loop3A_329 = arith.index_cast %parallel_loop3A_233 : i32 to index
        %parallel_loop3A_330 = arith.constant 64 : index
        %parallel_loop3A_331 = tpu.vector_load %arg11[%parallel_loop3A_328, %parallel_loop3A_329, %parallel_loop3A_330] {strides = array<i32>} : memref<2x128x80xf32, #tpu.memory_space<vmem>>, vector<16xf32>,
        tpu.vector_store %arg11[%parallel_loop3A_328, %parallel_loop3A_329, %parallel_loop3A_330], %parallel_loop3A_327 {strides = array<i32>} : memref<2x128x80xf32, #tpu.memory_space<vmem>>, vector<16xf32>,
      } {sc.loop_unroll_factor = 4 : i64, sc.parallel_access}
      %eq3A_223 = arith.constant 0 : i32
      %eq3A_224 = arith.cmpi eq, %and3A_171, %eq3A_223 : i32
      %convert_element_type3A_225 = arith.extui %eq3A_224 : i1 to i32
      %cond3A_226 = arith.constant 0 : i32
      %cond3A_227 = arith.cmpi ne, %convert_element_type3A_225, %cond3A_226 : i32
      scf.if %cond3A_227 {
        %dma_start3A_233 = arith.constant 0 : i32
        %dma_start3A_234 = arith.constant 0 : i32
        %dma_start3A_235 = arith.constant 0 : i32
        %dma_start3A_236 = tpu.memref_slice %arg11[%dma_start3A_233, %dma_start3A_234, %dma_start3A_235] : memref<2x128x80xf32, #tpu.memory_space<vmem>> -> memref<1x128x80xf32, #tpu.memory_space<vmem>>
        %dma_start3A_237 = tpu.memref_squeeze %dma_start3A_236 : memref<1x128x80xf32, #tpu.memory_space<vmem>> -> memref<128x80xf32, #tpu.memory_space<vmem>>
        %dma_start3A_238 = arith.constant 0 : i32
        %dma_start3A_239 = tpu.memref_slice %arg8[%rem3A_168, %dma_start3A_238] : memref<5x128xi32, #tpu.memory_space<vmem>> -> memref<1x128xi32, #tpu.memory_space<vmem>>
        %dma_start3A_240 = tpu.memref_squeeze %dma_start3A_239 : memref<1x128xi32, #tpu.memory_space<vmem>> -> memref<128xi32, #tpu.memory_space<vmem>>
        %dma_start3A_241 = arith.constant 0 : i32
        %dma_start3A_242 = arith.constant 0 : i32
        %dma_start3A_243 = tpu.memref_slice %arg13[%dma_start3A_241, %dma_start3A_242] : memref<10240x80xf32, #tpu.memory_space<vmem_shared>> -> memref<10240x80xf32, #tpu.memory_space<vmem_shared>>
        tpu.enqueue_indirect_dma source(%dma_start3A_237 : memref<128x80xf32, #tpu.memory_space<vmem>>) target(%dma_start3A_243 : memref<10240x80xf32, #tpu.memory_space<vmem_shared>>) offsets(%dma_start3A_240 : memref<128xi32, #tpu.memory_space<vmem>>) semaphore(%arg19 : memref<!tpu.dma_semaphore, #tpu.memory_space<semaphore_mem>>) {add = true}
      } else {
      }
      %eq3A_228 = arith.constant 1 : i32
      %eq3A_229 = arith.cmpi eq, %and3A_171, %eq3A_228 : i32
      %convert_element_type3A_230 = arith.extui %eq3A_229 : i1 to i32
      %cond3A_231 = arith.constant 0 : i32
      %cond3A_232 = arith.cmpi ne, %convert_element_type3A_230, %cond3A_231 : i32
      scf.if %cond3A_232 {
        %dma_start3A_233 = arith.constant 1 : i32
        %dma_start3A_234 = arith.constant 0 : i32
        %dma_start3A_235 = arith.constant 0 : i32
        %dma_start3A_236 = tpu.memref_slice %arg11[%dma_start3A_233, %dma_start3A_234, %dma_start3A_235] : memref<2x128x80xf32, #tpu.memory_space<vmem>> -> memref<1x128x80xf32, #tpu.memory_space<vmem>>
        %dma_start3A_237 = tpu.memref_squeeze %dma_start3A_236 : memref<1x128x80xf32, #tpu.memory_space<vmem>> -> memref<128x80xf32, #tpu.memory_space<vmem>>
        %dma_start3A_238 = arith.constant 0 : i32
        %dma_start3A_239 = tpu.memref_slice %arg8[%rem3A_168, %dma_start3A_238] : memref<5x128xi32, #tpu.memory_space<vmem>> -> memref<1x128xi32, #tpu.memory_space<vmem>>
        %dma_start3A_240 = tpu.memref_squeeze %dma_start3A_239 : memref<1x128xi32, #tpu.memory_space<vmem>> -> memref<128xi32, #tpu.memory_space<vmem>>
        %dma_start3A_241 = arith.constant 0 : i32
        %dma_start3A_242 = arith.constant 0 : i32
        %dma_start3A_243 = tpu.memref_slice %arg13[%dma_start3A_241, %dma_start3A_242] : memref<10240x80xf32, #tpu.memory_space<vmem_shared>> -> memref<10240x80xf32, #tpu.memory_space<vmem_shared>>
        tpu.enqueue_indirect_dma source(%dma_start3A_237 : memref<128x80xf32, #tpu.memory_space<vmem>>) target(%dma_start3A_243 : memref<10240x80xf32, #tpu.memory_space<vmem_shared>>) offsets(%dma_start3A_240 : memref<128xi32, #tpu.memory_space<vmem>>) semaphore(%arg20 : memref<!tpu.dma_semaphore, #tpu.memory_space<semaphore_mem>>) {add = true}
      } else {
      }
    }
    %scan3A_112 = arith.constant 81 : i32
    %dma_wait3A = arith.constant 1 : i32
    %dma_wait3A_113 = arith.constant 4 : i32
    %dma_wait3A_114 = arith.constant 0 : i32
    %dma_wait3A_115 = arith.constant 0 : i32
    %dma_wait3A_116 = tpu.memref_slice %arg11[%dma_wait3A, %dma_wait3A_114, %dma_wait3A_115] : memref<2x128x80xf32, #tpu.memory_space<vmem>> -> memref<1x128x80xf32, #tpu.memory_space<vmem>>
    %dma_wait3A_117 = tpu.memref_squeeze %dma_wait3A_116 : memref<1x128x80xf32, #tpu.memory_space<vmem>> -> memref<128x80xf32, #tpu.memory_space<vmem>>
    %dma_wait3A_118 = arith.constant 0 : i32
    %dma_wait3A_119 = tpu.memref_slice %arg8[%dma_wait3A_113, %dma_wait3A_118] : memref<5x128xi32, #tpu.memory_space<vmem>> -> memref<1x128xi32, #tpu.memory_space<vmem>>
    %dma_wait3A_120 = tpu.memref_squeeze %dma_wait3A_119 : memref<1x128xi32, #tpu.memory_space<vmem>> -> memref<128xi32, #tpu.memory_space<vmem>>
    %dma_wait3A_121 = arith.constant 0 : i32
    %dma_wait3A_122 = arith.constant 0 : i32
    %dma_wait3A_123 = tpu.memref_slice %arg13[%dma_wait3A_121, %dma_wait3A_122] : memref<10240x80xf32, #tpu.memory_space<vmem_shared>> -> memref<10240x80xf32, #tpu.memory_space<vmem_shared>>
    tpu.wait_indirect_dma semaphore(%arg20 : memref<!tpu.dma_semaphore, #tpu.memory_space<semaphore_mem>>) src(%dma_wait3A_117 : memref<128x80xf32, #tpu.memory_space<vmem>>) dst(%dma_wait3A_123 : memref<10240x80xf32, #tpu.memory_space<vmem_shared>>)
    %dma_wait3A_124 = arith.constant 0 : i32
    %dma_wait3A_125 = arith.constant 0 : i32
    %dma_wait3A_126 = arith.constant 0 : i32
    %dma_wait3A_127 = arith.constant 0 : i32
    %dma_wait3A_128 = tpu.memref_slice %arg11[%dma_wait3A_124, %dma_wait3A_126, %dma_wait3A_127] : memref<2x128x80xf32, #tpu.memory_space<vmem>> -> memref<1x128x80xf32, #tpu.memory_space<vmem>>
    %dma_wait3A_129 = tpu.memref_squeeze %dma_wait3A_128 : memref<1x128x80xf32, #tpu.memory_space<vmem>> -> memref<128x80xf32, #tpu.memory_space<vmem>>
    %dma_wait3A_130 = arith.constant 0 : i32
    %dma_wait3A_131 = tpu.memref_slice %arg8[%dma_wait3A_125, %dma_wait3A_130] : memref<5x128xi32, #tpu.memory_space<vmem>> -> memref<1x128xi32, #tpu.memory_space<vmem>>
    %dma_wait3A_132 = tpu.memref_squeeze %dma_wait3A_131 : memref<1x128xi32, #tpu.memory_space<vmem>> -> memref<128xi32, #tpu.memory_space<vmem>>
    %dma_wait3A_133 = arith.constant 0 : i32
    %dma_wait3A_134 = arith.constant 0 : i32
    %dma_wait3A_135 = tpu.memref_slice %arg13[%dma_wait3A_133, %dma_wait3A_134] : memref<10240x80xf32, #tpu.memory_space<vmem_shared>> -> memref<10240x80xf32, #tpu.memory_space<vmem_shared>>
    tpu.wait_indirect_dma semaphore(%arg19 : memref<!tpu.dma_semaphore, #tpu.memory_space<semaphore_mem>>) src(%dma_wait3A_129 : memref<128x80xf32, #tpu.memory_space<vmem>>) dst(%dma_wait3A_135 : memref<10240x80xf32, #tpu.memory_space<vmem_shared>>)
    %barrier3A_136 = arith.constant 0 : index
    tpu.barrier barrier_id(%barrier3A_136)
    %mul3A_137 = arith.constant 640 : i32
    %mul3A_138 = arith.muli %arg1, %mul3A_137 : i32
    %add3A_139 = arith.constant 0 : i32
    %add3A_140 = arith.addi %mul3A_138, %add3A_139 : i32
    %run_scoped3A_141 = arith.constant 0 : i32
    "tpu.region"() ({
      %run_scoped3A_167 = tpu.sem_alloc : memref<!tpu.dma_semaphore, #tpu.memory_space<semaphore_mem>>
      %dma_start3A_168 = arith.constant 0 : i32
      %dma_start3A_169 = arith.constant 0 : i32
      %dma_start3A_170 = tpu.memref_slice %arg11[%run_scoped3A_141, %dma_start3A_168, %dma_start3A_169] : memref<2x128x80xf32, #tpu.memory_space<vmem>> -> memref<1x128x80xf32, #tpu.memory_space<vmem>>
      %dma_start3A_171 = tpu.memref_squeeze %dma_start3A_170 : memref<1x128x80xf32, #tpu.memory_space<vmem>> -> memref<128x80xf32, #tpu.memory_space<vmem>>
      %dma_start3A_172 = arith.constant 0 : i32
      %dma_start3A_173 = tpu.memref_slice %arg13[%add3A_140, %dma_start3A_172] : memref<10240x80xf32, #tpu.memory_space<vmem_shared>> -> memref<128x80xf32, #tpu.memory_space<vmem_shared>>
      %dma_start3A_174 = arith.constant 0 : i32
      %dma_start3A_175 = arith.constant 0 : i32
      %dma_start3A_176 = tpu.memref_slice %arg11[%run_scoped3A_141, %dma_start3A_174, %dma_start3A_175] : memref<2x128x80xf32, #tpu.memory_space<vmem>> -> memref<1x128x80xf32, #tpu.memory_space<vmem>>
      %dma_start3A_177 = tpu.memref_squeeze %dma_start3A_176 : memref<1x128x80xf32, #tpu.memory_space<vmem>> -> memref<128x80xf32, #tpu.memory_space<vmem>>
      %dma_start3A_178 = arith.constant 0 : i32
      %dma_start3A_179 = tpu.memref_slice %arg13[%add3A_140, %dma_start3A_178] : memref<10240x80xf32, #tpu.memory_space<vmem_shared>> -> memref<128x80xf32, #tpu.memory_space<vmem_shared>>
      tpu.enqueue_dma source(%dma_start3A_179 : memref<128x80xf32, #tpu.memory_space<vmem_shared>>) target(%dma_start3A_177 : memref<128x80xf32, #tpu.memory_space<vmem>>) target_semaphore(%run_scoped3A_167 : memref<!tpu.dma_semaphore, #tpu.memory_space<semaphore_mem>>)
      %dma_wait3A_180 = arith.constant 0 : i32
      %dma_wait3A_181 = arith.constant 0 : i32
      %dma_wait3A_182 = tpu.memref_slice %arg11[%run_scoped3A_141, %dma_wait3A_180, %dma_wait3A_181] : memref<2x128x80xf32, #tpu.memory_space<vmem>> -> memref<1x128x80xf32, #tpu.memory_space<vmem>>
      %dma_wait3A_183 = tpu.memref_squeeze %dma_wait3A_182 : memref<1x128x80xf32, #tpu.memory_space<vmem>> -> memref<128x80xf32, #tpu.memory_space<vmem>>
      %dma_wait3A_184 = arith.constant 0 : i32
      %dma_wait3A_185 = tpu.memref_slice %arg13[%add3A_140, %dma_wait3A_184] : memref<10240x80xf32, #tpu.memory_space<vmem_shared>> -> memref<128x80xf32, #tpu.memory_space<vmem_shared>>
      %dma_wait3A_186 = arith.constant 0 : i32
      %dma_wait3A_187 = arith.constant 0 : i32
      %dma_wait3A_188 = tpu.memref_slice %arg11[%run_scoped3A_141, %dma_wait3A_186, %dma_wait3A_187] : memref<2x128x80xf32, #tpu.memory_space<vmem>> -> memref<1x128x80xf32, #tpu.memory_space<vmem>>
      %dma_wait3A_189 = tpu.memref_squeeze %dma_wait3A_188 : memref<1x128x80xf32, #tpu.memory_space<vmem>> -> memref<128x80xf32, #tpu.memory_space<vmem>>
      %dma_wait3A_190 = arith.constant 0 : i32
      %dma_wait3A_191 = tpu.memref_slice %arg13[%add3A_140, %dma_wait3A_190] : memref<10240x80xf32, #tpu.memory_space<vmem_shared>> -> memref<128x80xf32, #tpu.memory_space<vmem_shared>>
      tpu.wait_dma2 semaphore(%run_scoped3A_167 : memref<!tpu.dma_semaphore, #tpu.memory_space<semaphore_mem>>) src(%dma_wait3A_191 : memref<128x80xf32, #tpu.memory_space<vmem_shared>>) dst(%dma_wait3A_189 : memref<128x80xf32, #tpu.memory_space<vmem>>)
      tpu.yield
    }) : () -> ()
    %run_scoped3A_142 = arith.constant 0 : i32
    "tpu.region"() ({
      %run_scoped3A_167 = tpu.sem_alloc : memref<!tpu.dma_semaphore, #tpu.memory_space<semaphore_mem>>
      %dma_start3A_168 = arith.constant 0 : i32
      %dma_start3A_169 = arith.constant 0 : i32
      %dma_start3A_170 = tpu.memref_slice %arg11[%run_scoped3A_142, %dma_start3A_168, %dma_start3A_169] : memref<2x128x80xf32, #tpu.memory_space<vmem>> -> memref<1x128x80xf32, #tpu.memory_space<vmem>>
      %dma_start3A_171 = tpu.memref_squeeze %dma_start3A_170 : memref<1x128x80xf32, #tpu.memory_space<vmem>> -> memref<128x80xf32, #tpu.memory_space<vmem>>
      %dma_start3A_172 = arith.constant 0 : i32
      %dma_start3A_173 = tpu.memref_slice %arg6[%arg0, %add3A_140, %dma_start3A_172] : memref<2x10240x80xf32, #tpu.memory_space<hbm>> -> memref<1x128x80xf32, #tpu.memory_space<hbm>>
      %dma_start3A_174 = tpu.memref_squeeze %dma_start3A_173 : memref<1x128x80xf32, #tpu.memory_space<hbm>> -> memref<128x80xf32, #tpu.memory_space<hbm>>
      %dma_start3A_175 = arith.constant 0 : i32
      %dma_start3A_176 = tpu.memref_slice %arg6[%arg0, %add3A_140, %dma_start3A_175] : memref<2x10240x80xf32, #tpu.memory_space<hbm>> -> memref<1x128x80xf32, #tpu.memory_space<hbm>>
      %dma_start3A_177 = tpu.memref_squeeze %dma_start3A_176 : memref<1x128x80xf32, #tpu.memory_space<hbm>> -> memref<128x80xf32, #tpu.memory_space<hbm>>
      %dma_start3A_178 = arith.constant 0 : i32
      %dma_start3A_179 = arith.constant 0 : i32
      %dma_start3A_180 = tpu.memref_slice %arg11[%run_scoped3A_142, %dma_start3A_178, %dma_start3A_179] : memref<2x128x80xf32, #tpu.memory_space<vmem>> -> memref<1x128x80xf32, #tpu.memory_space<vmem>>
      %dma_start3A_181 = tpu.memref_squeeze %dma_start3A_180 : memref<1x128x80xf32, #tpu.memory_space<vmem>> -> memref<128x80xf32, #tpu.memory_space<vmem>>
      tpu.enqueue_dma source(%dma_start3A_181 : memref<128x80xf32, #tpu.memory_space<vmem>>) target(%dma_start3A_177 : memref<128x80xf32, #tpu.memory_space<hbm>>) target_semaphore(%run_scoped3A_167 : memref<!tpu.dma_semaphore, #tpu.memory_space<semaphore_mem>>)
      %dma_wait3A_182 = arith.constant 0 : i32
      %dma_wait3A_183 = arith.constant 0 : i32
      %dma_wait3A_184 = tpu.memref_slice %arg11[%run_scoped3A_142, %dma_wait3A_182, %dma_wait3A_183] : memref<2x128x80xf32, #tpu.memory_space<vmem>> -> memref<1x128x80xf32, #tpu.memory_space<vmem>>
      %dma_wait3A_185 = tpu.memref_squeeze %dma_wait3A_184 : memref<1x128x80xf32, #tpu.memory_space<vmem>> -> memref<128x80xf32, #tpu.memory_space<vmem>>
      %dma_wait3A_186 = arith.constant 0 : i32
      %dma_wait3A_187 = tpu.memref_slice %arg6[%arg0, %add3A_140, %dma_wait3A_186] : memref<2x10240x80xf32, #tpu.memory_space<hbm>> -> memref<1x128x80xf32, #tpu.memory_space<hbm>>
      %dma_wait3A_188 = tpu.memref_squeeze %dma_wait3A_187 : memref<1x128x80xf32, #tpu.memory_space<hbm>> -> memref<128x80xf32, #tpu.memory_space<hbm>>
      %dma_wait3A_189 = arith.constant 0 : i32
      %dma_wait3A_190 = tpu.memref_slice %arg6[%arg0, %add3A_140, %dma_wait3A_189] : memref<2x10240x80xf32, #tpu.memory_space<hbm>> -> memref<1x128x80xf32, #tpu.memory_space<hbm>>
      %dma_wait3A_191 = tpu.memref_squeeze %dma_wait3A_190 : memref<1x128x80xf32, #tpu.memory_space<hbm>> -> memref<128x80xf32, #tpu.memory_space<hbm>>
      %dma_wait3A_192 = arith.constant 0 : i32
      %dma_wait3A_193 = arith.constant 0 : i32
      %dma_wait3A_194 = tpu.memref_slice %arg11[%run_scoped3A_142, %dma_wait3A_192, %dma_wait3A_193] : memref<2x128x80xf32, #tpu.memory_space<vmem>> -> memref<1x128x80xf32, #tpu.memory_space<vmem>>
      %dma_wait3A_195 = tpu.memref_squeeze %dma_wait3A_194 : memref<1x128x80xf32, #tpu.memory_space<vmem>> -> memref<128x80xf32, #tpu.memory_space<vmem>>
      tpu.wait_dma2 semaphore(%run_scoped3A_167 : memref<!tpu.dma_semaphore, #tpu.memory_space<semaphore_mem>>) src(%dma_wait3A_195 : memref<128x80xf32, #tpu.memory_space<vmem>>) dst(%dma_wait3A_191 : memref<128x80xf32, #tpu.memory_space<hbm>>)
      tpu.yield
    }) : () -> ()
    %mul3A_143 = arith.constant 640 : i32
    %mul3A_144 = arith.muli %arg1, %mul3A_143 : i32
    %add3A_145 = arith.constant 128 : i32
    %add3A_146 = arith.addi %mul3A_144, %add3A_145 : i32
    %run_scoped3A_147 = arith.constant 0 : i32
    "tpu.region"() ({
      %run_scoped3A_167 = tpu.sem_alloc : memref<!tpu.dma_semaphore, #tpu.memory_space<semaphore_mem>>
      %dma_start3A_168 = arith.constant 0 : i32
      %dma_start3A_169 = arith.constant 0 : i32
      %dma_start3A_170 = tpu.memref_slice %arg11[%run_scoped3A_147, %dma_start3A_168, %dma_start3A_169] : memref<2x128x80xf32, #tpu.memory_space<vmem>> -> memref<1x128x80xf32, #tpu.memory_space<vmem>>
      %dma_start3A_171 = tpu.memref_squeeze %dma_start3A_170 : memref<1x128x80xf32, #tpu.memory_space<vmem>> -> memref<128x80xf32, #tpu.memory_space<vmem>>
      %dma_start3A_172 = arith.constant 0 : i32
      %dma_start3A_173 = tpu.memref_slice %arg13[%add3A_146, %dma_start3A_172] : memref<10240x80xf32, #tpu.memory_space<vmem_shared>> -> memref<128x80xf32, #tpu.memory_space<vmem_shared>>
      %dma_start3A_174 = arith.constant 0 : i32
      %dma_start3A_175 = arith.constant 0 : i32
      %dma_start3A_176 = tpu.memref_slice %arg11[%run_scoped3A_147, %dma_start3A_174, %dma_start3A_175] : memref<2x128x80xf32, #tpu.memory_space<vmem>> -> memref<1x128x80xf32, #tpu.memory_space<vmem>>
      %dma_start3A_177 = tpu.memref_squeeze %dma_start3A_176 : memref<1x128x80xf32, #tpu.memory_space<vmem>> -> memref<128x80xf32, #tpu.memory_space<vmem>>
      %dma_start3A_178 = arith.constant 0 : i32
      %dma_start3A_179 = tpu.memref_slice %arg13[%add3A_146, %dma_start3A_178] : memref<10240x80xf32, #tpu.memory_space<vmem_shared>> -> memref<128x80xf32, #tpu.memory_space<vmem_shared>>
      tpu.enqueue_dma source(%dma_start3A_179 : memref<128x80xf32, #tpu.memory_space<vmem_shared>>) target(%dma_start3A_177 : memref<128x80xf32, #tpu.memory_space<vmem>>) target_semaphore(%run_scoped3A_167 : memref<!tpu.dma_semaphore, #tpu.memory_space<semaphore_mem>>)
      %dma_wait3A_180 = arith.constant 0 : i32
      %dma_wait3A_181 = arith.constant 0 : i32
      %dma_wait3A_182 = tpu.memref_slice %arg11[%run_scoped3A_147, %dma_wait3A_180, %dma_wait3A_181] : memref<2x128x80xf32, #tpu.memory_space<vmem>> -> memref<1x128x80xf32, #tpu.memory_space<vmem>>
      %dma_wait3A_183 = tpu.memref_squeeze %dma_wait3A_182 : memref<1x128x80xf32, #tpu.memory_space<vmem>> -> memref<128x80xf32, #tpu.memory_space<vmem>>
      %dma_wait3A_184 = arith.constant 0 : i32
      %dma_wait3A_185 = tpu.memref_slice %arg13[%add3A_146, %dma_wait3A_184] : memref<10240x80xf32, #tpu.memory_space<vmem_shared>> -> memref<128x80xf32, #tpu.memory_space<vmem_shared>>
      %dma_wait3A_186 = arith.constant 0 : i32
      %dma_wait3A_187 = arith.constant 0 : i32
      %dma_wait3A_188 = tpu.memref_slice %arg11[%run_scoped3A_147, %dma_wait3A_186, %dma_wait3A_187] : memref<2x128x80xf32, #tpu.memory_space<vmem>> -> memref<1x128x80xf32, #tpu.memory_space<vmem>>
      %dma_wait3A_189 = tpu.memref_squeeze %dma_wait3A_188 : memref<1x128x80xf32, #tpu.memory_space<vmem>> -> memref<128x80xf32, #tpu.memory_space<vmem>>
      %dma_wait3A_190 = arith.constant 0 : i32
      %dma_wait3A_191 = tpu.memref_slice %arg13[%add3A_146, %dma_wait3A_190] : memref<10240x80xf32, #tpu.memory_space<vmem_shared>> -> memref<128x80xf32, #tpu.memory_space<vmem_shared>>
      tpu.wait_dma2 semaphore(%run_scoped3A_167 : memref<!tpu.dma_semaphore, #tpu.memory_space<semaphore_mem>>) src(%dma_wait3A_191 : memref<128x80xf32, #tpu.memory_space<vmem_shared>>) dst(%dma_wait3A_189 : memref<128x80xf32, #tpu.memory_space<vmem>>)
      tpu.yield
    }) : () -> ()
    %run_scoped3A_148 = arith.constant 0 : i32
    "tpu.region"() ({
      %run_scoped3A_167 = tpu.sem_alloc : memref<!tpu.dma_semaphore, #tpu.memory_space<semaphore_mem>>
      %dma_start3A_168 = arith.constant 0 : i32
      %dma_start3A_169 = arith.constant 0 : i32
      %dma_start3A_170 = tpu.memref_slice %arg11[%run_scoped3A_148, %dma_start3A_168, %dma_start3A_169] : memref<2x128x80xf32, #tpu.memory_space<vmem>> -> memref<1x128x80xf32, #tpu.memory_space<vmem>>
      %dma_start3A_171 = tpu.memref_squeeze %dma_start3A_170 : memref<1x128x80xf32, #tpu.memory_space<vmem>> -> memref<128x80xf32, #tpu.memory_space<vmem>>
      %dma_start3A_172 = arith.constant 0 : i32
      %dma_start3A_173 = tpu.memref_slice %arg6[%arg0, %add3A_146, %dma_start3A_172] : memref<2x10240x80xf32, #tpu.memory_space<hbm>> -> memref<1x128x80xf32, #tpu.memory_space<hbm>>
      %dma_start3A_174 = tpu.memref_squeeze %dma_start3A_173 : memref<1x128x80xf32, #tpu.memory_space<hbm>> -> memref<128x80xf32, #tpu.memory_space<hbm>>
      %dma_start3A_175 = arith.constant 0 : i32
      %dma_start3A_176 = tpu.memref_slice %arg6[%arg0, %add3A_146, %dma_start3A_175] : memref<2x10240x80xf32, #tpu.memory_space<hbm>> -> memref<1x128x80xf32, #tpu.memory_space<hbm>>
      %dma_start3A_177 = tpu.memref_squeeze %dma_start3A_176 : memref<1x128x80xf32, #tpu.memory_space<hbm>> -> memref<128x80xf32, #tpu.memory_space<hbm>>
      %dma_start3A_178 = arith.constant 0 : i32
      %dma_start3A_179 = arith.constant 0 : i32
      %dma_start3A_180 = tpu.memref_slice %arg11[%run_scoped3A_148, %dma_start3A_178, %dma_start3A_179] : memref<2x128x80xf32, #tpu.memory_space<vmem>> -> memref<1x128x80xf32, #tpu.memory_space<vmem>>
      %dma_start3A_181 = tpu.memref_squeeze %dma_start3A_180 : memref<1x128x80xf32, #tpu.memory_space<vmem>> -> memref<128x80xf32, #tpu.memory_space<vmem>>
      tpu.enqueue_dma source(%dma_start3A_181 : memref<128x80xf32, #tpu.memory_space<vmem>>) target(%dma_start3A_177 : memref<128x80xf32, #tpu.memory_space<hbm>>) target_semaphore(%run_scoped3A_167 : memref<!tpu.dma_semaphore, #tpu.memory_space<semaphore_mem>>)
      %dma_wait3A_182 = arith.constant 0 : i32
      %dma_wait3A_183 = arith.constant 0 : i32
      %dma_wait3A_184 = tpu.memref_slice %arg11[%run_scoped3A_148, %dma_wait3A_182, %dma_wait3A_183] : memref<2x128x80xf32, #tpu.memory_space<vmem>> -> memref<1x128x80xf32, #tpu.memory_space<vmem>>
      %dma_wait3A_185 = tpu.memref_squeeze %dma_wait3A_184 : memref<1x128x80xf32, #tpu.memory_space<vmem>> -> memref<128x80xf32, #tpu.memory_space<vmem>>
      %dma_wait3A_186 = arith.constant 0 : i32
      %dma_wait3A_187 = tpu.memref_slice %arg6[%arg0, %add3A_146, %dma_wait3A_186] : memref<2x10240x80xf32, #tpu.memory_space<hbm>> -> memref<1x128x80xf32, #tpu.memory_space<hbm>>
      %dma_wait3A_188 = tpu.memref_squeeze %dma_wait3A_187 : memref<1x128x80xf32, #tpu.memory_space<hbm>> -> memref<128x80xf32, #tpu.memory_space<hbm>>
      %dma_wait3A_189 = arith.constant 0 : i32
      %dma_wait3A_190 = tpu.memref_slice %arg6[%arg0, %add3A_146, %dma_wait3A_189] : memref<2x10240x80xf32, #tpu.memory_space<hbm>> -> memref<1x128x80xf32, #tpu.memory_space<hbm>>
      %dma_wait3A_191 = tpu.memref_squeeze %dma_wait3A_190 : memref<1x128x80xf32, #tpu.memory_space<hbm>> -> memref<128x80xf32, #tpu.memory_space<hbm>>
      %dma_wait3A_192 = arith.constant 0 : i32
      %dma_wait3A_193 = arith.constant 0 : i32
      %dma_wait3A_194 = tpu.memref_slice %arg11[%run_scoped3A_148, %dma_wait3A_192, %dma_wait3A_193] : memref<2x128x80xf32, #tpu.memory_space<vmem>> -> memref<1x128x80xf32, #tpu.memory_space<vmem>>
      %dma_wait3A_195 = tpu.memref_squeeze %dma_wait3A_194 : memref<1x128x80xf32, #tpu.memory_space<vmem>> -> memref<128x80xf32, #tpu.memory_space<vmem>>
      tpu.wait_dma2 semaphore(%run_scoped3A_167 : memref<!tpu.dma_semaphore, #tpu.memory_space<semaphore_mem>>) src(%dma_wait3A_195 : memref<128x80xf32, #tpu.memory_space<vmem>>) dst(%dma_wait3A_191 : memref<128x80xf32, #tpu.memory_space<hbm>>)
      tpu.yield
    }) : () -> ()
    %mul3A_149 = arith.constant 640 : i32
    %mul3A_150 = arith.muli %arg1, %mul3A_149 : i32
    %add3A_151 = arith.constant 256 : i32
    %add3A_152 = arith.addi %mul3A_150, %add3A_151 : i32
    %run_scoped3A_153 = arith.constant 0 : i32
    "tpu.region"() ({
      %run_scoped3A_167 = tpu.sem_alloc : memref<!tpu.dma_semaphore, #tpu.memory_space<semaphore_mem>>
      %dma_start3A_168 = arith.constant 0 : i32
      %dma_start3A_169 = arith.constant 0 : i32
      %dma_start3A_170 = tpu.memref_slice %arg11[%run_scoped3A_153, %dma_start3A_168, %dma_start3A_169] : memref<2x128x80xf32, #tpu.memory_space<vmem>> -> memref<1x128x80xf32, #tpu.memory_space<vmem>>
      %dma_start3A_171 = tpu.memref_squeeze %dma_start3A_170 : memref<1x128x80xf32, #tpu.memory_space<vmem>> -> memref<128x80xf32, #tpu.memory_space<vmem>>
      %dma_start3A_172 = arith.constant 0 : i32
      %dma_start3A_173 = tpu.memref_slice %arg13[%add3A_152, %dma_start3A_172] : memref<10240x80xf32, #tpu.memory_space<vmem_shared>> -> memref<128x80xf32, #tpu.memory_space<vmem_shared>>
      %dma_start3A_174 = arith.constant 0 : i32
      %dma_start3A_175 = arith.constant 0 : i32
      %dma_start3A_176 = tpu.memref_slice %arg11[%run_scoped3A_153, %dma_start3A_174, %dma_start3A_175] : memref<2x128x80xf32, #tpu.memory_space<vmem>> -> memref<1x128x80xf32, #tpu.memory_space<vmem>>
      %dma_start3A_177 = tpu.memref_squeeze %dma_start3A_176 : memref<1x128x80xf32, #tpu.memory_space<vmem>> -> memref<128x80xf32, #tpu.memory_space<vmem>>
      %dma_start3A_178 = arith.constant 0 : i32
      %dma_start3A_179 = tpu.memref_slice %arg13[%add3A_152, %dma_start3A_178] : memref<10240x80xf32, #tpu.memory_space<vmem_shared>> -> memref<128x80xf32, #tpu.memory_space<vmem_shared>>
      tpu.enqueue_dma source(%dma_start3A_179 : memref<128x80xf32, #tpu.memory_space<vmem_shared>>) target(%dma_start3A_177 : memref<128x80xf32, #tpu.memory_space<vmem>>) target_semaphore(%run_scoped3A_167 : memref<!tpu.dma_semaphore, #tpu.memory_space<semaphore_mem>>)
      %dma_wait3A_180 = arith.constant 0 : i32
      %dma_wait3A_181 = arith.constant 0 : i32
      %dma_wait3A_182 = tpu.memref_slice %arg11[%run_scoped3A_153, %dma_wait3A_180, %dma_wait3A_181] : memref<2x128x80xf32, #tpu.memory_space<vmem>> -> memref<1x128x80xf32, #tpu.memory_space<vmem>>
      %dma_wait3A_183 = tpu.memref_squeeze %dma_wait3A_182 : memref<1x128x80xf32, #tpu.memory_space<vmem>> -> memref<128x80xf32, #tpu.memory_space<vmem>>
      %dma_wait3A_184 = arith.constant 0 : i32
      %dma_wait3A_185 = tpu.memref_slice %arg13[%add3A_152, %dma_wait3A_184] : memref<10240x80xf32, #tpu.memory_space<vmem_shared>> -> memref<128x80xf32, #tpu.memory_space<vmem_shared>>
      %dma_wait3A_186 = arith.constant 0 : i32
      %dma_wait3A_187 = arith.constant 0 : i32
      %dma_wait3A_188 = tpu.memref_slice %arg11[%run_scoped3A_153, %dma_wait3A_186, %dma_wait3A_187] : memref<2x128x80xf32, #tpu.memory_space<vmem>> -> memref<1x128x80xf32, #tpu.memory_space<vmem>>
      %dma_wait3A_189 = tpu.memref_squeeze %dma_wait3A_188 : memref<1x128x80xf32, #tpu.memory_space<vmem>> -> memref<128x80xf32, #tpu.memory_space<vmem>>
      %dma_wait3A_190 = arith.constant 0 : i32
      %dma_wait3A_191 = tpu.memref_slice %arg13[%add3A_152, %dma_wait3A_190] : memref<10240x80xf32, #tpu.memory_space<vmem_shared>> -> memref<128x80xf32, #tpu.memory_space<vmem_shared>>
      tpu.wait_dma2 semaphore(%run_scoped3A_167 : memref<!tpu.dma_semaphore, #tpu.memory_space<semaphore_mem>>) src(%dma_wait3A_191 : memref<128x80xf32, #tpu.memory_space<vmem_shared>>) dst(%dma_wait3A_189 : memref<128x80xf32, #tpu.memory_space<vmem>>)
      tpu.yield
    }) : () -> ()
    %run_scoped3A_154 = arith.constant 0 : i32
    "tpu.region"() ({
      %run_scoped3A_167 = tpu.sem_alloc : memref<!tpu.dma_semaphore, #tpu.memory_space<semaphore_mem>>
      %dma_start3A_168 = arith.constant 0 : i32
      %dma_start3A_169 = arith.constant 0 : i32
      %dma_start3A_170 = tpu.memref_slice %arg11[%run_scoped3A_154, %dma_start3A_168, %dma_start3A_169] : memref<2x128x80xf32, #tpu.memory_space<vmem>> -> memref<1x128x80xf32, #tpu.memory_space<vmem>>
      %dma_start3A_171 = tpu.memref_squeeze %dma_start3A_170 : memref<1x128x80xf32, #tpu.memory_space<vmem>> -> memref<128x80xf32, #tpu.memory_space<vmem>>
      %dma_start3A_172 = arith.constant 0 : i32
      %dma_start3A_173 = tpu.memref_slice %arg6[%arg0, %add3A_152, %dma_start3A_172] : memref<2x10240x80xf32, #tpu.memory_space<hbm>> -> memref<1x128x80xf32, #tpu.memory_space<hbm>>
      %dma_start3A_174 = tpu.memref_squeeze %dma_start3A_173 : memref<1x128x80xf32, #tpu.memory_space<hbm>> -> memref<128x80xf32, #tpu.memory_space<hbm>>
      %dma_start3A_175 = arith.constant 0 : i32
      %dma_start3A_176 = tpu.memref_slice %arg6[%arg0, %add3A_152, %dma_start3A_175] : memref<2x10240x80xf32, #tpu.memory_space<hbm>> -> memref<1x128x80xf32, #tpu.memory_space<hbm>>
      %dma_start3A_177 = tpu.memref_squeeze %dma_start3A_176 : memref<1x128x80xf32, #tpu.memory_space<hbm>> -> memref<128x80xf32, #tpu.memory_space<hbm>>
      %dma_start3A_178 = arith.constant 0 : i32
      %dma_start3A_179 = arith.constant 0 : i32
      %dma_start3A_180 = tpu.memref_slice %arg11[%run_scoped3A_154, %dma_start3A_178, %dma_start3A_179] : memref<2x128x80xf32, #tpu.memory_space<vmem>> -> memref<1x128x80xf32, #tpu.memory_space<vmem>>
      %dma_start3A_181 = tpu.memref_squeeze %dma_start3A_180 : memref<1x128x80xf32, #tpu.memory_space<vmem>> -> memref<128x80xf32, #tpu.memory_space<vmem>>
      tpu.enqueue_dma source(%dma_start3A_181 : memref<128x80xf32, #tpu.memory_space<vmem>>) target(%dma_start3A_177 : memref<128x80xf32, #tpu.memory_space<hbm>>) target_semaphore(%run_scoped3A_167 : memref<!tpu.dma_semaphore, #tpu.memory_space<semaphore_mem>>)
      %dma_wait3A_182 = arith.constant 0 : i32
      %dma_wait3A_183 = arith.constant 0 : i32
      %dma_wait3A_184 = tpu.memref_slice %arg11[%run_scoped3A_154, %dma_wait3A_182, %dma_wait3A_183] : memref<2x128x80xf32, #tpu.memory_space<vmem>> -> memref<1x128x80xf32, #tpu.memory_space<vmem>>
      %dma_wait3A_185 = tpu.memref_squeeze %dma_wait3A_184 : memref<1x128x80xf32, #tpu.memory_space<vmem>> -> memref<128x80xf32, #tpu.memory_space<vmem>>
      %dma_wait3A_186 = arith.constant 0 : i32
      %dma_wait3A_187 = tpu.memref_slice %arg6[%arg0, %add3A_152, %dma_wait3A_186] : memref<2x10240x80xf32, #tpu.memory_space<hbm>> -> memref<1x128x80xf32, #tpu.memory_space<hbm>>
      %dma_wait3A_188 = tpu.memref_squeeze %dma_wait3A_187 : memref<1x128x80xf32, #tpu.memory_space<hbm>> -> memref<128x80xf32, #tpu.memory_space<hbm>>
      %dma_wait3A_189 = arith.constant 0 : i32
      %dma_wait3A_190 = tpu.memref_slice %arg6[%arg0, %add3A_152, %dma_wait3A_189] : memref<2x10240x80xf32, #tpu.memory_space<hbm>> -> memref<1x128x80xf32, #tpu.memory_space<hbm>>
      %dma_wait3A_191 = tpu.memref_squeeze %dma_wait3A_190 : memref<1x128x80xf32, #tpu.memory_space<hbm>> -> memref<128x80xf32, #tpu.memory_space<hbm>>
      %dma_wait3A_192 = arith.constant 0 : i32
      %dma_wait3A_193 = arith.constant 0 : i32
      %dma_wait3A_194 = tpu.memref_slice %arg11[%run_scoped3A_154, %dma_wait3A_192, %dma_wait3A_193] : memref<2x128x80xf32, #tpu.memory_space<vmem>> -> memref<1x128x80xf32, #tpu.memory_space<vmem>>
      %dma_wait3A_195 = tpu.memref_squeeze %dma_wait3A_194 : memref<1x128x80xf32, #tpu.memory_space<vmem>> -> memref<128x80xf32, #tpu.memory_space<vmem>>
      tpu.wait_dma2 semaphore(%run_scoped3A_167 : memref<!tpu.dma_semaphore, #tpu.memory_space<semaphore_mem>>) src(%dma_wait3A_195 : memref<128x80xf32, #tpu.memory_space<vmem>>) dst(%dma_wait3A_191 : memref<128x80xf32, #tpu.memory_space<hbm>>)
      tpu.yield
    }) : () -> ()
    %mul3A_155 = arith.constant 640 : i32
    %mul3A_156 = arith.muli %arg1, %mul3A_155 : i32
    %add3A_157 = arith.constant 384 : i32
    %add3A_158 = arith.addi %mul3A_156, %add3A_157 : i32
    %run_scoped3A_159 = arith.constant 0 : i32
    "tpu.region"() ({
      %run_scoped3A_167 = tpu.sem_alloc : memref<!tpu.dma_semaphore, #tpu.memory_space<semaphore_mem>>
      %dma_start3A_168 = arith.constant 0 : i32
      %dma_start3A_169 = arith.constant 0 : i32
      %dma_start3A_170 = tpu.memref_slice %arg11[%run_scoped3A_159, %dma_start3A_168, %dma_start3A_169] : memref<2x128x80xf32, #tpu.memory_space<vmem>> -> memref<1x128x80xf32, #tpu.memory_space<vmem>>
      %dma_start3A_171 = tpu.memref_squeeze %dma_start3A_170 : memref<1x128x80xf32, #tpu.memory_space<vmem>> -> memref<128x80xf32, #tpu.memory_space<vmem>>
      %dma_start3A_172 = arith.constant 0 : i32
      %dma_start3A_173 = tpu.memref_slice %arg13[%add3A_158, %dma_start3A_172] : memref<10240x80xf32, #tpu.memory_space<vmem_shared>> -> memref<128x80xf32, #tpu.memory_space<vmem_shared>>
      %dma_start3A_174 = arith.constant 0 : i32
      %dma_start3A_175 = arith.constant 0 : i32
      %dma_start3A_176 = tpu.memref_slice %arg11[%run_scoped3A_159, %dma_start3A_174, %dma_start3A_175] : memref<2x128x80xf32, #tpu.memory_space<vmem>> -> memref<1x128x80xf32, #tpu.memory_space<vmem>>
      %dma_start3A_177 = tpu.memref_squeeze %dma_start3A_176 : memref<1x128x80xf32, #tpu.memory_space<vmem>> -> memref<128x80xf32, #tpu.memory_space<vmem>>
      %dma_start3A_178 = arith.constant 0 : i32
      %dma_start3A_179 = tpu.memref_slice %arg13[%add3A_158, %dma_start3A_178] : memref<10240x80xf32, #tpu.memory_space<vmem_shared>> -> memref<128x80xf32, #tpu.memory_space<vmem_shared>>
      tpu.enqueue_dma source(%dma_start3A_179 : memref<128x80xf32, #tpu.memory_space<vmem_shared>>) target(%dma_start3A_177 : memref<128x80xf32, #tpu.memory_space<vmem>>) target_semaphore(%run_scoped3A_167 : memref<!tpu.dma_semaphore, #tpu.memory_space<semaphore_mem>>)
      %dma_wait3A_180 = arith.constant 0 : i32
      %dma_wait3A_181 = arith.constant 0 : i32
      %dma_wait3A_182 = tpu.memref_slice %arg11[%run_scoped3A_159, %dma_wait3A_180, %dma_wait3A_181] : memref<2x128x80xf32, #tpu.memory_space<vmem>> -> memref<1x128x80xf32, #tpu.memory_space<vmem>>
      %dma_wait3A_183 = tpu.memref_squeeze %dma_wait3A_182 : memref<1x128x80xf32, #tpu.memory_space<vmem>> -> memref<128x80xf32, #tpu.memory_space<vmem>>
      %dma_wait3A_184 = arith.constant 0 : i32
      %dma_wait3A_185 = tpu.memref_slice %arg13[%add3A_158, %dma_wait3A_184] : memref<10240x80xf32, #tpu.memory_space<vmem_shared>> -> memref<128x80xf32, #tpu.memory_space<vmem_shared>>
      %dma_wait3A_186 = arith.constant 0 : i32
      %dma_wait3A_187 = arith.constant 0 : i32
      %dma_wait3A_188 = tpu.memref_slice %arg11[%run_scoped3A_159, %dma_wait3A_186, %dma_wait3A_187] : memref<2x128x80xf32, #tpu.memory_space<vmem>> -> memref<1x128x80xf32, #tpu.memory_space<vmem>>
      %dma_wait3A_189 = tpu.memref_squeeze %dma_wait3A_188 : memref<1x128x80xf32, #tpu.memory_space<vmem>> -> memref<128x80xf32, #tpu.memory_space<vmem>>
      %dma_wait3A_190 = arith.constant 0 : i32
      %dma_wait3A_191 = tpu.memref_slice %arg13[%add3A_158, %dma_wait3A_190] : memref<10240x80xf32, #tpu.memory_space<vmem_shared>> -> memref<128x80xf32, #tpu.memory_space<vmem_shared>>
      tpu.wait_dma2 semaphore(%run_scoped3A_167 : memref<!tpu.dma_semaphore, #tpu.memory_space<semaphore_mem>>) src(%dma_wait3A_191 : memref<128x80xf32, #tpu.memory_space<vmem_shared>>) dst(%dma_wait3A_189 : memref<128x80xf32, #tpu.memory_space<vmem>>)
      tpu.yield
    }) : () -> ()
    %run_scoped3A_160 = arith.constant 0 : i32
    "tpu.region"() ({
      %run_scoped3A_167 = tpu.sem_alloc : memref<!tpu.dma_semaphore, #tpu.memory_space<semaphore_mem>>
      %dma_start3A_168 = arith.constant 0 : i32
      %dma_start3A_169 = arith.constant 0 : i32
      %dma_start3A_170 = tpu.memref_slice %arg11[%run_scoped3A_160, %dma_start3A_168, %dma_start3A_169] : memref<2x128x80xf32, #tpu.memory_space<vmem>> -> memref<1x128x80xf32, #tpu.memory_space<vmem>>
      %dma_start3A_171 = tpu.memref_squeeze %dma_start3A_170 : memref<1x128x80xf32, #tpu.memory_space<vmem>> -> memref<128x80xf32, #tpu.memory_space<vmem>>
      %dma_start3A_172 = arith.constant 0 : i32
      %dma_start3A_173 = tpu.memref_slice %arg6[%arg0, %add3A_158, %dma_start3A_172] : memref<2x10240x80xf32, #tpu.memory_space<hbm>> -> memref<1x128x80xf32, #tpu.memory_space<hbm>>
      %dma_start3A_174 = tpu.memref_squeeze %dma_start3A_173 : memref<1x128x80xf32, #tpu.memory_space<hbm>> -> memref<128x80xf32, #tpu.memory_space<hbm>>
      %dma_start3A_175 = arith.constant 0 : i32
      %dma_start3A_176 = tpu.memref_slice %arg6[%arg0, %add3A_158, %dma_start3A_175] : memref<2x10240x80xf32, #tpu.memory_space<hbm>> -> memref<1x128x80xf32, #tpu.memory_space<hbm>>
      %dma_start3A_177 = tpu.memref_squeeze %dma_start3A_176 : memref<1x128x80xf32, #tpu.memory_space<hbm>> -> memref<128x80xf32, #tpu.memory_space<hbm>>
      %dma_start3A_178 = arith.constant 0 : i32
      %dma_start3A_179 = arith.constant 0 : i32
      %dma_start3A_180 = tpu.memref_slice %arg11[%run_scoped3A_160, %dma_start3A_178, %dma_start3A_179] : memref<2x128x80xf32, #tpu.memory_space<vmem>> -> memref<1x128x80xf32, #tpu.memory_space<vmem>>
      %dma_start3A_181 = tpu.memref_squeeze %dma_start3A_180 : memref<1x128x80xf32, #tpu.memory_space<vmem>> -> memref<128x80xf32, #tpu.memory_space<vmem>>
      tpu.enqueue_dma source(%dma_start3A_181 : memref<128x80xf32, #tpu.memory_space<vmem>>) target(%dma_start3A_177 : memref<128x80xf32, #tpu.memory_space<hbm>>) target_semaphore(%run_scoped3A_167 : memref<!tpu.dma_semaphore, #tpu.memory_space<semaphore_mem>>)
      %dma_wait3A_182 = arith.constant 0 : i32
      %dma_wait3A_183 = arith.constant 0 : i32
      %dma_wait3A_184 = tpu.memref_slice %arg11[%run_scoped3A_160, %dma_wait3A_182, %dma_wait3A_183] : memref<2x128x80xf32, #tpu.memory_space<vmem>> -> memref<1x128x80xf32, #tpu.memory_space<vmem>>
      %dma_wait3A_185 = tpu.memref_squeeze %dma_wait3A_184 : memref<1x128x80xf32, #tpu.memory_space<vmem>> -> memref<128x80xf32, #tpu.memory_space<vmem>>
      %dma_wait3A_186 = arith.constant 0 : i32
      %dma_wait3A_187 = tpu.memref_slice %arg6[%arg0, %add3A_158, %dma_wait3A_186] : memref<2x10240x80xf32, #tpu.memory_space<hbm>> -> memref<1x128x80xf32, #tpu.memory_space<hbm>>
      %dma_wait3A_188 = tpu.memref_squeeze %dma_wait3A_187 : memref<1x128x80xf32, #tpu.memory_space<hbm>> -> memref<128x80xf32, #tpu.memory_space<hbm>>
      %dma_wait3A_189 = arith.constant 0 : i32
      %dma_wait3A_190 = tpu.memref_slice %arg6[%arg0, %add3A_158, %dma_wait3A_189] : memref<2x10240x80xf32, #tpu.memory_space<hbm>> -> memref<1x128x80xf32, #tpu.memory_space<hbm>>
      %dma_wait3A_191 = tpu.memref_squeeze %dma_wait3A_190 : memref<1x128x80xf32, #tpu.memory_space<hbm>> -> memref<128x80xf32, #tpu.memory_space<hbm>>
      %dma_wait3A_192 = arith.constant 0 : i32
      %dma_wait3A_193 = arith.constant 0 : i32
      %dma_wait3A_194 = tpu.memref_slice %arg11[%run_scoped3A_160, %dma_wait3A_192, %dma_wait3A_193] : memref<2x128x80xf32, #tpu.memory_space<vmem>> -> memref<1x128x80xf32, #tpu.memory_space<vmem>>
      %dma_wait3A_195 = tpu.memref_squeeze %dma_wait3A_194 : memref<1x128x80xf32, #tpu.memory_space<vmem>> -> memref<128x80xf32, #tpu.memory_space<vmem>>
      tpu.wait_dma2 semaphore(%run_scoped3A_167 : memref<!tpu.dma_semaphore, #tpu.memory_space<semaphore_mem>>) src(%dma_wait3A_195 : memref<128x80xf32, #tpu.memory_space<vmem>>) dst(%dma_wait3A_191 : memref<128x80xf32, #tpu.memory_space<hbm>>)
      tpu.yield
    }) : () -> ()
    %mul3A_161 = arith.constant 640 : i32
    %mul3A_162 = arith.muli %arg1, %mul3A_161 : i32
    %add3A_163 = arith.constant 512 : i32
    %add3A_164 = arith.addi %mul3A_162, %add3A_163 : i32
    %run_scoped3A_165 = arith.constant 0 : i32
    "tpu.region"() ({
      %run_scoped3A_167 = tpu.sem_alloc : memref<!tpu.dma_semaphore, #tpu.memory_space<semaphore_mem>>
      %dma_start3A_168 = arith.constant 0 : i32
      %dma_start3A_169 = arith.constant 0 : i32
      %dma_start3A_170 = tpu.memref_slice %arg11[%run_scoped3A_165, %dma_start3A_168, %dma_start3A_169] : memref<2x128x80xf32, #tpu.memory_space<vmem>> -> memref<1x128x80xf32, #tpu.memory_space<vmem>>
      %dma_start3A_171 = tpu.memref_squeeze %dma_start3A_170 : memref<1x128x80xf32, #tpu.memory_space<vmem>> -> memref<128x80xf32, #tpu.memory_space<vmem>>
      %dma_start3A_172 = arith.constant 0 : i32
      %dma_start3A_173 = tpu.memref_slice %arg13[%add3A_164, %dma_start3A_172] : memref<10240x80xf32, #tpu.memory_space<vmem_shared>> -> memref<128x80xf32, #tpu.memory_space<vmem_shared>>
      %dma_start3A_174 = arith.constant 0 : i32
      %dma_start3A_175 = arith.constant 0 : i32
      %dma_start3A_176 = tpu.memref_slice %arg11[%run_scoped3A_165, %dma_start3A_174, %dma_start3A_175] : memref<2x128x80xf32, #tpu.memory_space<vmem>> -> memref<1x128x80xf32, #tpu.memory_space<vmem>>
      %dma_start3A_177 = tpu.memref_squeeze %dma_start3A_176 : memref<1x128x80xf32, #tpu.memory_space<vmem>> -> memref<128x80xf32, #tpu.memory_space<vmem>>
      %dma_start3A_178 = arith.constant 0 : i32
      %dma_start3A_179 = tpu.memref_slice %arg13[%add3A_164, %dma_start3A_178] : memref<10240x80xf32, #tpu.memory_space<vmem_shared>> -> memref<128x80xf32, #tpu.memory_space<vmem_shared>>
      tpu.enqueue_dma source(%dma_start3A_179 : memref<128x80xf32, #tpu.memory_space<vmem_shared>>) target(%dma_start3A_177 : memref<128x80xf32, #tpu.memory_space<vmem>>) target_semaphore(%run_scoped3A_167 : memref<!tpu.dma_semaphore, #tpu.memory_space<semaphore_mem>>)
      %dma_wait3A_180 = arith.constant 0 : i32
      %dma_wait3A_181 = arith.constant 0 : i32
      %dma_wait3A_182 = tpu.memref_slice %arg11[%run_scoped3A_165, %dma_wait3A_180, %dma_wait3A_181] : memref<2x128x80xf32, #tpu.memory_space<vmem>> -> memref<1x128x80xf32, #tpu.memory_space<vmem>>
      %dma_wait3A_183 = tpu.memref_squeeze %dma_wait3A_182 : memref<1x128x80xf32, #tpu.memory_space<vmem>> -> memref<128x80xf32, #tpu.memory_space<vmem>>
      %dma_wait3A_184 = arith.constant 0 : i32
      %dma_wait3A_185 = tpu.memref_slice %arg13[%add3A_164, %dma_wait3A_184] : memref<10240x80xf32, #tpu.memory_space<vmem_shared>> -> memref<128x80xf32, #tpu.memory_space<vmem_shared>>
      %dma_wait3A_186 = arith.constant 0 : i32
      %dma_wait3A_187 = arith.constant 0 : i32
      %dma_wait3A_188 = tpu.memref_slice %arg11[%run_scoped3A_165, %dma_wait3A_186, %dma_wait3A_187] : memref<2x128x80xf32, #tpu.memory_space<vmem>> -> memref<1x128x80xf32, #tpu.memory_space<vmem>>
      %dma_wait3A_189 = tpu.memref_squeeze %dma_wait3A_188 : memref<1x128x80xf32, #tpu.memory_space<vmem>> -> memref<128x80xf32, #tpu.memory_space<vmem>>
      %dma_wait3A_190 = arith.constant 0 : i32
      %dma_wait3A_191 = tpu.memref_slice %arg13[%add3A_164, %dma_wait3A_190] : memref<10240x80xf32, #tpu.memory_space<vmem_shared>> -> memref<128x80xf32, #tpu.memory_space<vmem_shared>>
      tpu.wait_dma2 semaphore(%run_scoped3A_167 : memref<!tpu.dma_semaphore, #tpu.memory_space<semaphore_mem>>) src(%dma_wait3A_191 : memref<128x80xf32, #tpu.memory_space<vmem_shared>>) dst(%dma_wait3A_189 : memref<128x80xf32, #tpu.memory_space<vmem>>)
      tpu.yield
    }) : () -> ()
    %run_scoped3A_166 = arith.constant 0 : i32
    "tpu.region"() ({
      %run_scoped3A_167 = tpu.sem_alloc : memref<!tpu.dma_semaphore, #tpu.memory_space<semaphore_mem>>
      %dma_start3A_168 = arith.constant 0 : i32
      %dma_start3A_169 = arith.constant 0 : i32
      %dma_start3A_170 = tpu.memref_slice %arg11[%run_scoped3A_166, %dma_start3A_168, %dma_start3A_169] : memref<2x128x80xf32, #tpu.memory_space<vmem>> -> memref<1x128x80xf32, #tpu.memory_space<vmem>>
      %dma_start3A_171 = tpu.memref_squeeze %dma_start3A_170 : memref<1x128x80xf32, #tpu.memory_space<vmem>> -> memref<128x80xf32, #tpu.memory_space<vmem>>
      %dma_start3A_172 = arith.constant 0 : i32
      %dma_start3A_173 = tpu.memref_slice %arg6[%arg0, %add3A_164, %dma_start3A_172] : memref<2x10240x80xf32, #tpu.memory_space<hbm>> -> memref<1x128x80xf32, #tpu.memory_space<hbm>>
      %dma_start3A_174 = tpu.memref_squeeze %dma_start3A_173 : memref<1x128x80xf32, #tpu.memory_space<hbm>> -> memref<128x80xf32, #tpu.memory_space<hbm>>
      %dma_start3A_175 = arith.constant 0 : i32
      %dma_start3A_176 = tpu.memref_slice %arg6[%arg0, %add3A_164, %dma_start3A_175] : memref<2x10240x80xf32, #tpu.memory_space<hbm>> -> memref<1x128x80xf32, #tpu.memory_space<hbm>>
      %dma_start3A_177 = tpu.memref_squeeze %dma_start3A_176 : memref<1x128x80xf32, #tpu.memory_space<hbm>> -> memref<128x80xf32, #tpu.memory_space<hbm>>
      %dma_start3A_178 = arith.constant 0 : i32
      %dma_start3A_179 = arith.constant 0 : i32
      %dma_start3A_180 = tpu.memref_slice %arg11[%run_scoped3A_166, %dma_start3A_178, %dma_start3A_179] : memref<2x128x80xf32, #tpu.memory_space<vmem>> -> memref<1x128x80xf32, #tpu.memory_space<vmem>>
      %dma_start3A_181 = tpu.memref_squeeze %dma_start3A_180 : memref<1x128x80xf32, #tpu.memory_space<vmem>> -> memref<128x80xf32, #tpu.memory_space<vmem>>
      tpu.enqueue_dma source(%dma_start3A_181 : memref<128x80xf32, #tpu.memory_space<vmem>>) target(%dma_start3A_177 : memref<128x80xf32, #tpu.memory_space<hbm>>) target_semaphore(%run_scoped3A_167 : memref<!tpu.dma_semaphore, #tpu.memory_space<semaphore_mem>>)
      %dma_wait3A_182 = arith.constant 0 : i32
      %dma_wait3A_183 = arith.constant 0 : i32
      %dma_wait3A_184 = tpu.memref_slice %arg11[%run_scoped3A_166, %dma_wait3A_182, %dma_wait3A_183] : memref<2x128x80xf32, #tpu.memory_space<vmem>> -> memref<1x128x80xf32, #tpu.memory_space<vmem>>
      %dma_wait3A_185 = tpu.memref_squeeze %dma_wait3A_184 : memref<1x128x80xf32, #tpu.memory_space<vmem>> -> memref<128x80xf32, #tpu.memory_space<vmem>>
      %dma_wait3A_186 = arith.constant 0 : i32
      %dma_wait3A_187 = tpu.memref_slice %arg6[%arg0, %add3A_164, %dma_wait3A_186] : memref<2x10240x80xf32, #tpu.memory_space<hbm>> -> memref<1x128x80xf32, #tpu.memory_space<hbm>>
      %dma_wait3A_188 = tpu.memref_squeeze %dma_wait3A_187 : memref<1x128x80xf32, #tpu.memory_space<hbm>> -> memref<128x80xf32, #tpu.memory_space<hbm>>
      %dma_wait3A_189 = arith.constant 0 : i32
      %dma_wait3A_190 = tpu.memref_slice %arg6[%arg0, %add3A_164, %dma_wait3A_189] : memref<2x10240x80xf32, #tpu.memory_space<hbm>> -> memref<1x128x80xf32, #tpu.memory_space<hbm>>
      %dma_wait3A_191 = tpu.memref_squeeze %dma_wait3A_190 : memref<1x128x80xf32, #tpu.memory_space<hbm>> -> memref<128x80xf32, #tpu.memory_space<hbm>>
      %dma_wait3A_192 = arith.constant 0 : i32
      %dma_wait3A_193 = arith.constant 0 : i32
      %dma_wait3A_194 = tpu.memref_slice %arg11[%run_scoped3A_166, %dma_wait3A_192, %dma_wait3A_193] : memref<2x128x80xf32, #tpu.memory_space<vmem>> -> memref<1x128x80xf32, #tpu.memory_space<vmem>>
      %dma_wait3A_195 = tpu.memref_squeeze %dma_wait3A_194 : memref<1x128x80xf32, #tpu.memory_space<vmem>> -> memref<128x80xf32, #tpu.memory_space<vmem>>
      tpu.wait_dma2 semaphore(%run_scoped3A_167 : memref<!tpu.dma_semaphore, #tpu.memory_space<semaphore_mem>>) src(%dma_wait3A_195 : memref<128x80xf32, #tpu.memory_space<vmem>>) dst(%dma_wait3A_191 : memref<128x80xf32, #tpu.memory_space<hbm>>)
      tpu.yield
    }) : () -> ()
    return
  }
}

#map = affine_map<(d0, d1) -> (0, 0)>
#map1 = affine_map<(d0, d1) -> (0)>
#map2 = affine_map<(d0, d1) -> (0, 0, 0)>
module attributes {stable_mosaic.version = 14 : i64} {
  func.func @body(%arg0: i32, %arg1: i32, %arg2: memref<10240x48xf32, #tpu.memory_space<hbm>>, %arg3: memref<10240xf32, #tpu.memory_space<hbm>>, %arg4: memref<10240xf32, #tpu.memory_space<hbm>>, %arg5: memref<32x81x128xi32, #tpu.memory_space<hbm>>, %arg6: memref<32x81x128xi32, #tpu.memory_space<hbm>>, %arg7: memref<2x10240x48xf32, #tpu.memory_space<hbm>>, %arg8: memref<5x128xi32, #tpu.memory_space<vmem>>, %arg9: memref<5x128xi32, #tpu.memory_space<vmem>>, %arg10: memref<3x128x48xf32, #tpu.memory_space<vmem>>, %arg11: memref<10240xf32, #tpu.memory_space<vmem>>, %arg12: memref<10240xf32, #tpu.memory_space<vmem>>, %arg13: memref<128xf32, #tpu.memory_space<vmem>>, %arg14: memref<2x128x48xf32, #tpu.memory_space<vmem>>, %arg15: memref<10240x48xf32, #tpu.memory_space<vmem_shared>>, %arg16: memref<!tpu.dma_semaphore, #tpu.memory_space<semaphore_mem>>, %arg17: memref<!tpu.dma_semaphore, #tpu.memory_space<semaphore_mem>>, %arg18: memref<!tpu.dma_semaphore, #tpu.memory_space<semaphore_mem>>, %arg19: memref<!tpu.dma_semaphore, #tpu.memory_space<semaphore_mem>>, %arg20: memref<!tpu.dma_semaphore, #tpu.memory_space<semaphore_mem>>) attributes {dimension_semantics = [#tpu.dimension_semantics<core_parallel>, #tpu.dimension_semantics<subcore_parallel>], iteration_bounds = array<i64: 2, 16>, scalar_prefetch = 0 : i64, scratch_operands = 13 : i64, tpu.core_type = #tpu.core_type<sc_vector_subcore>, window_params = [{transform_indices = #map}, {transform_indices = #map1}, {transform_indices = #map1}, {transform_indices = #map2}, {transform_indices = #map2}, {transform_indices = #map2}]} {
    %mul3A = arith.constant 16 : i32
    %mul3A_0 = arith.muli %arg0, %mul3A : i32
    %add3A = arith.addi %mul3A_0, %arg1 : i32
    "tpu.region"() ({
      %run_scoped3A_143 = tpu.sem_alloc : memref<!tpu.dma_semaphore, #tpu.memory_space<semaphore_mem>>
      tpu.enqueue_dma source(%arg3 : memref<10240xf32, #tpu.memory_space<hbm>>) target(%arg11 : memref<10240xf32, #tpu.memory_space<vmem>>) target_semaphore(%run_scoped3A_143 : memref<!tpu.dma_semaphore, #tpu.memory_space<semaphore_mem>>)
      tpu.wait_dma2 semaphore(%run_scoped3A_143 : memref<!tpu.dma_semaphore, #tpu.memory_space<semaphore_mem>>) src(%arg3 : memref<10240xf32, #tpu.memory_space<hbm>>) dst(%arg11 : memref<10240xf32, #tpu.memory_space<vmem>>)
      tpu.yield
    }) : () -> ()
    "tpu.region"() ({
      %run_scoped3A_143 = tpu.sem_alloc : memref<!tpu.dma_semaphore, #tpu.memory_space<semaphore_mem>>
      tpu.enqueue_dma source(%arg4 : memref<10240xf32, #tpu.memory_space<hbm>>) target(%arg12 : memref<10240xf32, #tpu.memory_space<vmem>>) target_semaphore(%run_scoped3A_143 : memref<!tpu.dma_semaphore, #tpu.memory_space<semaphore_mem>>)
      tpu.wait_dma2 semaphore(%run_scoped3A_143 : memref<!tpu.dma_semaphore, #tpu.memory_space<semaphore_mem>>) src(%arg4 : memref<10240xf32, #tpu.memory_space<hbm>>) dst(%arg12 : memref<10240xf32, #tpu.memory_space<vmem>>)
      tpu.yield
    }) : () -> ()
    %broadcast_in_dim3A = arith.constant 0.000000e+00 : f32
    %broadcast_in_dim3A_1 = vector.broadcast %broadcast_in_dim3A : f32 to vector<16xf32>
    %parallel_loop3A = arith.constant 0 : i32
    %parallel_loop3A_2 = arith.constant 128 : i32
    %parallel_loop3A_3 = arith.constant 1 : i32
    scf.for %parallel_loop3A_143 = %parallel_loop3A to %parallel_loop3A_2 step %parallel_loop3A_3  : i32 {
      %parallel_loop3A_144 = arith.constant 0 : i32
      %parallel_loop3A_145 = arith.index_cast %parallel_loop3A_144 : i32 to index
      %parallel_loop3A_146 = arith.index_cast %parallel_loop3A_143 : i32 to index
      %parallel_loop3A_147 = arith.constant 0 : index
      %parallel_loop3A_148 = tpu.vector_load %arg14[%parallel_loop3A_145, %parallel_loop3A_146, %parallel_loop3A_147] {strides = array<i32>} : memref<2x128x48xf32, #tpu.memory_space<vmem>>, vector<16xf32>,
      tpu.vector_store %arg14[%parallel_loop3A_145, %parallel_loop3A_146, %parallel_loop3A_147], %broadcast_in_dim3A_1 {strides = array<i32>} : memref<2x128x48xf32, #tpu.memory_space<vmem>>, vector<16xf32>,
      %parallel_loop3A_149 = arith.constant 0 : i32
      %parallel_loop3A_150 = arith.index_cast %parallel_loop3A_149 : i32 to index
      %parallel_loop3A_151 = arith.index_cast %parallel_loop3A_143 : i32 to index
      %parallel_loop3A_152 = arith.constant 16 : index
      %parallel_loop3A_153 = tpu.vector_load %arg14[%parallel_loop3A_150, %parallel_loop3A_151, %parallel_loop3A_152] {strides = array<i32>} : memref<2x128x48xf32, #tpu.memory_space<vmem>>, vector<16xf32>,
      tpu.vector_store %arg14[%parallel_loop3A_150, %parallel_loop3A_151, %parallel_loop3A_152], %broadcast_in_dim3A_1 {strides = array<i32>} : memref<2x128x48xf32, #tpu.memory_space<vmem>>, vector<16xf32>,
      %parallel_loop3A_154 = arith.constant 0 : i32
      %parallel_loop3A_155 = arith.index_cast %parallel_loop3A_154 : i32 to index
      %parallel_loop3A_156 = arith.index_cast %parallel_loop3A_143 : i32 to index
      %parallel_loop3A_157 = arith.constant 32 : index
      %parallel_loop3A_158 = tpu.vector_load %arg14[%parallel_loop3A_155, %parallel_loop3A_156, %parallel_loop3A_157] {strides = array<i32>} : memref<2x128x48xf32, #tpu.memory_space<vmem>>, vector<16xf32>,
      tpu.vector_store %arg14[%parallel_loop3A_155, %parallel_loop3A_156, %parallel_loop3A_157], %broadcast_in_dim3A_1 {strides = array<i32>} : memref<2x128x48xf32, #tpu.memory_space<vmem>>, vector<16xf32>,
    } {sc.loop_unroll_factor = 4 : i64, sc.parallel_access}
    %mul3A_4 = arith.constant 640 : i32
    %mul3A_5 = arith.muli %arg1, %mul3A_4 : i32
    %add3A_6 = arith.constant 0 : i32
    %add3A_7 = arith.addi %mul3A_5, %add3A_6 : i32
    %run_scoped3A = arith.constant 0 : i32
    "tpu.region"() ({
      %run_scoped3A_143 = tpu.sem_alloc : memref<!tpu.dma_semaphore, #tpu.memory_space<semaphore_mem>>
      %dma_start3A_144 = arith.constant 0 : i32
      %dma_start3A_145 = arith.constant 0 : i32
      %dma_start3A_146 = tpu.memref_slice %arg14[%run_scoped3A, %dma_start3A_144, %dma_start3A_145] : memref<2x128x48xf32, #tpu.memory_space<vmem>> -> memref<1x128x48xf32, #tpu.memory_space<vmem>>
      %dma_start3A_147 = tpu.memref_squeeze %dma_start3A_146 : memref<1x128x48xf32, #tpu.memory_space<vmem>> -> memref<128x48xf32, #tpu.memory_space<vmem>>
      %dma_start3A_148 = arith.constant 0 : i32
      %dma_start3A_149 = tpu.memref_slice %arg15[%add3A_7, %dma_start3A_148] : memref<10240x48xf32, #tpu.memory_space<vmem_shared>> -> memref<128x48xf32, #tpu.memory_space<vmem_shared>>
      %dma_start3A_150 = arith.constant 0 : i32
      %dma_start3A_151 = tpu.memref_slice %arg15[%add3A_7, %dma_start3A_150] : memref<10240x48xf32, #tpu.memory_space<vmem_shared>> -> memref<128x48xf32, #tpu.memory_space<vmem_shared>>
      %dma_start3A_152 = arith.constant 0 : i32
      %dma_start3A_153 = arith.constant 0 : i32
      %dma_start3A_154 = tpu.memref_slice %arg14[%run_scoped3A, %dma_start3A_152, %dma_start3A_153] : memref<2x128x48xf32, #tpu.memory_space<vmem>> -> memref<1x128x48xf32, #tpu.memory_space<vmem>>
      %dma_start3A_155 = tpu.memref_squeeze %dma_start3A_154 : memref<1x128x48xf32, #tpu.memory_space<vmem>> -> memref<128x48xf32, #tpu.memory_space<vmem>>
      tpu.enqueue_dma source(%dma_start3A_155 : memref<128x48xf32, #tpu.memory_space<vmem>>) target(%dma_start3A_151 : memref<128x48xf32, #tpu.memory_space<vmem_shared>>) target_semaphore(%run_scoped3A_143 : memref<!tpu.dma_semaphore, #tpu.memory_space<semaphore_mem>>)
      %dma_wait3A_156 = arith.constant 0 : i32
      %dma_wait3A_157 = arith.constant 0 : i32
      %dma_wait3A_158 = tpu.memref_slice %arg14[%run_scoped3A, %dma_wait3A_156, %dma_wait3A_157] : memref<2x128x48xf32, #tpu.memory_space<vmem>> -> memref<1x128x48xf32, #tpu.memory_space<vmem>>
      %dma_wait3A_159 = tpu.memref_squeeze %dma_wait3A_158 : memref<1x128x48xf32, #tpu.memory_space<vmem>> -> memref<128x48xf32, #tpu.memory_space<vmem>>
      %dma_wait3A_160 = arith.constant 0 : i32
      %dma_wait3A_161 = tpu.memref_slice %arg15[%add3A_7, %dma_wait3A_160] : memref<10240x48xf32, #tpu.memory_space<vmem_shared>> -> memref<128x48xf32, #tpu.memory_space<vmem_shared>>
      %dma_wait3A_162 = arith.constant 0 : i32
      %dma_wait3A_163 = tpu.memref_slice %arg15[%add3A_7, %dma_wait3A_162] : memref<10240x48xf32, #tpu.memory_space<vmem_shared>> -> memref<128x48xf32, #tpu.memory_space<vmem_shared>>
      %dma_wait3A_164 = arith.constant 0 : i32
      %dma_wait3A_165 = arith.constant 0 : i32
      %dma_wait3A_166 = tpu.memref_slice %arg14[%run_scoped3A, %dma_wait3A_164, %dma_wait3A_165] : memref<2x128x48xf32, #tpu.memory_space<vmem>> -> memref<1x128x48xf32, #tpu.memory_space<vmem>>
      %dma_wait3A_167 = tpu.memref_squeeze %dma_wait3A_166 : memref<1x128x48xf32, #tpu.memory_space<vmem>> -> memref<128x48xf32, #tpu.memory_space<vmem>>
      tpu.wait_dma2 semaphore(%run_scoped3A_143 : memref<!tpu.dma_semaphore, #tpu.memory_space<semaphore_mem>>) src(%dma_wait3A_167 : memref<128x48xf32, #tpu.memory_space<vmem>>) dst(%dma_wait3A_163 : memref<128x48xf32, #tpu.memory_space<vmem_shared>>)
      tpu.yield
    }) : () -> ()
    %mul3A_8 = arith.constant 640 : i32
    %mul3A_9 = arith.muli %arg1, %mul3A_8 : i32
    %add3A_10 = arith.constant 128 : i32
    %add3A_11 = arith.addi %mul3A_9, %add3A_10 : i32
    %run_scoped3A_12 = arith.constant 0 : i32
    "tpu.region"() ({
      %run_scoped3A_143 = tpu.sem_alloc : memref<!tpu.dma_semaphore, #tpu.memory_space<semaphore_mem>>
      %dma_start3A_144 = arith.constant 0 : i32
      %dma_start3A_145 = arith.constant 0 : i32
      %dma_start3A_146 = tpu.memref_slice %arg14[%run_scoped3A_12, %dma_start3A_144, %dma_start3A_145] : memref<2x128x48xf32, #tpu.memory_space<vmem>> -> memref<1x128x48xf32, #tpu.memory_space<vmem>>
      %dma_start3A_147 = tpu.memref_squeeze %dma_start3A_146 : memref<1x128x48xf32, #tpu.memory_space<vmem>> -> memref<128x48xf32, #tpu.memory_space<vmem>>
      %dma_start3A_148 = arith.constant 0 : i32
      %dma_start3A_149 = tpu.memref_slice %arg15[%add3A_11, %dma_start3A_148] : memref<10240x48xf32, #tpu.memory_space<vmem_shared>> -> memref<128x48xf32, #tpu.memory_space<vmem_shared>>
      %dma_start3A_150 = arith.constant 0 : i32
      %dma_start3A_151 = tpu.memref_slice %arg15[%add3A_11, %dma_start3A_150] : memref<10240x48xf32, #tpu.memory_space<vmem_shared>> -> memref<128x48xf32, #tpu.memory_space<vmem_shared>>
      %dma_start3A_152 = arith.constant 0 : i32
      %dma_start3A_153 = arith.constant 0 : i32
      %dma_start3A_154 = tpu.memref_slice %arg14[%run_scoped3A_12, %dma_start3A_152, %dma_start3A_153] : memref<2x128x48xf32, #tpu.memory_space<vmem>> -> memref<1x128x48xf32, #tpu.memory_space<vmem>>
      %dma_start3A_155 = tpu.memref_squeeze %dma_start3A_154 : memref<1x128x48xf32, #tpu.memory_space<vmem>> -> memref<128x48xf32, #tpu.memory_space<vmem>>
      tpu.enqueue_dma source(%dma_start3A_155 : memref<128x48xf32, #tpu.memory_space<vmem>>) target(%dma_start3A_151 : memref<128x48xf32, #tpu.memory_space<vmem_shared>>) target_semaphore(%run_scoped3A_143 : memref<!tpu.dma_semaphore, #tpu.memory_space<semaphore_mem>>)
      %dma_wait3A_156 = arith.constant 0 : i32
      %dma_wait3A_157 = arith.constant 0 : i32
      %dma_wait3A_158 = tpu.memref_slice %arg14[%run_scoped3A_12, %dma_wait3A_156, %dma_wait3A_157] : memref<2x128x48xf32, #tpu.memory_space<vmem>> -> memref<1x128x48xf32, #tpu.memory_space<vmem>>
      %dma_wait3A_159 = tpu.memref_squeeze %dma_wait3A_158 : memref<1x128x48xf32, #tpu.memory_space<vmem>> -> memref<128x48xf32, #tpu.memory_space<vmem>>
      %dma_wait3A_160 = arith.constant 0 : i32
      %dma_wait3A_161 = tpu.memref_slice %arg15[%add3A_11, %dma_wait3A_160] : memref<10240x48xf32, #tpu.memory_space<vmem_shared>> -> memref<128x48xf32, #tpu.memory_space<vmem_shared>>
      %dma_wait3A_162 = arith.constant 0 : i32
      %dma_wait3A_163 = tpu.memref_slice %arg15[%add3A_11, %dma_wait3A_162] : memref<10240x48xf32, #tpu.memory_space<vmem_shared>> -> memref<128x48xf32, #tpu.memory_space<vmem_shared>>
      %dma_wait3A_164 = arith.constant 0 : i32
      %dma_wait3A_165 = arith.constant 0 : i32
      %dma_wait3A_166 = tpu.memref_slice %arg14[%run_scoped3A_12, %dma_wait3A_164, %dma_wait3A_165] : memref<2x128x48xf32, #tpu.memory_space<vmem>> -> memref<1x128x48xf32, #tpu.memory_space<vmem>>
      %dma_wait3A_167 = tpu.memref_squeeze %dma_wait3A_166 : memref<1x128x48xf32, #tpu.memory_space<vmem>> -> memref<128x48xf32, #tpu.memory_space<vmem>>
      tpu.wait_dma2 semaphore(%run_scoped3A_143 : memref<!tpu.dma_semaphore, #tpu.memory_space<semaphore_mem>>) src(%dma_wait3A_167 : memref<128x48xf32, #tpu.memory_space<vmem>>) dst(%dma_wait3A_163 : memref<128x48xf32, #tpu.memory_space<vmem_shared>>)
      tpu.yield
    }) : () -> ()
    %mul3A_13 = arith.constant 640 : i32
    %mul3A_14 = arith.muli %arg1, %mul3A_13 : i32
    %add3A_15 = arith.constant 256 : i32
    %add3A_16 = arith.addi %mul3A_14, %add3A_15 : i32
    %run_scoped3A_17 = arith.constant 0 : i32
    "tpu.region"() ({
      %run_scoped3A_143 = tpu.sem_alloc : memref<!tpu.dma_semaphore, #tpu.memory_space<semaphore_mem>>
      %dma_start3A_144 = arith.constant 0 : i32
      %dma_start3A_145 = arith.constant 0 : i32
      %dma_start3A_146 = tpu.memref_slice %arg14[%run_scoped3A_17, %dma_start3A_144, %dma_start3A_145] : memref<2x128x48xf32, #tpu.memory_space<vmem>> -> memref<1x128x48xf32, #tpu.memory_space<vmem>>
      %dma_start3A_147 = tpu.memref_squeeze %dma_start3A_146 : memref<1x128x48xf32, #tpu.memory_space<vmem>> -> memref<128x48xf32, #tpu.memory_space<vmem>>
      %dma_start3A_148 = arith.constant 0 : i32
      %dma_start3A_149 = tpu.memref_slice %arg15[%add3A_16, %dma_start3A_148] : memref<10240x48xf32, #tpu.memory_space<vmem_shared>> -> memref<128x48xf32, #tpu.memory_space<vmem_shared>>
      %dma_start3A_150 = arith.constant 0 : i32
      %dma_start3A_151 = tpu.memref_slice %arg15[%add3A_16, %dma_start3A_150] : memref<10240x48xf32, #tpu.memory_space<vmem_shared>> -> memref<128x48xf32, #tpu.memory_space<vmem_shared>>
      %dma_start3A_152 = arith.constant 0 : i32
      %dma_start3A_153 = arith.constant 0 : i32
      %dma_start3A_154 = tpu.memref_slice %arg14[%run_scoped3A_17, %dma_start3A_152, %dma_start3A_153] : memref<2x128x48xf32, #tpu.memory_space<vmem>> -> memref<1x128x48xf32, #tpu.memory_space<vmem>>
      %dma_start3A_155 = tpu.memref_squeeze %dma_start3A_154 : memref<1x128x48xf32, #tpu.memory_space<vmem>> -> memref<128x48xf32, #tpu.memory_space<vmem>>
      tpu.enqueue_dma source(%dma_start3A_155 : memref<128x48xf32, #tpu.memory_space<vmem>>) target(%dma_start3A_151 : memref<128x48xf32, #tpu.memory_space<vmem_shared>>) target_semaphore(%run_scoped3A_143 : memref<!tpu.dma_semaphore, #tpu.memory_space<semaphore_mem>>)
      %dma_wait3A_156 = arith.constant 0 : i32
      %dma_wait3A_157 = arith.constant 0 : i32
      %dma_wait3A_158 = tpu.memref_slice %arg14[%run_scoped3A_17, %dma_wait3A_156, %dma_wait3A_157] : memref<2x128x48xf32, #tpu.memory_space<vmem>> -> memref<1x128x48xf32, #tpu.memory_space<vmem>>
      %dma_wait3A_159 = tpu.memref_squeeze %dma_wait3A_158 : memref<1x128x48xf32, #tpu.memory_space<vmem>> -> memref<128x48xf32, #tpu.memory_space<vmem>>
      %dma_wait3A_160 = arith.constant 0 : i32
      %dma_wait3A_161 = tpu.memref_slice %arg15[%add3A_16, %dma_wait3A_160] : memref<10240x48xf32, #tpu.memory_space<vmem_shared>> -> memref<128x48xf32, #tpu.memory_space<vmem_shared>>
      %dma_wait3A_162 = arith.constant 0 : i32
      %dma_wait3A_163 = tpu.memref_slice %arg15[%add3A_16, %dma_wait3A_162] : memref<10240x48xf32, #tpu.memory_space<vmem_shared>> -> memref<128x48xf32, #tpu.memory_space<vmem_shared>>
      %dma_wait3A_164 = arith.constant 0 : i32
      %dma_wait3A_165 = arith.constant 0 : i32
      %dma_wait3A_166 = tpu.memref_slice %arg14[%run_scoped3A_17, %dma_wait3A_164, %dma_wait3A_165] : memref<2x128x48xf32, #tpu.memory_space<vmem>> -> memref<1x128x48xf32, #tpu.memory_space<vmem>>
      %dma_wait3A_167 = tpu.memref_squeeze %dma_wait3A_166 : memref<1x128x48xf32, #tpu.memory_space<vmem>> -> memref<128x48xf32, #tpu.memory_space<vmem>>
      tpu.wait_dma2 semaphore(%run_scoped3A_143 : memref<!tpu.dma_semaphore, #tpu.memory_space<semaphore_mem>>) src(%dma_wait3A_167 : memref<128x48xf32, #tpu.memory_space<vmem>>) dst(%dma_wait3A_163 : memref<128x48xf32, #tpu.memory_space<vmem_shared>>)
      tpu.yield
    }) : () -> ()
    %mul3A_18 = arith.constant 640 : i32
    %mul3A_19 = arith.muli %arg1, %mul3A_18 : i32
    %add3A_20 = arith.constant 384 : i32
    %add3A_21 = arith.addi %mul3A_19, %add3A_20 : i32
    %run_scoped3A_22 = arith.constant 0 : i32
    "tpu.region"() ({
      %run_scoped3A_143 = tpu.sem_alloc : memref<!tpu.dma_semaphore, #tpu.memory_space<semaphore_mem>>
      %dma_start3A_144 = arith.constant 0 : i32
      %dma_start3A_145 = arith.constant 0 : i32
      %dma_start3A_146 = tpu.memref_slice %arg14[%run_scoped3A_22, %dma_start3A_144, %dma_start3A_145] : memref<2x128x48xf32, #tpu.memory_space<vmem>> -> memref<1x128x48xf32, #tpu.memory_space<vmem>>
      %dma_start3A_147 = tpu.memref_squeeze %dma_start3A_146 : memref<1x128x48xf32, #tpu.memory_space<vmem>> -> memref<128x48xf32, #tpu.memory_space<vmem>>
      %dma_start3A_148 = arith.constant 0 : i32
      %dma_start3A_149 = tpu.memref_slice %arg15[%add3A_21, %dma_start3A_148] : memref<10240x48xf32, #tpu.memory_space<vmem_shared>> -> memref<128x48xf32, #tpu.memory_space<vmem_shared>>
      %dma_start3A_150 = arith.constant 0 : i32
      %dma_start3A_151 = tpu.memref_slice %arg15[%add3A_21, %dma_start3A_150] : memref<10240x48xf32, #tpu.memory_space<vmem_shared>> -> memref<128x48xf32, #tpu.memory_space<vmem_shared>>
      %dma_start3A_152 = arith.constant 0 : i32
      %dma_start3A_153 = arith.constant 0 : i32
      %dma_start3A_154 = tpu.memref_slice %arg14[%run_scoped3A_22, %dma_start3A_152, %dma_start3A_153] : memref<2x128x48xf32, #tpu.memory_space<vmem>> -> memref<1x128x48xf32, #tpu.memory_space<vmem>>
      %dma_start3A_155 = tpu.memref_squeeze %dma_start3A_154 : memref<1x128x48xf32, #tpu.memory_space<vmem>> -> memref<128x48xf32, #tpu.memory_space<vmem>>
      tpu.enqueue_dma source(%dma_start3A_155 : memref<128x48xf32, #tpu.memory_space<vmem>>) target(%dma_start3A_151 : memref<128x48xf32, #tpu.memory_space<vmem_shared>>) target_semaphore(%run_scoped3A_143 : memref<!tpu.dma_semaphore, #tpu.memory_space<semaphore_mem>>)
      %dma_wait3A_156 = arith.constant 0 : i32
      %dma_wait3A_157 = arith.constant 0 : i32
      %dma_wait3A_158 = tpu.memref_slice %arg14[%run_scoped3A_22, %dma_wait3A_156, %dma_wait3A_157] : memref<2x128x48xf32, #tpu.memory_space<vmem>> -> memref<1x128x48xf32, #tpu.memory_space<vmem>>
      %dma_wait3A_159 = tpu.memref_squeeze %dma_wait3A_158 : memref<1x128x48xf32, #tpu.memory_space<vmem>> -> memref<128x48xf32, #tpu.memory_space<vmem>>
      %dma_wait3A_160 = arith.constant 0 : i32
      %dma_wait3A_161 = tpu.memref_slice %arg15[%add3A_21, %dma_wait3A_160] : memref<10240x48xf32, #tpu.memory_space<vmem_shared>> -> memref<128x48xf32, #tpu.memory_space<vmem_shared>>
      %dma_wait3A_162 = arith.constant 0 : i32
      %dma_wait3A_163 = tpu.memref_slice %arg15[%add3A_21, %dma_wait3A_162] : memref<10240x48xf32, #tpu.memory_space<vmem_shared>> -> memref<128x48xf32, #tpu.memory_space<vmem_shared>>
      %dma_wait3A_164 = arith.constant 0 : i32
      %dma_wait3A_165 = arith.constant 0 : i32
      %dma_wait3A_166 = tpu.memref_slice %arg14[%run_scoped3A_22, %dma_wait3A_164, %dma_wait3A_165] : memref<2x128x48xf32, #tpu.memory_space<vmem>> -> memref<1x128x48xf32, #tpu.memory_space<vmem>>
      %dma_wait3A_167 = tpu.memref_squeeze %dma_wait3A_166 : memref<1x128x48xf32, #tpu.memory_space<vmem>> -> memref<128x48xf32, #tpu.memory_space<vmem>>
      tpu.wait_dma2 semaphore(%run_scoped3A_143 : memref<!tpu.dma_semaphore, #tpu.memory_space<semaphore_mem>>) src(%dma_wait3A_167 : memref<128x48xf32, #tpu.memory_space<vmem>>) dst(%dma_wait3A_163 : memref<128x48xf32, #tpu.memory_space<vmem_shared>>)
      tpu.yield
    }) : () -> ()
    %mul3A_23 = arith.constant 640 : i32
    %mul3A_24 = arith.muli %arg1, %mul3A_23 : i32
    %add3A_25 = arith.constant 512 : i32
    %add3A_26 = arith.addi %mul3A_24, %add3A_25 : i32
    %run_scoped3A_27 = arith.constant 0 : i32
    "tpu.region"() ({
      %run_scoped3A_143 = tpu.sem_alloc : memref<!tpu.dma_semaphore, #tpu.memory_space<semaphore_mem>>
      %dma_start3A_144 = arith.constant 0 : i32
      %dma_start3A_145 = arith.constant 0 : i32
      %dma_start3A_146 = tpu.memref_slice %arg14[%run_scoped3A_27, %dma_start3A_144, %dma_start3A_145] : memref<2x128x48xf32, #tpu.memory_space<vmem>> -> memref<1x128x48xf32, #tpu.memory_space<vmem>>
      %dma_start3A_147 = tpu.memref_squeeze %dma_start3A_146 : memref<1x128x48xf32, #tpu.memory_space<vmem>> -> memref<128x48xf32, #tpu.memory_space<vmem>>
      %dma_start3A_148 = arith.constant 0 : i32
      %dma_start3A_149 = tpu.memref_slice %arg15[%add3A_26, %dma_start3A_148] : memref<10240x48xf32, #tpu.memory_space<vmem_shared>> -> memref<128x48xf32, #tpu.memory_space<vmem_shared>>
      %dma_start3A_150 = arith.constant 0 : i32
      %dma_start3A_151 = tpu.memref_slice %arg15[%add3A_26, %dma_start3A_150] : memref<10240x48xf32, #tpu.memory_space<vmem_shared>> -> memref<128x48xf32, #tpu.memory_space<vmem_shared>>
      %dma_start3A_152 = arith.constant 0 : i32
      %dma_start3A_153 = arith.constant 0 : i32
      %dma_start3A_154 = tpu.memref_slice %arg14[%run_scoped3A_27, %dma_start3A_152, %dma_start3A_153] : memref<2x128x48xf32, #tpu.memory_space<vmem>> -> memref<1x128x48xf32, #tpu.memory_space<vmem>>
      %dma_start3A_155 = tpu.memref_squeeze %dma_start3A_154 : memref<1x128x48xf32, #tpu.memory_space<vmem>> -> memref<128x48xf32, #tpu.memory_space<vmem>>
      tpu.enqueue_dma source(%dma_start3A_155 : memref<128x48xf32, #tpu.memory_space<vmem>>) target(%dma_start3A_151 : memref<128x48xf32, #tpu.memory_space<vmem_shared>>) target_semaphore(%run_scoped3A_143 : memref<!tpu.dma_semaphore, #tpu.memory_space<semaphore_mem>>)
      %dma_wait3A_156 = arith.constant 0 : i32
      %dma_wait3A_157 = arith.constant 0 : i32
      %dma_wait3A_158 = tpu.memref_slice %arg14[%run_scoped3A_27, %dma_wait3A_156, %dma_wait3A_157] : memref<2x128x48xf32, #tpu.memory_space<vmem>> -> memref<1x128x48xf32, #tpu.memory_space<vmem>>
      %dma_wait3A_159 = tpu.memref_squeeze %dma_wait3A_158 : memref<1x128x48xf32, #tpu.memory_space<vmem>> -> memref<128x48xf32, #tpu.memory_space<vmem>>
      %dma_wait3A_160 = arith.constant 0 : i32
      %dma_wait3A_161 = tpu.memref_slice %arg15[%add3A_26, %dma_wait3A_160] : memref<10240x48xf32, #tpu.memory_space<vmem_shared>> -> memref<128x48xf32, #tpu.memory_space<vmem_shared>>
      %dma_wait3A_162 = arith.constant 0 : i32
      %dma_wait3A_163 = tpu.memref_slice %arg15[%add3A_26, %dma_wait3A_162] : memref<10240x48xf32, #tpu.memory_space<vmem_shared>> -> memref<128x48xf32, #tpu.memory_space<vmem_shared>>
      %dma_wait3A_164 = arith.constant 0 : i32
      %dma_wait3A_165 = arith.constant 0 : i32
      %dma_wait3A_166 = tpu.memref_slice %arg14[%run_scoped3A_27, %dma_wait3A_164, %dma_wait3A_165] : memref<2x128x48xf32, #tpu.memory_space<vmem>> -> memref<1x128x48xf32, #tpu.memory_space<vmem>>
      %dma_wait3A_167 = tpu.memref_squeeze %dma_wait3A_166 : memref<1x128x48xf32, #tpu.memory_space<vmem>> -> memref<128x48xf32, #tpu.memory_space<vmem>>
      tpu.wait_dma2 semaphore(%run_scoped3A_143 : memref<!tpu.dma_semaphore, #tpu.memory_space<semaphore_mem>>) src(%dma_wait3A_167 : memref<128x48xf32, #tpu.memory_space<vmem>>) dst(%dma_wait3A_163 : memref<128x48xf32, #tpu.memory_space<vmem_shared>>)
      tpu.yield
    }) : () -> ()
    %barrier3A = arith.constant 0 : index
    tpu.barrier barrier_id(%barrier3A)
    %run_scoped3A_28 = arith.constant 0 : i32
    %run_scoped3A_29 = arith.constant 0 : i32
    "tpu.region"() ({
      %run_scoped3A_143 = tpu.sem_alloc : memref<!tpu.dma_semaphore, #tpu.memory_space<semaphore_mem>>
      %dma_start3A_144 = arith.constant 0 : i32
      %dma_start3A_145 = tpu.memref_slice %arg8[%run_scoped3A_29, %dma_start3A_144] : memref<5x128xi32, #tpu.memory_space<vmem>> -> memref<1x128xi32, #tpu.memory_space<vmem>>
      %dma_start3A_146 = tpu.memref_squeeze %dma_start3A_145 : memref<1x128xi32, #tpu.memory_space<vmem>> -> memref<128xi32, #tpu.memory_space<vmem>>
      %dma_start3A_147 = arith.constant 0 : i32
      %dma_start3A_148 = tpu.memref_slice %arg5[%add3A, %run_scoped3A_28, %dma_start3A_147] : memref<32x81x128xi32, #tpu.memory_space<hbm>> -> memref<1x1x128xi32, #tpu.memory_space<hbm>>
      %dma_start3A_149 = tpu.memref_squeeze %dma_start3A_148 : memref<1x1x128xi32, #tpu.memory_space<hbm>> -> memref<128xi32, #tpu.memory_space<hbm>>
      %dma_start3A_150 = arith.constant 0 : i32
      %dma_start3A_151 = tpu.memref_slice %arg8[%run_scoped3A_29, %dma_start3A_150] : memref<5x128xi32, #tpu.memory_space<vmem>> -> memref<1x128xi32, #tpu.memory_space<vmem>>
      %dma_start3A_152 = tpu.memref_squeeze %dma_start3A_151 : memref<1x128xi32, #tpu.memory_space<vmem>> -> memref<128xi32, #tpu.memory_space<vmem>>
      %dma_start3A_153 = arith.constant 0 : i32
      %dma_start3A_154 = tpu.memref_slice %arg5[%add3A, %run_scoped3A_28, %dma_start3A_153] : memref<32x81x128xi32, #tpu.memory_space<hbm>> -> memref<1x1x128xi32, #tpu.memory_space<hbm>>
      %dma_start3A_155 = tpu.memref_squeeze %dma_start3A_154 : memref<1x1x128xi32, #tpu.memory_space<hbm>> -> memref<128xi32, #tpu.memory_space<hbm>>
      tpu.enqueue_dma source(%dma_start3A_155 : memref<128xi32, #tpu.memory_space<hbm>>) target(%dma_start3A_152 : memref<128xi32, #tpu.memory_space<vmem>>) target_semaphore(%run_scoped3A_143 : memref<!tpu.dma_semaphore, #tpu.memory_space<semaphore_mem>>)
      %dma_wait3A_156 = arith.constant 0 : i32
      %dma_wait3A_157 = tpu.memref_slice %arg8[%run_scoped3A_29, %dma_wait3A_156] : memref<5x128xi32, #tpu.memory_space<vmem>> -> memref<1x128xi32, #tpu.memory_space<vmem>>
      %dma_wait3A_158 = tpu.memref_squeeze %dma_wait3A_157 : memref<1x128xi32, #tpu.memory_space<vmem>> -> memref<128xi32, #tpu.memory_space<vmem>>
      %dma_wait3A_159 = arith.constant 0 : i32
      %dma_wait3A_160 = tpu.memref_slice %arg5[%add3A, %run_scoped3A_28, %dma_wait3A_159] : memref<32x81x128xi32, #tpu.memory_space<hbm>> -> memref<1x1x128xi32, #tpu.memory_space<hbm>>
      %dma_wait3A_161 = tpu.memref_squeeze %dma_wait3A_160 : memref<1x1x128xi32, #tpu.memory_space<hbm>> -> memref<128xi32, #tpu.memory_space<hbm>>
      %dma_wait3A_162 = arith.constant 0 : i32
      %dma_wait3A_163 = tpu.memref_slice %arg8[%run_scoped3A_29, %dma_wait3A_162] : memref<5x128xi32, #tpu.memory_space<vmem>> -> memref<1x128xi32, #tpu.memory_space<vmem>>
      %dma_wait3A_164 = tpu.memref_squeeze %dma_wait3A_163 : memref<1x128xi32, #tpu.memory_space<vmem>> -> memref<128xi32, #tpu.memory_space<vmem>>
      %dma_wait3A_165 = arith.constant 0 : i32
      %dma_wait3A_166 = tpu.memref_slice %arg5[%add3A, %run_scoped3A_28, %dma_wait3A_165] : memref<32x81x128xi32, #tpu.memory_space<hbm>> -> memref<1x1x128xi32, #tpu.memory_space<hbm>>
      %dma_wait3A_167 = tpu.memref_squeeze %dma_wait3A_166 : memref<1x1x128xi32, #tpu.memory_space<hbm>> -> memref<128xi32, #tpu.memory_space<hbm>>
      tpu.wait_dma2 semaphore(%run_scoped3A_143 : memref<!tpu.dma_semaphore, #tpu.memory_space<semaphore_mem>>) src(%dma_wait3A_167 : memref<128xi32, #tpu.memory_space<hbm>>) dst(%dma_wait3A_164 : memref<128xi32, #tpu.memory_space<vmem>>)
      tpu.yield
    }) : () -> ()
    %run_scoped3A_30 = arith.constant 0 : i32
    %run_scoped3A_31 = arith.constant 0 : i32
    "tpu.region"() ({
      %run_scoped3A_143 = tpu.sem_alloc : memref<!tpu.dma_semaphore, #tpu.memory_space<semaphore_mem>>
      %dma_start3A_144 = arith.constant 0 : i32
      %dma_start3A_145 = tpu.memref_slice %arg9[%run_scoped3A_31, %dma_start3A_144] : memref<5x128xi32, #tpu.memory_space<vmem>> -> memref<1x128xi32, #tpu.memory_space<vmem>>
      %dma_start3A_146 = tpu.memref_squeeze %dma_start3A_145 : memref<1x128xi32, #tpu.memory_space<vmem>> -> memref<128xi32, #tpu.memory_space<vmem>>
      %dma_start3A_147 = arith.constant 0 : i32
      %dma_start3A_148 = tpu.memref_slice %arg6[%add3A, %run_scoped3A_30, %dma_start3A_147] : memref<32x81x128xi32, #tpu.memory_space<hbm>> -> memref<1x1x128xi32, #tpu.memory_space<hbm>>
      %dma_start3A_149 = tpu.memref_squeeze %dma_start3A_148 : memref<1x1x128xi32, #tpu.memory_space<hbm>> -> memref<128xi32, #tpu.memory_space<hbm>>
      %dma_start3A_150 = arith.constant 0 : i32
      %dma_start3A_151 = tpu.memref_slice %arg9[%run_scoped3A_31, %dma_start3A_150] : memref<5x128xi32, #tpu.memory_space<vmem>> -> memref<1x128xi32, #tpu.memory_space<vmem>>
      %dma_start3A_152 = tpu.memref_squeeze %dma_start3A_151 : memref<1x128xi32, #tpu.memory_space<vmem>> -> memref<128xi32, #tpu.memory_space<vmem>>
      %dma_start3A_153 = arith.constant 0 : i32
      %dma_start3A_154 = tpu.memref_slice %arg6[%add3A, %run_scoped3A_30, %dma_start3A_153] : memref<32x81x128xi32, #tpu.memory_space<hbm>> -> memref<1x1x128xi32, #tpu.memory_space<hbm>>
      %dma_start3A_155 = tpu.memref_squeeze %dma_start3A_154 : memref<1x1x128xi32, #tpu.memory_space<hbm>> -> memref<128xi32, #tpu.memory_space<hbm>>
      tpu.enqueue_dma source(%dma_start3A_155 : memref<128xi32, #tpu.memory_space<hbm>>) target(%dma_start3A_152 : memref<128xi32, #tpu.memory_space<vmem>>) target_semaphore(%run_scoped3A_143 : memref<!tpu.dma_semaphore, #tpu.memory_space<semaphore_mem>>)
      %dma_wait3A_156 = arith.constant 0 : i32
      %dma_wait3A_157 = tpu.memref_slice %arg9[%run_scoped3A_31, %dma_wait3A_156] : memref<5x128xi32, #tpu.memory_space<vmem>> -> memref<1x128xi32, #tpu.memory_space<vmem>>
      %dma_wait3A_158 = tpu.memref_squeeze %dma_wait3A_157 : memref<1x128xi32, #tpu.memory_space<vmem>> -> memref<128xi32, #tpu.memory_space<vmem>>
      %dma_wait3A_159 = arith.constant 0 : i32
      %dma_wait3A_160 = tpu.memref_slice %arg6[%add3A, %run_scoped3A_30, %dma_wait3A_159] : memref<32x81x128xi32, #tpu.memory_space<hbm>> -> memref<1x1x128xi32, #tpu.memory_space<hbm>>
      %dma_wait3A_161 = tpu.memref_squeeze %dma_wait3A_160 : memref<1x1x128xi32, #tpu.memory_space<hbm>> -> memref<128xi32, #tpu.memory_space<hbm>>
      %dma_wait3A_162 = arith.constant 0 : i32
      %dma_wait3A_163 = tpu.memref_slice %arg9[%run_scoped3A_31, %dma_wait3A_162] : memref<5x128xi32, #tpu.memory_space<vmem>> -> memref<1x128xi32, #tpu.memory_space<vmem>>
      %dma_wait3A_164 = tpu.memref_squeeze %dma_wait3A_163 : memref<1x128xi32, #tpu.memory_space<vmem>> -> memref<128xi32, #tpu.memory_space<vmem>>
      %dma_wait3A_165 = arith.constant 0 : i32
      %dma_wait3A_166 = tpu.memref_slice %arg6[%add3A, %run_scoped3A_30, %dma_wait3A_165] : memref<32x81x128xi32, #tpu.memory_space<hbm>> -> memref<1x1x128xi32, #tpu.memory_space<hbm>>
      %dma_wait3A_167 = tpu.memref_squeeze %dma_wait3A_166 : memref<1x1x128xi32, #tpu.memory_space<hbm>> -> memref<128xi32, #tpu.memory_space<hbm>>
      tpu.wait_dma2 semaphore(%run_scoped3A_143 : memref<!tpu.dma_semaphore, #tpu.memory_space<semaphore_mem>>) src(%dma_wait3A_167 : memref<128xi32, #tpu.memory_space<hbm>>) dst(%dma_wait3A_164 : memref<128xi32, #tpu.memory_space<vmem>>)
      tpu.yield
    }) : () -> ()
    %eq3A = arith.constant 0 : i32
    %eq3A_32 = arith.constant 0 : i32
    %eq3A_33 = arith.cmpi eq, %eq3A, %eq3A_32 : i32
    %convert_element_type3A = arith.extui %eq3A_33 : i1 to i32
    %cond3A = arith.constant 0 : i32
    %cond3A_34 = arith.cmpi ne, %convert_element_type3A, %cond3A : i32
    scf.if %cond3A_34 {
      %dma_start3A_143 = arith.constant 0 : i32
      %dma_start3A_144 = arith.constant 0 : i32
      %dma_start3A_145 = arith.constant 0 : i32
      %dma_start3A_146 = arith.constant 0 : i32
      %dma_start3A_147 = tpu.memref_slice %arg10[%dma_start3A_144, %dma_start3A_145, %dma_start3A_146] : memref<3x128x48xf32, #tpu.memory_space<vmem>> -> memref<1x128x48xf32, #tpu.memory_space<vmem>>
      %dma_start3A_148 = tpu.memref_squeeze %dma_start3A_147 : memref<1x128x48xf32, #tpu.memory_space<vmem>> -> memref<128x48xf32, #tpu.memory_space<vmem>>
      %dma_start3A_149 = arith.constant 0 : i32
      %dma_start3A_150 = tpu.memref_slice %arg8[%dma_start3A_143, %dma_start3A_149] : memref<5x128xi32, #tpu.memory_space<vmem>> -> memref<1x128xi32, #tpu.memory_space<vmem>>
      %dma_start3A_151 = tpu.memref_squeeze %dma_start3A_150 : memref<1x128xi32, #tpu.memory_space<vmem>> -> memref<128xi32, #tpu.memory_space<vmem>>
      %dma_start3A_152 = arith.constant 0 : i32
      %dma_start3A_153 = arith.constant 0 : i32
      %dma_start3A_154 = tpu.memref_slice %arg2[%dma_start3A_152, %dma_start3A_153] : memref<10240x48xf32, #tpu.memory_space<hbm>> -> memref<10240x48xf32, #tpu.memory_space<hbm>>
      tpu.enqueue_indirect_dma source(%dma_start3A_154 : memref<10240x48xf32, #tpu.memory_space<hbm>>) target(%dma_start3A_148 : memref<128x48xf32, #tpu.memory_space<vmem>>) offsets(%dma_start3A_151 : memref<128xi32, #tpu.memory_space<vmem>>) semaphore(%arg16 : memref<!tpu.dma_semaphore, #tpu.memory_space<semaphore_mem>>)
    } else {
    }
    %eq3A_35 = arith.constant 0 : i32
    %eq3A_36 = arith.constant 1 : i32
    %eq3A_37 = arith.cmpi eq, %eq3A_35, %eq3A_36 : i32
    %convert_element_type3A_38 = arith.extui %eq3A_37 : i1 to i32
    %cond3A_39 = arith.constant 0 : i32
    %cond3A_40 = arith.cmpi ne, %convert_element_type3A_38, %cond3A_39 : i32
    scf.if %cond3A_40 {
      %dma_start3A_143 = arith.constant 0 : i32
      %dma_start3A_144 = arith.constant 0 : i32
      %dma_start3A_145 = arith.constant 0 : i32
      %dma_start3A_146 = arith.constant 0 : i32
      %dma_start3A_147 = tpu.memref_slice %arg10[%dma_start3A_144, %dma_start3A_145, %dma_start3A_146] : memref<3x128x48xf32, #tpu.memory_space<vmem>> -> memref<1x128x48xf32, #tpu.memory_space<vmem>>
      %dma_start3A_148 = tpu.memref_squeeze %dma_start3A_147 : memref<1x128x48xf32, #tpu.memory_space<vmem>> -> memref<128x48xf32, #tpu.memory_space<vmem>>
      %dma_start3A_149 = arith.constant 0 : i32
      %dma_start3A_150 = tpu.memref_slice %arg8[%dma_start3A_143, %dma_start3A_149] : memref<5x128xi32, #tpu.memory_space<vmem>> -> memref<1x128xi32, #tpu.memory_space<vmem>>
      %dma_start3A_151 = tpu.memref_squeeze %dma_start3A_150 : memref<1x128xi32, #tpu.memory_space<vmem>> -> memref<128xi32, #tpu.memory_space<vmem>>
      %dma_start3A_152 = arith.constant 0 : i32
      %dma_start3A_153 = arith.constant 0 : i32
      %dma_start3A_154 = tpu.memref_slice %arg2[%dma_start3A_152, %dma_start3A_153] : memref<10240x48xf32, #tpu.memory_space<hbm>> -> memref<10240x48xf32, #tpu.memory_space<hbm>>
      tpu.enqueue_indirect_dma source(%dma_start3A_154 : memref<10240x48xf32, #tpu.memory_space<hbm>>) target(%dma_start3A_148 : memref<128x48xf32, #tpu.memory_space<vmem>>) offsets(%dma_start3A_151 : memref<128xi32, #tpu.memory_space<vmem>>) semaphore(%arg17 : memref<!tpu.dma_semaphore, #tpu.memory_space<semaphore_mem>>)
    } else {
    }
    %run_scoped3A_41 = arith.constant 1 : i32
    %run_scoped3A_42 = arith.constant 1 : i32
    "tpu.region"() ({
      %run_scoped3A_143 = tpu.sem_alloc : memref<!tpu.dma_semaphore, #tpu.memory_space<semaphore_mem>>
      %dma_start3A_144 = arith.constant 0 : i32
      %dma_start3A_145 = tpu.memref_slice %arg8[%run_scoped3A_42, %dma_start3A_144] : memref<5x128xi32, #tpu.memory_space<vmem>> -> memref<1x128xi32, #tpu.memory_space<vmem>>
      %dma_start3A_146 = tpu.memref_squeeze %dma_start3A_145 : memref<1x128xi32, #tpu.memory_space<vmem>> -> memref<128xi32, #tpu.memory_space<vmem>>
      %dma_start3A_147 = arith.constant 0 : i32
      %dma_start3A_148 = tpu.memref_slice %arg5[%add3A, %run_scoped3A_41, %dma_start3A_147] : memref<32x81x128xi32, #tpu.memory_space<hbm>> -> memref<1x1x128xi32, #tpu.memory_space<hbm>>
      %dma_start3A_149 = tpu.memref_squeeze %dma_start3A_148 : memref<1x1x128xi32, #tpu.memory_space<hbm>> -> memref<128xi32, #tpu.memory_space<hbm>>
      %dma_start3A_150 = arith.constant 0 : i32
      %dma_start3A_151 = tpu.memref_slice %arg8[%run_scoped3A_42, %dma_start3A_150] : memref<5x128xi32, #tpu.memory_space<vmem>> -> memref<1x128xi32, #tpu.memory_space<vmem>>
      %dma_start3A_152 = tpu.memref_squeeze %dma_start3A_151 : memref<1x128xi32, #tpu.memory_space<vmem>> -> memref<128xi32, #tpu.memory_space<vmem>>
      %dma_start3A_153 = arith.constant 0 : i32
      %dma_start3A_154 = tpu.memref_slice %arg5[%add3A, %run_scoped3A_41, %dma_start3A_153] : memref<32x81x128xi32, #tpu.memory_space<hbm>> -> memref<1x1x128xi32, #tpu.memory_space<hbm>>
      %dma_start3A_155 = tpu.memref_squeeze %dma_start3A_154 : memref<1x1x128xi32, #tpu.memory_space<hbm>> -> memref<128xi32, #tpu.memory_space<hbm>>
      tpu.enqueue_dma source(%dma_start3A_155 : memref<128xi32, #tpu.memory_space<hbm>>) target(%dma_start3A_152 : memref<128xi32, #tpu.memory_space<vmem>>) target_semaphore(%run_scoped3A_143 : memref<!tpu.dma_semaphore, #tpu.memory_space<semaphore_mem>>)
      %dma_wait3A_156 = arith.constant 0 : i32
      %dma_wait3A_157 = tpu.memref_slice %arg8[%run_scoped3A_42, %dma_wait3A_156] : memref<5x128xi32, #tpu.memory_space<vmem>> -> memref<1x128xi32, #tpu.memory_space<vmem>>
      %dma_wait3A_158 = tpu.memref_squeeze %dma_wait3A_157 : memref<1x128xi32, #tpu.memory_space<vmem>> -> memref<128xi32, #tpu.memory_space<vmem>>
      %dma_wait3A_159 = arith.constant 0 : i32
      %dma_wait3A_160 = tpu.memref_slice %arg5[%add3A, %run_scoped3A_41, %dma_wait3A_159] : memref<32x81x128xi32, #tpu.memory_space<hbm>> -> memref<1x1x128xi32, #tpu.memory_space<hbm>>
      %dma_wait3A_161 = tpu.memref_squeeze %dma_wait3A_160 : memref<1x1x128xi32, #tpu.memory_space<hbm>> -> memref<128xi32, #tpu.memory_space<hbm>>
      %dma_wait3A_162 = arith.constant 0 : i32
      %dma_wait3A_163 = tpu.memref_slice %arg8[%run_scoped3A_42, %dma_wait3A_162] : memref<5x128xi32, #tpu.memory_space<vmem>> -> memref<1x128xi32, #tpu.memory_space<vmem>>
      %dma_wait3A_164 = tpu.memref_squeeze %dma_wait3A_163 : memref<1x128xi32, #tpu.memory_space<vmem>> -> memref<128xi32, #tpu.memory_space<vmem>>
      %dma_wait3A_165 = arith.constant 0 : i32
      %dma_wait3A_166 = tpu.memref_slice %arg5[%add3A, %run_scoped3A_41, %dma_wait3A_165] : memref<32x81x128xi32, #tpu.memory_space<hbm>> -> memref<1x1x128xi32, #tpu.memory_space<hbm>>
      %dma_wait3A_167 = tpu.memref_squeeze %dma_wait3A_166 : memref<1x1x128xi32, #tpu.memory_space<hbm>> -> memref<128xi32, #tpu.memory_space<hbm>>
      tpu.wait_dma2 semaphore(%run_scoped3A_143 : memref<!tpu.dma_semaphore, #tpu.memory_space<semaphore_mem>>) src(%dma_wait3A_167 : memref<128xi32, #tpu.memory_space<hbm>>) dst(%dma_wait3A_164 : memref<128xi32, #tpu.memory_space<vmem>>)
      tpu.yield
    }) : () -> ()
    %run_scoped3A_43 = arith.constant 1 : i32
    %run_scoped3A_44 = arith.constant 1 : i32
    "tpu.region"() ({
      %run_scoped3A_143 = tpu.sem_alloc : memref<!tpu.dma_semaphore, #tpu.memory_space<semaphore_mem>>
      %dma_start3A_144 = arith.constant 0 : i32
      %dma_start3A_145 = tpu.memref_slice %arg9[%run_scoped3A_44, %dma_start3A_144] : memref<5x128xi32, #tpu.memory_space<vmem>> -> memref<1x128xi32, #tpu.memory_space<vmem>>
      %dma_start3A_146 = tpu.memref_squeeze %dma_start3A_145 : memref<1x128xi32, #tpu.memory_space<vmem>> -> memref<128xi32, #tpu.memory_space<vmem>>
      %dma_start3A_147 = arith.constant 0 : i32
      %dma_start3A_148 = tpu.memref_slice %arg6[%add3A, %run_scoped3A_43, %dma_start3A_147] : memref<32x81x128xi32, #tpu.memory_space<hbm>> -> memref<1x1x128xi32, #tpu.memory_space<hbm>>
      %dma_start3A_149 = tpu.memref_squeeze %dma_start3A_148 : memref<1x1x128xi32, #tpu.memory_space<hbm>> -> memref<128xi32, #tpu.memory_space<hbm>>
      %dma_start3A_150 = arith.constant 0 : i32
      %dma_start3A_151 = tpu.memref_slice %arg9[%run_scoped3A_44, %dma_start3A_150] : memref<5x128xi32, #tpu.memory_space<vmem>> -> memref<1x128xi32, #tpu.memory_space<vmem>>
      %dma_start3A_152 = tpu.memref_squeeze %dma_start3A_151 : memref<1x128xi32, #tpu.memory_space<vmem>> -> memref<128xi32, #tpu.memory_space<vmem>>
      %dma_start3A_153 = arith.constant 0 : i32
      %dma_start3A_154 = tpu.memref_slice %arg6[%add3A, %run_scoped3A_43, %dma_start3A_153] : memref<32x81x128xi32, #tpu.memory_space<hbm>> -> memref<1x1x128xi32, #tpu.memory_space<hbm>>
      %dma_start3A_155 = tpu.memref_squeeze %dma_start3A_154 : memref<1x1x128xi32, #tpu.memory_space<hbm>> -> memref<128xi32, #tpu.memory_space<hbm>>
      tpu.enqueue_dma source(%dma_start3A_155 : memref<128xi32, #tpu.memory_space<hbm>>) target(%dma_start3A_152 : memref<128xi32, #tpu.memory_space<vmem>>) target_semaphore(%run_scoped3A_143 : memref<!tpu.dma_semaphore, #tpu.memory_space<semaphore_mem>>)
      %dma_wait3A_156 = arith.constant 0 : i32
      %dma_wait3A_157 = tpu.memref_slice %arg9[%run_scoped3A_44, %dma_wait3A_156] : memref<5x128xi32, #tpu.memory_space<vmem>> -> memref<1x128xi32, #tpu.memory_space<vmem>>
      %dma_wait3A_158 = tpu.memref_squeeze %dma_wait3A_157 : memref<1x128xi32, #tpu.memory_space<vmem>> -> memref<128xi32, #tpu.memory_space<vmem>>
      %dma_wait3A_159 = arith.constant 0 : i32
      %dma_wait3A_160 = tpu.memref_slice %arg6[%add3A, %run_scoped3A_43, %dma_wait3A_159] : memref<32x81x128xi32, #tpu.memory_space<hbm>> -> memref<1x1x128xi32, #tpu.memory_space<hbm>>
      %dma_wait3A_161 = tpu.memref_squeeze %dma_wait3A_160 : memref<1x1x128xi32, #tpu.memory_space<hbm>> -> memref<128xi32, #tpu.memory_space<hbm>>
      %dma_wait3A_162 = arith.constant 0 : i32
      %dma_wait3A_163 = tpu.memref_slice %arg9[%run_scoped3A_44, %dma_wait3A_162] : memref<5x128xi32, #tpu.memory_space<vmem>> -> memref<1x128xi32, #tpu.memory_space<vmem>>
      %dma_wait3A_164 = tpu.memref_squeeze %dma_wait3A_163 : memref<1x128xi32, #tpu.memory_space<vmem>> -> memref<128xi32, #tpu.memory_space<vmem>>
      %dma_wait3A_165 = arith.constant 0 : i32
      %dma_wait3A_166 = tpu.memref_slice %arg6[%add3A, %run_scoped3A_43, %dma_wait3A_165] : memref<32x81x128xi32, #tpu.memory_space<hbm>> -> memref<1x1x128xi32, #tpu.memory_space<hbm>>
      %dma_wait3A_167 = tpu.memref_squeeze %dma_wait3A_166 : memref<1x1x128xi32, #tpu.memory_space<hbm>> -> memref<128xi32, #tpu.memory_space<hbm>>
      tpu.wait_dma2 semaphore(%run_scoped3A_143 : memref<!tpu.dma_semaphore, #tpu.memory_space<semaphore_mem>>) src(%dma_wait3A_167 : memref<128xi32, #tpu.memory_space<hbm>>) dst(%dma_wait3A_164 : memref<128xi32, #tpu.memory_space<vmem>>)
      tpu.yield
    }) : () -> ()
    %eq3A_45 = arith.constant 1 : i32
    %eq3A_46 = arith.constant 0 : i32
    %eq3A_47 = arith.cmpi eq, %eq3A_45, %eq3A_46 : i32
    %convert_element_type3A_48 = arith.extui %eq3A_47 : i1 to i32
    %cond3A_49 = arith.constant 0 : i32
    %cond3A_50 = arith.cmpi ne, %convert_element_type3A_48, %cond3A_49 : i32
    scf.if %cond3A_50 {
      %dma_start3A_143 = arith.constant 1 : i32
      %dma_start3A_144 = arith.constant 1 : i32
      %dma_start3A_145 = arith.constant 0 : i32
      %dma_start3A_146 = arith.constant 0 : i32
      %dma_start3A_147 = tpu.memref_slice %arg10[%dma_start3A_144, %dma_start3A_145, %dma_start3A_146] : memref<3x128x48xf32, #tpu.memory_space<vmem>> -> memref<1x128x48xf32, #tpu.memory_space<vmem>>
      %dma_start3A_148 = tpu.memref_squeeze %dma_start3A_147 : memref<1x128x48xf32, #tpu.memory_space<vmem>> -> memref<128x48xf32, #tpu.memory_space<vmem>>
      %dma_start3A_149 = arith.constant 0 : i32
      %dma_start3A_150 = tpu.memref_slice %arg8[%dma_start3A_143, %dma_start3A_149] : memref<5x128xi32, #tpu.memory_space<vmem>> -> memref<1x128xi32, #tpu.memory_space<vmem>>
      %dma_start3A_151 = tpu.memref_squeeze %dma_start3A_150 : memref<1x128xi32, #tpu.memory_space<vmem>> -> memref<128xi32, #tpu.memory_space<vmem>>
      %dma_start3A_152 = arith.constant 0 : i32
      %dma_start3A_153 = arith.constant 0 : i32
      %dma_start3A_154 = tpu.memref_slice %arg2[%dma_start3A_152, %dma_start3A_153] : memref<10240x48xf32, #tpu.memory_space<hbm>> -> memref<10240x48xf32, #tpu.memory_space<hbm>>
      tpu.enqueue_indirect_dma source(%dma_start3A_154 : memref<10240x48xf32, #tpu.memory_space<hbm>>) target(%dma_start3A_148 : memref<128x48xf32, #tpu.memory_space<vmem>>) offsets(%dma_start3A_151 : memref<128xi32, #tpu.memory_space<vmem>>) semaphore(%arg16 : memref<!tpu.dma_semaphore, #tpu.memory_space<semaphore_mem>>)
    } else {
    }
    %eq3A_51 = arith.constant 1 : i32
    %eq3A_52 = arith.constant 1 : i32
    %eq3A_53 = arith.cmpi eq, %eq3A_51, %eq3A_52 : i32
    %convert_element_type3A_54 = arith.extui %eq3A_53 : i1 to i32
    %cond3A_55 = arith.constant 0 : i32
    %cond3A_56 = arith.cmpi ne, %convert_element_type3A_54, %cond3A_55 : i32
    scf.if %cond3A_56 {
      %dma_start3A_143 = arith.constant 1 : i32
      %dma_start3A_144 = arith.constant 1 : i32
      %dma_start3A_145 = arith.constant 0 : i32
      %dma_start3A_146 = arith.constant 0 : i32
      %dma_start3A_147 = tpu.memref_slice %arg10[%dma_start3A_144, %dma_start3A_145, %dma_start3A_146] : memref<3x128x48xf32, #tpu.memory_space<vmem>> -> memref<1x128x48xf32, #tpu.memory_space<vmem>>
      %dma_start3A_148 = tpu.memref_squeeze %dma_start3A_147 : memref<1x128x48xf32, #tpu.memory_space<vmem>> -> memref<128x48xf32, #tpu.memory_space<vmem>>
      %dma_start3A_149 = arith.constant 0 : i32
      %dma_start3A_150 = tpu.memref_slice %arg8[%dma_start3A_143, %dma_start3A_149] : memref<5x128xi32, #tpu.memory_space<vmem>> -> memref<1x128xi32, #tpu.memory_space<vmem>>
      %dma_start3A_151 = tpu.memref_squeeze %dma_start3A_150 : memref<1x128xi32, #tpu.memory_space<vmem>> -> memref<128xi32, #tpu.memory_space<vmem>>
      %dma_start3A_152 = arith.constant 0 : i32
      %dma_start3A_153 = arith.constant 0 : i32
      %dma_start3A_154 = tpu.memref_slice %arg2[%dma_start3A_152, %dma_start3A_153] : memref<10240x48xf32, #tpu.memory_space<hbm>> -> memref<10240x48xf32, #tpu.memory_space<hbm>>
      tpu.enqueue_indirect_dma source(%dma_start3A_154 : memref<10240x48xf32, #tpu.memory_space<hbm>>) target(%dma_start3A_148 : memref<128x48xf32, #tpu.memory_space<vmem>>) offsets(%dma_start3A_151 : memref<128xi32, #tpu.memory_space<vmem>>) semaphore(%arg17 : memref<!tpu.dma_semaphore, #tpu.memory_space<semaphore_mem>>)
    } else {
    }
    %dma_start3A = arith.constant 2 : i32
    %dma_start3A_57 = arith.constant 2 : i32
    %dma_start3A_58 = arith.constant 0 : i32
    %dma_start3A_59 = tpu.memref_slice %arg8[%dma_start3A_57, %dma_start3A_58] : memref<5x128xi32, #tpu.memory_space<vmem>> -> memref<1x128xi32, #tpu.memory_space<vmem>>
    %dma_start3A_60 = tpu.memref_squeeze %dma_start3A_59 : memref<1x128xi32, #tpu.memory_space<vmem>> -> memref<128xi32, #tpu.memory_space<vmem>>
    %dma_start3A_61 = arith.constant 0 : i32
    %dma_start3A_62 = tpu.memref_slice %arg5[%add3A, %dma_start3A, %dma_start3A_61] : memref<32x81x128xi32, #tpu.memory_space<hbm>> -> memref<1x1x128xi32, #tpu.memory_space<hbm>>
    %dma_start3A_63 = tpu.memref_squeeze %dma_start3A_62 : memref<1x1x128xi32, #tpu.memory_space<hbm>> -> memref<128xi32, #tpu.memory_space<hbm>>
    %dma_start3A_64 = arith.constant 0 : i32
    %dma_start3A_65 = tpu.memref_slice %arg8[%dma_start3A_57, %dma_start3A_64] : memref<5x128xi32, #tpu.memory_space<vmem>> -> memref<1x128xi32, #tpu.memory_space<vmem>>
    %dma_start3A_66 = tpu.memref_squeeze %dma_start3A_65 : memref<1x128xi32, #tpu.memory_space<vmem>> -> memref<128xi32, #tpu.memory_space<vmem>>
    %dma_start3A_67 = arith.constant 0 : i32
    %dma_start3A_68 = tpu.memref_slice %arg5[%add3A, %dma_start3A, %dma_start3A_67] : memref<32x81x128xi32, #tpu.memory_space<hbm>> -> memref<1x1x128xi32, #tpu.memory_space<hbm>>
    %dma_start3A_69 = tpu.memref_squeeze %dma_start3A_68 : memref<1x1x128xi32, #tpu.memory_space<hbm>> -> memref<128xi32, #tpu.memory_space<hbm>>
    tpu.enqueue_dma source(%dma_start3A_69 : memref<128xi32, #tpu.memory_space<hbm>>) target(%dma_start3A_66 : memref<128xi32, #tpu.memory_space<vmem>>) target_semaphore(%arg18 : memref<!tpu.dma_semaphore, #tpu.memory_space<semaphore_mem>>)
    %dma_start3A_70 = arith.constant 2 : i32
    %dma_start3A_71 = arith.constant 2 : i32
    %dma_start3A_72 = arith.constant 0 : i32
    %dma_start3A_73 = tpu.memref_slice %arg9[%dma_start3A_71, %dma_start3A_72] : memref<5x128xi32, #tpu.memory_space<vmem>> -> memref<1x128xi32, #tpu.memory_space<vmem>>
    %dma_start3A_74 = tpu.memref_squeeze %dma_start3A_73 : memref<1x128xi32, #tpu.memory_space<vmem>> -> memref<128xi32, #tpu.memory_space<vmem>>
    %dma_start3A_75 = arith.constant 0 : i32
    %dma_start3A_76 = tpu.memref_slice %arg6[%add3A, %dma_start3A_70, %dma_start3A_75] : memref<32x81x128xi32, #tpu.memory_space<hbm>> -> memref<1x1x128xi32, #tpu.memory_space<hbm>>
    %dma_start3A_77 = tpu.memref_squeeze %dma_start3A_76 : memref<1x1x128xi32, #tpu.memory_space<hbm>> -> memref<128xi32, #tpu.memory_space<hbm>>
    %dma_start3A_78 = arith.constant 0 : i32
    %dma_start3A_79 = tpu.memref_slice %arg9[%dma_start3A_71, %dma_start3A_78] : memref<5x128xi32, #tpu.memory_space<vmem>> -> memref<1x128xi32, #tpu.memory_space<vmem>>
    %dma_start3A_80 = tpu.memref_squeeze %dma_start3A_79 : memref<1x128xi32, #tpu.memory_space<vmem>> -> memref<128xi32, #tpu.memory_space<vmem>>
    %dma_start3A_81 = arith.constant 0 : i32
    %dma_start3A_82 = tpu.memref_slice %arg6[%add3A, %dma_start3A_70, %dma_start3A_81] : memref<32x81x128xi32, #tpu.memory_space<hbm>> -> memref<1x1x128xi32, #tpu.memory_space<hbm>>
    %dma_start3A_83 = tpu.memref_squeeze %dma_start3A_82 : memref<1x1x128xi32, #tpu.memory_space<hbm>> -> memref<128xi32, #tpu.memory_space<hbm>>
    tpu.enqueue_dma source(%dma_start3A_83 : memref<128xi32, #tpu.memory_space<hbm>>) target(%dma_start3A_80 : memref<128xi32, #tpu.memory_space<vmem>>) target_semaphore(%arg18 : memref<!tpu.dma_semaphore, #tpu.memory_space<semaphore_mem>>)
    %scan3A = arith.constant 0 : i32
    %scan3A_84 = arith.constant 0 : i32
    %scan3A_85 = arith.constant 81 : i32
    %scan3A_86 = arith.addi %scan3A_84, %scan3A_85 : i32
    %scan3A_87 = arith.constant 1 : i32
    scf.for %scan3A_143 = %scan3A_84 to %scan3A_86 step %scan3A_87  : i32 {
      %rem3A = arith.constant 5 : i32
      %rem3A_144 = arith.remsi %scan3A_143, %rem3A : i32
      %rem3A_145 = arith.constant 3 : i32
      %rem3A_146 = arith.remsi %scan3A_143, %rem3A_145 : i32
      %and3A = arith.constant 1 : i32
      %and3A_147 = arith.andi %scan3A_143, %and3A : i32
      %ge3A = arith.constant 2 : i32
      %ge3A_148 = arith.cmpi sge, %scan3A_143, %ge3A : i32
      %eq3A_149 = arith.constant 0 : i32
      %eq3A_150 = arith.cmpi eq, %and3A_147, %eq3A_149 : i32
      %and3A_151 = arith.andi %ge3A_148, %eq3A_150 : i1
      %convert_element_type3A_152 = arith.extui %and3A_151 : i1 to i32
      %cond3A_153 = arith.constant 0 : i32
      %cond3A_154 = arith.cmpi ne, %convert_element_type3A_152, %cond3A_153 : i32
      scf.if %cond3A_154 {
        %dma_wait3A_202 = arith.constant 0 : i32
        %dma_wait3A_203 = arith.constant 0 : i32
        %dma_wait3A_204 = arith.constant 0 : i32
        %dma_wait3A_205 = tpu.memref_slice %arg14[%dma_wait3A_202, %dma_wait3A_203, %dma_wait3A_204] : memref<2x128x48xf32, #tpu.memory_space<vmem>> -> memref<1x128x48xf32, #tpu.memory_space<vmem>>
        %dma_wait3A_206 = tpu.memref_squeeze %dma_wait3A_205 : memref<1x128x48xf32, #tpu.memory_space<vmem>> -> memref<128x48xf32, #tpu.memory_space<vmem>>
        %dma_wait3A_207 = arith.constant 0 : i32
        %dma_wait3A_208 = tpu.memref_slice %arg9[%rem3A_144, %dma_wait3A_207] : memref<5x128xi32, #tpu.memory_space<vmem>> -> memref<1x128xi32, #tpu.memory_space<vmem>>
        %dma_wait3A_209 = tpu.memref_squeeze %dma_wait3A_208 : memref<1x128xi32, #tpu.memory_space<vmem>> -> memref<128xi32, #tpu.memory_space<vmem>>
        %dma_wait3A_210 = arith.constant 0 : i32
        %dma_wait3A_211 = arith.constant 0 : i32
        %dma_wait3A_212 = tpu.memref_slice %arg15[%dma_wait3A_210, %dma_wait3A_211] : memref<10240x48xf32, #tpu.memory_space<vmem_shared>> -> memref<10240x48xf32, #tpu.memory_space<vmem_shared>>
        tpu.wait_indirect_dma semaphore(%arg19 : memref<!tpu.dma_semaphore, #tpu.memory_space<semaphore_mem>>) src(%dma_wait3A_206 : memref<128x48xf32, #tpu.memory_space<vmem>>) dst(%dma_wait3A_212 : memref<10240x48xf32, #tpu.memory_space<vmem_shared>>)
      } else {
      }
      %ge3A_155 = arith.constant 2 : i32
      %ge3A_156 = arith.cmpi sge, %scan3A_143, %ge3A_155 : i32
      %eq3A_157 = arith.constant 1 : i32
      %eq3A_158 = arith.cmpi eq, %and3A_147, %eq3A_157 : i32
      %and3A_159 = arith.andi %ge3A_156, %eq3A_158 : i1
      %convert_element_type3A_160 = arith.extui %and3A_159 : i1 to i32
      %cond3A_161 = arith.constant 0 : i32
      %cond3A_162 = arith.cmpi ne, %convert_element_type3A_160, %cond3A_161 : i32
      scf.if %cond3A_162 {
        %dma_wait3A_202 = arith.constant 1 : i32
        %dma_wait3A_203 = arith.constant 0 : i32
        %dma_wait3A_204 = arith.constant 0 : i32
        %dma_wait3A_205 = tpu.memref_slice %arg14[%dma_wait3A_202, %dma_wait3A_203, %dma_wait3A_204] : memref<2x128x48xf32, #tpu.memory_space<vmem>> -> memref<1x128x48xf32, #tpu.memory_space<vmem>>
        %dma_wait3A_206 = tpu.memref_squeeze %dma_wait3A_205 : memref<1x128x48xf32, #tpu.memory_space<vmem>> -> memref<128x48xf32, #tpu.memory_space<vmem>>
        %dma_wait3A_207 = arith.constant 0 : i32
        %dma_wait3A_208 = tpu.memref_slice %arg9[%rem3A_144, %dma_wait3A_207] : memref<5x128xi32, #tpu.memory_space<vmem>> -> memref<1x128xi32, #tpu.memory_space<vmem>>
        %dma_wait3A_209 = tpu.memref_squeeze %dma_wait3A_208 : memref<1x128xi32, #tpu.memory_space<vmem>> -> memref<128xi32, #tpu.memory_space<vmem>>
        %dma_wait3A_210 = arith.constant 0 : i32
        %dma_wait3A_211 = arith.constant 0 : i32
        %dma_wait3A_212 = tpu.memref_slice %arg15[%dma_wait3A_210, %dma_wait3A_211] : memref<10240x48xf32, #tpu.memory_space<vmem_shared>> -> memref<10240x48xf32, #tpu.memory_space<vmem_shared>>
        tpu.wait_indirect_dma semaphore(%arg20 : memref<!tpu.dma_semaphore, #tpu.memory_space<semaphore_mem>>) src(%dma_wait3A_206 : memref<128x48xf32, #tpu.memory_space<vmem>>) dst(%dma_wait3A_212 : memref<10240x48xf32, #tpu.memory_space<vmem_shared>>)
      } else {
      }
      %eq3A_163 = arith.constant 0 : i32
      %eq3A_164 = arith.cmpi eq, %and3A_147, %eq3A_163 : i32
      %convert_element_type3A_165 = arith.extui %eq3A_164 : i1 to i32
      %cond3A_166 = arith.constant 0 : i32
      %cond3A_167 = arith.cmpi ne, %convert_element_type3A_165, %cond3A_166 : i32
      scf.if %cond3A_167 {
        %dma_wait3A_202 = arith.constant 0 : i32
        %dma_wait3A_203 = arith.constant 0 : i32
        %dma_wait3A_204 = tpu.memref_slice %arg10[%rem3A_146, %dma_wait3A_202, %dma_wait3A_203] : memref<3x128x48xf32, #tpu.memory_space<vmem>> -> memref<1x128x48xf32, #tpu.memory_space<vmem>>
        %dma_wait3A_205 = tpu.memref_squeeze %dma_wait3A_204 : memref<1x128x48xf32, #tpu.memory_space<vmem>> -> memref<128x48xf32, #tpu.memory_space<vmem>>
        %dma_wait3A_206 = arith.constant 0 : i32
        %dma_wait3A_207 = tpu.memref_slice %arg8[%rem3A_144, %dma_wait3A_206] : memref<5x128xi32, #tpu.memory_space<vmem>> -> memref<1x128xi32, #tpu.memory_space<vmem>>
        %dma_wait3A_208 = tpu.memref_squeeze %dma_wait3A_207 : memref<1x128xi32, #tpu.memory_space<vmem>> -> memref<128xi32, #tpu.memory_space<vmem>>
        %dma_wait3A_209 = arith.constant 0 : i32
        %dma_wait3A_210 = arith.constant 0 : i32
        %dma_wait3A_211 = tpu.memref_slice %arg2[%dma_wait3A_209, %dma_wait3A_210] : memref<10240x48xf32, #tpu.memory_space<hbm>> -> memref<10240x48xf32, #tpu.memory_space<hbm>>
        tpu.wait_indirect_dma semaphore(%arg16 : memref<!tpu.dma_semaphore, #tpu.memory_space<semaphore_mem>>) src(%dma_wait3A_211 : memref<10240x48xf32, #tpu.memory_space<hbm>>) dst(%dma_wait3A_205 : memref<128x48xf32, #tpu.memory_space<vmem>>)
      } else {
      }
      %eq3A_168 = arith.constant 1 : i32
      %eq3A_169 = arith.cmpi eq, %and3A_147, %eq3A_168 : i32
      %convert_element_type3A_170 = arith.extui %eq3A_169 : i1 to i32
      %cond3A_171 = arith.constant 0 : i32
      %cond3A_172 = arith.cmpi ne, %convert_element_type3A_170, %cond3A_171 : i32
      scf.if %cond3A_172 {
        %dma_wait3A_202 = arith.constant 0 : i32
        %dma_wait3A_203 = arith.constant 0 : i32
        %dma_wait3A_204 = tpu.memref_slice %arg10[%rem3A_146, %dma_wait3A_202, %dma_wait3A_203] : memref<3x128x48xf32, #tpu.memory_space<vmem>> -> memref<1x128x48xf32, #tpu.memory_space<vmem>>
        %dma_wait3A_205 = tpu.memref_squeeze %dma_wait3A_204 : memref<1x128x48xf32, #tpu.memory_space<vmem>> -> memref<128x48xf32, #tpu.memory_space<vmem>>
        %dma_wait3A_206 = arith.constant 0 : i32
        %dma_wait3A_207 = tpu.memref_slice %arg8[%rem3A_144, %dma_wait3A_206] : memref<5x128xi32, #tpu.memory_space<vmem>> -> memref<1x128xi32, #tpu.memory_space<vmem>>
        %dma_wait3A_208 = tpu.memref_squeeze %dma_wait3A_207 : memref<1x128xi32, #tpu.memory_space<vmem>> -> memref<128xi32, #tpu.memory_space<vmem>>
        %dma_wait3A_209 = arith.constant 0 : i32
        %dma_wait3A_210 = arith.constant 0 : i32
        %dma_wait3A_211 = tpu.memref_slice %arg2[%dma_wait3A_209, %dma_wait3A_210] : memref<10240x48xf32, #tpu.memory_space<hbm>> -> memref<10240x48xf32, #tpu.memory_space<hbm>>
        tpu.wait_indirect_dma semaphore(%arg17 : memref<!tpu.dma_semaphore, #tpu.memory_space<semaphore_mem>>) src(%dma_wait3A_211 : memref<10240x48xf32, #tpu.memory_space<hbm>>) dst(%dma_wait3A_205 : memref<128x48xf32, #tpu.memory_space<vmem>>)
      } else {
      }
      %add3A_173 = arith.constant 2 : i32
      %add3A_174 = arith.addi %scan3A_143, %add3A_173 : i32
      %lt3A = arith.constant 81 : i32
      %lt3A_175 = arith.cmpi slt, %add3A_174, %lt3A : i32
      %convert_element_type3A_176 = arith.extui %lt3A_175 : i1 to i32
      %cond3A_177 = arith.constant 0 : i32
      %cond3A_178 = arith.cmpi ne, %convert_element_type3A_176, %cond3A_177 : i32
      scf.if %cond3A_178 {
        %add3A_202 = arith.constant 2 : i32
        %add3A_203 = arith.addi %scan3A_143, %add3A_202 : i32
        %rem3A_204 = arith.constant 5 : i32
        %rem3A_205 = arith.remsi %add3A_203, %rem3A_204 : i32
        %add3A_206 = arith.constant 2 : i32
        %add3A_207 = arith.addi %scan3A_143, %add3A_206 : i32
        %rem3A_208 = arith.constant 3 : i32
        %rem3A_209 = arith.remsi %add3A_207, %rem3A_208 : i32
        %add3A_210 = arith.constant 2 : i32
        %add3A_211 = arith.addi %scan3A_143, %add3A_210 : i32
        %dma_wait3A_212 = arith.constant 0 : i32
        %dma_wait3A_213 = tpu.memref_slice %arg8[%rem3A_205, %dma_wait3A_212] : memref<5x128xi32, #tpu.memory_space<vmem>> -> memref<1x128xi32, #tpu.memory_space<vmem>>
        %dma_wait3A_214 = tpu.memref_squeeze %dma_wait3A_213 : memref<1x128xi32, #tpu.memory_space<vmem>> -> memref<128xi32, #tpu.memory_space<vmem>>
        %dma_wait3A_215 = arith.constant 0 : i32
        %dma_wait3A_216 = tpu.memref_slice %arg5[%add3A, %add3A_211, %dma_wait3A_215] : memref<32x81x128xi32, #tpu.memory_space<hbm>> -> memref<1x1x128xi32, #tpu.memory_space<hbm>>
        %dma_wait3A_217 = tpu.memref_squeeze %dma_wait3A_216 : memref<1x1x128xi32, #tpu.memory_space<hbm>> -> memref<128xi32, #tpu.memory_space<hbm>>
        %dma_wait3A_218 = arith.constant 0 : i32
        %dma_wait3A_219 = tpu.memref_slice %arg8[%rem3A_205, %dma_wait3A_218] : memref<5x128xi32, #tpu.memory_space<vmem>> -> memref<1x128xi32, #tpu.memory_space<vmem>>
        %dma_wait3A_220 = tpu.memref_squeeze %dma_wait3A_219 : memref<1x128xi32, #tpu.memory_space<vmem>> -> memref<128xi32, #tpu.memory_space<vmem>>
        %dma_wait3A_221 = arith.constant 0 : i32
        %dma_wait3A_222 = tpu.memref_slice %arg5[%add3A, %add3A_211, %dma_wait3A_221] : memref<32x81x128xi32, #tpu.memory_space<hbm>> -> memref<1x1x128xi32, #tpu.memory_space<hbm>>
        %dma_wait3A_223 = tpu.memref_squeeze %dma_wait3A_222 : memref<1x1x128xi32, #tpu.memory_space<hbm>> -> memref<128xi32, #tpu.memory_space<hbm>>
        tpu.wait_dma2 semaphore(%arg18 : memref<!tpu.dma_semaphore, #tpu.memory_space<semaphore_mem>>) src(%dma_wait3A_223 : memref<128xi32, #tpu.memory_space<hbm>>) dst(%dma_wait3A_220 : memref<128xi32, #tpu.memory_space<vmem>>)
        %add3A_224 = arith.constant 2 : i32
        %add3A_225 = arith.addi %scan3A_143, %add3A_224 : i32
        %dma_wait3A_226 = arith.constant 0 : i32
        %dma_wait3A_227 = tpu.memref_slice %arg9[%rem3A_205, %dma_wait3A_226] : memref<5x128xi32, #tpu.memory_space<vmem>> -> memref<1x128xi32, #tpu.memory_space<vmem>>
        %dma_wait3A_228 = tpu.memref_squeeze %dma_wait3A_227 : memref<1x128xi32, #tpu.memory_space<vmem>> -> memref<128xi32, #tpu.memory_space<vmem>>
        %dma_wait3A_229 = arith.constant 0 : i32
        %dma_wait3A_230 = tpu.memref_slice %arg6[%add3A, %add3A_225, %dma_wait3A_229] : memref<32x81x128xi32, #tpu.memory_space<hbm>> -> memref<1x1x128xi32, #tpu.memory_space<hbm>>
        %dma_wait3A_231 = tpu.memref_squeeze %dma_wait3A_230 : memref<1x1x128xi32, #tpu.memory_space<hbm>> -> memref<128xi32, #tpu.memory_space<hbm>>
        %dma_wait3A_232 = arith.constant 0 : i32
        %dma_wait3A_233 = tpu.memref_slice %arg9[%rem3A_205, %dma_wait3A_232] : memref<5x128xi32, #tpu.memory_space<vmem>> -> memref<1x128xi32, #tpu.memory_space<vmem>>
        %dma_wait3A_234 = tpu.memref_squeeze %dma_wait3A_233 : memref<1x128xi32, #tpu.memory_space<vmem>> -> memref<128xi32, #tpu.memory_space<vmem>>
        %dma_wait3A_235 = arith.constant 0 : i32
        %dma_wait3A_236 = tpu.memref_slice %arg6[%add3A, %add3A_225, %dma_wait3A_235] : memref<32x81x128xi32, #tpu.memory_space<hbm>> -> memref<1x1x128xi32, #tpu.memory_space<hbm>>
        %dma_wait3A_237 = tpu.memref_squeeze %dma_wait3A_236 : memref<1x1x128xi32, #tpu.memory_space<hbm>> -> memref<128xi32, #tpu.memory_space<hbm>>
        tpu.wait_dma2 semaphore(%arg18 : memref<!tpu.dma_semaphore, #tpu.memory_space<semaphore_mem>>) src(%dma_wait3A_237 : memref<128xi32, #tpu.memory_space<hbm>>) dst(%dma_wait3A_234 : memref<128xi32, #tpu.memory_space<vmem>>)
        %eq3A_238 = arith.constant 0 : i32
        %eq3A_239 = arith.cmpi eq, %and3A_147, %eq3A_238 : i32
        %convert_element_type3A_240 = arith.extui %eq3A_239 : i1 to i32
        %cond3A_241 = arith.constant 0 : i32
        %cond3A_242 = arith.cmpi ne, %convert_element_type3A_240, %cond3A_241 : i32
        scf.if %cond3A_242 {
          %dma_start3A_248 = arith.constant 0 : i32
          %dma_start3A_249 = arith.constant 0 : i32
          %dma_start3A_250 = tpu.memref_slice %arg10[%rem3A_209, %dma_start3A_248, %dma_start3A_249] : memref<3x128x48xf32, #tpu.memory_space<vmem>> -> memref<1x128x48xf32, #tpu.memory_space<vmem>>
          %dma_start3A_251 = tpu.memref_squeeze %dma_start3A_250 : memref<1x128x48xf32, #tpu.memory_space<vmem>> -> memref<128x48xf32, #tpu.memory_space<vmem>>
          %dma_start3A_252 = arith.constant 0 : i32
          %dma_start3A_253 = tpu.memref_slice %arg8[%rem3A_205, %dma_start3A_252] : memref<5x128xi32, #tpu.memory_space<vmem>> -> memref<1x128xi32, #tpu.memory_space<vmem>>
          %dma_start3A_254 = tpu.memref_squeeze %dma_start3A_253 : memref<1x128xi32, #tpu.memory_space<vmem>> -> memref<128xi32, #tpu.memory_space<vmem>>
          %dma_start3A_255 = arith.constant 0 : i32
          %dma_start3A_256 = arith.constant 0 : i32
          %dma_start3A_257 = tpu.memref_slice %arg2[%dma_start3A_255, %dma_start3A_256] : memref<10240x48xf32, #tpu.memory_space<hbm>> -> memref<10240x48xf32, #tpu.memory_space<hbm>>
          tpu.enqueue_indirect_dma source(%dma_start3A_257 : memref<10240x48xf32, #tpu.memory_space<hbm>>) target(%dma_start3A_251 : memref<128x48xf32, #tpu.memory_space<vmem>>) offsets(%dma_start3A_254 : memref<128xi32, #tpu.memory_space<vmem>>) semaphore(%arg16 : memref<!tpu.dma_semaphore, #tpu.memory_space<semaphore_mem>>)
        } else {
        }
        %eq3A_243 = arith.constant 1 : i32
        %eq3A_244 = arith.cmpi eq, %and3A_147, %eq3A_243 : i32
        %convert_element_type3A_245 = arith.extui %eq3A_244 : i1 to i32
        %cond3A_246 = arith.constant 0 : i32
        %cond3A_247 = arith.cmpi ne, %convert_element_type3A_245, %cond3A_246 : i32
        scf.if %cond3A_247 {
          %dma_start3A_248 = arith.constant 0 : i32
          %dma_start3A_249 = arith.constant 0 : i32
          %dma_start3A_250 = tpu.memref_slice %arg10[%rem3A_209, %dma_start3A_248, %dma_start3A_249] : memref<3x128x48xf32, #tpu.memory_space<vmem>> -> memref<1x128x48xf32, #tpu.memory_space<vmem>>
          %dma_start3A_251 = tpu.memref_squeeze %dma_start3A_250 : memref<1x128x48xf32, #tpu.memory_space<vmem>> -> memref<128x48xf32, #tpu.memory_space<vmem>>
          %dma_start3A_252 = arith.constant 0 : i32
          %dma_start3A_253 = tpu.memref_slice %arg8[%rem3A_205, %dma_start3A_252] : memref<5x128xi32, #tpu.memory_space<vmem>> -> memref<1x128xi32, #tpu.memory_space<vmem>>
          %dma_start3A_254 = tpu.memref_squeeze %dma_start3A_253 : memref<1x128xi32, #tpu.memory_space<vmem>> -> memref<128xi32, #tpu.memory_space<vmem>>
          %dma_start3A_255 = arith.constant 0 : i32
          %dma_start3A_256 = arith.constant 0 : i32
          %dma_start3A_257 = tpu.memref_slice %arg2[%dma_start3A_255, %dma_start3A_256] : memref<10240x48xf32, #tpu.memory_space<hbm>> -> memref<10240x48xf32, #tpu.memory_space<hbm>>
          tpu.enqueue_indirect_dma source(%dma_start3A_257 : memref<10240x48xf32, #tpu.memory_space<hbm>>) target(%dma_start3A_251 : memref<128x48xf32, #tpu.memory_space<vmem>>) offsets(%dma_start3A_254 : memref<128xi32, #tpu.memory_space<vmem>>) semaphore(%arg17 : memref<!tpu.dma_semaphore, #tpu.memory_space<semaphore_mem>>)
        } else {
        }
      } else {
      }
      %add3A_179 = arith.constant 3 : i32
      %add3A_180 = arith.addi %scan3A_143, %add3A_179 : i32
      %lt3A_181 = arith.constant 81 : i32
      %lt3A_182 = arith.cmpi slt, %add3A_180, %lt3A_181 : i32
      %convert_element_type3A_183 = arith.extui %lt3A_182 : i1 to i32
      %cond3A_184 = arith.constant 0 : i32
      %cond3A_185 = arith.cmpi ne, %convert_element_type3A_183, %cond3A_184 : i32
      scf.if %cond3A_185 {
        %add3A_202 = arith.constant 3 : i32
        %add3A_203 = arith.addi %scan3A_143, %add3A_202 : i32
        %rem3A_204 = arith.constant 5 : i32
        %rem3A_205 = arith.remsi %add3A_203, %rem3A_204 : i32
        %add3A_206 = arith.constant 3 : i32
        %add3A_207 = arith.addi %scan3A_143, %add3A_206 : i32
        %dma_start3A_208 = arith.constant 0 : i32
        %dma_start3A_209 = tpu.memref_slice %arg8[%rem3A_205, %dma_start3A_208] : memref<5x128xi32, #tpu.memory_space<vmem>> -> memref<1x128xi32, #tpu.memory_space<vmem>>
        %dma_start3A_210 = tpu.memref_squeeze %dma_start3A_209 : memref<1x128xi32, #tpu.memory_space<vmem>> -> memref<128xi32, #tpu.memory_space<vmem>>
        %dma_start3A_211 = arith.constant 0 : i32
        %dma_start3A_212 = tpu.memref_slice %arg5[%add3A, %add3A_207, %dma_start3A_211] : memref<32x81x128xi32, #tpu.memory_space<hbm>> -> memref<1x1x128xi32, #tpu.memory_space<hbm>>
        %dma_start3A_213 = tpu.memref_squeeze %dma_start3A_212 : memref<1x1x128xi32, #tpu.memory_space<hbm>> -> memref<128xi32, #tpu.memory_space<hbm>>
        %dma_start3A_214 = arith.constant 0 : i32
        %dma_start3A_215 = tpu.memref_slice %arg8[%rem3A_205, %dma_start3A_214] : memref<5x128xi32, #tpu.memory_space<vmem>> -> memref<1x128xi32, #tpu.memory_space<vmem>>
        %dma_start3A_216 = tpu.memref_squeeze %dma_start3A_215 : memref<1x128xi32, #tpu.memory_space<vmem>> -> memref<128xi32, #tpu.memory_space<vmem>>
        %dma_start3A_217 = arith.constant 0 : i32
        %dma_start3A_218 = tpu.memref_slice %arg5[%add3A, %add3A_207, %dma_start3A_217] : memref<32x81x128xi32, #tpu.memory_space<hbm>> -> memref<1x1x128xi32, #tpu.memory_space<hbm>>
        %dma_start3A_219 = tpu.memref_squeeze %dma_start3A_218 : memref<1x1x128xi32, #tpu.memory_space<hbm>> -> memref<128xi32, #tpu.memory_space<hbm>>
        tpu.enqueue_dma source(%dma_start3A_219 : memref<128xi32, #tpu.memory_space<hbm>>) target(%dma_start3A_216 : memref<128xi32, #tpu.memory_space<vmem>>) target_semaphore(%arg18 : memref<!tpu.dma_semaphore, #tpu.memory_space<semaphore_mem>>)
        %add3A_220 = arith.constant 3 : i32
        %add3A_221 = arith.addi %scan3A_143, %add3A_220 : i32
        %dma_start3A_222 = arith.constant 0 : i32
        %dma_start3A_223 = tpu.memref_slice %arg9[%rem3A_205, %dma_start3A_222] : memref<5x128xi32, #tpu.memory_space<vmem>> -> memref<1x128xi32, #tpu.memory_space<vmem>>
        %dma_start3A_224 = tpu.memref_squeeze %dma_start3A_223 : memref<1x128xi32, #tpu.memory_space<vmem>> -> memref<128xi32, #tpu.memory_space<vmem>>
        %dma_start3A_225 = arith.constant 0 : i32
        %dma_start3A_226 = tpu.memref_slice %arg6[%add3A, %add3A_221, %dma_start3A_225] : memref<32x81x128xi32, #tpu.memory_space<hbm>> -> memref<1x1x128xi32, #tpu.memory_space<hbm>>
        %dma_start3A_227 = tpu.memref_squeeze %dma_start3A_226 : memref<1x1x128xi32, #tpu.memory_space<hbm>> -> memref<128xi32, #tpu.memory_space<hbm>>
        %dma_start3A_228 = arith.constant 0 : i32
        %dma_start3A_229 = tpu.memref_slice %arg9[%rem3A_205, %dma_start3A_228] : memref<5x128xi32, #tpu.memory_space<vmem>> -> memref<1x128xi32, #tpu.memory_space<vmem>>
        %dma_start3A_230 = tpu.memref_squeeze %dma_start3A_229 : memref<1x128xi32, #tpu.memory_space<vmem>> -> memref<128xi32, #tpu.memory_space<vmem>>
        %dma_start3A_231 = arith.constant 0 : i32
        %dma_start3A_232 = tpu.memref_slice %arg6[%add3A, %add3A_221, %dma_start3A_231] : memref<32x81x128xi32, #tpu.memory_space<hbm>> -> memref<1x1x128xi32, #tpu.memory_space<hbm>>
        %dma_start3A_233 = tpu.memref_squeeze %dma_start3A_232 : memref<1x1x128xi32, #tpu.memory_space<hbm>> -> memref<128xi32, #tpu.memory_space<hbm>>
        tpu.enqueue_dma source(%dma_start3A_233 : memref<128xi32, #tpu.memory_space<hbm>>) target(%dma_start3A_230 : memref<128xi32, #tpu.memory_space<vmem>>) target_semaphore(%arg18 : memref<!tpu.dma_semaphore, #tpu.memory_space<semaphore_mem>>)
      } else {
      }
      %parallel_loop3A_186 = arith.constant 0 : i32
      %parallel_loop3A_187 = arith.constant 8 : i32
      %parallel_loop3A_188 = arith.constant 1 : i32
      scf.for %parallel_loop3A_202 = %parallel_loop3A_186 to %parallel_loop3A_187 step %parallel_loop3A_188  : i32 {
        %parallel_loop3A_203 = arith.constant 16 : i32
        %parallel_loop3A_204 = arith.muli %parallel_loop3A_203, %parallel_loop3A_202 : i32
        %parallel_loop3A_205 = arith.index_cast %rem3A_146 : i32 to index
        %parallel_loop3A_206 = arith.index_cast %parallel_loop3A_204 : i32 to index
        %parallel_loop3A_207 = tpu.vector_load %arg8[%parallel_loop3A_205, %parallel_loop3A_206] {strides = array<i32>} : memref<5x128xi32, #tpu.memory_space<vmem>>, vector<16xi32>,
        %parallel_loop3A_208 = arith.constant 16 : i32
        %parallel_loop3A_209 = arith.muli %parallel_loop3A_208, %parallel_loop3A_202 : i32
        %parallel_loop3A_210 = arith.index_cast %rem3A_146 : i32 to index
        %parallel_loop3A_211 = arith.index_cast %parallel_loop3A_209 : i32 to index
        %parallel_loop3A_212 = tpu.vector_load %arg9[%parallel_loop3A_210, %parallel_loop3A_211] {strides = array<i32>} : memref<5x128xi32, #tpu.memory_space<vmem>>, vector<16xi32>,
        %parallel_loop3A_213 = tpu.vector_load_idx %arg11[%parallel_loop3A_207] : memref<10240xf32, #tpu.memory_space<vmem>>[vector<16xi32>], vector<16xf32>,
        %parallel_loop3A_214 = tpu.vector_load_idx %arg12[%parallel_loop3A_212] : memref<10240xf32, #tpu.memory_space<vmem>>[vector<16xi32>], vector<16xf32>,
        %parallel_loop3A_215 = arith.addf %parallel_loop3A_213, %parallel_loop3A_214 : vector<16xf32>
        %parallel_loop3A_216 = arith.constant 0.000000e+00 : f32
        %parallel_loop3A_217 = vector.broadcast %parallel_loop3A_216 : f32 to vector<16xf32>
        %parallel_loop3A_218 = arith.cmpf oge, %parallel_loop3A_215, %parallel_loop3A_217 : vector<16xf32>
        %parallel_loop3A_219 = arith.constant 2.000000e-01 : f32
        %parallel_loop3A_220 = vector.broadcast %parallel_loop3A_219 : f32 to vector<16xf32>
        %parallel_loop3A_221 = arith.mulf %parallel_loop3A_220, %parallel_loop3A_215 : vector<16xf32>
        %parallel_loop3A_222 = arith.select %parallel_loop3A_218, %parallel_loop3A_215, %parallel_loop3A_221 : vector<16xi1>, vector<16xf32>
        %parallel_loop3A_223 = math.exp %parallel_loop3A_222 : vector<16xf32>
        %parallel_loop3A_224 = arith.constant 16 : i32
        %parallel_loop3A_225 = arith.muli %parallel_loop3A_224, %parallel_loop3A_202 : i32
        %parallel_loop3A_226 = arith.index_cast %parallel_loop3A_225 : i32 to index
        %parallel_loop3A_227 = tpu.vector_load %arg13[%parallel_loop3A_226] {strides = array<i32>} : memref<128xf32, #tpu.memory_space<vmem>>, vector<16xf32>,
        tpu.vector_store %arg13[%parallel_loop3A_226], %parallel_loop3A_223 {strides = array<i32>} : memref<128xf32, #tpu.memory_space<vmem>>, vector<16xf32>,
      } {sc.loop_unroll_factor = 2 : i64, sc.parallel_access}
      %parallel_loop3A_189 = arith.constant 0 : i32
      %parallel_loop3A_190 = arith.constant 128 : i32
      %parallel_loop3A_191 = arith.constant 1 : i32
      scf.for %parallel_loop3A_202 = %parallel_loop3A_189 to %parallel_loop3A_190 step %parallel_loop3A_191  : i32 {
        %parallel_loop3A_203 = tpu.iota {dimensions = array<i32: 0>} : vector<16xi32>
        %parallel_loop3A_204 = arith.constant 0 : i32
        %parallel_loop3A_205 = vector.broadcast %parallel_loop3A_204 : i32 to vector<16xi32>
        %parallel_loop3A_206 = arith.andi %parallel_loop3A_203, %parallel_loop3A_205 : vector<16xi32>
        %parallel_loop3A_207 = vector.broadcast %parallel_loop3A_202 : i32 to vector<16xi32>
        %parallel_loop3A_208 = arith.addi %parallel_loop3A_206, %parallel_loop3A_207 : vector<16xi32>
        %parallel_loop3A_209 = tpu.vector_load_idx %arg13[%parallel_loop3A_208] : memref<128xf32, #tpu.memory_space<vmem>>[vector<16xi32>], vector<16xf32>,
        %parallel_loop3A_210 = arith.index_cast %rem3A_146 : i32 to index
        %parallel_loop3A_211 = arith.index_cast %parallel_loop3A_202 : i32 to index
        %parallel_loop3A_212 = arith.constant 0 : index
        %parallel_loop3A_213 = tpu.vector_load %arg10[%parallel_loop3A_210, %parallel_loop3A_211, %parallel_loop3A_212] {strides = array<i32>} : memref<3x128x48xf32, #tpu.memory_space<vmem>>, vector<16xf32>,
        %parallel_loop3A_214 = arith.mulf %parallel_loop3A_213, %parallel_loop3A_209 : vector<16xf32>
        %parallel_loop3A_215 = arith.index_cast %and3A_147 : i32 to index
        %parallel_loop3A_216 = arith.index_cast %parallel_loop3A_202 : i32 to index
        %parallel_loop3A_217 = arith.constant 0 : index
        %parallel_loop3A_218 = tpu.vector_load %arg14[%parallel_loop3A_215, %parallel_loop3A_216, %parallel_loop3A_217] {strides = array<i32>} : memref<2x128x48xf32, #tpu.memory_space<vmem>>, vector<16xf32>,
        tpu.vector_store %arg14[%parallel_loop3A_215, %parallel_loop3A_216, %parallel_loop3A_217], %parallel_loop3A_214 {strides = array<i32>} : memref<2x128x48xf32, #tpu.memory_space<vmem>>, vector<16xf32>,
        %parallel_loop3A_219 = arith.index_cast %rem3A_146 : i32 to index
        %parallel_loop3A_220 = arith.index_cast %parallel_loop3A_202 : i32 to index
        %parallel_loop3A_221 = arith.constant 16 : index
        %parallel_loop3A_222 = tpu.vector_load %arg10[%parallel_loop3A_219, %parallel_loop3A_220, %parallel_loop3A_221] {strides = array<i32>} : memref<3x128x48xf32, #tpu.memory_space<vmem>>, vector<16xf32>,
        %parallel_loop3A_223 = arith.mulf %parallel_loop3A_222, %parallel_loop3A_209 : vector<16xf32>
        %parallel_loop3A_224 = arith.index_cast %and3A_147 : i32 to index
        %parallel_loop3A_225 = arith.index_cast %parallel_loop3A_202 : i32 to index
        %parallel_loop3A_226 = arith.constant 16 : index
        %parallel_loop3A_227 = tpu.vector_load %arg14[%parallel_loop3A_224, %parallel_loop3A_225, %parallel_loop3A_226] {strides = array<i32>} : memref<2x128x48xf32, #tpu.memory_space<vmem>>, vector<16xf32>,
        tpu.vector_store %arg14[%parallel_loop3A_224, %parallel_loop3A_225, %parallel_loop3A_226], %parallel_loop3A_223 {strides = array<i32>} : memref<2x128x48xf32, #tpu.memory_space<vmem>>, vector<16xf32>,
        %parallel_loop3A_228 = arith.index_cast %rem3A_146 : i32 to index
        %parallel_loop3A_229 = arith.index_cast %parallel_loop3A_202 : i32 to index
        %parallel_loop3A_230 = arith.constant 32 : index
        %parallel_loop3A_231 = tpu.vector_load %arg10[%parallel_loop3A_228, %parallel_loop3A_229, %parallel_loop3A_230] {strides = array<i32>} : memref<3x128x48xf32, #tpu.memory_space<vmem>>, vector<16xf32>,
        %parallel_loop3A_232 = arith.mulf %parallel_loop3A_231, %parallel_loop3A_209 : vector<16xf32>
        %parallel_loop3A_233 = arith.index_cast %and3A_147 : i32 to index
        %parallel_loop3A_234 = arith.index_cast %parallel_loop3A_202 : i32 to index
        %parallel_loop3A_235 = arith.constant 32 : index
        %parallel_loop3A_236 = tpu.vector_load %arg14[%parallel_loop3A_233, %parallel_loop3A_234, %parallel_loop3A_235] {strides = array<i32>} : memref<2x128x48xf32, #tpu.memory_space<vmem>>, vector<16xf32>,
        tpu.vector_store %arg14[%parallel_loop3A_233, %parallel_loop3A_234, %parallel_loop3A_235], %parallel_loop3A_232 {strides = array<i32>} : memref<2x128x48xf32, #tpu.memory_space<vmem>>, vector<16xf32>,
      } {sc.loop_unroll_factor = 4 : i64, sc.parallel_access}
      %eq3A_192 = arith.constant 0 : i32
      %eq3A_193 = arith.cmpi eq, %and3A_147, %eq3A_192 : i32
      %convert_element_type3A_194 = arith.extui %eq3A_193 : i1 to i32
      %cond3A_195 = arith.constant 0 : i32
      %cond3A_196 = arith.cmpi ne, %convert_element_type3A_194, %cond3A_195 : i32
      scf.if %cond3A_196 {
        %dma_start3A_202 = arith.constant 0 : i32
        %dma_start3A_203 = arith.constant 0 : i32
        %dma_start3A_204 = arith.constant 0 : i32
        %dma_start3A_205 = tpu.memref_slice %arg14[%dma_start3A_202, %dma_start3A_203, %dma_start3A_204] : memref<2x128x48xf32, #tpu.memory_space<vmem>> -> memref<1x128x48xf32, #tpu.memory_space<vmem>>
        %dma_start3A_206 = tpu.memref_squeeze %dma_start3A_205 : memref<1x128x48xf32, #tpu.memory_space<vmem>> -> memref<128x48xf32, #tpu.memory_space<vmem>>
        %dma_start3A_207 = arith.constant 0 : i32
        %dma_start3A_208 = tpu.memref_slice %arg9[%rem3A_144, %dma_start3A_207] : memref<5x128xi32, #tpu.memory_space<vmem>> -> memref<1x128xi32, #tpu.memory_space<vmem>>
        %dma_start3A_209 = tpu.memref_squeeze %dma_start3A_208 : memref<1x128xi32, #tpu.memory_space<vmem>> -> memref<128xi32, #tpu.memory_space<vmem>>
        %dma_start3A_210 = arith.constant 0 : i32
        %dma_start3A_211 = arith.constant 0 : i32
        %dma_start3A_212 = tpu.memref_slice %arg15[%dma_start3A_210, %dma_start3A_211] : memref<10240x48xf32, #tpu.memory_space<vmem_shared>> -> memref<10240x48xf32, #tpu.memory_space<vmem_shared>>
        tpu.enqueue_indirect_dma source(%dma_start3A_206 : memref<128x48xf32, #tpu.memory_space<vmem>>) target(%dma_start3A_212 : memref<10240x48xf32, #tpu.memory_space<vmem_shared>>) offsets(%dma_start3A_209 : memref<128xi32, #tpu.memory_space<vmem>>) semaphore(%arg19 : memref<!tpu.dma_semaphore, #tpu.memory_space<semaphore_mem>>) {add = true}
      } else {
      }
      %eq3A_197 = arith.constant 1 : i32
      %eq3A_198 = arith.cmpi eq, %and3A_147, %eq3A_197 : i32
      %convert_element_type3A_199 = arith.extui %eq3A_198 : i1 to i32
      %cond3A_200 = arith.constant 0 : i32
      %cond3A_201 = arith.cmpi ne, %convert_element_type3A_199, %cond3A_200 : i32
      scf.if %cond3A_201 {
        %dma_start3A_202 = arith.constant 1 : i32
        %dma_start3A_203 = arith.constant 0 : i32
        %dma_start3A_204 = arith.constant 0 : i32
        %dma_start3A_205 = tpu.memref_slice %arg14[%dma_start3A_202, %dma_start3A_203, %dma_start3A_204] : memref<2x128x48xf32, #tpu.memory_space<vmem>> -> memref<1x128x48xf32, #tpu.memory_space<vmem>>
        %dma_start3A_206 = tpu.memref_squeeze %dma_start3A_205 : memref<1x128x48xf32, #tpu.memory_space<vmem>> -> memref<128x48xf32, #tpu.memory_space<vmem>>
        %dma_start3A_207 = arith.constant 0 : i32
        %dma_start3A_208 = tpu.memref_slice %arg9[%rem3A_144, %dma_start3A_207] : memref<5x128xi32, #tpu.memory_space<vmem>> -> memref<1x128xi32, #tpu.memory_space<vmem>>
        %dma_start3A_209 = tpu.memref_squeeze %dma_start3A_208 : memref<1x128xi32, #tpu.memory_space<vmem>> -> memref<128xi32, #tpu.memory_space<vmem>>
        %dma_start3A_210 = arith.constant 0 : i32
        %dma_start3A_211 = arith.constant 0 : i32
        %dma_start3A_212 = tpu.memref_slice %arg15[%dma_start3A_210, %dma_start3A_211] : memref<10240x48xf32, #tpu.memory_space<vmem_shared>> -> memref<10240x48xf32, #tpu.memory_space<vmem_shared>>
        tpu.enqueue_indirect_dma source(%dma_start3A_206 : memref<128x48xf32, #tpu.memory_space<vmem>>) target(%dma_start3A_212 : memref<10240x48xf32, #tpu.memory_space<vmem_shared>>) offsets(%dma_start3A_209 : memref<128xi32, #tpu.memory_space<vmem>>) semaphore(%arg20 : memref<!tpu.dma_semaphore, #tpu.memory_space<semaphore_mem>>) {add = true}
      } else {
      }
    }
    %scan3A_88 = arith.constant 81 : i32
    %dma_wait3A = arith.constant 1 : i32
    %dma_wait3A_89 = arith.constant 4 : i32
    %dma_wait3A_90 = arith.constant 0 : i32
    %dma_wait3A_91 = arith.constant 0 : i32
    %dma_wait3A_92 = tpu.memref_slice %arg14[%dma_wait3A, %dma_wait3A_90, %dma_wait3A_91] : memref<2x128x48xf32, #tpu.memory_space<vmem>> -> memref<1x128x48xf32, #tpu.memory_space<vmem>>
    %dma_wait3A_93 = tpu.memref_squeeze %dma_wait3A_92 : memref<1x128x48xf32, #tpu.memory_space<vmem>> -> memref<128x48xf32, #tpu.memory_space<vmem>>
    %dma_wait3A_94 = arith.constant 0 : i32
    %dma_wait3A_95 = tpu.memref_slice %arg9[%dma_wait3A_89, %dma_wait3A_94] : memref<5x128xi32, #tpu.memory_space<vmem>> -> memref<1x128xi32, #tpu.memory_space<vmem>>
    %dma_wait3A_96 = tpu.memref_squeeze %dma_wait3A_95 : memref<1x128xi32, #tpu.memory_space<vmem>> -> memref<128xi32, #tpu.memory_space<vmem>>
    %dma_wait3A_97 = arith.constant 0 : i32
    %dma_wait3A_98 = arith.constant 0 : i32
    %dma_wait3A_99 = tpu.memref_slice %arg15[%dma_wait3A_97, %dma_wait3A_98] : memref<10240x48xf32, #tpu.memory_space<vmem_shared>> -> memref<10240x48xf32, #tpu.memory_space<vmem_shared>>
    tpu.wait_indirect_dma semaphore(%arg20 : memref<!tpu.dma_semaphore, #tpu.memory_space<semaphore_mem>>) src(%dma_wait3A_93 : memref<128x48xf32, #tpu.memory_space<vmem>>) dst(%dma_wait3A_99 : memref<10240x48xf32, #tpu.memory_space<vmem_shared>>)
    %dma_wait3A_100 = arith.constant 0 : i32
    %dma_wait3A_101 = arith.constant 0 : i32
    %dma_wait3A_102 = arith.constant 0 : i32
    %dma_wait3A_103 = arith.constant 0 : i32
    %dma_wait3A_104 = tpu.memref_slice %arg14[%dma_wait3A_100, %dma_wait3A_102, %dma_wait3A_103] : memref<2x128x48xf32, #tpu.memory_space<vmem>> -> memref<1x128x48xf32, #tpu.memory_space<vmem>>
    %dma_wait3A_105 = tpu.memref_squeeze %dma_wait3A_104 : memref<1x128x48xf32, #tpu.memory_space<vmem>> -> memref<128x48xf32, #tpu.memory_space<vmem>>
    %dma_wait3A_106 = arith.constant 0 : i32
    %dma_wait3A_107 = tpu.memref_slice %arg9[%dma_wait3A_101, %dma_wait3A_106] : memref<5x128xi32, #tpu.memory_space<vmem>> -> memref<1x128xi32, #tpu.memory_space<vmem>>
    %dma_wait3A_108 = tpu.memref_squeeze %dma_wait3A_107 : memref<1x128xi32, #tpu.memory_space<vmem>> -> memref<128xi32, #tpu.memory_space<vmem>>
    %dma_wait3A_109 = arith.constant 0 : i32
    %dma_wait3A_110 = arith.constant 0 : i32
    %dma_wait3A_111 = tpu.memref_slice %arg15[%dma_wait3A_109, %dma_wait3A_110] : memref<10240x48xf32, #tpu.memory_space<vmem_shared>> -> memref<10240x48xf32, #tpu.memory_space<vmem_shared>>
    tpu.wait_indirect_dma semaphore(%arg19 : memref<!tpu.dma_semaphore, #tpu.memory_space<semaphore_mem>>) src(%dma_wait3A_105 : memref<128x48xf32, #tpu.memory_space<vmem>>) dst(%dma_wait3A_111 : memref<10240x48xf32, #tpu.memory_space<vmem_shared>>)
    %barrier3A_112 = arith.constant 0 : index
    tpu.barrier barrier_id(%barrier3A_112)
    %mul3A_113 = arith.constant 640 : i32
    %mul3A_114 = arith.muli %arg1, %mul3A_113 : i32
    %add3A_115 = arith.constant 0 : i32
    %add3A_116 = arith.addi %mul3A_114, %add3A_115 : i32
    %run_scoped3A_117 = arith.constant 0 : i32
    "tpu.region"() ({
      %run_scoped3A_143 = tpu.sem_alloc : memref<!tpu.dma_semaphore, #tpu.memory_space<semaphore_mem>>
      %dma_start3A_144 = arith.constant 0 : i32
      %dma_start3A_145 = arith.constant 0 : i32
      %dma_start3A_146 = tpu.memref_slice %arg14[%run_scoped3A_117, %dma_start3A_144, %dma_start3A_145] : memref<2x128x48xf32, #tpu.memory_space<vmem>> -> memref<1x128x48xf32, #tpu.memory_space<vmem>>
      %dma_start3A_147 = tpu.memref_squeeze %dma_start3A_146 : memref<1x128x48xf32, #tpu.memory_space<vmem>> -> memref<128x48xf32, #tpu.memory_space<vmem>>
      %dma_start3A_148 = arith.constant 0 : i32
      %dma_start3A_149 = tpu.memref_slice %arg15[%add3A_116, %dma_start3A_148] : memref<10240x48xf32, #tpu.memory_space<vmem_shared>> -> memref<128x48xf32, #tpu.memory_space<vmem_shared>>
      %dma_start3A_150 = arith.constant 0 : i32
      %dma_start3A_151 = arith.constant 0 : i32
      %dma_start3A_152 = tpu.memref_slice %arg14[%run_scoped3A_117, %dma_start3A_150, %dma_start3A_151] : memref<2x128x48xf32, #tpu.memory_space<vmem>> -> memref<1x128x48xf32, #tpu.memory_space<vmem>>
      %dma_start3A_153 = tpu.memref_squeeze %dma_start3A_152 : memref<1x128x48xf32, #tpu.memory_space<vmem>> -> memref<128x48xf32, #tpu.memory_space<vmem>>
      %dma_start3A_154 = arith.constant 0 : i32
      %dma_start3A_155 = tpu.memref_slice %arg15[%add3A_116, %dma_start3A_154] : memref<10240x48xf32, #tpu.memory_space<vmem_shared>> -> memref<128x48xf32, #tpu.memory_space<vmem_shared>>
      tpu.enqueue_dma source(%dma_start3A_155 : memref<128x48xf32, #tpu.memory_space<vmem_shared>>) target(%dma_start3A_153 : memref<128x48xf32, #tpu.memory_space<vmem>>) target_semaphore(%run_scoped3A_143 : memref<!tpu.dma_semaphore, #tpu.memory_space<semaphore_mem>>)
      %dma_wait3A_156 = arith.constant 0 : i32
      %dma_wait3A_157 = arith.constant 0 : i32
      %dma_wait3A_158 = tpu.memref_slice %arg14[%run_scoped3A_117, %dma_wait3A_156, %dma_wait3A_157] : memref<2x128x48xf32, #tpu.memory_space<vmem>> -> memref<1x128x48xf32, #tpu.memory_space<vmem>>
      %dma_wait3A_159 = tpu.memref_squeeze %dma_wait3A_158 : memref<1x128x48xf32, #tpu.memory_space<vmem>> -> memref<128x48xf32, #tpu.memory_space<vmem>>
      %dma_wait3A_160 = arith.constant 0 : i32
      %dma_wait3A_161 = tpu.memref_slice %arg15[%add3A_116, %dma_wait3A_160] : memref<10240x48xf32, #tpu.memory_space<vmem_shared>> -> memref<128x48xf32, #tpu.memory_space<vmem_shared>>
      %dma_wait3A_162 = arith.constant 0 : i32
      %dma_wait3A_163 = arith.constant 0 : i32
      %dma_wait3A_164 = tpu.memref_slice %arg14[%run_scoped3A_117, %dma_wait3A_162, %dma_wait3A_163] : memref<2x128x48xf32, #tpu.memory_space<vmem>> -> memref<1x128x48xf32, #tpu.memory_space<vmem>>
      %dma_wait3A_165 = tpu.memref_squeeze %dma_wait3A_164 : memref<1x128x48xf32, #tpu.memory_space<vmem>> -> memref<128x48xf32, #tpu.memory_space<vmem>>
      %dma_wait3A_166 = arith.constant 0 : i32
      %dma_wait3A_167 = tpu.memref_slice %arg15[%add3A_116, %dma_wait3A_166] : memref<10240x48xf32, #tpu.memory_space<vmem_shared>> -> memref<128x48xf32, #tpu.memory_space<vmem_shared>>
      tpu.wait_dma2 semaphore(%run_scoped3A_143 : memref<!tpu.dma_semaphore, #tpu.memory_space<semaphore_mem>>) src(%dma_wait3A_167 : memref<128x48xf32, #tpu.memory_space<vmem_shared>>) dst(%dma_wait3A_165 : memref<128x48xf32, #tpu.memory_space<vmem>>)
      tpu.yield
    }) : () -> ()
    %run_scoped3A_118 = arith.constant 0 : i32
    "tpu.region"() ({
      %run_scoped3A_143 = tpu.sem_alloc : memref<!tpu.dma_semaphore, #tpu.memory_space<semaphore_mem>>
      %dma_start3A_144 = arith.constant 0 : i32
      %dma_start3A_145 = arith.constant 0 : i32
      %dma_start3A_146 = tpu.memref_slice %arg14[%run_scoped3A_118, %dma_start3A_144, %dma_start3A_145] : memref<2x128x48xf32, #tpu.memory_space<vmem>> -> memref<1x128x48xf32, #tpu.memory_space<vmem>>
      %dma_start3A_147 = tpu.memref_squeeze %dma_start3A_146 : memref<1x128x48xf32, #tpu.memory_space<vmem>> -> memref<128x48xf32, #tpu.memory_space<vmem>>
      %dma_start3A_148 = arith.constant 0 : i32
      %dma_start3A_149 = tpu.memref_slice %arg7[%arg0, %add3A_116, %dma_start3A_148] : memref<2x10240x48xf32, #tpu.memory_space<hbm>> -> memref<1x128x48xf32, #tpu.memory_space<hbm>>
      %dma_start3A_150 = tpu.memref_squeeze %dma_start3A_149 : memref<1x128x48xf32, #tpu.memory_space<hbm>> -> memref<128x48xf32, #tpu.memory_space<hbm>>
      %dma_start3A_151 = arith.constant 0 : i32
      %dma_start3A_152 = tpu.memref_slice %arg7[%arg0, %add3A_116, %dma_start3A_151] : memref<2x10240x48xf32, #tpu.memory_space<hbm>> -> memref<1x128x48xf32, #tpu.memory_space<hbm>>
      %dma_start3A_153 = tpu.memref_squeeze %dma_start3A_152 : memref<1x128x48xf32, #tpu.memory_space<hbm>> -> memref<128x48xf32, #tpu.memory_space<hbm>>
      %dma_start3A_154 = arith.constant 0 : i32
      %dma_start3A_155 = arith.constant 0 : i32
      %dma_start3A_156 = tpu.memref_slice %arg14[%run_scoped3A_118, %dma_start3A_154, %dma_start3A_155] : memref<2x128x48xf32, #tpu.memory_space<vmem>> -> memref<1x128x48xf32, #tpu.memory_space<vmem>>
      %dma_start3A_157 = tpu.memref_squeeze %dma_start3A_156 : memref<1x128x48xf32, #tpu.memory_space<vmem>> -> memref<128x48xf32, #tpu.memory_space<vmem>>
      tpu.enqueue_dma source(%dma_start3A_157 : memref<128x48xf32, #tpu.memory_space<vmem>>) target(%dma_start3A_153 : memref<128x48xf32, #tpu.memory_space<hbm>>) target_semaphore(%run_scoped3A_143 : memref<!tpu.dma_semaphore, #tpu.memory_space<semaphore_mem>>)
      %dma_wait3A_158 = arith.constant 0 : i32
      %dma_wait3A_159 = arith.constant 0 : i32
      %dma_wait3A_160 = tpu.memref_slice %arg14[%run_scoped3A_118, %dma_wait3A_158, %dma_wait3A_159] : memref<2x128x48xf32, #tpu.memory_space<vmem>> -> memref<1x128x48xf32, #tpu.memory_space<vmem>>
      %dma_wait3A_161 = tpu.memref_squeeze %dma_wait3A_160 : memref<1x128x48xf32, #tpu.memory_space<vmem>> -> memref<128x48xf32, #tpu.memory_space<vmem>>
      %dma_wait3A_162 = arith.constant 0 : i32
      %dma_wait3A_163 = tpu.memref_slice %arg7[%arg0, %add3A_116, %dma_wait3A_162] : memref<2x10240x48xf32, #tpu.memory_space<hbm>> -> memref<1x128x48xf32, #tpu.memory_space<hbm>>
      %dma_wait3A_164 = tpu.memref_squeeze %dma_wait3A_163 : memref<1x128x48xf32, #tpu.memory_space<hbm>> -> memref<128x48xf32, #tpu.memory_space<hbm>>
      %dma_wait3A_165 = arith.constant 0 : i32
      %dma_wait3A_166 = tpu.memref_slice %arg7[%arg0, %add3A_116, %dma_wait3A_165] : memref<2x10240x48xf32, #tpu.memory_space<hbm>> -> memref<1x128x48xf32, #tpu.memory_space<hbm>>
      %dma_wait3A_167 = tpu.memref_squeeze %dma_wait3A_166 : memref<1x128x48xf32, #tpu.memory_space<hbm>> -> memref<128x48xf32, #tpu.memory_space<hbm>>
      %dma_wait3A_168 = arith.constant 0 : i32
      %dma_wait3A_169 = arith.constant 0 : i32
      %dma_wait3A_170 = tpu.memref_slice %arg14[%run_scoped3A_118, %dma_wait3A_168, %dma_wait3A_169] : memref<2x128x48xf32, #tpu.memory_space<vmem>> -> memref<1x128x48xf32, #tpu.memory_space<vmem>>
      %dma_wait3A_171 = tpu.memref_squeeze %dma_wait3A_170 : memref<1x128x48xf32, #tpu.memory_space<vmem>> -> memref<128x48xf32, #tpu.memory_space<vmem>>
      tpu.wait_dma2 semaphore(%run_scoped3A_143 : memref<!tpu.dma_semaphore, #tpu.memory_space<semaphore_mem>>) src(%dma_wait3A_171 : memref<128x48xf32, #tpu.memory_space<vmem>>) dst(%dma_wait3A_167 : memref<128x48xf32, #tpu.memory_space<hbm>>)
      tpu.yield
    }) : () -> ()
    %mul3A_119 = arith.constant 640 : i32
    %mul3A_120 = arith.muli %arg1, %mul3A_119 : i32
    %add3A_121 = arith.constant 128 : i32
    %add3A_122 = arith.addi %mul3A_120, %add3A_121 : i32
    %run_scoped3A_123 = arith.constant 0 : i32
    "tpu.region"() ({
      %run_scoped3A_143 = tpu.sem_alloc : memref<!tpu.dma_semaphore, #tpu.memory_space<semaphore_mem>>
      %dma_start3A_144 = arith.constant 0 : i32
      %dma_start3A_145 = arith.constant 0 : i32
      %dma_start3A_146 = tpu.memref_slice %arg14[%run_scoped3A_123, %dma_start3A_144, %dma_start3A_145] : memref<2x128x48xf32, #tpu.memory_space<vmem>> -> memref<1x128x48xf32, #tpu.memory_space<vmem>>
      %dma_start3A_147 = tpu.memref_squeeze %dma_start3A_146 : memref<1x128x48xf32, #tpu.memory_space<vmem>> -> memref<128x48xf32, #tpu.memory_space<vmem>>
      %dma_start3A_148 = arith.constant 0 : i32
      %dma_start3A_149 = tpu.memref_slice %arg15[%add3A_122, %dma_start3A_148] : memref<10240x48xf32, #tpu.memory_space<vmem_shared>> -> memref<128x48xf32, #tpu.memory_space<vmem_shared>>
      %dma_start3A_150 = arith.constant 0 : i32
      %dma_start3A_151 = arith.constant 0 : i32
      %dma_start3A_152 = tpu.memref_slice %arg14[%run_scoped3A_123, %dma_start3A_150, %dma_start3A_151] : memref<2x128x48xf32, #tpu.memory_space<vmem>> -> memref<1x128x48xf32, #tpu.memory_space<vmem>>
      %dma_start3A_153 = tpu.memref_squeeze %dma_start3A_152 : memref<1x128x48xf32, #tpu.memory_space<vmem>> -> memref<128x48xf32, #tpu.memory_space<vmem>>
      %dma_start3A_154 = arith.constant 0 : i32
      %dma_start3A_155 = tpu.memref_slice %arg15[%add3A_122, %dma_start3A_154] : memref<10240x48xf32, #tpu.memory_space<vmem_shared>> -> memref<128x48xf32, #tpu.memory_space<vmem_shared>>
      tpu.enqueue_dma source(%dma_start3A_155 : memref<128x48xf32, #tpu.memory_space<vmem_shared>>) target(%dma_start3A_153 : memref<128x48xf32, #tpu.memory_space<vmem>>) target_semaphore(%run_scoped3A_143 : memref<!tpu.dma_semaphore, #tpu.memory_space<semaphore_mem>>)
      %dma_wait3A_156 = arith.constant 0 : i32
      %dma_wait3A_157 = arith.constant 0 : i32
      %dma_wait3A_158 = tpu.memref_slice %arg14[%run_scoped3A_123, %dma_wait3A_156, %dma_wait3A_157] : memref<2x128x48xf32, #tpu.memory_space<vmem>> -> memref<1x128x48xf32, #tpu.memory_space<vmem>>
      %dma_wait3A_159 = tpu.memref_squeeze %dma_wait3A_158 : memref<1x128x48xf32, #tpu.memory_space<vmem>> -> memref<128x48xf32, #tpu.memory_space<vmem>>
      %dma_wait3A_160 = arith.constant 0 : i32
      %dma_wait3A_161 = tpu.memref_slice %arg15[%add3A_122, %dma_wait3A_160] : memref<10240x48xf32, #tpu.memory_space<vmem_shared>> -> memref<128x48xf32, #tpu.memory_space<vmem_shared>>
      %dma_wait3A_162 = arith.constant 0 : i32
      %dma_wait3A_163 = arith.constant 0 : i32
      %dma_wait3A_164 = tpu.memref_slice %arg14[%run_scoped3A_123, %dma_wait3A_162, %dma_wait3A_163] : memref<2x128x48xf32, #tpu.memory_space<vmem>> -> memref<1x128x48xf32, #tpu.memory_space<vmem>>
      %dma_wait3A_165 = tpu.memref_squeeze %dma_wait3A_164 : memref<1x128x48xf32, #tpu.memory_space<vmem>> -> memref<128x48xf32, #tpu.memory_space<vmem>>
      %dma_wait3A_166 = arith.constant 0 : i32
      %dma_wait3A_167 = tpu.memref_slice %arg15[%add3A_122, %dma_wait3A_166] : memref<10240x48xf32, #tpu.memory_space<vmem_shared>> -> memref<128x48xf32, #tpu.memory_space<vmem_shared>>
      tpu.wait_dma2 semaphore(%run_scoped3A_143 : memref<!tpu.dma_semaphore, #tpu.memory_space<semaphore_mem>>) src(%dma_wait3A_167 : memref<128x48xf32, #tpu.memory_space<vmem_shared>>) dst(%dma_wait3A_165 : memref<128x48xf32, #tpu.memory_space<vmem>>)
      tpu.yield
    }) : () -> ()
    %run_scoped3A_124 = arith.constant 0 : i32
    "tpu.region"() ({
      %run_scoped3A_143 = tpu.sem_alloc : memref<!tpu.dma_semaphore, #tpu.memory_space<semaphore_mem>>
      %dma_start3A_144 = arith.constant 0 : i32
      %dma_start3A_145 = arith.constant 0 : i32
      %dma_start3A_146 = tpu.memref_slice %arg14[%run_scoped3A_124, %dma_start3A_144, %dma_start3A_145] : memref<2x128x48xf32, #tpu.memory_space<vmem>> -> memref<1x128x48xf32, #tpu.memory_space<vmem>>
      %dma_start3A_147 = tpu.memref_squeeze %dma_start3A_146 : memref<1x128x48xf32, #tpu.memory_space<vmem>> -> memref<128x48xf32, #tpu.memory_space<vmem>>
      %dma_start3A_148 = arith.constant 0 : i32
      %dma_start3A_149 = tpu.memref_slice %arg7[%arg0, %add3A_122, %dma_start3A_148] : memref<2x10240x48xf32, #tpu.memory_space<hbm>> -> memref<1x128x48xf32, #tpu.memory_space<hbm>>
      %dma_start3A_150 = tpu.memref_squeeze %dma_start3A_149 : memref<1x128x48xf32, #tpu.memory_space<hbm>> -> memref<128x48xf32, #tpu.memory_space<hbm>>
      %dma_start3A_151 = arith.constant 0 : i32
      %dma_start3A_152 = tpu.memref_slice %arg7[%arg0, %add3A_122, %dma_start3A_151] : memref<2x10240x48xf32, #tpu.memory_space<hbm>> -> memref<1x128x48xf32, #tpu.memory_space<hbm>>
      %dma_start3A_153 = tpu.memref_squeeze %dma_start3A_152 : memref<1x128x48xf32, #tpu.memory_space<hbm>> -> memref<128x48xf32, #tpu.memory_space<hbm>>
      %dma_start3A_154 = arith.constant 0 : i32
      %dma_start3A_155 = arith.constant 0 : i32
      %dma_start3A_156 = tpu.memref_slice %arg14[%run_scoped3A_124, %dma_start3A_154, %dma_start3A_155] : memref<2x128x48xf32, #tpu.memory_space<vmem>> -> memref<1x128x48xf32, #tpu.memory_space<vmem>>
      %dma_start3A_157 = tpu.memref_squeeze %dma_start3A_156 : memref<1x128x48xf32, #tpu.memory_space<vmem>> -> memref<128x48xf32, #tpu.memory_space<vmem>>
      tpu.enqueue_dma source(%dma_start3A_157 : memref<128x48xf32, #tpu.memory_space<vmem>>) target(%dma_start3A_153 : memref<128x48xf32, #tpu.memory_space<hbm>>) target_semaphore(%run_scoped3A_143 : memref<!tpu.dma_semaphore, #tpu.memory_space<semaphore_mem>>)
      %dma_wait3A_158 = arith.constant 0 : i32
      %dma_wait3A_159 = arith.constant 0 : i32
      %dma_wait3A_160 = tpu.memref_slice %arg14[%run_scoped3A_124, %dma_wait3A_158, %dma_wait3A_159] : memref<2x128x48xf32, #tpu.memory_space<vmem>> -> memref<1x128x48xf32, #tpu.memory_space<vmem>>
      %dma_wait3A_161 = tpu.memref_squeeze %dma_wait3A_160 : memref<1x128x48xf32, #tpu.memory_space<vmem>> -> memref<128x48xf32, #tpu.memory_space<vmem>>
      %dma_wait3A_162 = arith.constant 0 : i32
      %dma_wait3A_163 = tpu.memref_slice %arg7[%arg0, %add3A_122, %dma_wait3A_162] : memref<2x10240x48xf32, #tpu.memory_space<hbm>> -> memref<1x128x48xf32, #tpu.memory_space<hbm>>
      %dma_wait3A_164 = tpu.memref_squeeze %dma_wait3A_163 : memref<1x128x48xf32, #tpu.memory_space<hbm>> -> memref<128x48xf32, #tpu.memory_space<hbm>>
      %dma_wait3A_165 = arith.constant 0 : i32
      %dma_wait3A_166 = tpu.memref_slice %arg7[%arg0, %add3A_122, %dma_wait3A_165] : memref<2x10240x48xf32, #tpu.memory_space<hbm>> -> memref<1x128x48xf32, #tpu.memory_space<hbm>>
      %dma_wait3A_167 = tpu.memref_squeeze %dma_wait3A_166 : memref<1x128x48xf32, #tpu.memory_space<hbm>> -> memref<128x48xf32, #tpu.memory_space<hbm>>
      %dma_wait3A_168 = arith.constant 0 : i32
      %dma_wait3A_169 = arith.constant 0 : i32
      %dma_wait3A_170 = tpu.memref_slice %arg14[%run_scoped3A_124, %dma_wait3A_168, %dma_wait3A_169] : memref<2x128x48xf32, #tpu.memory_space<vmem>> -> memref<1x128x48xf32, #tpu.memory_space<vmem>>
      %dma_wait3A_171 = tpu.memref_squeeze %dma_wait3A_170 : memref<1x128x48xf32, #tpu.memory_space<vmem>> -> memref<128x48xf32, #tpu.memory_space<vmem>>
      tpu.wait_dma2 semaphore(%run_scoped3A_143 : memref<!tpu.dma_semaphore, #tpu.memory_space<semaphore_mem>>) src(%dma_wait3A_171 : memref<128x48xf32, #tpu.memory_space<vmem>>) dst(%dma_wait3A_167 : memref<128x48xf32, #tpu.memory_space<hbm>>)
      tpu.yield
    }) : () -> ()
    %mul3A_125 = arith.constant 640 : i32
    %mul3A_126 = arith.muli %arg1, %mul3A_125 : i32
    %add3A_127 = arith.constant 256 : i32
    %add3A_128 = arith.addi %mul3A_126, %add3A_127 : i32
    %run_scoped3A_129 = arith.constant 0 : i32
    "tpu.region"() ({
      %run_scoped3A_143 = tpu.sem_alloc : memref<!tpu.dma_semaphore, #tpu.memory_space<semaphore_mem>>
      %dma_start3A_144 = arith.constant 0 : i32
      %dma_start3A_145 = arith.constant 0 : i32
      %dma_start3A_146 = tpu.memref_slice %arg14[%run_scoped3A_129, %dma_start3A_144, %dma_start3A_145] : memref<2x128x48xf32, #tpu.memory_space<vmem>> -> memref<1x128x48xf32, #tpu.memory_space<vmem>>
      %dma_start3A_147 = tpu.memref_squeeze %dma_start3A_146 : memref<1x128x48xf32, #tpu.memory_space<vmem>> -> memref<128x48xf32, #tpu.memory_space<vmem>>
      %dma_start3A_148 = arith.constant 0 : i32
      %dma_start3A_149 = tpu.memref_slice %arg15[%add3A_128, %dma_start3A_148] : memref<10240x48xf32, #tpu.memory_space<vmem_shared>> -> memref<128x48xf32, #tpu.memory_space<vmem_shared>>
      %dma_start3A_150 = arith.constant 0 : i32
      %dma_start3A_151 = arith.constant 0 : i32
      %dma_start3A_152 = tpu.memref_slice %arg14[%run_scoped3A_129, %dma_start3A_150, %dma_start3A_151] : memref<2x128x48xf32, #tpu.memory_space<vmem>> -> memref<1x128x48xf32, #tpu.memory_space<vmem>>
      %dma_start3A_153 = tpu.memref_squeeze %dma_start3A_152 : memref<1x128x48xf32, #tpu.memory_space<vmem>> -> memref<128x48xf32, #tpu.memory_space<vmem>>
      %dma_start3A_154 = arith.constant 0 : i32
      %dma_start3A_155 = tpu.memref_slice %arg15[%add3A_128, %dma_start3A_154] : memref<10240x48xf32, #tpu.memory_space<vmem_shared>> -> memref<128x48xf32, #tpu.memory_space<vmem_shared>>
      tpu.enqueue_dma source(%dma_start3A_155 : memref<128x48xf32, #tpu.memory_space<vmem_shared>>) target(%dma_start3A_153 : memref<128x48xf32, #tpu.memory_space<vmem>>) target_semaphore(%run_scoped3A_143 : memref<!tpu.dma_semaphore, #tpu.memory_space<semaphore_mem>>)
      %dma_wait3A_156 = arith.constant 0 : i32
      %dma_wait3A_157 = arith.constant 0 : i32
      %dma_wait3A_158 = tpu.memref_slice %arg14[%run_scoped3A_129, %dma_wait3A_156, %dma_wait3A_157] : memref<2x128x48xf32, #tpu.memory_space<vmem>> -> memref<1x128x48xf32, #tpu.memory_space<vmem>>
      %dma_wait3A_159 = tpu.memref_squeeze %dma_wait3A_158 : memref<1x128x48xf32, #tpu.memory_space<vmem>> -> memref<128x48xf32, #tpu.memory_space<vmem>>
      %dma_wait3A_160 = arith.constant 0 : i32
      %dma_wait3A_161 = tpu.memref_slice %arg15[%add3A_128, %dma_wait3A_160] : memref<10240x48xf32, #tpu.memory_space<vmem_shared>> -> memref<128x48xf32, #tpu.memory_space<vmem_shared>>
      %dma_wait3A_162 = arith.constant 0 : i32
      %dma_wait3A_163 = arith.constant 0 : i32
      %dma_wait3A_164 = tpu.memref_slice %arg14[%run_scoped3A_129, %dma_wait3A_162, %dma_wait3A_163] : memref<2x128x48xf32, #tpu.memory_space<vmem>> -> memref<1x128x48xf32, #tpu.memory_space<vmem>>
      %dma_wait3A_165 = tpu.memref_squeeze %dma_wait3A_164 : memref<1x128x48xf32, #tpu.memory_space<vmem>> -> memref<128x48xf32, #tpu.memory_space<vmem>>
      %dma_wait3A_166 = arith.constant 0 : i32
      %dma_wait3A_167 = tpu.memref_slice %arg15[%add3A_128, %dma_wait3A_166] : memref<10240x48xf32, #tpu.memory_space<vmem_shared>> -> memref<128x48xf32, #tpu.memory_space<vmem_shared>>
      tpu.wait_dma2 semaphore(%run_scoped3A_143 : memref<!tpu.dma_semaphore, #tpu.memory_space<semaphore_mem>>) src(%dma_wait3A_167 : memref<128x48xf32, #tpu.memory_space<vmem_shared>>) dst(%dma_wait3A_165 : memref<128x48xf32, #tpu.memory_space<vmem>>)
      tpu.yield
    }) : () -> ()
    %run_scoped3A_130 = arith.constant 0 : i32
    "tpu.region"() ({
      %run_scoped3A_143 = tpu.sem_alloc : memref<!tpu.dma_semaphore, #tpu.memory_space<semaphore_mem>>
      %dma_start3A_144 = arith.constant 0 : i32
      %dma_start3A_145 = arith.constant 0 : i32
      %dma_start3A_146 = tpu.memref_slice %arg14[%run_scoped3A_130, %dma_start3A_144, %dma_start3A_145] : memref<2x128x48xf32, #tpu.memory_space<vmem>> -> memref<1x128x48xf32, #tpu.memory_space<vmem>>
      %dma_start3A_147 = tpu.memref_squeeze %dma_start3A_146 : memref<1x128x48xf32, #tpu.memory_space<vmem>> -> memref<128x48xf32, #tpu.memory_space<vmem>>
      %dma_start3A_148 = arith.constant 0 : i32
      %dma_start3A_149 = tpu.memref_slice %arg7[%arg0, %add3A_128, %dma_start3A_148] : memref<2x10240x48xf32, #tpu.memory_space<hbm>> -> memref<1x128x48xf32, #tpu.memory_space<hbm>>
      %dma_start3A_150 = tpu.memref_squeeze %dma_start3A_149 : memref<1x128x48xf32, #tpu.memory_space<hbm>> -> memref<128x48xf32, #tpu.memory_space<hbm>>
      %dma_start3A_151 = arith.constant 0 : i32
      %dma_start3A_152 = tpu.memref_slice %arg7[%arg0, %add3A_128, %dma_start3A_151] : memref<2x10240x48xf32, #tpu.memory_space<hbm>> -> memref<1x128x48xf32, #tpu.memory_space<hbm>>
      %dma_start3A_153 = tpu.memref_squeeze %dma_start3A_152 : memref<1x128x48xf32, #tpu.memory_space<hbm>> -> memref<128x48xf32, #tpu.memory_space<hbm>>
      %dma_start3A_154 = arith.constant 0 : i32
      %dma_start3A_155 = arith.constant 0 : i32
      %dma_start3A_156 = tpu.memref_slice %arg14[%run_scoped3A_130, %dma_start3A_154, %dma_start3A_155] : memref<2x128x48xf32, #tpu.memory_space<vmem>> -> memref<1x128x48xf32, #tpu.memory_space<vmem>>
      %dma_start3A_157 = tpu.memref_squeeze %dma_start3A_156 : memref<1x128x48xf32, #tpu.memory_space<vmem>> -> memref<128x48xf32, #tpu.memory_space<vmem>>
      tpu.enqueue_dma source(%dma_start3A_157 : memref<128x48xf32, #tpu.memory_space<vmem>>) target(%dma_start3A_153 : memref<128x48xf32, #tpu.memory_space<hbm>>) target_semaphore(%run_scoped3A_143 : memref<!tpu.dma_semaphore, #tpu.memory_space<semaphore_mem>>)
      %dma_wait3A_158 = arith.constant 0 : i32
      %dma_wait3A_159 = arith.constant 0 : i32
      %dma_wait3A_160 = tpu.memref_slice %arg14[%run_scoped3A_130, %dma_wait3A_158, %dma_wait3A_159] : memref<2x128x48xf32, #tpu.memory_space<vmem>> -> memref<1x128x48xf32, #tpu.memory_space<vmem>>
      %dma_wait3A_161 = tpu.memref_squeeze %dma_wait3A_160 : memref<1x128x48xf32, #tpu.memory_space<vmem>> -> memref<128x48xf32, #tpu.memory_space<vmem>>
      %dma_wait3A_162 = arith.constant 0 : i32
      %dma_wait3A_163 = tpu.memref_slice %arg7[%arg0, %add3A_128, %dma_wait3A_162] : memref<2x10240x48xf32, #tpu.memory_space<hbm>> -> memref<1x128x48xf32, #tpu.memory_space<hbm>>
      %dma_wait3A_164 = tpu.memref_squeeze %dma_wait3A_163 : memref<1x128x48xf32, #tpu.memory_space<hbm>> -> memref<128x48xf32, #tpu.memory_space<hbm>>
      %dma_wait3A_165 = arith.constant 0 : i32
      %dma_wait3A_166 = tpu.memref_slice %arg7[%arg0, %add3A_128, %dma_wait3A_165] : memref<2x10240x48xf32, #tpu.memory_space<hbm>> -> memref<1x128x48xf32, #tpu.memory_space<hbm>>
      %dma_wait3A_167 = tpu.memref_squeeze %dma_wait3A_166 : memref<1x128x48xf32, #tpu.memory_space<hbm>> -> memref<128x48xf32, #tpu.memory_space<hbm>>
      %dma_wait3A_168 = arith.constant 0 : i32
      %dma_wait3A_169 = arith.constant 0 : i32
      %dma_wait3A_170 = tpu.memref_slice %arg14[%run_scoped3A_130, %dma_wait3A_168, %dma_wait3A_169] : memref<2x128x48xf32, #tpu.memory_space<vmem>> -> memref<1x128x48xf32, #tpu.memory_space<vmem>>
      %dma_wait3A_171 = tpu.memref_squeeze %dma_wait3A_170 : memref<1x128x48xf32, #tpu.memory_space<vmem>> -> memref<128x48xf32, #tpu.memory_space<vmem>>
      tpu.wait_dma2 semaphore(%run_scoped3A_143 : memref<!tpu.dma_semaphore, #tpu.memory_space<semaphore_mem>>) src(%dma_wait3A_171 : memref<128x48xf32, #tpu.memory_space<vmem>>) dst(%dma_wait3A_167 : memref<128x48xf32, #tpu.memory_space<hbm>>)
      tpu.yield
    }) : () -> ()
    %mul3A_131 = arith.constant 640 : i32
    %mul3A_132 = arith.muli %arg1, %mul3A_131 : i32
    %add3A_133 = arith.constant 384 : i32
    %add3A_134 = arith.addi %mul3A_132, %add3A_133 : i32
    %run_scoped3A_135 = arith.constant 0 : i32
    "tpu.region"() ({
      %run_scoped3A_143 = tpu.sem_alloc : memref<!tpu.dma_semaphore, #tpu.memory_space<semaphore_mem>>
      %dma_start3A_144 = arith.constant 0 : i32
      %dma_start3A_145 = arith.constant 0 : i32
      %dma_start3A_146 = tpu.memref_slice %arg14[%run_scoped3A_135, %dma_start3A_144, %dma_start3A_145] : memref<2x128x48xf32, #tpu.memory_space<vmem>> -> memref<1x128x48xf32, #tpu.memory_space<vmem>>
      %dma_start3A_147 = tpu.memref_squeeze %dma_start3A_146 : memref<1x128x48xf32, #tpu.memory_space<vmem>> -> memref<128x48xf32, #tpu.memory_space<vmem>>
      %dma_start3A_148 = arith.constant 0 : i32
      %dma_start3A_149 = tpu.memref_slice %arg15[%add3A_134, %dma_start3A_148] : memref<10240x48xf32, #tpu.memory_space<vmem_shared>> -> memref<128x48xf32, #tpu.memory_space<vmem_shared>>
      %dma_start3A_150 = arith.constant 0 : i32
      %dma_start3A_151 = arith.constant 0 : i32
      %dma_start3A_152 = tpu.memref_slice %arg14[%run_scoped3A_135, %dma_start3A_150, %dma_start3A_151] : memref<2x128x48xf32, #tpu.memory_space<vmem>> -> memref<1x128x48xf32, #tpu.memory_space<vmem>>
      %dma_start3A_153 = tpu.memref_squeeze %dma_start3A_152 : memref<1x128x48xf32, #tpu.memory_space<vmem>> -> memref<128x48xf32, #tpu.memory_space<vmem>>
      %dma_start3A_154 = arith.constant 0 : i32
      %dma_start3A_155 = tpu.memref_slice %arg15[%add3A_134, %dma_start3A_154] : memref<10240x48xf32, #tpu.memory_space<vmem_shared>> -> memref<128x48xf32, #tpu.memory_space<vmem_shared>>
      tpu.enqueue_dma source(%dma_start3A_155 : memref<128x48xf32, #tpu.memory_space<vmem_shared>>) target(%dma_start3A_153 : memref<128x48xf32, #tpu.memory_space<vmem>>) target_semaphore(%run_scoped3A_143 : memref<!tpu.dma_semaphore, #tpu.memory_space<semaphore_mem>>)
      %dma_wait3A_156 = arith.constant 0 : i32
      %dma_wait3A_157 = arith.constant 0 : i32
      %dma_wait3A_158 = tpu.memref_slice %arg14[%run_scoped3A_135, %dma_wait3A_156, %dma_wait3A_157] : memref<2x128x48xf32, #tpu.memory_space<vmem>> -> memref<1x128x48xf32, #tpu.memory_space<vmem>>
      %dma_wait3A_159 = tpu.memref_squeeze %dma_wait3A_158 : memref<1x128x48xf32, #tpu.memory_space<vmem>> -> memref<128x48xf32, #tpu.memory_space<vmem>>
      %dma_wait3A_160 = arith.constant 0 : i32
      %dma_wait3A_161 = tpu.memref_slice %arg15[%add3A_134, %dma_wait3A_160] : memref<10240x48xf32, #tpu.memory_space<vmem_shared>> -> memref<128x48xf32, #tpu.memory_space<vmem_shared>>
      %dma_wait3A_162 = arith.constant 0 : i32
      %dma_wait3A_163 = arith.constant 0 : i32
      %dma_wait3A_164 = tpu.memref_slice %arg14[%run_scoped3A_135, %dma_wait3A_162, %dma_wait3A_163] : memref<2x128x48xf32, #tpu.memory_space<vmem>> -> memref<1x128x48xf32, #tpu.memory_space<vmem>>
      %dma_wait3A_165 = tpu.memref_squeeze %dma_wait3A_164 : memref<1x128x48xf32, #tpu.memory_space<vmem>> -> memref<128x48xf32, #tpu.memory_space<vmem>>
      %dma_wait3A_166 = arith.constant 0 : i32
      %dma_wait3A_167 = tpu.memref_slice %arg15[%add3A_134, %dma_wait3A_166] : memref<10240x48xf32, #tpu.memory_space<vmem_shared>> -> memref<128x48xf32, #tpu.memory_space<vmem_shared>>
      tpu.wait_dma2 semaphore(%run_scoped3A_143 : memref<!tpu.dma_semaphore, #tpu.memory_space<semaphore_mem>>) src(%dma_wait3A_167 : memref<128x48xf32, #tpu.memory_space<vmem_shared>>) dst(%dma_wait3A_165 : memref<128x48xf32, #tpu.memory_space<vmem>>)
      tpu.yield
    }) : () -> ()
    %run_scoped3A_136 = arith.constant 0 : i32
    "tpu.region"() ({
      %run_scoped3A_143 = tpu.sem_alloc : memref<!tpu.dma_semaphore, #tpu.memory_space<semaphore_mem>>
      %dma_start3A_144 = arith.constant 0 : i32
      %dma_start3A_145 = arith.constant 0 : i32
      %dma_start3A_146 = tpu.memref_slice %arg14[%run_scoped3A_136, %dma_start3A_144, %dma_start3A_145] : memref<2x128x48xf32, #tpu.memory_space<vmem>> -> memref<1x128x48xf32, #tpu.memory_space<vmem>>
      %dma_start3A_147 = tpu.memref_squeeze %dma_start3A_146 : memref<1x128x48xf32, #tpu.memory_space<vmem>> -> memref<128x48xf32, #tpu.memory_space<vmem>>
      %dma_start3A_148 = arith.constant 0 : i32
      %dma_start3A_149 = tpu.memref_slice %arg7[%arg0, %add3A_134, %dma_start3A_148] : memref<2x10240x48xf32, #tpu.memory_space<hbm>> -> memref<1x128x48xf32, #tpu.memory_space<hbm>>
      %dma_start3A_150 = tpu.memref_squeeze %dma_start3A_149 : memref<1x128x48xf32, #tpu.memory_space<hbm>> -> memref<128x48xf32, #tpu.memory_space<hbm>>
      %dma_start3A_151 = arith.constant 0 : i32
      %dma_start3A_152 = tpu.memref_slice %arg7[%arg0, %add3A_134, %dma_start3A_151] : memref<2x10240x48xf32, #tpu.memory_space<hbm>> -> memref<1x128x48xf32, #tpu.memory_space<hbm>>
      %dma_start3A_153 = tpu.memref_squeeze %dma_start3A_152 : memref<1x128x48xf32, #tpu.memory_space<hbm>> -> memref<128x48xf32, #tpu.memory_space<hbm>>
      %dma_start3A_154 = arith.constant 0 : i32
      %dma_start3A_155 = arith.constant 0 : i32
      %dma_start3A_156 = tpu.memref_slice %arg14[%run_scoped3A_136, %dma_start3A_154, %dma_start3A_155] : memref<2x128x48xf32, #tpu.memory_space<vmem>> -> memref<1x128x48xf32, #tpu.memory_space<vmem>>
      %dma_start3A_157 = tpu.memref_squeeze %dma_start3A_156 : memref<1x128x48xf32, #tpu.memory_space<vmem>> -> memref<128x48xf32, #tpu.memory_space<vmem>>
      tpu.enqueue_dma source(%dma_start3A_157 : memref<128x48xf32, #tpu.memory_space<vmem>>) target(%dma_start3A_153 : memref<128x48xf32, #tpu.memory_space<hbm>>) target_semaphore(%run_scoped3A_143 : memref<!tpu.dma_semaphore, #tpu.memory_space<semaphore_mem>>)
      %dma_wait3A_158 = arith.constant 0 : i32
      %dma_wait3A_159 = arith.constant 0 : i32
      %dma_wait3A_160 = tpu.memref_slice %arg14[%run_scoped3A_136, %dma_wait3A_158, %dma_wait3A_159] : memref<2x128x48xf32, #tpu.memory_space<vmem>> -> memref<1x128x48xf32, #tpu.memory_space<vmem>>
      %dma_wait3A_161 = tpu.memref_squeeze %dma_wait3A_160 : memref<1x128x48xf32, #tpu.memory_space<vmem>> -> memref<128x48xf32, #tpu.memory_space<vmem>>
      %dma_wait3A_162 = arith.constant 0 : i32
      %dma_wait3A_163 = tpu.memref_slice %arg7[%arg0, %add3A_134, %dma_wait3A_162] : memref<2x10240x48xf32, #tpu.memory_space<hbm>> -> memref<1x128x48xf32, #tpu.memory_space<hbm>>
      %dma_wait3A_164 = tpu.memref_squeeze %dma_wait3A_163 : memref<1x128x48xf32, #tpu.memory_space<hbm>> -> memref<128x48xf32, #tpu.memory_space<hbm>>
      %dma_wait3A_165 = arith.constant 0 : i32
      %dma_wait3A_166 = tpu.memref_slice %arg7[%arg0, %add3A_134, %dma_wait3A_165] : memref<2x10240x48xf32, #tpu.memory_space<hbm>> -> memref<1x128x48xf32, #tpu.memory_space<hbm>>
      %dma_wait3A_167 = tpu.memref_squeeze %dma_wait3A_166 : memref<1x128x48xf32, #tpu.memory_space<hbm>> -> memref<128x48xf32, #tpu.memory_space<hbm>>
      %dma_wait3A_168 = arith.constant 0 : i32
      %dma_wait3A_169 = arith.constant 0 : i32
      %dma_wait3A_170 = tpu.memref_slice %arg14[%run_scoped3A_136, %dma_wait3A_168, %dma_wait3A_169] : memref<2x128x48xf32, #tpu.memory_space<vmem>> -> memref<1x128x48xf32, #tpu.memory_space<vmem>>
      %dma_wait3A_171 = tpu.memref_squeeze %dma_wait3A_170 : memref<1x128x48xf32, #tpu.memory_space<vmem>> -> memref<128x48xf32, #tpu.memory_space<vmem>>
      tpu.wait_dma2 semaphore(%run_scoped3A_143 : memref<!tpu.dma_semaphore, #tpu.memory_space<semaphore_mem>>) src(%dma_wait3A_171 : memref<128x48xf32, #tpu.memory_space<vmem>>) dst(%dma_wait3A_167 : memref<128x48xf32, #tpu.memory_space<hbm>>)
      tpu.yield
    }) : () -> ()
    %mul3A_137 = arith.constant 640 : i32
    %mul3A_138 = arith.muli %arg1, %mul3A_137 : i32
    %add3A_139 = arith.constant 512 : i32
    %add3A_140 = arith.addi %mul3A_138, %add3A_139 : i32
    %run_scoped3A_141 = arith.constant 0 : i32
    "tpu.region"() ({
      %run_scoped3A_143 = tpu.sem_alloc : memref<!tpu.dma_semaphore, #tpu.memory_space<semaphore_mem>>
      %dma_start3A_144 = arith.constant 0 : i32
      %dma_start3A_145 = arith.constant 0 : i32
      %dma_start3A_146 = tpu.memref_slice %arg14[%run_scoped3A_141, %dma_start3A_144, %dma_start3A_145] : memref<2x128x48xf32, #tpu.memory_space<vmem>> -> memref<1x128x48xf32, #tpu.memory_space<vmem>>
      %dma_start3A_147 = tpu.memref_squeeze %dma_start3A_146 : memref<1x128x48xf32, #tpu.memory_space<vmem>> -> memref<128x48xf32, #tpu.memory_space<vmem>>
      %dma_start3A_148 = arith.constant 0 : i32
      %dma_start3A_149 = tpu.memref_slice %arg15[%add3A_140, %dma_start3A_148] : memref<10240x48xf32, #tpu.memory_space<vmem_shared>> -> memref<128x48xf32, #tpu.memory_space<vmem_shared>>
      %dma_start3A_150 = arith.constant 0 : i32
      %dma_start3A_151 = arith.constant 0 : i32
      %dma_start3A_152 = tpu.memref_slice %arg14[%run_scoped3A_141, %dma_start3A_150, %dma_start3A_151] : memref<2x128x48xf32, #tpu.memory_space<vmem>> -> memref<1x128x48xf32, #tpu.memory_space<vmem>>
      %dma_start3A_153 = tpu.memref_squeeze %dma_start3A_152 : memref<1x128x48xf32, #tpu.memory_space<vmem>> -> memref<128x48xf32, #tpu.memory_space<vmem>>
      %dma_start3A_154 = arith.constant 0 : i32
      %dma_start3A_155 = tpu.memref_slice %arg15[%add3A_140, %dma_start3A_154] : memref<10240x48xf32, #tpu.memory_space<vmem_shared>> -> memref<128x48xf32, #tpu.memory_space<vmem_shared>>
      tpu.enqueue_dma source(%dma_start3A_155 : memref<128x48xf32, #tpu.memory_space<vmem_shared>>) target(%dma_start3A_153 : memref<128x48xf32, #tpu.memory_space<vmem>>) target_semaphore(%run_scoped3A_143 : memref<!tpu.dma_semaphore, #tpu.memory_space<semaphore_mem>>)
      %dma_wait3A_156 = arith.constant 0 : i32
      %dma_wait3A_157 = arith.constant 0 : i32
      %dma_wait3A_158 = tpu.memref_slice %arg14[%run_scoped3A_141, %dma_wait3A_156, %dma_wait3A_157] : memref<2x128x48xf32, #tpu.memory_space<vmem>> -> memref<1x128x48xf32, #tpu.memory_space<vmem>>
      %dma_wait3A_159 = tpu.memref_squeeze %dma_wait3A_158 : memref<1x128x48xf32, #tpu.memory_space<vmem>> -> memref<128x48xf32, #tpu.memory_space<vmem>>
      %dma_wait3A_160 = arith.constant 0 : i32
      %dma_wait3A_161 = tpu.memref_slice %arg15[%add3A_140, %dma_wait3A_160] : memref<10240x48xf32, #tpu.memory_space<vmem_shared>> -> memref<128x48xf32, #tpu.memory_space<vmem_shared>>
      %dma_wait3A_162 = arith.constant 0 : i32
      %dma_wait3A_163 = arith.constant 0 : i32
      %dma_wait3A_164 = tpu.memref_slice %arg14[%run_scoped3A_141, %dma_wait3A_162, %dma_wait3A_163] : memref<2x128x48xf32, #tpu.memory_space<vmem>> -> memref<1x128x48xf32, #tpu.memory_space<vmem>>
      %dma_wait3A_165 = tpu.memref_squeeze %dma_wait3A_164 : memref<1x128x48xf32, #tpu.memory_space<vmem>> -> memref<128x48xf32, #tpu.memory_space<vmem>>
      %dma_wait3A_166 = arith.constant 0 : i32
      %dma_wait3A_167 = tpu.memref_slice %arg15[%add3A_140, %dma_wait3A_166] : memref<10240x48xf32, #tpu.memory_space<vmem_shared>> -> memref<128x48xf32, #tpu.memory_space<vmem_shared>>
      tpu.wait_dma2 semaphore(%run_scoped3A_143 : memref<!tpu.dma_semaphore, #tpu.memory_space<semaphore_mem>>) src(%dma_wait3A_167 : memref<128x48xf32, #tpu.memory_space<vmem_shared>>) dst(%dma_wait3A_165 : memref<128x48xf32, #tpu.memory_space<vmem>>)
      tpu.yield
    }) : () -> ()
    %run_scoped3A_142 = arith.constant 0 : i32
    "tpu.region"() ({
      %run_scoped3A_143 = tpu.sem_alloc : memref<!tpu.dma_semaphore, #tpu.memory_space<semaphore_mem>>
      %dma_start3A_144 = arith.constant 0 : i32
      %dma_start3A_145 = arith.constant 0 : i32
      %dma_start3A_146 = tpu.memref_slice %arg14[%run_scoped3A_142, %dma_start3A_144, %dma_start3A_145] : memref<2x128x48xf32, #tpu.memory_space<vmem>> -> memref<1x128x48xf32, #tpu.memory_space<vmem>>
      %dma_start3A_147 = tpu.memref_squeeze %dma_start3A_146 : memref<1x128x48xf32, #tpu.memory_space<vmem>> -> memref<128x48xf32, #tpu.memory_space<vmem>>
      %dma_start3A_148 = arith.constant 0 : i32
      %dma_start3A_149 = tpu.memref_slice %arg7[%arg0, %add3A_140, %dma_start3A_148] : memref<2x10240x48xf32, #tpu.memory_space<hbm>> -> memref<1x128x48xf32, #tpu.memory_space<hbm>>
      %dma_start3A_150 = tpu.memref_squeeze %dma_start3A_149 : memref<1x128x48xf32, #tpu.memory_space<hbm>> -> memref<128x48xf32, #tpu.memory_space<hbm>>
      %dma_start3A_151 = arith.constant 0 : i32
      %dma_start3A_152 = tpu.memref_slice %arg7[%arg0, %add3A_140, %dma_start3A_151] : memref<2x10240x48xf32, #tpu.memory_space<hbm>> -> memref<1x128x48xf32, #tpu.memory_space<hbm>>
      %dma_start3A_153 = tpu.memref_squeeze %dma_start3A_152 : memref<1x128x48xf32, #tpu.memory_space<hbm>> -> memref<128x48xf32, #tpu.memory_space<hbm>>
      %dma_start3A_154 = arith.constant 0 : i32
      %dma_start3A_155 = arith.constant 0 : i32
      %dma_start3A_156 = tpu.memref_slice %arg14[%run_scoped3A_142, %dma_start3A_154, %dma_start3A_155] : memref<2x128x48xf32, #tpu.memory_space<vmem>> -> memref<1x128x48xf32, #tpu.memory_space<vmem>>
      %dma_start3A_157 = tpu.memref_squeeze %dma_start3A_156 : memref<1x128x48xf32, #tpu.memory_space<vmem>> -> memref<128x48xf32, #tpu.memory_space<vmem>>
      tpu.enqueue_dma source(%dma_start3A_157 : memref<128x48xf32, #tpu.memory_space<vmem>>) target(%dma_start3A_153 : memref<128x48xf32, #tpu.memory_space<hbm>>) target_semaphore(%run_scoped3A_143 : memref<!tpu.dma_semaphore, #tpu.memory_space<semaphore_mem>>)
      %dma_wait3A_158 = arith.constant 0 : i32
      %dma_wait3A_159 = arith.constant 0 : i32
      %dma_wait3A_160 = tpu.memref_slice %arg14[%run_scoped3A_142, %dma_wait3A_158, %dma_wait3A_159] : memref<2x128x48xf32, #tpu.memory_space<vmem>> -> memref<1x128x48xf32, #tpu.memory_space<vmem>>
      %dma_wait3A_161 = tpu.memref_squeeze %dma_wait3A_160 : memref<1x128x48xf32, #tpu.memory_space<vmem>> -> memref<128x48xf32, #tpu.memory_space<vmem>>
      %dma_wait3A_162 = arith.constant 0 : i32
      %dma_wait3A_163 = tpu.memref_slice %arg7[%arg0, %add3A_140, %dma_wait3A_162] : memref<2x10240x48xf32, #tpu.memory_space<hbm>> -> memref<1x128x48xf32, #tpu.memory_space<hbm>>
      %dma_wait3A_164 = tpu.memref_squeeze %dma_wait3A_163 : memref<1x128x48xf32, #tpu.memory_space<hbm>> -> memref<128x48xf32, #tpu.memory_space<hbm>>
      %dma_wait3A_165 = arith.constant 0 : i32
      %dma_wait3A_166 = tpu.memref_slice %arg7[%arg0, %add3A_140, %dma_wait3A_165] : memref<2x10240x48xf32, #tpu.memory_space<hbm>> -> memref<1x128x48xf32, #tpu.memory_space<hbm>>
      %dma_wait3A_167 = tpu.memref_squeeze %dma_wait3A_166 : memref<1x128x48xf32, #tpu.memory_space<hbm>> -> memref<128x48xf32, #tpu.memory_space<hbm>>
      %dma_wait3A_168 = arith.constant 0 : i32
      %dma_wait3A_169 = arith.constant 0 : i32
      %dma_wait3A_170 = tpu.memref_slice %arg14[%run_scoped3A_142, %dma_wait3A_168, %dma_wait3A_169] : memref<2x128x48xf32, #tpu.memory_space<vmem>> -> memref<1x128x48xf32, #tpu.memory_space<vmem>>
      %dma_wait3A_171 = tpu.memref_squeeze %dma_wait3A_170 : memref<1x128x48xf32, #tpu.memory_space<vmem>> -> memref<128x48xf32, #tpu.memory_space<vmem>>
      tpu.wait_dma2 semaphore(%run_scoped3A_143 : memref<!tpu.dma_semaphore, #tpu.memory_space<semaphore_mem>>) src(%dma_wait3A_171 : memref<128x48xf32, #tpu.memory_space<vmem>>) dst(%dma_wait3A_167 : memref<128x48xf32, #tpu.memory_space<hbm>>)
      tpu.yield
    }) : () -> ()
    return
  }
}

module attributes {stable_mosaic.version = 14 : i64} {
  func.func @_tc1_body(%arg0: i32, %arg1: memref<256x128xf32, #tpu.memory_space<vmem>>, %arg2: memref<128x64xf32, #tpu.memory_space<vmem>>, %arg3: memref<64x8xf32, #tpu.memory_space<vmem>>, %arg4: memref<64x8xf32, #tpu.memory_space<vmem>>, %arg5: memref<256x80xf32, #tpu.memory_space<vmem>>, %arg6: memref<256x16xf32, #tpu.memory_space<vmem>>) attributes {dimension_semantics = [#tpu.dimension_semantics<arbitrary>], iteration_bounds = array<i64: 40>, scalar_prefetch = 0 : i64, scratch_operands = 0 : i64, tpu.core_type = #tpu.core_type<tc>, window_params = [{transform_indices = @transform_0, window_bounds = array<i64: 256, 128>}, {pipeline_mode = #tpu.pipeline_mode<synchronous>, transform_indices = @transform_1, window_bounds = array<i64: 128, 64>}, {pipeline_mode = #tpu.pipeline_mode<synchronous>, transform_indices = @transform_2, window_bounds = array<i64: 64, 8>}, {pipeline_mode = #tpu.pipeline_mode<synchronous>, transform_indices = @transform_3, window_bounds = array<i64: 64, 8>}, {transform_indices = @transform_4, window_bounds = array<i64: 256, 80>}, {transform_indices = @transform_5, window_bounds = array<i64: 256, 16>}]} {
    %get3A = arith.constant 0 : index
    %get3A_0 = arith.constant 0 : index
    %get3A_1 = vector.load %arg1[%get3A, %get3A_0] : memref<256x128xf32, #tpu.memory_space<vmem>>, vector<256x128xf32>
    %get3A_2 = arith.constant 0 : index
    %get3A_3 = arith.constant 0 : index
    %get3A_4 = vector.load %arg2[%get3A_2, %get3A_3] : memref<128x64xf32, #tpu.memory_space<vmem>>, vector<128x64xf32>
    %dot_general3A = arith.constant dense<0.000000e+00> : vector<256x64xf32>
    %dot_general3A_5 = tpu.matmul %get3A_1, %get3A_4, %dot_general3A {dimension_numbers = #tpu.dot_dimension_numbers<[1], [0], [0], [1], [0, 0, 1, 1], [], []>, transpose_lhs_hint = false} : vector<256x128xf32>, vector<128x64xf32>, vector<256x64xf32> -> vector<256x64xf32>
    %get3A_6 = arith.constant 0 : index
    %get3A_7 = arith.constant 0 : index
    %get3A_8 = vector.load %arg3[%get3A_6, %get3A_7] : memref<64x8xf32, #tpu.memory_space<vmem>>, vector<64x8xf32>
    %dot_general3A_9 = arith.constant dense<0.000000e+00> : vector<256x8xf32>
    %dot_general3A_10 = tpu.matmul %dot_general3A_5, %get3A_8, %dot_general3A_9 {dimension_numbers = #tpu.dot_dimension_numbers<[1], [0], [0], [1], [0, 0, 1, 1], [], []>, transpose_lhs_hint = false} : vector<256x64xf32>, vector<64x8xf32>, vector<256x8xf32> -> vector<256x8xf32>
    %get3A_11 = arith.constant 0 : index
    %get3A_12 = arith.constant 0 : index
    %get3A_13 = vector.load %arg4[%get3A_11, %get3A_12] : memref<64x8xf32, #tpu.memory_space<vmem>>, vector<64x8xf32>
    %dot_general3A_14 = arith.constant dense<0.000000e+00> : vector<256x8xf32>
    %dot_general3A_15 = tpu.matmul %dot_general3A_5, %get3A_13, %dot_general3A_14 {dimension_numbers = #tpu.dot_dimension_numbers<[1], [0], [0], [1], [0, 0, 1, 1], [], []>, transpose_lhs_hint = false} : vector<256x64xf32>, vector<64x8xf32>, vector<256x8xf32> -> vector<256x8xf32>
    %broadcast_in_dim3A = arith.constant 1.000000e+00 : f32
    %broadcast_in_dim3A_16 = vector.broadcast %broadcast_in_dim3A : f32 to vector<256x8xf32>
    %broadcast_in_dim3A_17 = arith.constant 0.000000e+00 : f32
    %broadcast_in_dim3A_18 = vector.broadcast %broadcast_in_dim3A_17 : f32 to vector<256x8xf32>
    %concatenate3A = tpu.concatenate %dot_general3A_5, %dot_general3A_10, %broadcast_in_dim3A_16 in 1 : vector<256x64xf32>, vector<256x8xf32>, vector<256x8xf32> -> vector<256x80xf32>
    %swap3A = arith.constant 0 : index
    %swap3A_19 = arith.constant 0 : index
    %swap3A_20 = vector.load %arg5[%swap3A, %swap3A_19] : memref<256x80xf32, #tpu.memory_space<vmem>>, vector<256x80xf32>
    tpu.vector_store %arg5[%swap3A, %swap3A_19], %concatenate3A {strides = array<i32>} : memref<256x80xf32, #tpu.memory_space<vmem>>, vector<256x80xf32>,
    %concatenate3A_21 = tpu.concatenate %dot_general3A_15, %broadcast_in_dim3A_18 in 1 : vector<256x8xf32>, vector<256x8xf32> -> vector<256x16xf32>
    %swap3A_22 = arith.constant 0 : index
    %swap3A_23 = arith.constant 0 : index
    %swap3A_24 = vector.load %arg6[%swap3A_22, %swap3A_23] : memref<256x16xf32, #tpu.memory_space<vmem>>, vector<256x16xf32>
    tpu.vector_store %arg6[%swap3A_22, %swap3A_23], %concatenate3A_21 {strides = array<i32>} : memref<256x16xf32, #tpu.memory_space<vmem>>, vector<256x16xf32>,
    return
  }
  func.func @transform_0(%arg0: i32) -> (i32, i32) {
    %c0_i32 = arith.constant 0 : i32
    %c0_i32_0 = arith.constant 0 : i32
    return %arg0, %c0_i32 : i32, i32
  }
  func.func @transform_1(%arg0: i32) -> (i32, i32) {
    %c0_i32 = arith.constant 0 : i32
    %c0_i32_0 = arith.constant 0 : i32
    %c0_i32_1 = arith.constant 0 : i32
    return %c0_i32, %c0_i32_0 : i32, i32
  }
  func.func @transform_2(%arg0: i32) -> (i32, i32) {
    %c0_i32 = arith.constant 0 : i32
    %c0_i32_0 = arith.constant 0 : i32
    %c0_i32_1 = arith.constant 0 : i32
    return %c0_i32, %c0_i32_0 : i32, i32
  }
  func.func @transform_3(%arg0: i32) -> (i32, i32) {
    %c0_i32 = arith.constant 0 : i32
    %c0_i32_0 = arith.constant 0 : i32
    %c0_i32_1 = arith.constant 0 : i32
    return %c0_i32, %c0_i32_0 : i32, i32
  }
  func.func @transform_4(%arg0: i32) -> (i32, i32) {
    %c0_i32 = arith.constant 0 : i32
    %c0_i32_0 = arith.constant 0 : i32
    return %arg0, %c0_i32 : i32, i32
  }
  func.func @transform_5(%arg0: i32) -> (i32, i32) {
    %c0_i32 = arith.constant 0 : i32
    %c0_i32_0 = arith.constant 0 : i32
    return %arg0, %c0_i32 : i32, i32
  }
}

module attributes {stable_mosaic.version = 14 : i64} {
  func.func @_tc2_body(%arg0: i32, %arg1: memref<2x256x80xf32, #tpu.memory_space<vmem>>, %arg2: memref<1x64xf32, #tpu.memory_space<vmem>>, %arg3: memref<64x40xf32, #tpu.memory_space<vmem>>, %arg4: memref<40x1xf32, #tpu.memory_space<vmem>>, %arg5: memref<40x1xf32, #tpu.memory_space<vmem>>, %arg6: memref<8x64xf32, #tpu.memory_space<vmem>>, %arg7: memref<256x48xf32, #tpu.memory_space<vmem>>, %arg8: memref<256x1xf32, #tpu.memory_space<vmem>>, %arg9: memref<256x1xf32, #tpu.memory_space<vmem>>) attributes {dimension_semantics = [#tpu.dimension_semantics<arbitrary>], iteration_bounds = array<i64: 40>, scalar_prefetch = 0 : i64, scratch_operands = 0 : i64, tpu.core_type = #tpu.core_type<tc>, window_params = [{transform_indices = @transform_0, window_bounds = array<i64: 2, 256, 80>}, {pipeline_mode = #tpu.pipeline_mode<synchronous>, transform_indices = @transform_1, window_bounds = array<i64: 1, 64>}, {pipeline_mode = #tpu.pipeline_mode<synchronous>, transform_indices = @transform_2, window_bounds = array<i64: 64, 40>}, {pipeline_mode = #tpu.pipeline_mode<synchronous>, transform_indices = @transform_3, window_bounds = array<i64: 40, 1>}, {pipeline_mode = #tpu.pipeline_mode<synchronous>, transform_indices = @transform_4, window_bounds = array<i64: 40, 1>}, {pipeline_mode = #tpu.pipeline_mode<synchronous>, transform_indices = @transform_5, window_bounds = array<i64: 8, 64>}, {transform_indices = @transform_6, window_bounds = array<i64: 256, 48>}, {transform_indices = @transform_7, window_bounds = array<i64: 256, 1>}, {transform_indices = @transform_8, window_bounds = array<i64: 256, 1>}]} {
    %get3A = arith.constant 0 : index
    %get3A_0 = arith.constant 0 : index
    %get3A_1 = arith.constant 0 : index
    %get3A_2 = vector.load %arg1[%get3A, %get3A_0, %get3A_1] : memref<2x256x80xf32, #tpu.memory_space<vmem>>, vector<1x256x80xf32>
    %get3A_3 = vector.shape_cast %get3A_2 : vector<1x256x80xf32> to vector<256x80xf32>
    %get3A_4 = arith.constant 1 : index
    %get3A_5 = arith.constant 0 : index
    %get3A_6 = arith.constant 0 : index
    %get3A_7 = vector.load %arg1[%get3A_4, %get3A_5, %get3A_6] : memref<2x256x80xf32, #tpu.memory_space<vmem>>, vector<1x256x80xf32>
    %get3A_8 = vector.shape_cast %get3A_7 : vector<1x256x80xf32> to vector<256x80xf32>
    %add3A = arith.addf %get3A_3, %get3A_8 : vector<256x80xf32>
    %slice3A = vector.extract_strided_slice %add3A {offsets = [0, 0], sizes = [256, 64], strides = [1, 1]} : vector<256x80xf32> to vector<256x64xf32>
    %slice3A_9 = vector.extract_strided_slice %add3A {offsets = [0, 72], sizes = [256, 8], strides = [1, 1]} : vector<256x80xf32> to vector<256x8xf32>
    %add3A_10 = arith.constant 1.000000e-16 : f32
    %add3A_11 = vector.broadcast %add3A_10 : f32 to vector<256x8xf32>
    %add3A_12 = arith.addf %slice3A_9, %add3A_11 : vector<256x8xf32>
    %get3A_13 = arith.constant 0 : index
    %get3A_14 = arith.constant 0 : index
    %get3A_15 = vector.load %arg6[%get3A_13, %get3A_14] : memref<8x64xf32, #tpu.memory_space<vmem>>, vector<8x64xf32>
    %dot_general3A = arith.constant dense<0.000000e+00> : vector<256x64xf32>
    %dot_general3A_16 = tpu.matmul %add3A_12, %get3A_15, %dot_general3A {dimension_numbers = #tpu.dot_dimension_numbers<[1], [0], [0], [1], [0, 0, 1, 1], [], []>, transpose_lhs_hint = false} : vector<256x8xf32>, vector<8x64xf32>, vector<256x64xf32> -> vector<256x64xf32>
    %div3A = arith.divf %slice3A, %dot_general3A_16 : vector<256x64xf32>
    %get3A_17 = arith.constant 0 : index
    %get3A_18 = arith.constant 0 : index
    %get3A_19 = vector.load %arg2[%get3A_17, %get3A_18] : memref<1x64xf32, #tpu.memory_space<vmem>>, vector<1x64xf32>
    %add3A_20 = vector.broadcast %get3A_19 : vector<1x64xf32> to vector<256x64xf32>
    %add3A_21 = arith.addf %div3A, %add3A_20 : vector<256x64xf32>
    %gt3A = arith.constant 0.000000e+00 : f32
    %gt3A_22 = vector.broadcast %gt3A : f32 to vector<256x64xf32>
    %gt3A_23 = arith.cmpf ogt, %add3A_21, %gt3A_22 : vector<256x64xf32>
    %exp3A = math.exp %add3A_21 : vector<256x64xf32>
    %sub3A = arith.constant 1.000000e+00 : f32
    %sub3A_24 = vector.broadcast %sub3A : f32 to vector<256x64xf32>
    %sub3A_25 = arith.subf %exp3A, %sub3A_24 : vector<256x64xf32>
    %select_n3A = arith.select %gt3A_23, %add3A_21, %sub3A_25 : vector<256x64xi1>, vector<256x64xf32>
    %get3A_26 = arith.constant 0 : index
    %get3A_27 = arith.constant 0 : index
    %get3A_28 = vector.load %arg3[%get3A_26, %get3A_27] : memref<64x40xf32, #tpu.memory_space<vmem>>, vector<64x40xf32>
    %dot_general3A_29 = arith.constant dense<0.000000e+00> : vector<256x40xf32>
    %dot_general3A_30 = tpu.matmul %select_n3A, %get3A_28, %dot_general3A_29 {dimension_numbers = #tpu.dot_dimension_numbers<[1], [0], [0], [1], [0, 0, 1, 1], [], []>, transpose_lhs_hint = false} : vector<256x64xf32>, vector<64x40xf32>, vector<256x40xf32> -> vector<256x40xf32>
    %get3A_31 = arith.constant 0 : index
    %get3A_32 = arith.constant 0 : index
    %get3A_33 = vector.load %arg4[%get3A_31, %get3A_32] : memref<40x1xf32, #tpu.memory_space<vmem>>, vector<40x1xf32>
    %dot_general3A_34 = arith.constant dense<0.000000e+00> : vector<256x1xf32>
    %dot_general3A_35 = tpu.matmul %dot_general3A_30, %get3A_33, %dot_general3A_34 {dimension_numbers = #tpu.dot_dimension_numbers<[1], [0], [0], [1], [0, 0, 1, 1], [], []>, transpose_lhs_hint = false} : vector<256x40xf32>, vector<40x1xf32>, vector<256x1xf32> -> vector<256x1xf32>
    %get3A_36 = arith.constant 0 : index
    %get3A_37 = arith.constant 0 : index
    %get3A_38 = vector.load %arg5[%get3A_36, %get3A_37] : memref<40x1xf32, #tpu.memory_space<vmem>>, vector<40x1xf32>
    %dot_general3A_39 = arith.constant dense<0.000000e+00> : vector<256x1xf32>
    %dot_general3A_40 = tpu.matmul %dot_general3A_30, %get3A_38, %dot_general3A_39 {dimension_numbers = #tpu.dot_dimension_numbers<[1], [0], [0], [1], [0, 0, 1, 1], [], []>, transpose_lhs_hint = false} : vector<256x40xf32>, vector<40x1xf32>, vector<256x1xf32> -> vector<256x1xf32>
    %broadcast_in_dim3A = arith.constant 1.000000e+00 : f32
    %broadcast_in_dim3A_41 = vector.broadcast %broadcast_in_dim3A : f32 to vector<256x1xf32>
    %broadcast_in_dim3A_42 = arith.constant 0.000000e+00 : f32
    %broadcast_in_dim3A_43 = vector.broadcast %broadcast_in_dim3A_42 : f32 to vector<256x7xf32>
    %concatenate3A = tpu.concatenate %dot_general3A_30, %broadcast_in_dim3A_41, %broadcast_in_dim3A_43 in 1 : vector<256x40xf32>, vector<256x1xf32>, vector<256x7xf32> -> vector<256x48xf32>
    %swap3A = arith.constant 0 : index
    %swap3A_44 = arith.constant 0 : index
    %swap3A_45 = vector.load %arg7[%swap3A, %swap3A_44] : memref<256x48xf32, #tpu.memory_space<vmem>>, vector<256x48xf32>
    tpu.vector_store %arg7[%swap3A, %swap3A_44], %concatenate3A {strides = array<i32>} : memref<256x48xf32, #tpu.memory_space<vmem>>, vector<256x48xf32>,
    %swap3A_46 = arith.constant 0 : index
    %swap3A_47 = arith.constant 0 : index
    %swap3A_48 = vector.load %arg8[%swap3A_46, %swap3A_47] : memref<256x1xf32, #tpu.memory_space<vmem>>, vector<256x1xf32>
    tpu.vector_store %arg8[%swap3A_46, %swap3A_47], %dot_general3A_35 {strides = array<i32>} : memref<256x1xf32, #tpu.memory_space<vmem>>, vector<256x1xf32>,
    %swap3A_49 = arith.constant 0 : index
    %swap3A_50 = arith.constant 0 : index
    %swap3A_51 = vector.load %arg9[%swap3A_49, %swap3A_50] : memref<256x1xf32, #tpu.memory_space<vmem>>, vector<256x1xf32>
    tpu.vector_store %arg9[%swap3A_49, %swap3A_50], %dot_general3A_40 {strides = array<i32>} : memref<256x1xf32, #tpu.memory_space<vmem>>, vector<256x1xf32>,
    return
  }
  func.func @transform_0(%arg0: i32) -> (i32, i32, i32) {
    %c0_i32 = arith.constant 0 : i32
    %c0_i32_0 = arith.constant 0 : i32
    %c0_i32_1 = arith.constant 0 : i32
    return %c0_i32, %arg0, %c0_i32_0 : i32, i32, i32
  }
  func.func @transform_1(%arg0: i32) -> (i32, i32) {
    %c0_i32 = arith.constant 0 : i32
    %c0_i32_0 = arith.constant 0 : i32
    %c0_i32_1 = arith.constant 0 : i32
    return %c0_i32, %c0_i32_0 : i32, i32
  }
  func.func @transform_2(%arg0: i32) -> (i32, i32) {
    %c0_i32 = arith.constant 0 : i32
    %c0_i32_0 = arith.constant 0 : i32
    %c0_i32_1 = arith.constant 0 : i32
    return %c0_i32, %c0_i32_0 : i32, i32
  }
  func.func @transform_3(%arg0: i32) -> (i32, i32) {
    %c0_i32 = arith.constant 0 : i32
    %c0_i32_0 = arith.constant 0 : i32
    %c0_i32_1 = arith.constant 0 : i32
    return %c0_i32, %c0_i32_0 : i32, i32
  }
  func.func @transform_4(%arg0: i32) -> (i32, i32) {
    %c0_i32 = arith.constant 0 : i32
    %c0_i32_0 = arith.constant 0 : i32
    %c0_i32_1 = arith.constant 0 : i32
    return %c0_i32, %c0_i32_0 : i32, i32
  }
  func.func @transform_5(%arg0: i32) -> (i32, i32) {
    %c0_i32 = arith.constant 0 : i32
    %c0_i32_0 = arith.constant 0 : i32
    %c0_i32_1 = arith.constant 0 : i32
    return %c0_i32, %c0_i32_0 : i32, i32
  }
  func.func @transform_6(%arg0: i32) -> (i32, i32) {
    %c0_i32 = arith.constant 0 : i32
    %c0_i32_0 = arith.constant 0 : i32
    return %arg0, %c0_i32 : i32, i32
  }
  func.func @transform_7(%arg0: i32) -> (i32, i32) {
    %c0_i32 = arith.constant 0 : i32
    %c0_i32_0 = arith.constant 0 : i32
    return %arg0, %c0_i32 : i32, i32
  }
  func.func @transform_8(%arg0: i32) -> (i32, i32) {
    %c0_i32 = arith.constant 0 : i32
    %c0_i32_0 = arith.constant 0 : i32
    return %arg0, %c0_i32 : i32, i32
  }
}

module attributes {stable_mosaic.version = 14 : i64} {
  func.func @_tc3_body(%arg0: i32, %arg1: memref<2x256x48xf32, #tpu.memory_space<vmem>>, %arg2: memref<1x40xf32, #tpu.memory_space<vmem>>, %arg3: memref<256x40xf32, #tpu.memory_space<vmem>>) attributes {dimension_semantics = [#tpu.dimension_semantics<arbitrary>], iteration_bounds = array<i64: 40>, scalar_prefetch = 0 : i64, scratch_operands = 0 : i64, tpu.core_type = #tpu.core_type<tc>, window_params = [{transform_indices = @transform_0, window_bounds = array<i64: 2, 256, 48>}, {pipeline_mode = #tpu.pipeline_mode<synchronous>, transform_indices = @transform_1, window_bounds = array<i64: 1, 40>}, {transform_indices = @transform_2, window_bounds = array<i64: 256, 40>}]} {
    %get3A = arith.constant 0 : index
    %get3A_0 = arith.constant 0 : index
    %get3A_1 = arith.constant 0 : index
    %get3A_2 = vector.load %arg1[%get3A, %get3A_0, %get3A_1] : memref<2x256x48xf32, #tpu.memory_space<vmem>>, vector<1x256x48xf32>
    %get3A_3 = vector.shape_cast %get3A_2 : vector<1x256x48xf32> to vector<256x48xf32>
    %get3A_4 = arith.constant 1 : index
    %get3A_5 = arith.constant 0 : index
    %get3A_6 = arith.constant 0 : index
    %get3A_7 = vector.load %arg1[%get3A_4, %get3A_5, %get3A_6] : memref<2x256x48xf32, #tpu.memory_space<vmem>>, vector<1x256x48xf32>
    %get3A_8 = vector.shape_cast %get3A_7 : vector<1x256x48xf32> to vector<256x48xf32>
    %add3A = arith.addf %get3A_3, %get3A_8 : vector<256x48xf32>
    %slice3A = vector.extract_strided_slice %add3A {offsets = [0, 0], sizes = [256, 40], strides = [1, 1]} : vector<256x48xf32> to vector<256x40xf32>
    %slice3A_9 = vector.extract_strided_slice %add3A {offsets = [0, 40], sizes = [256, 1], strides = [1, 1]} : vector<256x48xf32> to vector<256x1xf32>
    %add3A_10 = arith.constant 1.000000e-16 : f32
    %add3A_11 = vector.broadcast %add3A_10 : f32 to vector<256x1xf32>
    %add3A_12 = arith.addf %slice3A_9, %add3A_11 : vector<256x1xf32>
    %div3A = vector.broadcast %add3A_12 : vector<256x1xf32> to vector<256x40xf32>
    %div3A_13 = arith.divf %slice3A, %div3A : vector<256x40xf32>
    %get3A_14 = arith.constant 0 : index
    %get3A_15 = arith.constant 0 : index
    %get3A_16 = vector.load %arg2[%get3A_14, %get3A_15] : memref<1x40xf32, #tpu.memory_space<vmem>>, vector<1x40xf32>
    %add3A_17 = vector.broadcast %get3A_16 : vector<1x40xf32> to vector<256x40xf32>
    %add3A_18 = arith.addf %div3A_13, %add3A_17 : vector<256x40xf32>
    %reduce_max3A = arith.constant dense<0xFF800000> : vector<256xf32>
    %reduce_max3A_19 = vector.multi_reduction <maximumf>, %add3A_18, %reduce_max3A [1] : vector<256x40xf32> to vector<256xf32>
    %broadcast_in_dim3A = vector.shape_cast %reduce_max3A_19 : vector<256xf32> to vector<256x1xf32>
    %sub3A = vector.broadcast %broadcast_in_dim3A : vector<256x1xf32> to vector<256x40xf32>
    %sub3A_20 = arith.subf %add3A_18, %sub3A : vector<256x40xf32>
    %exp3A = math.exp %sub3A_20 : vector<256x40xf32>
    %reduce_sum3A = arith.constant dense<0.000000e+00> : vector<256xf32>
    %reduce_sum3A_21 = vector.multi_reduction <add>, %exp3A, %reduce_sum3A [1] : vector<256x40xf32> to vector<256xf32>
    %broadcast_in_dim3A_22 = vector.shape_cast %reduce_sum3A_21 : vector<256xf32> to vector<256x1xf32>
    %log3A = math.log %broadcast_in_dim3A_22 : vector<256x1xf32>
    %add3A_23 = arith.addf %broadcast_in_dim3A, %log3A : vector<256x1xf32>
    %sub3A_24 = vector.broadcast %add3A_23 : vector<256x1xf32> to vector<256x40xf32>
    %sub3A_25 = arith.subf %add3A_18, %sub3A_24 : vector<256x40xf32>
    %swap3A = arith.constant 0 : index
    %swap3A_26 = arith.constant 0 : index
    %swap3A_27 = vector.load %arg3[%swap3A, %swap3A_26] : memref<256x40xf32, #tpu.memory_space<vmem>>, vector<256x40xf32>
    tpu.vector_store %arg3[%swap3A, %swap3A_26], %sub3A_25 {strides = array<i32>} : memref<256x40xf32, #tpu.memory_space<vmem>>, vector<256x40xf32>,
    return
  }
  func.func @transform_0(%arg0: i32) -> (i32, i32, i32) {
    %c0_i32 = arith.constant 0 : i32
    %c0_i32_0 = arith.constant 0 : i32
    %c0_i32_1 = arith.constant 0 : i32
    return %c0_i32, %arg0, %c0_i32_0 : i32, i32, i32
  }
  func.func @transform_1(%arg0: i32) -> (i32, i32) {
    %c0_i32 = arith.constant 0 : i32
    %c0_i32_0 = arith.constant 0 : i32
    %c0_i32_1 = arith.constant 0 : i32
    return %c0_i32, %c0_i32_0 : i32, i32
  }
  func.func @transform_2(%arg0: i32) -> (i32, i32) {
    %c0_i32 = arith.constant 0 : i32
    %c0_i32_0 = arith.constant 0 : i32
    return %arg0, %c0_i32 : i32, i32
  }
}

</mosaic_0001>

<sc_bundles>
// kernel: kernel.10.cloned.1.call-start
scs
__scs_entry_jumppad:
0x0: {  	(pc) =	sbr.rel $0x88, $3  }
0x1: {  	(tag) =	ssettag $0x0;
	lr =	simm.s32 $0x1  }
0x2: {  	[smem:$0x3F97] =	sst lr;
	_ =	strace $0xD0000000  }
0x3: {  	_ = 	snop  }
0x4: {  	_ = 	snop  }
0x5: {  	_ = 	snop  }
0x6: {  	_ = 	snop  }
0x7: {  	_ = 	snop  }
__scs_overlays_trampoline_lowered:
0x8: {  	[smem:$0x3FA6] =	sst s0  }
0x9: {  	[smem:$0x3FA7] =	sst s1  }
0xa: {  	[smem:$0x3FA8] =	sst s2  }
0xb: {  	[smem:$0x3FA9] =	sst s3  }
0xc: {  	[smem:$0x3FAA] =	sst s4  }
0xd: {  	[smem:$0x3FAB] =	sst s5  }
0xe: {  	[smem:$0x3FAC] =	sst s6  }
0xf: {  	[smem:$0x3FAD] =	sst s7  }
0x10: {  	[smem:$0x3FAE] =	sst s8  }
0x11: {  	[smem:$0x3FAF] =	sst s9;
	s0 =	simm.s32 @!p0 $0x0  }
0x12: {  	s1 =	sld [smem:$0x3F95];
	s0 =	simm.s32 @p0 $0x1  }
0x13: {  	[smem:$0x3FB0] =	sst s0;
	s0 =	simm.s32 @!p1 $0x0  }
0x14: {  	s2 =	sld [smem:$0x3F94];
	s0 =	simm.s32 @p1 $0x1  }
0x15: {  	[smem:$0x3FB1] =	sst s0;
	s0 =	simm.s32 @!p2 $0x0  }
0x16: {  	s3 =	sld [smem:$0x3FDB];
	s0 =	simm.s32 @p2 $0x1  }
0x17: {  	s4 =	simm.s32 $0x1BF5;
	[smem:$0x3FB3] =	sst s0  }
0x18: {  	s0 =	sld [smem:$0x3F96];
	_ =	swait.ge [sflag:s4], $0x0  }
0x19: {  	s7 =	sld [smem:$0x3F97]  }
0x1a: {  	s8 =	sadd.s32 $0xFFFFE003, lr  }
0x1b: {  	s9 =	sadd.s32 $0xFFFFFEF7, lr;
	s5 =	simm.s32 $0xFFFFFFFF;
	p2 =	slt.u32 s8, $0xFFFFF086  }
0x1c: {  	p1 =	slt.u32 s9, $0xF7A;
	s5 =	simm.s32 @!p2 $0x0  }
0x1d: {  	s5 =	simm.s32 @p1 $0x1;
	p0 =	seq.s32 s7, s2  }
0x1e: {  	s7 =	smul.u32 @!p0 $0xF7A, s2;
	p2 =	seq.s32 @!p0 s5, $0x0  }
0x1f: {  	s9 =	smul.u32 $0xF7A, s1;
	s8 =	simm.s32 @!p0 $0x1BF5;
	p2 =	por !p2, p0  }
0x20: {  	[sflag:s8] =	ssyncset.s32 @!p0 $0xFFFFF086;
	s6 =	sadd.s32 @!p0 s3, s7;
	s7 =	simm.s32 @!p0 $0x108  }
0x21: {  	s3 =	sadd.s32 s3, s9;
	s6 =	sadd.s32 @!p0 $0x88, s6;
	s7 =	simm.s32 @p2 $0x1082  }
0x22: {  	[simem:s7], [sflag:s8] =	dma.local @!p0 [hbm:s6], $0xF7A  }
0x23: {  	s9 =	sor.u32 $0xD0000000, s2;
	s6 =	simm.s32 $0x108;
	_ =	swait.ge @!p0 [sflag:s8], $0x0  }
0x24: {  	s3 =	sadd.s32 $0x88, s3;
	s6 =	simm.s32 @!p1 $0x1082;
	[sflag:s4] =	ssyncset.s32 $0xFFFFF086  }
0x25: {  	[simem:s6], [sflag:s4] =	dma.local [hbm:s3], $0xF7A  }
0x26: {  	[smem:$0x3F97] =	sst s1;
	(tag) =	ssettag s2;
	_ =	strace s9  }
0x27: {  	s1 =	sld [smem:$0x3FA7]  }
0x28: {  	s2 =	sld [smem:$0x3FA8]  }
0x29: {  	s4 =	sld [smem:$0x3FAA]  }
0x2a: {  	p0 =	seq.s32 s5, $0x0;
	s5 =	sld [smem:$0x3FAB]  }
0x2b: {  	s6 =	sld [smem:$0x3FAC]  }
0x2c: {  	s7 =	sld [smem:$0x3FAD]  }
0x2d: {  	s3 =	simm.s32 $0x108;
	s8 =	sld [smem:$0x3FAE]  }
0x2e: {  	s3 =	simm.s32 @!p0 $0x1082;
	s9 =	sld [smem:$0x3FAF]  }
0x2f: {  	lr =	sadd.s32 s0, s3;
	s0 =	sld [smem:$0x3FA6]  }
0x30: {  	s3 =	sld [smem:$0x3FA9]  }
0x31: {  	[smem:$0x3FB2] =	sst s10  }
0x32: {  	s10 =	sld [smem:$0x3FB0];
	_ =	sdelay $0x3  }
0x33: {  	p0 =	seq.s32 s10, $0x1;
	s10 =	sld [smem:$0x3FB2];
	_ =	sdelay $0x3  }
0x34: {  	[smem:$0x3FB2] =	sst s10  }
0x35: {  	s10 =	sld [smem:$0x3FB1];
	_ =	sdelay $0x3  }
0x36: {  	p1 =	seq.s32 s10, $0x1;
	s10 =	sld [smem:$0x3FB2];
	_ =	sdelay $0x3  }
0x37: {  	[smem:$0x3FB2] =	sst s10  }
0x38: {  	s10 =	sld [smem:$0x3FB3]  }
0x39: {  	_ = 	snop;
	(pc) =	sbr.ind lr, $3  }
0x3a: {  	_ = 	snop  }
0x3b: {  	_ = 	snop  }
0x3c: {  	p2 =	seq.s32 s10, $0x1;
	s10 =	sld [smem:$0x3FB2]  }
0x3d: {  	_ =	shalt  }
0x3e: {  	_ =	shalt  }
0x3f: {  	_ =	shalt  }
0x40: {  	_ =	shalt  }
0x41: {  	_ =	shalt  }
0x42: {  	_ =	shalt  }
0x43: {  	_ =	shalt  }
0x44: {  	_ =	shalt  }
0x45: {  	_ =	shalt  }
0x46: {  	_ =	shalt  }
0x47: {  	_ =	shalt  }
0x48: {  	_ =	shalt  }
0x49: {  	_ =	shalt  }
0x4a: {  	_ =	shalt  }
0x4b: {  	_ =	shalt  }
0x4c: {  	_ =	shalt  }
0x4d: {  	_ =	shalt  }
0x4e: {  	_ =	shalt  }
0x4f: {  	_ =	shalt  }
0x50: {  	_ =	shalt  }
0x51: {  	_ =	shalt  }
0x52: {  	_ =	shalt  }
0x53: {  	_ =	shalt  }
0x54: {  	_ =	shalt  }
0x55: {  	_ =	shalt  }
0x56: {  	_ =	shalt  }
0x57: {  	_ =	shalt  }
0x58: {  	_ =	shalt  }
0x59: {  	_ =	shalt  }
0x5a: {  	_ =	shalt  }
0x5b: {  	_ =	shalt  }
0x5c: {  	_ =	shalt  }
0x5d: {  	_ =	shalt  }
0x5e: {  	_ =	shalt  }
0x5f: {  	_ =	shalt  }
0x60: {  	_ =	shalt  }
0x61: {  	_ =	shalt  }
0x62: {  	_ =	shalt  }
0x63: {  	_ =	shalt  }
0x64: {  	_ =	shalt  }
0x65: {  	_ =	shalt  }
0x66: {  	_ =	shalt  }
0x67: {  	_ =	shalt  }
0x68: {  	_ =	shalt  }
0x69: {  	_ =	shalt  }
0x6a: {  	_ =	shalt  }
0x6b: {  	_ =	shalt  }
0x6c: {  	_ =	shalt  }
0x6d: {  	_ =	shalt  }
0x6e: {  	_ =	shalt  }
0x6f: {  	_ =	shalt  }
0x70: {  	_ =	shalt  }
0x71: {  	_ =	shalt  }
0x72: {  	_ =	shalt  }
0x73: {  	_ =	shalt  }
0x74: {  	_ =	shalt  }
0x75: {  	_ =	shalt  }
0x76: {  	_ =	shalt  }
0x77: {  	_ =	shalt  }
0x78: {  	_ =	shalt  }
0x79: {  	_ =	shalt  }
0x7a: {  	_ =	shalt  }
0x7b: {  	_ =	shalt  }
0x7c: {  	_ =	shalt  }
0x7d: {  	_ =	shalt  }
0x7e: {  	_ =	shalt  }
0x7f: {  	_ =	shalt  }
0x80: {  	_ =	shalt  }
0x81: {  	_ =	shalt  }
0x82: {  	_ =	shalt  }
0x83: {  	_ =	shalt  }
0x84: {  	_ =	shalt  }
0x85: {  	_ =	shalt  }
0x86: {  	_ =	shalt  }
0x87: {  	_ =	shalt  }
.Lfunc_end0:
.L_simem_size_0:
called_computation.1_lowered:
.L_overlay_start_0:
0x88: {  	s2 =	sld [smem:$0x3FD9]  }
0x89: {  	s3 =	sld [smem:$0x3FFE];
	_ =	sdelay $0x1  }
0x8a: {  	s1 =	srdreg.scid  }
0x8b: {  	s0 =	sand.u32 $0x1, s1  }
0x8c: {  	s17 =	sshll.u32 s0, $0xA;
	s2 =	sadd.s32 s3, s2  }
0x8d: {  	s2 =	sadd.s32 s2, s17  }
0x8e: {  	[smem:$0x3FBE] =	sst s2  }
0x8f: {  	_ = 	snop  }
0x90: {  	s2 =	sld [smem:$0x3FD0];
	(tm) =	ssettm $0x1  }
0x91: {  	s18 =	sld [smem:$0x3FFB];
	_ =	sdelay $0x3  }
0x92: {  	_ =	strace s18  }
0x93: {  	s3 =	sld [smem:$0x3FFC];
	_ =	sdelay $0x3  }
0x94: {  	_ =	strace s3  }
0x95: {  	s3 =	sld [smem:$0x3FFD];
	_ =	sdelay $0x3  }
0x96: {  	_ =	strace s3  }
0x97: {  	_ =	strace $0x8FFFFFFF  }
0x98: {  	s19 =	sld [smem:$0x3FDB];
	_ =	sdelay $0x1  }
0x99: {  	s4 =	simm.s32 $_scs_section_size  }
0x9a: {  	s5 =	simm.s32 $_size__tile_overlayer_lowered;
	s6 =	simm.s32 $_tile_overlayer_lowered  }
0x9b: {  	s22 =	simm.s32 $0x1BFF;
	s21 =	sshll.u32 s6, $0x1;
	s3 =	sadd.s32 s4, s19  }
0x9c: {  	s7 =	simm.s32 $0x0;
	s20 =	sshll.u32 s5, $0x1;
	s5 =	sadd.s32 s21, s3  }
0x9d: {  	[timem:s7], [sflag:s22] =	dma.local [hbm:s5], s20  }
0x9e: {  	_ =	swait.ge [sflag:s22], s20  }
0x9f: {  	s4 =	ssub.s32 $0x0, s20;
	[sflag:s22] =	ssyncset.done $0x0  }
0xa0: {  	[sflag:s22] =	ssyncadd.s32 s4;
	_ =	sdelay $0x1  }
0xa1: {  	s23 =	simm.s32 $0x1B8B  }
0xa2: {  	_ =	swait.ge [sflag:s23], $0x1  }
0xa3: {  	[sflag:s23] =	ssyncset.done $0x0  }
0xa4: {  	s25 =	simm.s32 $0x1B8E;
	s24 =	sld [smem:$0x3FFE];
	[sflag:s23] =	ssyncadd.s32 $0xFFFFFFFF  }
0xa5: {  	s26 =	simm.s32 $execute0_lowered;
	[smem:$0x3FD2] =	sst s25  }
0xa6: {  	s5 =	sshll.u32 s26, $0x1;
	_ =	strace $0x80000049;
	[dreg:$0x1] =	wrdreg $0xFFFFFFFF  }
0xa7: {  	s28 =	simm.s32 $_size_execute0_lowered;
	s3 =	sadd.s32 s3, s5;
	[dreg:$0x0] =	wrdreg $0x0  }
0xa8: {  	s5 =	sshll.u32 s28, $0x1;
	[dreg:$0x2] =	wrdreg s3  }
0xa9: {  	[dreg:$0x3] =	wrdreg s5  }
0xaa: {  	[dreg:$0x4] =	wrdreg $0xC0  }
0xab: {  	_ =	task [dreg:s7], $0x5FFFF  }
0xac: {  	[dreg:$0x1] =	wrdreg $0xFFFFFFFF  }
0xad: {  	[dreg:$0x0] =	wrdreg $0x60  }
0xae: {  	[dreg:$0x2] =	wrdreg s24  }
0xaf: {  	[dreg:$0x3] =	wrdreg s2  }
0xb0: {  	[dreg:$0x4] =	wrdreg $0xCD800  }
0xb1: {  	[dreg:$0x5] =	wrdreg $0x9  }
0xb2: {  	_ =	task.clear_ibuf [dreg:s7], $0x6FFFF;
	_ =	strace $0x90000049  }
0xb3: {  	s29 =	simm.s32 $0x9;
	_ =	strace $0x8000004B  }
0xb4: {  	_ =	swait.ge [sflag:s29], $0x1  }
0xb5: {  	[sflag:s29] =	ssyncadd.s32 $0xFFFFFFFF  }
0xb6: {  	_ =	strace $0x9000004B  }
0xb7: {  	_ =	sfence  }
0xb8: {  	s30 =	sld [smem:$0x0];
	_ =	sdelay $0x2  }
0xb9: {  	s31 =	sshll.u32 s1, $0xD;
	s1 =	sshrl.u32 s1, $0x2  }
0xba: {  	s3 =	sand.u32 $0x4000, s31;
	s1 =	sadd.s32 s1, s30  }
0xbb: {  	s0 =	sor.u32 s3, s0;
	s1 =	sshll.u32 s1, $0x11  }
0xbc: {  	s0 =	sor.u32 s1, s0  }
0xbd: {  	s0 =	sadd.s32 $0x8F2B, s0  }
0xbe: {  	[sflag:s0] =	ssyncadd.remote.s32 $0x1  }
0xbf: {  	_ =	sfence.sel $0xFFFF  }
0xc0: {  	[dreg:$0x0] =	wrdreg $0xFFFFFFFF;
	(pc) =	sbr.abs _section_cstart, $3  }
0xc1: {  	[dreg:$0x1] =	wrdreg $0xFFFFFFFF  }
0xc2: {  	_ =	task.clear_ibuf [dreg:s7], $0x2FFFF;
	_ =	strace $0x9FFFFFFF  }
0xc3: {  	(tm) =	ssettm $0x7FFFFFFF  }
tec
execute0_lowered:
.L_overlay_start_1:
0x0: {  	(tag) =	ssettag $0x1  }
0x1: {  	s0 =	rddreg [dreg:$0x0]  }
0x2: {  	s1 =	rddreg [dreg:$0x1]  }
0x3: {  	s2 =	rddreg [dreg:$0x2]  }
0x4: {  	s3 =	simm.s32 $0x0;
	s4 =	srdreg.scid;
	s9 =	stileid.u32  }
0x5: {  	s28 =	simm.s32 $0x4D00;
	s29 =	simm.s32 $0x6;
	s30 =	simm.s32 $0x7500  }
0x6: {  	s31 =	simm.s32 $0x9D80;
	[smem:$0x7FF] =	sst s3;
	s5 =	sadd.s32 $0xA800, s0  }
0x7: {  	s6 =	sadd.s32 $0x19800, s0;
	s4 =	sand.u32 $0x1, s4;
	s21 =	sadd.s32 $0x19E00, s0  }
0x8: {  	s8 =	sadd.s32 $0x600, s0;
	_ =	strace $0x8000004A;
	[dreg:$0x4] =	wrdreg s6  }
0x9: {  	s15 =	smul.u32 $0x7800, s9;
	s0 =	sadd.s32 $0x1A400, s0;
	[dreg:$0x5] =	wrdreg s21  }
0xa: {  	s22 =	ssub.s32 $0x2, s4;
	s23 =	sshll.u32 s4, $0x4;
	s4 =	smul.u32 $0x78000, s4  }
0xb: {  	s7 =	sshrl.u32 s22, $0x1;
	s16 =	sadd.s32 $0x1800, s15;
	s17 =	sadd.s32 $0x3000, s15  }
0xc: {  	s24 =	sadd.s32 $0x4800, s15;
	s18 =	sadd.s32 $0x6000, s15;
	s6 =	ssub.s32 s22, s7  }
0xd: {  	s7 =	sor.u32 s9, s23;
	s9 =	sadd.s32 s15, s2;
	s10 =	sadd.s32 s16, s2  }
0xe: {  	s12 =	sadd.s32 s17, s2;
	s13 =	sadd.s32 s24, s2;
	s15 =	sadd.s32 s15, s4  }
0xf: {  	s11 =	smul.u32 $0x2880, s7;
	s15 =	sshrl.u32 s15, $0x3;
	s7 =	sadd.s32 s4, s24  }
0x10: {  	s16 =	sadd.s32 s4, s16;
	s15 =	sadd.s32 s0, s15;
	s7 =	sshrl.u32 s7, $0x3  }
0x11: {  	s19 =	sshrl.u32 s11, $0x3;
	[dreg:$0x8] =	wrdreg s15;
	s7 =	sadd.s32 s0, s7  }
0x12: {  	s17 =	sadd.s32 s4, s17;
	s20 =	sadd.s32 s1, s19;
	[dreg:$0xb] =	wrdreg s7  }
0x13: {  	s25 =	sadd.s32 s8, s19;
	s26 =	sadd.s32 $0x10, s19;
	[dreg:$0x6] =	wrdreg s20  }
0x14: {  	s4 =	sadd.s32 s4, s18;
	[dreg:$0x7] =	wrdreg s25;
	s22 =	sadd.s32 s1, s26  }
0x15: {  	s23 =	sadd.s32 $0x20, s19;
	s24 =	sadd.s32 s8, s26;
	[dreg:$0xd] =	wrdreg s22  }
0x16: {  	s21 =	sshrl.u32 s17, $0x3;
	s25 =	sadd.s32 s1, s23;
	[dreg:$0xe] =	wrdreg s24  }
0x17: {  	s20 =	sshrl.u32 s16, $0x3;
	s26 =	smax.u32 s6, $0x1;
	[dreg:$0xf] =	wrdreg s25  }
.Ltmp0:
0x18: {  	s15 =	sadd.s32 s0, s20;
	[dreg:$0x11] =	wrdreg s26;
	(pc) =	sbr.rel .LBB2_1-.Ltmp0, $4  }
0x19: {  	s4 =	sshrl.u32 s4, $0x3;
	[dreg:$0x9] =	wrdreg s15;
	s15 =	sadd.s32 s0, s21  }
0x1a: {  	s14 =	sadd.s32 s18, s2;
	s0 =	sadd.s32 s0, s4;
	[dreg:$0xa] =	wrdreg s15  }
0x1b: {  	s7 =	simm.s32 $0x4;
	[dreg:$0xc] =	wrdreg s0;
	s0 =	sadd.s32 s8, s23  }
0x1c: {  	v0 =	vimm.f32 $0.0e+00;
	s4 =	simm.s32 $0x9D00;
	s15 =	simm.s32 $0x0;
	[dreg:$0x10] =	wrdreg s0  }
.LBB2_15:
0x1d: {  	s0 =	simm.s32 $0x5  }
0x1e: {  	_ =	swait.ge [sflag:s0], $0x1800  }
0x1f: {  	[sflag:s0] =	ssyncset.done $0x0  }
0x20: {  	[sflag:s0] =	ssyncadd.s32 $0xFFFFE800  }
0x21: {  	_ =	swait.ge [sflag:s7], $0x1800  }
0x22: {  	[sflag:s7] =	ssyncset.done $0x0  }
0x23: {  	[sflag:s7] =	ssyncadd.s32 $0xFFFFE800  }
0x24: {  	[bflag:$0x0] =	sbarrier.arrive $0xFFFF  }
0x25: {  	[tilespmem:s31], [sflag:$0x6] =	stream.linear.gather [spmem:s9], $0x1800, $0x38;
	[tilespmem:$0x14580] =	vst v63  }
0x26: {  	_ =	swait.ge [sflag:s29], $0x1800  }
0x27: {  	[sflag:s29] =	ssyncset.done $0x0  }
0x28: {  	s21 =	rddreg [dreg:$0x8];
	[sflag:s29] =	ssyncadd.s32 $0xFFFFE800  }
0x29: {  	[hbm4b:s21+s3] =	stream.linear.scatter [tilespmem:s31], [sflag:$0x6], $0x1800, $0x38;
	[tilespmem:$0x14580] =	vst v63  }
0x2a: {  	_ =	swait.ge [sflag:s29], $0x1800  }
0x2b: {  	[sflag:s29] =	ssyncset.done $0x0  }
0x2c: {  	[sflag:s29] =	ssyncadd.s32 $0xFFFFE800  }
0x2d: {  	[tilespmem:s31], [sflag:$0x6] =	stream.linear.gather [spmem:s10], $0x1800, $0x38;
	[tilespmem:$0x14580] =	vst v63  }
0x2e: {  	_ =	swait.ge [sflag:s29], $0x1800  }
0x2f: {  	[sflag:s29] =	ssyncset.done $0x0  }
0x30: {  	s22 =	rddreg [dreg:$0x9];
	[sflag:s29] =	ssyncadd.s32 $0xFFFFE800  }
0x31: {  	[hbm4b:s22+s3] =	stream.linear.scatter [tilespmem:s31], [sflag:$0x6], $0x1800, $0x38;
	[tilespmem:$0x14580] =	vst v63  }
0x32: {  	_ =	swait.ge [sflag:s29], $0x1800  }
0x33: {  	[sflag:s29] =	ssyncset.done $0x0  }
0x34: {  	[sflag:s29] =	ssyncadd.s32 $0xFFFFE800  }
0x35: {  	[tilespmem:s31], [sflag:$0x6] =	stream.linear.gather [spmem:s12], $0x1800, $0x38;
	[tilespmem:$0x14580] =	vst v63  }
0x36: {  	_ =	swait.ge [sflag:s29], $0x1800  }
0x37: {  	[sflag:s29] =	ssyncset.done $0x0  }
0x38: {  	s23 =	rddreg [dreg:$0xa];
	[sflag:s29] =	ssyncadd.s32 $0xFFFFE800  }
0x39: {  	[hbm4b:s23+s3] =	stream.linear.scatter [tilespmem:s31], [sflag:$0x6], $0x1800, $0x38;
	[tilespmem:$0x14580] =	vst v63  }
0x3a: {  	_ =	swait.ge [sflag:s29], $0x1800  }
0x3b: {  	[sflag:s29] =	ssyncset.done $0x0  }
0x3c: {  	[sflag:s29] =	ssyncadd.s32 $0xFFFFE800  }
0x3d: {  	[tilespmem:s31], [sflag:$0x6] =	stream.linear.gather [spmem:s13], $0x1800, $0x38;
	[tilespmem:$0x14580] =	vst v63  }
0x3e: {  	_ =	swait.ge [sflag:s29], $0x1800  }
0x3f: {  	[sflag:s29] =	ssyncset.done $0x0  }
0x40: {  	s24 =	rddreg [dreg:$0xb];
	[sflag:s29] =	ssyncadd.s32 $0xFFFFE800  }
0x41: {  	[hbm4b:s24+s3] =	stream.linear.scatter [tilespmem:s31], [sflag:$0x6], $0x1800, $0x38;
	[tilespmem:$0x14580] =	vst v63  }
0x42: {  	_ =	swait.ge [sflag:s29], $0x1800  }
0x43: {  	[sflag:s29] =	ssyncset.done $0x0  }
0x44: {  	[sflag:s29] =	ssyncadd.s32 $0xFFFFE800  }
0x45: {  	[tilespmem:s31], [sflag:$0x6] =	stream.linear.gather [spmem:s14], $0x1800, $0x38;
	[tilespmem:$0x14580] =	vst v63  }
0x46: {  	_ =	swait.ge [sflag:s29], $0x1800  }
0x47: {  	[sflag:s29] =	ssyncset.done $0x0  }
0x48: {  	s25 =	rddreg [dreg:$0xc];
	[sflag:s29] =	ssyncadd.s32 $0xFFFFE800  }
0x49: {  	[hbm4b:s25+s3] =	stream.linear.scatter [tilespmem:s31], [sflag:$0x6], $0x1800, $0x38;
	[tilespmem:$0x14580] =	vst v63  }
0x4a: {  	_ =	swait.ge [sflag:s29], $0x1800  }
0x4b: {  	s15 =	sadd.s32 $0x1, s15;
	s26 =	rddreg [dreg:$0x11]  }
0x4c: {  	p0 =	sne.s32 s15, s26  }
.Ltmp1:
0x4d: {  	_ = 	snop;
	(pc) =	sbr.rel @!p0 .LBB2_16-.Ltmp1, $3  }
0x4e: {  	_ =	sdelay $0x1  }
0x4f: {  	[sflag:s29] =	ssyncset.done $0x0  }
0x50: {  	[sflag:s29] =	ssyncadd.s32 $0xFFFFE800  }
.LBB2_1:
0x51: {  	s0 =	rddreg [dreg:$0x4]  }
0x52: {  	[tilespmem:s28], [sflag:$0x6] =	stream.linear.gather [hbm4b:s0+s3], $0x2800, $0x38;
	[tilespmem:$0x14580] =	vst v63  }
0x53: {  	_ =	swait.ge [sflag:s29], $0x2800  }
0x54: {  	[sflag:s29] =	ssyncset.done $0x0  }
0x55: {  	s26 =	rddreg [dreg:$0x5];
	[sflag:s29] =	ssyncadd.s32 $0xFFFFD800  }
0x56: {  	[tilespmem:s30], [sflag:$0x6] =	stream.linear.gather [hbm4b:s26+s3], $0x2800, $0x38;
	[tilespmem:$0x14580] =	vst v63  }
0x57: {  	_ =	swait.ge [sflag:s29], $0x2800  }
0x58: {  	[sflag:s29] =	ssyncset.done $0x0  }
0x59: {  	s0 =	simm.s32 $0x9DE0;
	[sflag:s29] =	ssyncadd.s32 $0xFFFFD800  }
0x5a: {  	[tilespmem:s0+$0xFFFFFFA0] =	vst v0  }
0x5b: {  	[tilespmem:s0+$0x50] =	vst v0  }
0x5c: {  	[tilespmem:s0+$0x40] =	vst v0  }
0x5d: {  	[tilespmem:s0+$0x30] =	vst v0  }
0x5e: {  	[tilespmem:s0+$0x20] =	vst v0  }
0x5f: {  	[tilespmem:s0+$0x10] =	vst v0  }
0x60: {  	[tilespmem:s0+$0x0] =	vst v0  }
0x61: {  	[tilespmem:s0+$0xFFFFFFF0] =	vst v0  }
0x62: {  	[tilespmem:s0+$0xFFFFFFE0] =	vst v0  }
0x63: {  	[tilespmem:s0+$0xFFFFFFD0] =	vst v0  }
0x64: {  	s16 =	simm.s32 $0x0;
	[tilespmem:s0+$0xFFFFFFC0] =	vst v0  }
.LBB2_2:
0x65: {  	s16 =	sadd.s32 $0x4, s16;
	[tilespmem:s0+$0xFFFFFFB0] =	vst v0;
	s0 =	sadd.s32 $0xC0, s0  }
0x66: {  	[tilespmem:s0+$0xFFFFFFA0] =	vst v0;
	p0 =	slt.u32 s16, $0x7C  }
0x67: {  	[tilespmem:s0+$0x50] =	vst v0  }
0x68: {  	[tilespmem:s0+$0x40] =	vst v0  }
0x69: {  	[tilespmem:s0+$0x30] =	vst v0  }
0x6a: {  	[tilespmem:s0+$0x20] =	vst v0  }
0x6b: {  	[tilespmem:s0+$0x10] =	vst v0  }
.Ltmp2:
0x6c: {  	[tilespmem:s0+$0x0] =	vst v0;
	(pc) =	sbr.rel @p0 .LBB2_2-.Ltmp2, $4  }
0x6d: {  	[tilespmem:s0+$0xFFFFFFF0] =	vst v0  }
0x6e: {  	[tilespmem:s0+$0xFFFFFFE0] =	vst v0  }
0x6f: {  	[tilespmem:s0+$0xFFFFFFD0] =	vst v0  }
0x70: {  	[tilespmem:s0+$0xFFFFFFC0] =	vst v0  }
0x71: {  	[tilespmem:s0+$0xFFFFFFB0] =	vst v0  }
0x72: {  	[spmem:s9] =	stream.linear.scatter [tilespmem:s31], [sflag:$0x6], $0x1800, $0x38;
	[tilespmem:$0x14580] =	vst v63  }
0x73: {  	_ =	swait.ge [sflag:s29], $0x1800  }
0x74: {  	[sflag:s29] =	ssyncset.done $0x0  }
0x75: {  	[sflag:s29] =	ssyncadd.s32 $0xFFFFE800  }
0x76: {  	[spmem:s10] =	stream.linear.scatter [tilespmem:s31], [sflag:$0x6], $0x1800, $0x38;
	[tilespmem:$0x14580] =	vst v63  }
0x77: {  	_ =	swait.ge [sflag:s29], $0x1800  }
0x78: {  	[sflag:s29] =	ssyncset.done $0x0  }
0x79: {  	[sflag:s29] =	ssyncadd.s32 $0xFFFFE800  }
0x7a: {  	[spmem:s12] =	stream.linear.scatter [tilespmem:s31], [sflag:$0x6], $0x1800, $0x38;
	[tilespmem:$0x14580] =	vst v63  }
0x7b: {  	_ =	swait.ge [sflag:s29], $0x1800  }
0x7c: {  	[sflag:s29] =	ssyncset.done $0x0  }
0x7d: {  	[sflag:s29] =	ssyncadd.s32 $0xFFFFE800  }
0x7e: {  	[spmem:s13] =	stream.linear.scatter [tilespmem:s31], [sflag:$0x6], $0x1800, $0x38;
	[tilespmem:$0x14580] =	vst v63  }
0x7f: {  	_ =	swait.ge [sflag:s29], $0x1800  }
0x80: {  	[sflag:s29] =	ssyncset.done $0x0  }
0x81: {  	[sflag:s29] =	ssyncadd.s32 $0xFFFFE800  }
0x82: {  	[spmem:s14] =	stream.linear.scatter [tilespmem:s31], [sflag:$0x6], $0x1800, $0x38;
	[tilespmem:$0x14580] =	vst v63  }
0x83: {  	_ =	swait.ge [sflag:s29], $0x1800  }
0x84: {  	[sflag:s29] =	ssyncset.done $0x0  }
0x85: {  	[sflag:s29] =	ssyncadd.s32 $0xFFFFE800  }
0x86: {  	[bflag:$0x0] =	sbarrier.arrive $0xFFFF  }
0x87: {  	s16 =	simm.s32 $0x0;
	s17 =	rddreg [dreg:$0x6]  }
0x88: {  	[tilespmem:s16], [sflag:$0x6] =	stream.linear.gather [hbm4b:s17+s16], $0x80, $0x38;
	[tilespmem:$0x14580] =	vst v63  }
0x89: {  	_ =	swait.ge [sflag:s29], $0x80  }
0x8a: {  	[sflag:s29] =	ssyncset.done $0x0  }
0x8b: {  	s17 =	simm.s32 $0x280;
	s18 =	rddreg [dreg:$0x7];
	[sflag:s29] =	ssyncadd.s32 $0xFFFFFF80  }
0x8c: {  	[tilespmem:s17], [sflag:$0x6] =	stream.linear.gather [hbm4b:s18+s16], $0x80, $0x38;
	[tilespmem:$0x14580] =	vst v63  }
0x8d: {  	_ =	swait.ge [sflag:s29], $0x80  }
0x8e: {  	[sflag:s29] =	ssyncset.done $0x0  }
0x8f: {  	s6 =	simm.s32 $0x80;
	s19 =	simm.s32 $0x500;
	[sflag:s29] =	ssyncadd.s32 $0xFFFFFF80  }
0x90: {  	[tilespmem:s19], [sflag:$0x1] =	stream.indirect.gather [hbm4b:s5+s6], $0x30, s16, s6, $0xb8;
	[tilespmem:$0x14580] =	vst v63  }
0x91: {  	s20 =	rddreg [dreg:$0xd]  }
0x92: {  	[tilespmem:s6], [sflag:$0x6] =	stream.linear.gather [hbm4b:s20+s16], $0x80, $0x38;
	[tilespmem:$0x14580] =	vst v63  }
0x93: {  	_ =	swait.ge [sflag:s29], $0x80  }
0x94: {  	[sflag:s29] =	ssyncset.done $0x0  }
0x95: {  	s18 =	simm.s32 $0x300;
	s21 =	rddreg [dreg:$0xe];
	[sflag:s29] =	ssyncadd.s32 $0xFFFFFF80  }
0x96: {  	[tilespmem:s18], [sflag:$0x6] =	stream.linear.gather [hbm4b:s21+s16], $0x80, $0x38;
	[tilespmem:$0x14580] =	vst v63  }
0x97: {  	_ =	swait.ge [sflag:s29], $0x80  }
0x98: {  	[sflag:s29] =	ssyncset.done $0x0  }
0x99: {  	s22 =	simm.s32 $0x1D00;
	s24 =	simm.s32 $0x100;
	[sflag:s29] =	ssyncadd.s32 $0xFFFFFF80  }
0x9a: {  	[tilespmem:s22], [sflag:$0x2] =	stream.indirect.gather [hbm4b:s5+s6], $0x30, s6, s6, $0xb8;
	[tilespmem:$0x14580] =	vst v63  }
0x9b: {  	s26 =	simm.s32 $0x380;
	p0 =	por $0x0, $0x0;
	s23 =	rddreg [dreg:$0xf]  }
0x9c: {  	[tilespmem:s24], [sflag:$0x3] =	stream.linear.gather [hbm4b:s23+s16], $0x80, $0x38;
	[tilespmem:$0x14580] =	vst v63  }
0x9d: {  	s19 =	simm.s32 $0x5B0;
	s18 =	simm.s32 $0x10;
	s25 =	rddreg [dreg:$0x10]  }
0x9e: {  	[tilespmem:s26], [sflag:$0x3] =	stream.linear.gather [hbm4b:s25+s16], $0x80, $0x38;
	[tilespmem:$0x14580] =	vst v63  }
.LBB2_4:
0x9f: {  	s0 =	sand.u32 $0x1, s16;
	p2 =	slt.u32 s16, $0x2  }
0xa0: {  	p1 =	sne.s32 @!p2 s0, $0x0  }
0xa1: {  	p3 =	por p1, p2  }
0xa2: {  	s20 =	simm.s32 @!p3 $0x4  }
0xa3: {  	p1 =	seq.s32 s0, $0x1;
	_ =	swait.ge @!p3 [sflag:s20], $0x1800  }
0xa4: {  	p4 =	por !p1, p2;
	[sflag:s20] =	ssyncset.done @!p3 $0x0  }
0xa5: {  	[sflag:s20] =	ssyncadd.s32 @!p3 $0xFFFFE800;
	s20 =	simm.s32 @!p4 $0x5  }
0xa6: {  	_ =	swait.ge @!p4 [sflag:s20], $0x1800  }
0xa7: {  	p2 =	sne.s32 s0, $0x0;
	[sflag:s20] =	ssyncset.done @!p4 $0x0  }
0xa8: {  	p3 =	sgt.u32 s16, $0x4E;
	[sflag:s20] =	ssyncadd.s32 @!p4 $0xFFFFE800;
	s20 =	simm.s32 @!p2 $0x1  }
0xa9: {  	s21 =	sadd.s32 @!p3 $0x2, s16;
	_ =	swait.ge @!p2 [sflag:s20], $0x1800  }
0xaa: {  	s22 =	sand.u32 @!p3 $0xFF, s21;
	[sflag:s20] =	ssyncset.done @!p2 $0x0  }
0xab: {  	s23 =	smul.u32 @!p3 $0xAB, s22;
	[sflag:s20] =	ssyncadd.s32 @!p2 $0xFFFFE800;
	s20 =	simm.s32 @p1 $0x2  }
0xac: {  	_ =	swait.ge @p1 [sflag:s20], $0x1800  }
0xad: {  	s22 =	smul.u32 @!p3 $0xCD, s22;
	s23 =	sshrl.u32 @!p3 s23, $0x9;
	[sflag:s20] =	ssyncset.done @p1 $0x0  }
0xae: {  	[sflag:s20] =	ssyncadd.s32 @p1 $0xFFFFE800;
	s20 =	smul.u32 @!p3 $0x3, s23  }
0xaf: {  	p4 =	sne.s32 @!p3 s0, $0x0;
	s0 =	sshrl.u32 @!p3 s22, $0xA;
	s22 =	simm.s32 @!p3 $0x3  }
0xb0: {  	s0 =	smul.u32 @!p3 $0x5, s0;
	_ =	swait.ge @!p3 [sflag:s22], $0x80;
	s20 =	ssub.s32 @!p3 s21, s20  }
0xb1: {  	p4 =	por p4, p3;
	[sflag:s22] =	ssyncset.done @!p3 $0x0;
	s20 =	sand.u32 @!p3 $0xFF, s20  }
0xb2: {  	s0 =	ssub.s32 @!p3 s21, s0;
	[sflag:s22] =	ssyncadd.s32 @!p3 $0xFFFFFF80;
	s21 =	smul.u32 @!p4 $0x6000, s20  }
0xb3: {  	s0 =	sand.u32 @!p3 $0xFF, s0;
	_ =	swait.ge @!p3 [sflag:s22], $0x80  }
0xb4: {  	s0 =	sshll.u32 @!p3 s0, $0x7;
	[sflag:s22] =	ssyncset.done @!p3 $0x0;
	s21 =	sshrl.u32 @!p4 s21, $0x2  }
0xb5: {  	[sflag:s22] =	ssyncadd.s32 @!p3 $0xFFFFFF80;
	s22 =	simm.s32 @!p4 $0x80;
	s21 =	sor.u32 @!p4 $0x500, s21  }
0xb6: {  	[tilespmem:s21], [sflag:$0x1] =	stream.indirect.gather @!p4 [hbm4b:s5+s22], $0x30, s0, s22, $0xb8;
	[tilespmem:$0x14580] =	vst v63  }
0xb7: {  	p4 =	por !p1, p3  }
0xb8: {  	p5 =	seq.s32 @!p3 s16, $0x4E;
	s20 =	smul.u32 @!p4 $0x6000, s20  }
0xb9: {  	p3 =	por p5, p3  }
0xba: {  	s21 =	sadd.s32 @!p3 $0x3, s16;
	s20 =	sshrl.u32 @!p4 s20, $0x2  }
0xbb: {  	s22 =	simm.s32 @!p4 $0x80;
	s23 =	smul.u32 @!p3 $0xCD, s21;
	s20 =	sor.u32 @!p4 $0x500, s20  }
0xbc: {  	[tilespmem:s20], [sflag:$0x2] =	stream.indirect.gather @!p4 [hbm4b:s5+s22], $0x30, s0, s22, $0xb8;
	[tilespmem:$0x14580] =	vst v63  }
0xbd: {  	s20 =	sshrl.u32 @!p3 s23, $0xA  }
0xbe: {  	s25 =	smulhi.u32 $0xAAAAAAAB, s16;
	s20 =	sand.u32 @!p3 $0x3F, s20  }
0xbf: {  	s0 =	smul.u32 @!p3 $0x5, s20  }
0xc0: {  	s22 =	sshrl.u32 s25, $0x1;
	s23 =	sshll.u32 @!p3 s21, $0x7  }
0xc1: {  	s26 =	smul.u32 $0xFFFFFA00, s22;
	s23 =	sadd.s32 @!p3 s11, s23;
	s0 =	ssub.s32 @!p3 s21, s0  }
0xc2: {  	s24 =	simm.s32 @!p3 $0x0;
	s21 =	sshrl.u32 @!p3 s23, $0x3;
	s0 =	sand.u32 @!p3 $0xFF, s0  }
0xc3: {  	s20 =	sshra.s32 s26, $0x2;
	s23 =	sadd.s32 @!p3 s1, s21;
	s0 =	sshll.u32 @!p3 s0, $0x7  }
0xc4: {  	[tilespmem:s0], [sflag:$0x3] =	stream.linear.gather @!p3 [hbm4b:s23+s24], $0x80, $0x38;
	[tilespmem:$0x14580] =	vst v63  }
0xc5: {  	s6 =	sadd.s32 s20, s18;
	s21 =	sadd.s32 @!p3 s8, s21;
	s0 =	sadd.s32 @!p3 $0x280, s0  }
0xc6: {  	[tilespmem:s0], [sflag:$0x3] =	stream.linear.gather @!p3 [hbm4b:s21+s24], $0x80, $0x38;
	[tilespmem:$0x14580] =	vst v63  }
0xc7: {  	s25 =	sadd.s32 s20, s17;
	v1 =	vld [tilespmem:s6+$0x0]  }
0xc8: {  	v2 =	vld [tilespmem:s25+$0x10];
	_ =	sdelay $0x5  }
0xc9: {  	v3 =	vld [tilespmem:s25+$0x0]  }
0xca: {  	v1 =	vld.idx.msk [tilespmem:v1+s28+$0x0], $0xffff  }
0xcb: {  	v2 =	vld.idx.msk [tilespmem:v2+s30+$0x0], $0xffff  }
0xcc: {  	v4 =	vld [tilespmem:s6+$0xFFFFFFF0];
	_ =	sdelay $0x1  }
0xcd: {  	s26 =	sadd.s32 $0x20, s6  }
0xce: {  	v5 =	vld [tilespmem:s26+$0x0]  }
0xcf: {  	s0 =	sadd.s32 $0x20, s25;
	v1 =	vadd.f32 v2, v1  }
0xd0: {  	v6 =	vld [tilespmem:s0+$0x10]  }
0xd1: {  	v2 =	vld.idx.msk [tilespmem:v3+s30+$0x0], $0xffff;
	v7 =	vmul.f32 $2.000000030e-01, v1  }
0xd2: {  	v3 =	vld [tilespmem:s0+$0x0];
	vm0 =	vge.f32 v1, $0.0e+00  }
0xd3: {  	v4 =	vld.idx.msk [tilespmem:v4+s28+$0x0], $0xffff;
	v1 =	vsel vm0, v1, v7  }
0xd4: {  	v1 =	vmul.f32 $1.442695020e+00, v1  }
0xd5: {  	v8 =	vld [tilespmem:s26+$0xFFFFFFF0]  }
0xd6: {  	s23 =	sadd.s32 $0x20, s26;
	v5 =	vld.idx.msk [tilespmem:v5+s28+$0x0], $0xffff;
	(erf) = vpow2.f32 v1  }
0xd7: {  	v7 =	vld [tilespmem:s23+$0x0]  }
0xd8: {  	v6 =	vld.idx.msk [tilespmem:v6+s30+$0x0], $0xffff;
	s0 =	sadd.s32 $0x20, s0;
	v2 =	vadd.f32 v2, v4  }
0xd9: {  	v9 =	vld [tilespmem:s0+$0x10]  }
0xda: {  	v11 =	vld.idx.msk [tilespmem:v3+s30+$0x0], $0xffff;
	v3 =	vmul.f32 $2.000000030e-01, v2  }
0xdb: {  	v10 =	vld [tilespmem:s0+$0x0];
	vm14 =	vge.f32 v2, $0.0e+00  }
0xdc: {  	s6 =	smul.u32 $0xCD, s16;
	v2 =	vsel vm14, v2, v3  }
0xdd: {  	s21 =	simm.s32 $0x1;
	v4 =	vadd.f32 v6, v5;
	v2 =	vmul.f32 $1.442695020e+00, v2  }
0xde: {  	s22 =	smul.u32 $0xFFFEE000, s22;
	s21 =	simm.s32 @!p0 $0x0;
	s20 =	sshrl.u32 s6, $0xA;
	v8 =	vld.idx.msk [tilespmem:v8+s28+$0x0], $0xffff  }
0xdf: {  	s21 =	smul.u32 $0x6000, s21;
	s20 =	sand.u32 $0x3F, s20;
	v5 =	vmul.f32 $2.000000030e-01, v4;
	v3 =	vld.idx.msk [tilespmem:v7+s28+$0x0], $0xffff;
	v7 =	vpop (erf);
	(erf) = vpow2.f32 v2  }
0xe0: {  	s22 =	sshra.s32 s22, $0x2;
	s20 =	smul.u32 $0x5, s20;
	v1 =	vld [tilespmem:s23+$0xFFFFFFF0];
	vm15 =	vge.f32 v4, $0.0e+00  }
0xe1: {  	s26 =	sadd.s32 s22, s19;
	s22 =	simm.s32 $0x4;
	v5 =	vsel vm15, v4, v5  }
0xe2: {  	s21 =	sshrl.u32 s21, $0x2;
	s24 =	ssub.s32 s16, s20;
	s20 =	simm.s32 $0x9D10;
	v4 =	vld.idx.msk [tilespmem:v9+s30+$0x0], $0xffff;
	v5 =	vmul.f32 $1.442695020e+00, v5  }
0xe3: {  	s25 =	sadd.s32 $0x9DE0, s21;
	s21 =	sand.u32 $0xFF, s24;
	s23 =	sadd.s32 $0x20, s23;
	v6 =	vadd.f32 v11, v8;
	v2 =	vld.idx.msk [tilespmem:v10+s30+$0x0], $0xffff;
	[tilespmem:s20+$0x0] =	vst v7  }
.LBB2_5:
0xe4: {  	v7 =	vld [tilespmem:s23+$0x0];
	s0 =	sadd.s32 $0x20, s0;
	(erf) = vpow2.f32 v5  }
0xe5: {  	s22 =	sadd.s32 $0x2, s22;
	v5 =	vld [tilespmem:s0+$0x10];
	vm0 =	vge.f32 v6, $0.0e+00;
	v8 =	vmul.f32 $2.000000030e-01, v6  }
0xe6: {  	p3 =	slt.u32 s22, $0x6;
	v9 =	vld [tilespmem:s0+$0x0]  }
0xe7: {  	v10 =	vld [tilespmem:s23+$0xFFFFFFF0];
	v6 =	vsel vm0, v6, v8  }
0xe8: {  	v8 =	vld.idx.msk [tilespmem:v1+s28+$0x0], $0xffff;
	v1 =	vadd.f32 v4, v3;
	v3 =	vmul.f32 $1.442695020e+00, v6;
	v4 =	vpop (erf)  }
0xe9: {  	[tilespmem:s20+$0xFFFFFFF0] =	vst v4  }
.Ltmp3:
0xea: {  	v4 =	vmul.f32 $2.000000030e-01, v1;
	(erf) = vpow2.f32 v3;
	(pc) =	sbr.rel @p3 .LBB2_5-.Ltmp3, $4  }
0xeb: {  	vm0 =	vge.f32 v1, $0.0e+00  }
0xec: {  	v3 =	vld.idx.msk [tilespmem:v7+s28+$0x0], $0xffff;
	v6 =	vsel vm0, v1, v4;
	v1 =	vmov v10  }
0xed: {  	s20 =	sadd.s32 $0x20, s20;
	v4 =	vld.idx.msk [tilespmem:v5+s30+$0x0], $0xffff;
	v5 =	vmul.f32 $1.442695020e+00, v6;
	v7 =	vpop (erf)  }
0xee: {  	s23 =	sadd.s32 $0x20, s23;
	v6 =	vadd.f32 v2, v8;
	v2 =	vld.idx.msk [tilespmem:v9+s30+$0x0], $0xffff;
	[tilespmem:s20+$0x0] =	vst v7  }
0xef: {  	_ =	sdelay $0x3  }
0xf0: {  	v1 =	vld.idx.msk [tilespmem:v1+s28+$0x0], $0xffff;
	_ =	sdelay $0x3  }
0xf1: {  	v3 =	vadd.f32 v4, v3  }
0xf2: {  	v4 =	vmul.f32 $2.000000030e-01, v6;
	v1 =	vadd.f32 v2, v1  }
0xf3: {  	vm0 =	vge.f32 v6, $0.0e+00;
	v2 =	vmul.f32 $2.000000030e-01, v3  }
0xf4: {  	v4 =	vsel vm0, v6, v4;
	vm14 =	vge.f32 v3, $0.0e+00;
	v6 =	vmul.f32 $2.000000030e-01, v1  }
0xf5: {  	v4 =	vmul.f32 $1.442695020e+00, v4;
	v2 =	vsel vm14, v3, v2;
	vm15 =	vge.f32 v1, $0.0e+00  }
0xf6: {  	(erf) = vpow2.f32 v5;
	v2 =	vmul.f32 $1.442695020e+00, v2;
	v1 =	vsel vm15, v1, v6  }
0xf7: {  	(erf) = vpow2.f32 v4;
	v1 =	vmul.f32 $1.442695020e+00, v1  }
0xf8: {  	(erf) = vpow2.f32 v2  }
0xf9: {  	(erf) = vpow2.f32 v1;
	_ =	sdelay $0x4  }
0xfa: {  	p5 =	por $0x1, $0x1;
	v1 =	vpop (erf)  }
.Ltmp4:
0xfb: {  	s0 =	sadd.s32 $0x20, s20;
	v2 =	vpop (erf);
	[tilespmem:s20+$0xFFFFFFF0] =	vst v1;
	(pc) =	sbr.rel @!p5 .LBB2_7-.Ltmp4, $4  }
0xfc: {  	s6 =	simm.s32 $0x0;
	[tilespmem:s0+$0x0] =	vst v2;
	v1 =	vpop (erf)  }
0xfd: {  	s22 =	simm.s32 $0x3;
	s23 =	simm.s32 $0x1;
	v2 =	vmov s6;
	[tilespmem:s0+$0xFFFFFFF0] =	vst v1;
	s0 =	sadd.s32 $0x20, s0;
	v1 =	vpop (erf)  }
0xfe: {  	s24 =	simm.s32 $0x2;
	v8 =	vmov s22;
	v3 =	vmov s23;
	v2 =	vand.u32 $0xFFFFFFFC, v2;
	[tilespmem:s0+$0x0] =	vst v1;
	v1 =	vpop (erf)  }
0xff: {  	p3 =	por $0x0, $0x0;
	p4 =	por $0x0, $0x0;
	v19 =	vmov s24;
	v17 =	vand.u32 $0xFFFFFFFD, v3;
	v6 =	vbroadcast v2, $0x0;
	[tilespmem:s0+$0xFFFFFFF0] =	vst v1;
	s0 =	simm.s32 $0x4  }
0x100: {  	v1 =	vand.u32 $0xFFFFFFFE, v19  }
0x101: {  	v1 =	vbroadcast v1, $0x0;
	_ =	sdelay $0x4  }
0x102: {  	v3 =	vbroadcast v17, $0x0;
	v5 =	vld [tilespmem:s26+$0xFFFFFFB0]  }
0x103: {  	v7 =	vld.idx.msk [tilespmem:v1+s4+$0x0], $0xffff  }
0x104: {  	v11 =	vld [tilespmem:s26+$0xFFFFFF50]  }
0x105: {  	p5 =	por $0x1, $0x1;
	v2 =	vld.idx.msk [tilespmem:v6+s4+$0x0], $0xffff  }
.Ltmp5:
0x106: {  	_ = 	snop;
	(pc) =	sbr.rel @!p5 .LBB2_9-.Ltmp5, $4  }
0x107: {  	v9 =	vld [tilespmem:s26+$0xFFFFFF80];
	v6 =	vmov s0  }
0x108: {  	s20 =	simm.s32 $0x5;
	s24 =	simm.s32 $0x6;
	v4 =	vld.idx.msk [tilespmem:v3+s4+$0x0], $0xffff;
	v3 =	vand.u32 $0xFFFFFFFC, v6;
	v5 =	vmul.f32 v5, v7  }
0x109: {  	s23 =	simm.s32 $0x7;
	v10 =	vld [tilespmem:s26+$0xFFFFFFE0];
	v19 =	vmov s24;
	v6 =	vbroadcast v3, $0x0;
	v3 =	vmov s20  }
0x10a: {  	p3 =	por $0x1, $0x1;
	s0 =	simm.s32 $0x8;
	v16 =	vmul.f32 v11, v2;
	v1 =	vld.idx.msk [tilespmem:v8+s4+$0x0], $0xffff;
	v8 =	vmov s23;
	v17 =	vand.u32 $0xFFFFFFFD, v3;
	[tilespmem:s25+$0x0] =	vst v5  }
0x10b: {  	_ =	sdelay $0x3  }
0x10c: {  	v11 =	vand.u32 $0xFFFFFFFE, v19;
	v3 =	vld.idx.msk [tilespmem:v8+s4+$0x0], $0xffff  }
0x10d: {  	v8 =	vmul.f32 v9, v4;
	v9 =	vbroadcast v11, $0x0;
	v11 =	vld [tilespmem:s26+$0xFFFFFFC0]  }
0x10e: {  	v12 =	vld.idx.msk [tilespmem:v6+s4+$0x0], $0xffff;
	[tilespmem:s25+$0xFFFFFFA0] =	vst v16  }
0x10f: {  	v13 =	vld [tilespmem:s26+$0xFFFFFF60];
	[tilespmem:s25+$0xFFFFFFD0] =	vst v8  }
0x110: {  	v5 =	vbroadcast v17, $0x0;
	s22 =	sadd.s32 $0xC0, s26;
	v10 =	vmul.f32 v10, v1;
	v8 =	vld [tilespmem:s26+$0xFFFFFF90]  }
0x111: {  	v14 =	vld [tilespmem:s22+$0xFFFFFFB0]  }
0x112: {  	v20 =	vld [tilespmem:s22+$0xFFFFFF50];
	[tilespmem:s25+$0x30] =	vst v10;
	v6 =	vmul.f32 v11, v7  }
0x113: {  	v10 =	vld [tilespmem:s26+$0xFFFFFFF0]  }
0x114: {  	v11 =	vld.idx.msk [tilespmem:v9+s4+$0x0], $0xffff;
	[tilespmem:s25+$0x10] =	vst v6  }
0x115: {  	v16 =	vld [tilespmem:s26+$0xFFFFFFD0];
	v6 =	vmul.f32 v8, v4;
	v8 =	vmul.f32 v13, v2  }
0x116: {  	s20 =	simm.s32 $0xB;
	p5 =	por $0x1, $0x1;
	v5 =	vld.idx.msk [tilespmem:v5+s4+$0x0], $0xffff  }
.Ltmp6:
0x117: {  	v9 =	vld [tilespmem:s22+$0xFFFFFF80];
	[tilespmem:s25+$0xFFFFFFB0] =	vst v8;
	v8 =	vmov s20;
	(pc) =	sbr.rel @!p5 .LBB2_11-.Ltmp6, $4  }
0x118: {  	s24 =	simm.s32 $0xA;
	v13 =	vmul.f32 v10, v1;
	[tilespmem:s25+$0xFFFFFFE0] =	vst v6;
	v10 =	vld [tilespmem:s22+$0xFFFFFFE0]  }
0x119: {  	s23 =	simm.s32 $0x9;
	v19 =	vmov s24;
	v6 =	vmov s0;
	v21 =	vmul.f32 v14, v11;
	v14 =	vld [tilespmem:s26+$0xFFFFFFA0]  }
0x11a: {  	p4 =	por $0x1, $0x1;
	s20 =	sadd.s32 $0xC0, s25;
	v6 =	vand.u32 $0xFFFFFFFC, v6;
	v15 =	vld [tilespmem:s26+$0xFFFFFF70];
	[tilespmem:s25+$0x40] =	vst v13;
	v13 =	vmov s23;
	v18 =	vmul.f32 v16, v7  }
0x11b: {  	s24 =	smov.u32 s22;
	s0 =	simm.s32 $0xC;
	v6 =	vbroadcast v6, $0x0;
	s23 =	smov.u32 s25;
	v17 =	vand.u32 $0xFFFFFFFD, v13;
	v16 =	vmul.f32 v20, v12;
	[tilespmem:s20+$0x0] =	vst v21;
	v13 =	vld [tilespmem:s26+$0x0]  }
.LBB2_12:
0x11c: {  	p5 =	slt.u32 s0, $0x7C;
	v7 =	vbroadcast v17, $0x0;
	v17 =	vand.u32 $0xFFFFFFFE, v19;
	v8 =	vld.idx.msk [tilespmem:v8+s4+$0x0], $0xffff;
	v9 =	vmul.f32 v9, v5;
	[tilespmem:s23+$0x20] =	vst v18  }
0x11d: {  	v17 =	vbroadcast v17, $0x0;
	[tilespmem:s20+$0xFFFFFFA0] =	vst v16;
	v16 =	vld [tilespmem:s22+$0xFFFFFFC0];
	v10 =	vmul.f32 v10, v3  }
0x11e: {  	v18 =	vld [tilespmem:s22+$0xFFFFFF60];
	[tilespmem:s20+$0xFFFFFFD0] =	vst v9;
	v9 =	vmul.f32 v14, v4;
	v4 =	vmov v5  }
0x11f: {  	v14 =	vld [tilespmem:s22+$0xFFFFFF90];
	[tilespmem:s20+$0x30] =	vst v10;
	v5 =	vmul.f32 v15, v2;
	v2 =	vmov v12  }
0x120: {  	v10 =	vld [tilespmem:s22+$0xFFFFFFF0];
	[tilespmem:s23+$0xFFFFFFF0] =	vst v9;
	v9 =	vmul.f32 v13, v1;
	v1 =	vmov v3  }
0x121: {  	v12 =	vld.idx.msk [tilespmem:v6+s4+$0x0], $0xffff;
	[tilespmem:s23+$0xFFFFFFC0] =	vst v5  }
0x122: {  	v3 =	vmov v8;
	v5 =	vld.idx.msk [tilespmem:v7+s4+$0x0], $0xffff;
	v6 =	vmul.f32 v16, v11;
	[tilespmem:s23+$0x50] =	vst v9;
	s23 =	smov.u32 s20  }
0x123: {  	s22 =	sadd.s32 $0xC0, s22;
	v7 =	vld.idx.msk [tilespmem:v17+s4+$0x0], $0xffff;
	v8 =	vmul.f32 v18, v2  }
0x124: {  	v13 =	vld [tilespmem:s22+$0xFFFFFFB0];
	v9 =	vmul.f32 v14, v4;
	[tilespmem:s20+$0x10] =	vst v6  }
0x125: {  	[tilespmem:s20+$0xFFFFFFB0] =	vst v8;
	v16 =	vld [tilespmem:s24+$0xFFFFFFD0];
	v6 =	vmul.f32 v10, v1  }
0x126: {  	s6 =	sadd.s32 $0x3, s0;
	v20 =	vld [tilespmem:s22+$0xFFFFFF50];
	[tilespmem:s20+$0xFFFFFFE0] =	vst v9  }
.Ltmp7:
0x127: {  	v8 =	vmov s6;
	v9 =	vld [tilespmem:s22+$0xFFFFFF80];
	[tilespmem:s20+$0x40] =	vst v6;
	(pc) =	sbr.rel @p5 .LBB2_12-.Ltmp7, $4  }
0x128: {  	v6 =	vmov s0;
	v10 =	vld [tilespmem:s22+$0xFFFFFFE0]  }
0x129: {  	s6 =	sadd.s32 $0x1, s0;
	v6 =	vand.u32 $0xFFFFFFFC, v6;
	v13 =	vmul.f32 v13, v7;
	v14 =	vld [tilespmem:s24+$0xFFFFFFA0]  }
0x12a: {  	v17 =	vmov s6;
	s6 =	sadd.s32 $0x2, s0;
	s20 =	sadd.s32 $0xC0, s20;
	v6 =	vbroadcast v6, $0x0;
	v15 =	vld [tilespmem:s24+$0xFFFFFF70];
	v18 =	vmul.f32 v16, v11;
	v11 =	vmovc v7  }
0x12b: {  	v17 =	vand.u32 $0xFFFFFFFD, v17;
	v19 =	vmov s6;
	s0 =	sadd.s32 $0x4, s0;
	v16 =	vmul.f32 v20, v12;
	[tilespmem:s20+$0x0] =	vst v13;
	v13 =	vld [tilespmem:s24+$0x0];
	s24 =	smov.u32 s22  }
0x12c: {  	v20 =	vmov v2;
	v2 =	vmov v12;
	v7 =	vmov v11  }
.LBB2_14:
0x12d: {  	_ =	sdelay $0x3  }
0x12e: {  	v11 =	vbroadcast v17, $0x0;
	v12 =	vand.u32 $0xFFFFFFFE, v19;
	v8 =	vld.idx.msk [tilespmem:v8+s4+$0x0], $0xffff  }
0x12f: {  	v17 =	vld @p3 [tilespmem:s22+$0xFFFFFFC0];
	s0 =	sadd.s32 @p3 $0xC0, s22;
	v12 =	vbroadcast v12, $0x0  }
0x130: {  	v6 =	vld.idx.msk [tilespmem:v6+s4+$0x0], $0xffff;
	s26 =	smov.u32 @p3 s0  }
0x131: {  	v51 =	vld [tilespmem:s26+$0xFFFFFFB0]  }
0x132: {  	v52 =	vld [tilespmem:s26+$0xFFFFFF80]  }
0x133: {  	v9 =	vmul.f32 @p3 v9, v5;
	[tilespmem:s23+$0x20] =	vst @p4 v18;
	v53 =	vld [tilespmem:s26+$0xFFFFFF50]  }
0x134: {  	[tilespmem:s20+$0xFFFFFFA0] =	vst @p3 v16;
	v10 =	vmul.f32 @p3 v10, v3;
	v11 =	vld.idx.msk [tilespmem:v11+s4+$0x0], $0xffff  }
0x135: {  	v4 =	vmul.f32 @p4 v14, v4;
	[tilespmem:s20+$0xFFFFFFD0] =	vst @p3 v9;
	v12 =	vld.idx.msk [tilespmem:v12+s4+$0x0], $0xffff  }
0x136: {  	[tilespmem:s20+$0x30] =	vst @p3 v10;
	v10 =	vmul.f32 @p4 v15, v20;
	v54 =	vld [tilespmem:s26+$0xFFFFFFE0]  }
0x137: {  	v15 =	vld @p3 [tilespmem:s22+$0xFFFFFF90];
	[tilespmem:s23+$0xFFFFFFF0] =	vst @p4 v4;
	v1 =	vmul.f32 @p4 v13, v1  }
0x138: {  	v18 =	vld @p3 [tilespmem:s22+$0xFFFFFFF0];
	[tilespmem:s23+$0xFFFFFFC0] =	vst @p4 v10;
	v4 =	vmul.f32 @p3 v17, v7  }
0x139: {  	s0 =	sadd.s32 @p3 $0xC0, s20;
	v17 =	vld @p3 [tilespmem:s22+$0xFFFFFF60];
	[tilespmem:s23+$0x50] =	vst @p4 v1;
	v56 =	vmul.f32 v52, v11  }
0x13a: {  	s25 =	smov.u32 @p3 s0;
	[tilespmem:s20+$0x10] =	vst @p3 v4;
	v55 =	vmul.f32 v51, v12  }
0x13b: {  	v14 =	vmul.f32 v54, v8;
	v16 =	vld @p3 [tilespmem:s24+$0xFFFFFFD0];
	[tilespmem:s25+$0xFFFFFFD0] =	vst v56  }
0x13c: {  	v9 =	vmul.f32 v53, v6;
	[tilespmem:s25+$0x0] =	vst v55;
	v57 =	vld [tilespmem:s26+$0xFFFFFF90]  }
0x13d: {  	[tilespmem:s25+$0x30] =	vst v14;
	v14 =	vmul.f32 @p3 v18, v3;
	v10 =	vld [tilespmem:s26+$0xFFFFFFC0]  }
0x13e: {  	v4 =	vmul.f32 @p3 v15, v5;
	[tilespmem:s25+$0xFFFFFFA0] =	vst v9;
	v15 =	vmul.f32 @p3 v17, v2;
	v59 =	vld [tilespmem:s26+$0xFFFFFFF0]  }
0x13f: {  	v58 =	vld [tilespmem:s26+$0xFFFFFF60];
	[tilespmem:s20+$0x40] =	vst @p3 v14  }
0x140: {  	[tilespmem:s20+$0xFFFFFFB0] =	vst @p3 v15;
	v1 =	vld @p3 [tilespmem:s24+$0x0]  }
0x141: {  	[tilespmem:s20+$0xFFFFFFE0] =	vst @p3 v4;
	v14 =	vld @p3 [tilespmem:s24+$0xFFFFFF70];
	v9 =	vmul.f32 v57, v11  }
0x142: {  	v13 =	vld @p3 [tilespmem:s24+$0xFFFFFFA0];
	v10 =	vmul.f32 v10, v12  }
0x143: {  	v4 =	vmul.f32 v59, v8;
	[tilespmem:s25+$0xFFFFFFE0] =	vst v9  }
0x144: {  	v7 =	vmul.f32 @p3 v16, v7;
	v60 =	vmul.f32 v58, v6;
	[tilespmem:s25+$0x10] =	vst v10;
	v61 =	vld [tilespmem:s26+$0xFFFFFFA0]  }
0x145: {  	s0 =	smov.u32 @p3 s20;
	v3 =	vpsel p3, v3, v0;
	v2 =	vpsel p3, v2, v0;
	[tilespmem:s25+$0x40] =	vst v4;
	v1 =	vpsel p3, v1, v0;
	v10 =	vld [tilespmem:s26+$0xFFFFFFD0]  }
0x146: {  	s0 =	smov.u32 @p3 s0;
	v7 =	vpsel p3, v7, v0;
	[tilespmem:s25+$0xFFFFFFB0] =	vst v60;
	v14 =	vpsel p3, v14, v0;
	v63 =	vld [tilespmem:s26+$0x0];
	v1 =	vmul.f32 @p3 v1, v3  }
0x147: {  	v5 =	vpsel p3, v5, v0;
	[tilespmem:s0+$0x20] =	vst @p3 v7;
	v62 =	vld [tilespmem:s26+$0xFFFFFF70];
	v2 =	vmul.f32 @p3 v14, v2;
	v9 =	vpsel p3, v13, v0  }
0x148: {  	[tilespmem:s0+$0x50] =	vst @p3 v1;
	v5 =	vmul.f32 @p3 v9, v5  }
0x149: {  	[tilespmem:s0+$0xFFFFFFC0] =	vst @p3 v2;
	v1 =	vmul.f32 v61, v11  }
0x14a: {  	[tilespmem:s0+$0xFFFFFFF0] =	vst @p3 v5;
	v2 =	vmul.f32 v10, v12  }
0x14b: {  	[tilespmem:s25+$0xFFFFFFF0] =	vst v1;
	v1 =	vmul.f32 v63, v8  }
0x14c: {  	[tilespmem:s25+$0x20] =	vst v2;
	v2 =	vmul.f32 v62, v6  }
0x14d: {  	s0 =	sshll.u32 @!p2 s21, $0x7;
	[tilespmem:s25+$0x50] =	vst v1  }
0x14e: {  	s6 =	simm.s32 @!p2 $0x80;
	s20 =	simm.s32 @!p2 $0x9D80;
	s0 =	sadd.s32 @!p2 $0x280, s0;
	[tilespmem:s25+$0xFFFFFFC0] =	vst v2  }
0x14f: {  	[spmem:s2] =	stream.indirect.scatter.add.f32 @!p2 [tilespmem:s20], [sflag:$0x4], $0x30, s0, s6, $0xb8;
	[tilespmem:$0x14580] =	vst v63  }
0x150: {  	s16 =	sadd.s32 $0x1, s16;
	s0 =	sshll.u32 @p1 s21, $0x7  }
0x151: {  	s6 =	simm.s32 @p1 $0x80;
	s20 =	simm.s32 @p1 $0xB580;
	s0 =	sadd.s32 @p1 $0x280, s0  }
0x152: {  	[spmem:s2] =	stream.indirect.scatter.add.f32 @p1 [tilespmem:s20], [sflag:$0x5], $0x30, s0, s6, $0xb8;
	[tilespmem:$0x14580] =	vst v63  }
0x153: {  	p1 =	sne.s32 s16, $0x51  }
.Ltmp8:
0x154: {  	_ = 	snop;
	(pc) =	sbr.rel @p1 .LBB2_4-.Ltmp8, $4  }
.Ltmp9:
0x155: {  	_ = 	snop;
	(pc) =	sbr.rel @!p1 .LBB2_15-.Ltmp9, $4  }
0x156: {  	_ = 	snop  }
0x157: {  	s17 =	sadd.s32 $0x80, s17  }
0x158: {  	s18 =	sadd.s32 $0x80, s18;
	s19 =	sadd.s32 $0x1800, s19;
	p0 =	por !p0, !p0  }
0x159: {  	_ = 	snop  }
.LBB2_7:
.Ltmp10:
0x15a: {  	(pc) =	sbr.rel .LBB2_14-.Ltmp10, $2  }
0x15b: {  	_ =	sdelay $0x2  }
0x15c: {  	s20 =	smov.u32 s25;
	s22 =	smov.u32 s26  }
.LBB2_9:
.Ltmp11:
0x15d: {  	_ = 	snop;
	(pc) =	sbr.rel .LBB2_14-.Ltmp11, $2  }
0x15e: {  	_ =	sdelay $0x2  }
0x15f: {  	s20 =	smov.u32 s25;
	s22 =	smov.u32 s26;
	s24 =	smov.u32 s26;
	v5 =	vmov v4;
	v3 =	vmov v1  }
.LBB2_11:
.Ltmp12:
0x160: {  	(pc) =	sbr.rel .LBB2_14-.Ltmp12, $2  }
0x161: {  	_ =	sdelay $0x2  }
0x162: {  	v20 =	vmov v2;
	s23 =	smov.u32 s25;
	v2 =	vmov v12;
	v7 =	vmov v11;
	s24 =	smov.u32 s22  }
.LBB2_16:
0x163: {  	_ =	sfence.sel $0x180000  }
0x164: {  	[bflag:$0x0] =	sbarrier.arrive $0xFFFF  }
0x165: {  	_ =	strace $0x9000004A  }
0x166: {  	s0 =	stileid.u32;
	[bflag:$0x2] =	sbarrier.arrive $0xFFFF  }
0x167: {  	p0 =	sne.s32 s0, $0x0;
	s0 =	rddreg [dreg:$0x3]  }
0x168: {  	s0 =	sadd.s32 @!p0 $0x100000, s0  }
0x169: {  	[sflag:s0] =	ssyncadd.tile.s32 @!p0 $0x1;
	_ =	shalt  }
.Lfunc_end2:
_tile_overlayer_lowered:
.L_overlay_start_2:
0x16a: {  	(tag) =	ssettag $0x2  }
0x16b: {  	s0 =	rddreg [dreg:$0x0];
	s2 =	stileid.u32  }
0x16c: {  	s1 =	rddreg [dreg:$0x1];
	p0 =	sne.s32 s2, $0x0  }
0x16d: {  	s3 =	rddreg [dreg:$0x2];
	[bflag:$0x3] =	sbarrier.arrive $0xFFFF;
	s2 =	simm.s32 @!p0 $0x1C06  }
0x16e: {  	[timem:s3], [sflag:s2] =	dma.local @!p0 [hbm:s0], s1  }
0x16f: {  	s0 =	simm.s32 @!p0 $0x6  }
0x170: {  	_ =	swait.ge @!p0 [sflag:s0], s1  }
0x171: {  	s1 =	ssub.s32 @!p0 $0x0, s1;
	[sflag:s0] =	ssyncset.done @!p0 $0x0  }
0x172: {  	[sflag:s0] =	ssyncadd.s32 @!p0 s1  }
0x173: {  	[bflag:$0x3] =	sbarrier.arrive $0xFFFF  }
0x174: {  	_ =	shalt  }

// kernel: kernel.7.cloned.1.call-start
scs
__scs_entry_jumppad:
0x0: {  	(pc) =	sbr.rel $0x88, $3  }
0x1: {  	(tag) =	ssettag $0x0;
	lr =	simm.s32 $0x1  }
0x2: {  	[smem:$0x3F97] =	sst lr;
	_ =	strace $0xD0000000  }
0x3: {  	_ = 	snop  }
0x4: {  	_ = 	snop  }
0x5: {  	_ = 	snop  }
0x6: {  	_ = 	snop  }
0x7: {  	_ = 	snop  }
__scs_overlays_trampoline_lowered:
0x8: {  	[smem:$0x3FA6] =	sst s0  }
0x9: {  	[smem:$0x3FA7] =	sst s1  }
0xa: {  	[smem:$0x3FA8] =	sst s2  }
0xb: {  	[smem:$0x3FA9] =	sst s3  }
0xc: {  	[smem:$0x3FAA] =	sst s4  }
0xd: {  	[smem:$0x3FAB] =	sst s5  }
0xe: {  	[smem:$0x3FAC] =	sst s6  }
0xf: {  	[smem:$0x3FAD] =	sst s7  }
0x10: {  	[smem:$0x3FAE] =	sst s8  }
0x11: {  	[smem:$0x3FAF] =	sst s9;
	s0 =	simm.s32 @!p0 $0x0  }
0x12: {  	s1 =	sld [smem:$0x3F95];
	s0 =	simm.s32 @p0 $0x1  }
0x13: {  	[smem:$0x3FB0] =	sst s0;
	s0 =	simm.s32 @!p1 $0x0  }
0x14: {  	s2 =	sld [smem:$0x3F94];
	s0 =	simm.s32 @p1 $0x1  }
0x15: {  	[smem:$0x3FB1] =	sst s0;
	s0 =	simm.s32 @!p2 $0x0  }
0x16: {  	s3 =	sld [smem:$0x3FDB];
	s0 =	simm.s32 @p2 $0x1  }
0x17: {  	s4 =	simm.s32 $0x1BF5;
	[smem:$0x3FB3] =	sst s0  }
0x18: {  	s0 =	sld [smem:$0x3F96];
	_ =	swait.ge [sflag:s4], $0x0  }
0x19: {  	s7 =	sld [smem:$0x3F97]  }
0x1a: {  	s8 =	sadd.s32 $0xFFFFE003, lr  }
0x1b: {  	s9 =	sadd.s32 $0xFFFFFEF7, lr;
	s5 =	simm.s32 $0xFFFFFFFF;
	p2 =	slt.u32 s8, $0xFFFFF086  }
0x1c: {  	p1 =	slt.u32 s9, $0xF7A;
	s5 =	simm.s32 @!p2 $0x0  }
0x1d: {  	s5 =	simm.s32 @p1 $0x1;
	p0 =	seq.s32 s7, s2  }
0x1e: {  	s7 =	smul.u32 @!p0 $0xF7A, s2;
	p2 =	seq.s32 @!p0 s5, $0x0  }
0x1f: {  	s9 =	smul.u32 $0xF7A, s1;
	s8 =	simm.s32 @!p0 $0x1BF5;
	p2 =	por !p2, p0  }
0x20: {  	[sflag:s8] =	ssyncset.s32 @!p0 $0xFFFFF086;
	s6 =	sadd.s32 @!p0 s3, s7;
	s7 =	simm.s32 @!p0 $0x108  }
0x21: {  	s3 =	sadd.s32 s3, s9;
	s6 =	sadd.s32 @!p0 $0x88, s6;
	s7 =	simm.s32 @p2 $0x1082  }
0x22: {  	[simem:s7], [sflag:s8] =	dma.local @!p0 [hbm:s6], $0xF7A  }
0x23: {  	s9 =	sor.u32 $0xD0000000, s2;
	s6 =	simm.s32 $0x108;
	_ =	swait.ge @!p0 [sflag:s8], $0x0  }
0x24: {  	s3 =	sadd.s32 $0x88, s3;
	s6 =	simm.s32 @!p1 $0x1082;
	[sflag:s4] =	ssyncset.s32 $0xFFFFF086  }
0x25: {  	[simem:s6], [sflag:s4] =	dma.local [hbm:s3], $0xF7A  }
0x26: {  	[smem:$0x3F97] =	sst s1;
	(tag) =	ssettag s2;
	_ =	strace s9  }
0x27: {  	s1 =	sld [smem:$0x3FA7]  }
0x28: {  	s2 =	sld [smem:$0x3FA8]  }
0x29: {  	s4 =	sld [smem:$0x3FAA]  }
0x2a: {  	p0 =	seq.s32 s5, $0x0;
	s5 =	sld [smem:$0x3FAB]  }
0x2b: {  	s6 =	sld [smem:$0x3FAC]  }
0x2c: {  	s7 =	sld [smem:$0x3FAD]  }
0x2d: {  	s3 =	simm.s32 $0x108;
	s8 =	sld [smem:$0x3FAE]  }
0x2e: {  	s3 =	simm.s32 @!p0 $0x1082;
	s9 =	sld [smem:$0x3FAF]  }
0x2f: {  	lr =	sadd.s32 s0, s3;
	s0 =	sld [smem:$0x3FA6]  }
0x30: {  	s3 =	sld [smem:$0x3FA9]  }
0x31: {  	[smem:$0x3FB2] =	sst s10  }
0x32: {  	s10 =	sld [smem:$0x3FB0];
	_ =	sdelay $0x3  }
0x33: {  	p0 =	seq.s32 s10, $0x1;
	s10 =	sld [smem:$0x3FB2];
	_ =	sdelay $0x3  }
0x34: {  	[smem:$0x3FB2] =	sst s10  }
0x35: {  	s10 =	sld [smem:$0x3FB1];
	_ =	sdelay $0x3  }
0x36: {  	p1 =	seq.s32 s10, $0x1;
	s10 =	sld [smem:$0x3FB2];
	_ =	sdelay $0x3  }
0x37: {  	[smem:$0x3FB2] =	sst s10  }
0x38: {  	s10 =	sld [smem:$0x3FB3]  }
0x39: {  	_ = 	snop;
	(pc) =	sbr.ind lr, $3  }
0x3a: {  	_ = 	snop  }
0x3b: {  	_ = 	snop  }
0x3c: {  	p2 =	seq.s32 s10, $0x1;
	s10 =	sld [smem:$0x3FB2]  }
0x3d: {  	_ =	shalt  }
0x3e: {  	_ =	shalt  }
0x3f: {  	_ =	shalt  }
0x40: {  	_ =	shalt  }
0x41: {  	_ =	shalt  }
0x42: {  	_ =	shalt  }
0x43: {  	_ =	shalt  }
0x44: {  	_ =	shalt  }
0x45: {  	_ =	shalt  }
0x46: {  	_ =	shalt  }
0x47: {  	_ =	shalt  }
0x48: {  	_ =	shalt  }
0x49: {  	_ =	shalt  }
0x4a: {  	_ =	shalt  }
0x4b: {  	_ =	shalt  }
0x4c: {  	_ =	shalt  }
0x4d: {  	_ =	shalt  }
0x4e: {  	_ =	shalt  }
0x4f: {  	_ =	shalt  }
0x50: {  	_ =	shalt  }
0x51: {  	_ =	shalt  }
0x52: {  	_ =	shalt  }
0x53: {  	_ =	shalt  }
0x54: {  	_ =	shalt  }
0x55: {  	_ =	shalt  }
0x56: {  	_ =	shalt  }
0x57: {  	_ =	shalt  }
0x58: {  	_ =	shalt  }
0x59: {  	_ =	shalt  }
0x5a: {  	_ =	shalt  }
0x5b: {  	_ =	shalt  }
0x5c: {  	_ =	shalt  }
0x5d: {  	_ =	shalt  }
0x5e: {  	_ =	shalt  }
0x5f: {  	_ =	shalt  }
0x60: {  	_ =	shalt  }
0x61: {  	_ =	shalt  }
0x62: {  	_ =	shalt  }
0x63: {  	_ =	shalt  }
0x64: {  	_ =	shalt  }
0x65: {  	_ =	shalt  }
0x66: {  	_ =	shalt  }
0x67: {  	_ =	shalt  }
0x68: {  	_ =	shalt  }
0x69: {  	_ =	shalt  }
0x6a: {  	_ =	shalt  }
0x6b: {  	_ =	shalt  }
0x6c: {  	_ =	shalt  }
0x6d: {  	_ =	shalt  }
0x6e: {  	_ =	shalt  }
0x6f: {  	_ =	shalt  }
0x70: {  	_ =	shalt  }
0x71: {  	_ =	shalt  }
0x72: {  	_ =	shalt  }
0x73: {  	_ =	shalt  }
0x74: {  	_ =	shalt  }
0x75: {  	_ =	shalt  }
0x76: {  	_ =	shalt  }
0x77: {  	_ =	shalt  }
0x78: {  	_ =	shalt  }
0x79: {  	_ =	shalt  }
0x7a: {  	_ =	shalt  }
0x7b: {  	_ =	shalt  }
0x7c: {  	_ =	shalt  }
0x7d: {  	_ =	shalt  }
0x7e: {  	_ =	shalt  }
0x7f: {  	_ =	shalt  }
0x80: {  	_ =	shalt  }
0x81: {  	_ =	shalt  }
0x82: {  	_ =	shalt  }
0x83: {  	_ =	shalt  }
0x84: {  	_ =	shalt  }
0x85: {  	_ =	shalt  }
0x86: {  	_ =	shalt  }
0x87: {  	_ =	shalt  }
.Lfunc_end0:
.L_simem_size_0:
called_computation_lowered:
.L_overlay_start_0:
0x88: {  	s2 =	sld [smem:$0x3FD9]  }
0x89: {  	s3 =	sld [smem:$0x3FFE];
	_ =	sdelay $0x1  }
0x8a: {  	s1 =	srdreg.scid  }
0x8b: {  	s0 =	sand.u32 $0x1, s1  }
0x8c: {  	s17 =	sshll.u32 s0, $0xA;
	s2 =	sadd.s32 s3, s2  }
0x8d: {  	s2 =	sadd.s32 s2, s17  }
0x8e: {  	[smem:$0x3FBE] =	sst s2  }
0x8f: {  	_ = 	snop  }
0x90: {  	s2 =	sld [smem:$0x3FD0];
	(tm) =	ssettm $0x1  }
0x91: {  	s18 =	sld [smem:$0x3FFB];
	_ =	sdelay $0x3  }
0x92: {  	_ =	strace s18  }
0x93: {  	s3 =	sld [smem:$0x3FFC];
	_ =	sdelay $0x3  }
0x94: {  	_ =	strace s3  }
0x95: {  	s3 =	sld [smem:$0x3FFD];
	_ =	sdelay $0x3  }
0x96: {  	_ =	strace s3  }
0x97: {  	_ =	strace $0x8FFFFFFF  }
0x98: {  	s19 =	sld [smem:$0x3FDB];
	_ =	sdelay $0x1  }
0x99: {  	s4 =	simm.s32 $_scs_section_size  }
0x9a: {  	s5 =	simm.s32 $_size__tile_overlayer_lowered;
	s6 =	simm.s32 $_tile_overlayer_lowered  }
0x9b: {  	s22 =	simm.s32 $0x1BFF;
	s21 =	sshll.u32 s6, $0x1;
	s3 =	sadd.s32 s4, s19  }
0x9c: {  	s7 =	simm.s32 $0x0;
	s20 =	sshll.u32 s5, $0x1;
	s5 =	sadd.s32 s21, s3  }
0x9d: {  	[timem:s7], [sflag:s22] =	dma.local [hbm:s5], s20  }
0x9e: {  	_ =	swait.ge [sflag:s22], s20  }
0x9f: {  	s4 =	ssub.s32 $0x0, s20;
	[sflag:s22] =	ssyncset.done $0x0  }
0xa0: {  	[sflag:s22] =	ssyncadd.s32 s4;
	_ =	sdelay $0x1  }
0xa1: {  	s23 =	simm.s32 $0x1B8B  }
0xa2: {  	_ =	swait.ge [sflag:s23], $0x1  }
0xa3: {  	[sflag:s23] =	ssyncset.done $0x0  }
0xa4: {  	s25 =	simm.s32 $0x1B8E;
	s24 =	sld [smem:$0x3FFE];
	[sflag:s23] =	ssyncadd.s32 $0xFFFFFFFF  }
0xa5: {  	s26 =	simm.s32 $execute0_lowered;
	[smem:$0x3FD2] =	sst s25  }
0xa6: {  	s5 =	sshll.u32 s26, $0x1;
	_ =	strace $0x80000046;
	[dreg:$0x1] =	wrdreg $0xFFFFFFFF  }
0xa7: {  	s28 =	simm.s32 $_size_execute0_lowered;
	s3 =	sadd.s32 s3, s5;
	[dreg:$0x0] =	wrdreg $0x0  }
0xa8: {  	s5 =	sshll.u32 s28, $0x1;
	[dreg:$0x2] =	wrdreg s3  }
0xa9: {  	[dreg:$0x3] =	wrdreg s5  }
0xaa: {  	[dreg:$0x4] =	wrdreg $0xC0  }
0xab: {  	_ =	task [dreg:s7], $0x5FFFF  }
0xac: {  	[dreg:$0x1] =	wrdreg $0xFFFFFFFF  }
0xad: {  	[dreg:$0x0] =	wrdreg $0x60  }
0xae: {  	[dreg:$0x2] =	wrdreg s24  }
0xaf: {  	[dreg:$0x3] =	wrdreg s2  }
0xb0: {  	[dreg:$0x4] =	wrdreg $0xED000  }
0xb1: {  	[dreg:$0x5] =	wrdreg $0x9  }
0xb2: {  	_ =	task.clear_ibuf [dreg:s7], $0x6FFFF;
	_ =	strace $0x90000046  }
0xb3: {  	s29 =	simm.s32 $0x9;
	_ =	strace $0x80000048  }
0xb4: {  	_ =	swait.ge [sflag:s29], $0x1  }
0xb5: {  	[sflag:s29] =	ssyncadd.s32 $0xFFFFFFFF  }
0xb6: {  	_ =	strace $0x90000048  }
0xb7: {  	_ =	sfence  }
0xb8: {  	s30 =	sld [smem:$0x0];
	_ =	sdelay $0x2  }
0xb9: {  	s31 =	sshll.u32 s1, $0xD;
	s1 =	sshrl.u32 s1, $0x2  }
0xba: {  	s3 =	sand.u32 $0x4000, s31;
	s1 =	sadd.s32 s1, s30  }
0xbb: {  	s0 =	sor.u32 s3, s0;
	s1 =	sshll.u32 s1, $0x11  }
0xbc: {  	s0 =	sor.u32 s1, s0  }
0xbd: {  	s0 =	sadd.s32 $0x8F2B, s0  }
0xbe: {  	[sflag:s0] =	ssyncadd.remote.s32 $0x1  }
0xbf: {  	_ =	sfence.sel $0xFFFF  }
0xc0: {  	[dreg:$0x0] =	wrdreg $0xFFFFFFFF;
	(pc) =	sbr.abs _section_cstart, $3  }
0xc1: {  	[dreg:$0x1] =	wrdreg $0xFFFFFFFF  }
0xc2: {  	_ =	task.clear_ibuf [dreg:s7], $0x2FFFF;
	_ =	strace $0x9FFFFFFF  }
0xc3: {  	(tm) =	ssettm $0x7FFFFFFF  }
tec
execute0_lowered:
.L_overlay_start_1:
0x0: {  	(tag) =	ssettag $0x1  }
0x1: {  	s0 =	rddreg [dreg:$0x0]  }
0x2: {  	s1 =	rddreg [dreg:$0x1]  }
0x3: {  	s2 =	rddreg [dreg:$0x2];
	s3 =	simm.s32 $0x0;
	s24 =	srdreg.scid  }
0x4: {  	s9 =	stileid.u32;
	[smem:$0x7FF] =	sst s3  }
0x5: {  	s5 =	sadd.s32 $0xA800, s0;
	s3 =	sand.u32 $0x1, s24;
	s6 =	sadd.s32 $0x23800, s0  }
0x6: {  	s7 =	sadd.s32 $0x600, s0;
	s10 =	smul.u32 $0xC800, s9;
	s0 =	sadd.s32 $0x28800, s0  }
0x7: {  	_ =	strace $0x80000047;
	s4 =	ssub.s32 $0x2, s3;
	s25 =	sshll.u32 s3, $0x4  }
0x8: {  	s3 =	smul.u32 $0xC8000, s3;
	s8 =	sshrl.u32 s4, $0x1;
	s16 =	sadd.s32 s10, s2  }
0x9: {  	s11 =	sadd.s32 $0x2800, s10;
	s12 =	sadd.s32 $0x5000, s10;
	s13 =	sadd.s32 $0x7800, s10  }
0xa: {  	s26 =	sadd.s32 $0xA000, s10;
	s4 =	ssub.s32 s4, s8;
	s8 =	sor.u32 s9, s25  }
0xb: {  	s17 =	sadd.s32 s11, s2;
	s18 =	sadd.s32 s12, s2;
	s19 =	sadd.s32 s13, s2  }
0xc: {  	s20 =	sadd.s32 s26, s2;
	s10 =	sadd.s32 s10, s3;
	[dreg:$0x4] =	wrdreg s16  }
0xd: {  	s11 =	sadd.s32 s3, s11;
	s12 =	sadd.s32 s3, s12;
	[dreg:$0x5] =	wrdreg s17  }
0xe: {  	s13 =	sadd.s32 s3, s13;
	s3 =	sadd.s32 s3, s26;
	[dreg:$0x6] =	wrdreg s18  }
0xf: {  	s9 =	smul.u32 $0x2880, s8;
	s21 =	sshrl.u32 s10, $0x3;
	[dreg:$0x7] =	wrdreg s19  }
0x10: {  	s25 =	sshrl.u32 s13, $0x3;
	[dreg:$0x8] =	wrdreg s20;
	s8 =	sadd.s32 s0, s21  }
0x11: {  	s23 =	sshrl.u32 s11, $0x3;
	s26 =	sadd.s32 s0, s25;
	[dreg:$0xd] =	wrdreg s8  }
0x12: {  	s14 =	sshrl.u32 s9, $0x3;
	s8 =	sadd.s32 s0, s23;
	[dreg:$0x10] =	wrdreg s26  }
0x13: {  	s15 =	sadd.s32 s1, s14;
	[dreg:$0xe] =	wrdreg s8  }
0x14: {  	s24 =	sshrl.u32 s12, $0x3;
	s29 =	sadd.s32 s7, s14;
	[dreg:$0x9] =	wrdreg s15  }
0x15: {  	s3 =	sshrl.u32 s3, $0x3;
	s8 =	sadd.s32 s0, s24;
	[dreg:$0xa] =	wrdreg s29  }
0x16: {  	s30 =	sadd.s32 $0x10, s14;
	s0 =	sadd.s32 s0, s3;
	[dreg:$0xf] =	wrdreg s8  }
0x17: {  	s31 =	sadd.s32 s1, s30;
	[dreg:$0x11] =	wrdreg s0  }
0x18: {  	s22 =	sadd.s32 $0x20, s14;
	s15 =	sadd.s32 s7, s30;
	[dreg:$0xb] =	wrdreg s31  }
0x19: {  	s29 =	sadd.s32 s1, s22;
	[dreg:$0xc] =	wrdreg s15  }
0x1a: {  	s28 =	simm.s32 $0x8;
	v5 =	vlaneseq.u32;
	s30 =	sadd.s32 s7, s22;
	[dreg:$0x12] =	wrdreg s29  }
0x1b: {  	v1 =	vimm.f32 $0.0e+00;
	v0 =	vshrl.u32 v5, $0x3;
	v5 =	vand.u32 $0x7, v5;
	s26 =	simm.s32 $0x9500;
	[dreg:$0x13] =	wrdreg s30;
	s31 =	smax.u32 s4, $0x1  }
0x1c: {  	v2 =	vor.u32 $0x2, v0;
	v3 =	vor.u32 $0x4, v0;
	v4 =	vor.u32 $0x6, v0;
	s4 =	simm.s32 $0xE500;
	s15 =	simm.s32 $0x0;
	[dreg:$0x14] =	wrdreg s31  }
.LBB2_1:
0x1d: {  	s0 =	simm.s32 $0x95A0  }
0x1e: {  	[tilespmem:s0+$0xFFFFFF60] =	vst v1  }
0x1f: {  	[tilespmem:s0+$0x90] =	vst v1  }
0x20: {  	[tilespmem:s0+$0x80] =	vst v1  }
0x21: {  	[tilespmem:s0+$0x70] =	vst v1  }
0x22: {  	[tilespmem:s0+$0x60] =	vst v1  }
0x23: {  	[tilespmem:s0+$0x50] =	vst v1  }
0x24: {  	[tilespmem:s0+$0x40] =	vst v1  }
0x25: {  	[tilespmem:s0+$0x30] =	vst v1  }
0x26: {  	[tilespmem:s0+$0x20] =	vst v1  }
0x27: {  	[tilespmem:s0+$0x10] =	vst v1  }
0x28: {  	[tilespmem:s0+$0x0] =	vst v1  }
0x29: {  	[tilespmem:s0+$0xFFFFFFF0] =	vst v1  }
0x2a: {  	[tilespmem:s0+$0xFFFFFFE0] =	vst v1  }
0x2b: {  	[tilespmem:s0+$0xFFFFFFD0] =	vst v1  }
0x2c: {  	[tilespmem:s0+$0xFFFFFFC0] =	vst v1  }
0x2d: {  	[tilespmem:s0+$0xFFFFFFB0] =	vst v1  }
0x2e: {  	[tilespmem:s0+$0xFFFFFFA0] =	vst v1  }
0x2f: {  	[tilespmem:s0+$0xFFFFFF90] =	vst v1  }
0x30: {  	s3 =	simm.s32 $0x0;
	[tilespmem:s0+$0xFFFFFF80] =	vst v1  }
.LBB2_2:
0x31: {  	s3 =	sadd.s32 $0x4, s3;
	[tilespmem:s0+$0xFFFFFF70] =	vst v1;
	s0 =	sadd.s32 $0x140, s0  }
0x32: {  	[tilespmem:s0+$0xFFFFFF60] =	vst v1;
	p0 =	slt.u32 s3, $0x7C  }
0x33: {  	[tilespmem:s0+$0x90] =	vst v1  }
0x34: {  	[tilespmem:s0+$0x80] =	vst v1  }
0x35: {  	[tilespmem:s0+$0x70] =	vst v1  }
0x36: {  	[tilespmem:s0+$0x60] =	vst v1  }
0x37: {  	[tilespmem:s0+$0x50] =	vst v1  }
0x38: {  	[tilespmem:s0+$0x40] =	vst v1  }
0x39: {  	[tilespmem:s0+$0x30] =	vst v1  }
0x3a: {  	[tilespmem:s0+$0x20] =	vst v1  }
0x3b: {  	[tilespmem:s0+$0x10] =	vst v1  }
0x3c: {  	[tilespmem:s0+$0x0] =	vst v1  }
0x3d: {  	[tilespmem:s0+$0xFFFFFFF0] =	vst v1  }
0x3e: {  	[tilespmem:s0+$0xFFFFFFE0] =	vst v1  }
0x3f: {  	[tilespmem:s0+$0xFFFFFFD0] =	vst v1  }
.Ltmp0:
0x40: {  	[tilespmem:s0+$0xFFFFFFC0] =	vst v1;
	(pc) =	sbr.rel @p0 .LBB2_2-.Ltmp0, $4  }
0x41: {  	[tilespmem:s0+$0xFFFFFFB0] =	vst v1  }
0x42: {  	[tilespmem:s0+$0xFFFFFFA0] =	vst v1  }
0x43: {  	[tilespmem:s0+$0xFFFFFF90] =	vst v1  }
0x44: {  	[tilespmem:s0+$0xFFFFFF80] =	vst v1  }
0x45: {  	[tilespmem:s0+$0xFFFFFF70] =	vst v1  }
0x46: {  	[spmem:s16] =	stream.linear.scatter [tilespmem:s26], [sflag:$0x8], $0x2800, $0x38;
	[tilespmem:$0x1B500] =	vst v63  }
0x47: {  	_ =	swait.ge [sflag:s28], $0x2800  }
0x48: {  	[sflag:s28] =	ssyncset.done $0x0  }
0x49: {  	[sflag:s28] =	ssyncadd.s32 $0xFFFFD800  }
0x4a: {  	[spmem:s17] =	stream.linear.scatter [tilespmem:s26], [sflag:$0x8], $0x2800, $0x38;
	[tilespmem:$0x1B500] =	vst v63  }
0x4b: {  	_ =	swait.ge [sflag:s28], $0x2800  }
0x4c: {  	[sflag:s28] =	ssyncset.done $0x0  }
0x4d: {  	[sflag:s28] =	ssyncadd.s32 $0xFFFFD800  }
0x4e: {  	[spmem:s18] =	stream.linear.scatter [tilespmem:s26], [sflag:$0x8], $0x2800, $0x38;
	[tilespmem:$0x1B500] =	vst v63  }
0x4f: {  	_ =	swait.ge [sflag:s28], $0x2800  }
0x50: {  	[sflag:s28] =	ssyncset.done $0x0  }
0x51: {  	[sflag:s28] =	ssyncadd.s32 $0xFFFFD800  }
0x52: {  	[spmem:s19] =	stream.linear.scatter [tilespmem:s26], [sflag:$0x8], $0x2800, $0x38;
	[tilespmem:$0x1B500] =	vst v63  }
0x53: {  	_ =	swait.ge [sflag:s28], $0x2800  }
0x54: {  	[sflag:s28] =	ssyncset.done $0x0  }
0x55: {  	[sflag:s28] =	ssyncadd.s32 $0xFFFFD800  }
0x56: {  	[spmem:s20] =	stream.linear.scatter [tilespmem:s26], [sflag:$0x8], $0x2800, $0x38;
	[tilespmem:$0x1B500] =	vst v63  }
0x57: {  	_ =	swait.ge [sflag:s28], $0x2800  }
0x58: {  	[sflag:s28] =	ssyncset.done $0x0  }
0x59: {  	[sflag:s28] =	ssyncadd.s32 $0xFFFFD800  }
0x5a: {  	[bflag:$0x0] =	sbarrier.arrive $0xFFFF  }
0x5b: {  	s16 =	simm.s32 $0x0;
	s17 =	rddreg [dreg:$0x9]  }
0x5c: {  	[tilespmem:s16], [sflag:$0x8] =	stream.linear.gather [hbm4b:s17+s16], $0x80, $0x38;
	[tilespmem:$0x1B500] =	vst v63  }
0x5d: {  	_ =	swait.ge [sflag:s28], $0x80  }
0x5e: {  	[sflag:s28] =	ssyncset.done $0x0  }
0x5f: {  	s3 =	simm.s32 $0x280;
	s18 =	rddreg [dreg:$0xa];
	[sflag:s28] =	ssyncadd.s32 $0xFFFFFF80  }
0x60: {  	[tilespmem:s3], [sflag:$0x8] =	stream.linear.gather [hbm4b:s18+s16], $0x80, $0x38;
	[tilespmem:$0x1B500] =	vst v63  }
0x61: {  	_ =	swait.ge [sflag:s28], $0x80  }
0x62: {  	[sflag:s28] =	ssyncset.done $0x0  }
0x63: {  	s8 =	simm.s32 $0x80;
	s19 =	simm.s32 $0x500;
	[sflag:s28] =	ssyncadd.s32 $0xFFFFFF80  }
0x64: {  	[tilespmem:s19], [sflag:$0x1] =	stream.indirect.gather [hbm4b:s5+s8], $0x50, s16, s8, $0xb8;
	[tilespmem:$0x1B500] =	vst v63  }
0x65: {  	s17 =	simm.s32 $0x7D00  }
0x66: {  	[tilespmem:s17], [sflag:$0x3] =	stream.indirect.gather [hbm4b:s6+s8], $0x10, s3, s8, $0xb8;
	[tilespmem:$0x1B500] =	vst v63  }
0x67: {  	s20 =	rddreg [dreg:$0xb]  }
0x68: {  	[tilespmem:s8], [sflag:$0x8] =	stream.linear.gather [hbm4b:s20+s16], $0x80, $0x38;
	[tilespmem:$0x1B500] =	vst v63  }
0x69: {  	_ =	swait.ge [sflag:s28], $0x80  }
0x6a: {  	[sflag:s28] =	ssyncset.done $0x0  }
0x6b: {  	s22 =	simm.s32 $0x300;
	s21 =	rddreg [dreg:$0xc];
	[sflag:s28] =	ssyncadd.s32 $0xFFFFFF80  }
0x6c: {  	[tilespmem:s22], [sflag:$0x8] =	stream.linear.gather [hbm4b:s21+s16], $0x80, $0x38;
	[tilespmem:$0x1B500] =	vst v63  }
0x6d: {  	_ =	swait.ge [sflag:s28], $0x80  }
0x6e: {  	[sflag:s28] =	ssyncset.done $0x0  }
0x6f: {  	s23 =	simm.s32 $0x2D00;
	[sflag:s28] =	ssyncadd.s32 $0xFFFFFF80  }
0x70: {  	[tilespmem:s23], [sflag:$0x2] =	stream.indirect.gather [hbm4b:s5+s8], $0x50, s8, s8, $0xb8;
	[tilespmem:$0x1B500] =	vst v63  }
0x71: {  	s24 =	simm.s32 $0x8500  }
0x72: {  	[tilespmem:s24], [sflag:$0x4] =	stream.indirect.gather [hbm4b:s6+s8], $0x10, s22, s8, $0xb8;
	[tilespmem:$0x1B500] =	vst v63  }
0x73: {  	s29 =	simm.s32 $0x100;
	s31 =	simm.s32 $0x380;
	s25 =	rddreg [dreg:$0x12]  }
0x74: {  	[tilespmem:s29], [sflag:$0x5] =	stream.linear.gather [hbm4b:s25+s16], $0x80, $0x38;
	[tilespmem:$0x1B500] =	vst v63  }
0x75: {  	p0 =	por $0x0, $0x0;
	s18 =	simm.s32 $0x630;
	s30 =	rddreg [dreg:$0x13]  }
0x76: {  	[tilespmem:s31], [sflag:$0x5] =	stream.linear.gather [hbm4b:s30+s16], $0x80, $0x38;
	[tilespmem:$0x1B500] =	vst v63  }
.LBB2_4:
0x77: {  	s0 =	sand.u32 $0x1, s16;
	p2 =	slt.u32 s16, $0x2  }
0x78: {  	p1 =	sne.s32 @!p2 s0, $0x0  }
0x79: {  	p3 =	por p1, p2  }
0x7a: {  	s3 =	simm.s32 @!p3 $0x6  }
0x7b: {  	p1 =	seq.s32 s0, $0x1;
	_ =	swait.ge @!p3 [sflag:s3], $0x2800  }
0x7c: {  	p4 =	por !p1, p2;
	[sflag:s3] =	ssyncset.done @!p3 $0x0  }
0x7d: {  	[sflag:s3] =	ssyncadd.s32 @!p3 $0xFFFFD800;
	s3 =	simm.s32 @!p4 $0x7  }
0x7e: {  	_ =	swait.ge @!p4 [sflag:s3], $0x2800  }
0x7f: {  	p2 =	sne.s32 s0, $0x0;
	[sflag:s3] =	ssyncset.done @!p4 $0x0  }
0x80: {  	[sflag:s3] =	ssyncadd.s32 @!p4 $0xFFFFD800;
	s3 =	simm.s32 @!p2 $0x1  }
0x81: {  	_ =	swait.ge @!p2 [sflag:s3], $0x2800  }
0x82: {  	[sflag:s3] =	ssyncset.done @!p2 $0x0  }
0x83: {  	[sflag:s3] =	ssyncadd.s32 @!p2 $0xFFFFD800;
	s3 =	simm.s32 @p1 $0x2  }
0x84: {  	_ =	swait.ge @p1 [sflag:s3], $0x2800  }
0x85: {  	p3 =	sgt.u32 s16, $0x4E;
	[sflag:s3] =	ssyncset.done @p1 $0x0  }
0x86: {  	s8 =	sadd.s32 @!p3 $0x2, s16;
	[sflag:s3] =	ssyncadd.s32 @p1 $0xFFFFD800;
	s3 =	simm.s32 @!p2 $0x3  }
0x87: {  	s10 =	sand.u32 @!p3 $0xFF, s8;
	_ =	swait.ge @!p2 [sflag:s3], $0x800  }
0x88: {  	s11 =	smul.u32 @!p3 $0xCD, s10;
	[sflag:s3] =	ssyncset.done @!p2 $0x0  }
0x89: {  	s10 =	smul.u32 @!p3 $0xAB, s10;
	[sflag:s3] =	ssyncadd.s32 @!p2 $0xFFFFF800;
	s3 =	simm.s32 @p1 $0x4  }
0x8a: {  	_ =	swait.ge @p1 [sflag:s3], $0x800  }
0x8b: {  	s10 =	sshrl.u32 @!p3 s10, $0x9;
	[sflag:s3] =	ssyncset.done @p1 $0x0  }
0x8c: {  	s11 =	sshrl.u32 @!p3 s11, $0xA;
	[sflag:s3] =	ssyncadd.s32 @p1 $0xFFFFF800;
	s3 =	smul.u32 @!p3 $0x3, s10  }
0x8d: {  	p4 =	sne.s32 @!p3 s0, $0x0;
	s11 =	smul.u32 @!p3 $0x5, s11;
	s10 =	simm.s32 @!p3 $0x5  }
0x8e: {  	p4 =	por p4, p3;
	_ =	swait.ge @!p3 [sflag:s10], $0x80;
	s3 =	ssub.s32 @!p3 s8, s3  }
0x8f: {  	s0 =	ssub.s32 @!p3 s8, s11;
	[sflag:s10] =	ssyncset.done @!p3 $0x0;
	s3 =	sand.u32 @!p3 $0xFF, s3  }
0x90: {  	s0 =	sand.u32 @!p3 $0xFF, s0;
	[sflag:s10] =	ssyncadd.s32 @!p3 $0xFFFFFF80;
	s8 =	smul.u32 @!p4 $0xA000, s3  }
0x91: {  	p5 =	por !p1, p3;
	s0 =	sshll.u32 @!p3 s0, $0x7;
	_ =	swait.ge @!p3 [sflag:s10], $0x80  }
0x92: {  	s11 =	smul.u32 @!p5 $0xA000, s3;
	[sflag:s10] =	ssyncset.done @!p3 $0x0;
	s8 =	sshrl.u32 @!p4 s8, $0x2  }
0x93: {  	[sflag:s10] =	ssyncadd.s32 @!p3 $0xFFFFFF80;
	s10 =	simm.s32 @!p4 $0x80;
	s8 =	sor.u32 @!p4 $0x500, s8  }
0x94: {  	[tilespmem:s8], [sflag:$0x1] =	stream.indirect.gather @!p4 [hbm4b:s5+s10], $0x50, s0, s10, $0xb8;
	[tilespmem:$0x1B500] =	vst v63  }
0x95: {  	s8 =	sshrl.u32 @!p5 s11, $0x2  }
0x96: {  	s11 =	simm.s32 @!p5 $0x80;
	s8 =	sor.u32 @!p5 $0x500, s8  }
0x97: {  	[tilespmem:s8], [sflag:$0x2] =	stream.indirect.gather @!p5 [hbm4b:s5+s11], $0x50, s0, s11, $0xb8;
	[tilespmem:$0x1B500] =	vst v63  }
0x98: {  	s8 =	sshll.u32 @!p4 s3, $0xB  }
0x99: {  	s0 =	sadd.s32 @!p3 $0x280, s0;
	s8 =	sadd.s32 @!p4 $0x7D00, s8  }
0x9a: {  	[tilespmem:s8], [sflag:$0x3] =	stream.indirect.gather @!p4 [hbm4b:s6+s10], $0x10, s0, s10, $0xb8;
	[tilespmem:$0x1B500] =	vst v63  }
0x9b: {  	p4 =	seq.s32 @!p3 s16, $0x4E  }
0x9c: {  	p3 =	por p4, p3  }
0x9d: {  	s25 =	smulhi.u32 $0xAAAAAAAB, s16;
	s3 =	sshll.u32 @!p5 s3, $0xB;
	s10 =	sadd.s32 @!p3 $0x3, s16  }
0x9e: {  	s3 =	sadd.s32 @!p5 $0x7D00, s3;
	s12 =	smul.u32 @!p3 $0xCD, s10  }
0x9f: {  	[tilespmem:s3], [sflag:$0x4] =	stream.indirect.gather @!p5 [hbm4b:s6+s11], $0x10, s0, s11, $0xb8;
	[tilespmem:$0x1B500] =	vst v63  }
0xa0: {  	s30 =	sshrl.u32 s25, $0x1;
	s3 =	sshrl.u32 @!p3 s12, $0xA  }
0xa1: {  	s8 =	smul.u32 $0xFFFFA000, s30;
	s3 =	sand.u32 @!p3 $0x3F, s3  }
0xa2: {  	s3 =	smul.u32 @!p3 $0x5, s3  }
0xa3: {  	s13 =	simm.s32 $0x0;
	s8 =	sshra.s32 s8, $0x2;
	s11 =	sshll.u32 @!p3 s10, $0x7  }
0xa4: {  	s8 =	sadd.s32 s8, s17;
	s11 =	sadd.s32 @!p3 s9, s11;
	s3 =	ssub.s32 @!p3 s10, s3  }
0xa5: {  	s0 =	smul.u32 $0xFFFE2000, s30;
	v6 =	vmov s8;
	s10 =	sshrl.u32 @!p3 s11, $0x3;
	s3 =	sand.u32 @!p3 $0xFF, s3  }
0xa6: {  	s12 =	simm.s32 @!p3 $0x0;
	s11 =	sadd.s32 @!p3 s1, s10;
	s3 =	sshll.u32 @!p3 s3, $0x7  }
0xa7: {  	[tilespmem:s3], [sflag:$0x5] =	stream.linear.gather @!p3 [hbm4b:s11+s12], $0x80, $0x38;
	[tilespmem:$0x1B500] =	vst v63  }
0xa8: {  	s0 =	sshra.s32 s0, $0x2;
	s8 =	sadd.s32 @!p3 s7, s10;
	s3 =	sadd.s32 @!p3 $0x280, s3  }
0xa9: {  	[tilespmem:s3], [sflag:$0x5] =	stream.linear.gather @!p3 [hbm4b:s8+s12], $0x80, $0x38;
	[tilespmem:$0x1B500] =	vst v63  }
0xaa: {  	s21 =	sadd.s32 s0, s18;
	v7 =	vld.idx.msk [tilespmem:v6+s13+$0x30 ss:$0x1], $0xffff  }
0xab: {  	v8 =	vld [tilespmem:s21+$0xFFFFFF10]  }
0xac: {  	v9 =	vld [tilespmem:s21+$0x0]  }
0xad: {  	v10 =	vld.idx.msk [tilespmem:v6+s13+$0x0 ss:$0x1], $0xffff  }
0xae: {  	v11 =	vld [tilespmem:s21+$0xFFFFFFB0]  }
0xaf: {  	v12 =	vld.idx.msk [tilespmem:v6+s13+$0x20 ss:$0x1], $0xffff;
	_ =	sdelay $0x1  }
0xb0: {  	v7 =	vadd.f32 v7, v9  }
0xb1: {  	v8 =	vadd.f32 v10, v8  }
0xb2: {  	v9 =	vmul.f32 $2.000000030e-01, v7  }
0xb3: {  	v11 =	vadd.f32 v12, v11;
	vm0 =	vge.f32 v7, $0.0e+00;
	v10 =	vmul.f32 $2.000000030e-01, v8  }
0xb4: {  	vm9 =	vge.f32 v8, $0.0e+00;
	v7 =	vsel vm0, v7, v9  }
0xb5: {  	v8 =	vsel vm9, v8, v10;
	v9 =	vmul.f32 $2.000000030e-01, v11;
	v7 =	vmul.f32 $1.442695020e+00, v7  }
0xb6: {  	vm10 =	vge.f32 v11, $0.0e+00;
	v8 =	vmul.f32 $1.442695020e+00, v8  }
0xb7: {  	(erf) = vpow2.f32 v7;
	v7 =	vsel vm10, v11, v9  }
0xb8: {  	v9 =	vld [tilespmem:s21+$0xFFFFFF60];
	(erf) = vpow2.f32 v8;
	v7 =	vmul.f32 $1.442695020e+00, v7  }
0xb9: {  	v8 =	vld.idx.msk [tilespmem:v6+s13+$0x10 ss:$0x1], $0xffff  }
0xba: {  	(erf) = vpow2.f32 v7;
	_ =	sdelay $0x3  }
0xbb: {  	s14 =	simm.s32 $0x0;
	v7 =	vadd.f32 v8, v9  }
0xbc: {  	s19 =	simm.s32 $0x20;
	v8 =	vor.u32 s14, v0  }
0xbd: {  	v11 =	vor.u32 s19, v0;
	v10 =	vmul.f32 $2.000000030e-01, v7;
	v9 =	vpop (erf)  }
0xbe: {  	vm11 =	vge.f32 v7, $0.0e+00;
	v12 =	vpop (erf)  }
0xbf: {  	s22 =	simm.s32 $0x30;
	v7 =	vsel vm11, v7, v10;
	[tilespmem:s13+$0xE500] =	vst v12  }
0xc0: {  	v13 =	vor.u32 s22, v0;
	v7 =	vmul.f32 $1.442695020e+00, v7;
	v10 =	vld [tilespmem:s21+$0xFFFFFED0];
	v12 =	vpop (erf)  }
0xc1: {  	v8 =	vld.idx.msk [tilespmem:v8+s4+$0x0], $0xffff;
	[tilespmem:s13+$0xE520] =	vst v12  }
0xc2: {  	s0 =	simm.s32 $0x1;
	(erf) = vpow2.f32 v7;
	v7 =	vld.idx.msk [tilespmem:v11+s4+$0x0], $0xffff  }
0xc3: {  	s0 =	simm.s32 @!p0 $0x0;
	s20 =	sadd.s32 $0x140, s21;
	[tilespmem:s13+$0xE530] =	vst v9;
	v9 =	vld [tilespmem:s21+$0xFFFFFF70]  }
0xc4: {  	s0 =	smul.u32 $0xA000, s0;
	v14 =	vld [tilespmem:s20+$0xFFFFFF10]  }
0xc5: {  	s23 =	simm.s32 $0x40;
	v11 =	vld.idx.msk [tilespmem:v13+s4+$0x0], $0xffff;
	v13 =	vor.u32 s14, v2  }
0xc6: {  	s0 =	sshrl.u32 s0, $0x2;
	v12 =	vld.idx.msk [tilespmem:v6+s23+$0x30 ss:$0x1], $0xffff;
	v8 =	vmul.f32 v10, v8  }
0xc7: {  	v15 =	vor.u32 s19, v2;
	s29 =	sadd.s32 $0x95A0, s0;
	s0 =	simm.s32 $0x10;
	v10 =	vld.idx.msk [tilespmem:v6+s23+$0x0 ss:$0x1], $0xffff  }
0xc8: {  	v16 =	vor.u32 s0, v0;
	[tilespmem:s29+$0xFFFFFF60] =	vst v8;
	v7 =	vmul.f32 v9, v7;
	v8 =	vld [tilespmem:s20+$0x0]  }
0xc9: {  	v9 =	vld [tilespmem:s21+$0xFFFFFEE0]  }
0xca: {  	[tilespmem:s29+$0x0] =	vst v7;
	v7 =	vld.idx.msk [tilespmem:v13+s4+$0x0], $0xffff  }
0xcb: {  	v13 =	vpop (erf);
	v17 =	vld [tilespmem:s21+$0xFFFFFF80]  }
0xcc: {  	[tilespmem:s13+$0xE510] =	vst v13;
	v13 =	vld.idx.msk [tilespmem:v15+s4+$0x0], $0xffff  }
0xcd: {  	v15 =	vld.idx.msk [tilespmem:v16+s4+$0x0], $0xffff;
	v16 =	vor.u32 s14, v3  }
0xce: {  	v18 =	vld [tilespmem:s20+$0xFFFFFFB0];
	v8 =	vadd.f32 v12, v8  }
0xcf: {  	v19 =	vld.idx.msk [tilespmem:v6+s23+$0x20 ss:$0x1], $0xffff;
	v12 =	vor.u32 s19, v3;
	v7 =	vmul.f32 v9, v7  }
0xd0: {  	v10 =	vadd.f32 v10, v14;
	v9 =	vld [tilespmem:s21+$0xFFFFFFC0];
	v20 =	vmul.f32 $2.000000030e-01, v8  }
0xd1: {  	vm12 =	vge.f32 v8, $0.0e+00;
	[tilespmem:s29+$0xFFFFFF70] =	vst v7;
	v7 =	vld [tilespmem:s21+$0xFFFFFF20];
	v13 =	vmul.f32 v17, v13  }
0xd2: {  	v8 =	vsel vm12, v8, v20;
	v14 =	vld.idx.msk [tilespmem:v16+s4+$0x0], $0xffff;
	v16 =	vmul.f32 $2.000000030e-01, v10  }
0xd3: {  	vm13 =	vge.f32 v10, $0.0e+00;
	v17 =	vld [tilespmem:s21+$0xFFFFFEF0];
	v8 =	vmul.f32 $1.442695020e+00, v8;
	[tilespmem:s29+$0x10] =	vst v13;
	v13 =	vor.u32 s22, v2  }
0xd4: {  	v10 =	vsel vm13, v10, v16;
	v12 =	vld.idx.msk [tilespmem:v12+s4+$0x0], $0xffff  }
0xd5: {  	v9 =	vmul.f32 v9, v11;
	(erf) = vpow2.f32 v8;
	v8 =	vld [tilespmem:s21+$0xFFFFFF90];
	v11 =	vor.u32 s0, v2  }
0xd6: {  	v16 =	vadd.f32 v19, v18;
	v18 =	vld [tilespmem:s20+$0xFFFFFF60];
	v10 =	vmul.f32 $1.442695020e+00, v10  }
0xd7: {  	v7 =	vmul.f32 v7, v15;
	[tilespmem:s29+$0x50] =	vst v9;
	v9 =	vld.idx.msk [tilespmem:v6+s23+$0x10 ss:$0x1], $0xffff;
	v15 =	vor.u32 s14, v4  }
0xd8: {  	(erf) = vpow2.f32 v10;
	v10 =	vld.idx.msk [tilespmem:v13+s4+$0x0], $0xffff  }
0xd9: {  	v19 =	vmul.f32 $2.000000030e-01, v16;
	v13 =	vmul.f32 v17, v14;
	[tilespmem:s29+$0xFFFFFFB0] =	vst v7;
	v14 =	vld [tilespmem:s21+$0xFFFFFFD0]  }
0xda: {  	vm14 =	vge.f32 v16, $0.0e+00;
	v7 =	vor.u32 s19, v4;
	v11 =	vld.idx.msk [tilespmem:v11+s4+$0x0], $0xffff  }
0xdb: {  	s8 =	simm.s32 $0x70;
	v16 =	vsel vm14, v16, v19;
	v8 =	vmul.f32 v8, v12;
	[tilespmem:s29+$0xFFFFFF80] =	vst v13;
	v13 =	vld [tilespmem:s21+$0xFFFFFF30]  }
0xdc: {  	v16 =	vmul.f32 $1.442695020e+00, v16;
	v12 =	vor.u32 s8, v0;
	v15 =	vld.idx.msk [tilespmem:v15+s4+$0x0], $0xffff  }
0xdd: {  	v17 =	vld [tilespmem:s21+$0xFFFFFF00]  }
0xde: {  	(erf) = vpow2.f32 v16;
	[tilespmem:s29+$0x20] =	vst v8;
	v16 =	vor.u32 s22, v3  }
0xdf: {  	v9 =	vadd.f32 v9, v18;
	v8 =	vpop (erf);
	v7 =	vld.idx.msk [tilespmem:v7+s4+$0x0], $0xffff;
	v10 =	vmul.f32 v14, v10  }
0xe0: {  	s25 =	simm.s32 $0x40;
	v14 =	vld [tilespmem:s21+$0xFFFFFFA0];
	[tilespmem:s23+$0xE530] =	vst v8;
	v11 =	vmul.f32 v13, v11  }
0xe1: {  	v19 =	vor.u32 s25, v0;
	v8 =	vld.idx.msk [tilespmem:v12+s4+$0x0], $0xffff;
	[tilespmem:s29+$0x60] =	vst v10;
	v13 =	vmul.f32 $2.000000030e-01, v9  }
0xe2: {  	s24 =	smul.u32 $0xCD, s16;
	v63 =	vor.u32 s0, v3;
	vm15 =	vge.f32 v9, $0.0e+00;
	v18 =	vld [tilespmem:s21+$0xFFFFFFE0];
	v12 =	vpop (erf);
	v15 =	vmul.f32 v17, v15;
	[tilespmem:s29+$0xFFFFFFC0] =	vst v11  }
0xe3: {  	v10 =	vor.u32 s14, v5;
	s14 =	simm.s32 $0x60;
	v16 =	vld.idx.msk [tilespmem:v16+s4+$0x0], $0xffff;
	[tilespmem:s23+$0xE500] =	vst v12;
	v9 =	vsel vm15, v9, v13  }
0xe4: {  	s30 =	sshrl.u32 s24, $0xA;
	v17 =	vor.u32 s14, v0;
	v11 =	vld [tilespmem:s21+$0xFFFFFF40];
	[tilespmem:s29+$0xFFFFFF90] =	vst v15;
	v15 =	vmul.f32 $1.442695020e+00, v9  }
0xe5: {  	s3 =	sand.u32 $0x3F, s30;
	v12 =	vld [tilespmem:s20+$0xFFFFFED0]  }
0xe6: {  	s3 =	smul.u32 $0x5, s3;
	v13 =	vld.idx.msk [tilespmem:v19+s4+$0x0], $0xffff;
	(erf) = vpow2.f32 v15  }
0xe7: {  	s10 =	simm.s32 $0x50;
	v19 =	vmul.f32 v14, v7;
	v14 =	vld.idx.msk [tilespmem:v63+s4+$0x0], $0xffff;
	v9 =	vpop (erf)  }
0xe8: {  	s31 =	sadd.s32 $0x140, s29;
	s11 =	simm.s32 $0x8;
	s3 =	ssub.s32 s16, s3;
	v10 =	vld.idx.msk [tilespmem:v10+s4+$0x0], $0xffff;
	[tilespmem:s23+$0xE520] =	vst v9  }
0xe9: {  	s12 =	simm.s32 $0x200;
	s24 =	sand.u32 $0xFF, s3;
	s13 =	sadd.s32 $0x140, s20;
	v7 =	vor.u32 s22, v4;
	[tilespmem:s29+$0x30] =	vst v19;
	v9 =	vor.u32 s8, v4;
	v16 =	vmul.f32 v18, v16;
	v15 =	vld.idx.msk [tilespmem:v17+s4+$0x0], $0xffff  }
.LBB2_5:
0xea: {  	s30 =	sshra.s32 s12, $0x2  }
0xeb: {  	p3 =	slt.u32 s11, $0x7C;
	v17 =	vld [tilespmem:s20+$0xFFFFFF70];
	s3 =	smov.u32 s11;
	s11 =	sadd.s32 $0x4, s11  }
0xec: {  	v19 =	vor.u32 s10, v0;
	v18 =	vld.idx.msk [tilespmem:v6+s30+$0x30 ss:$0x1], $0xffff;
	[tilespmem:s29+$0x70] =	vst v16  }
0xed: {  	v20 =	vmul.f32 v12, v13;
	v16 =	vld [tilespmem:s13+$0xFFFFFF10]  }
0xee: {  	v13 =	vld.idx.msk [tilespmem:v6+s30+$0x0 ss:$0x1], $0xffff;
	[tilespmem:s29+$0xFFFFFFA0] =	vst v10  }
0xef: {  	v10 =	vor.u32 s25, v2;
	v11 =	vmul.f32 v11, v14;
	[tilespmem:s31+$0xFFFFFF60] =	vst v20;
	v12 =	vpop (erf);
	v14 =	vld [tilespmem:s21+$0xFFFFFFF0]  }
0xf0: {  	[tilespmem:s23+$0xE510] =	vst v12;
	v12 =	vmul.f32 v17, v15;
	v15 =	vld.idx.msk [tilespmem:v7+s4+$0x0], $0xffff;
	v7 =	vmov v9;
	s23 =	smov.u32 s30  }
0xf1: {  	v9 =	vld.idx.msk [tilespmem:v19+s4+$0x0], $0xffff;
	[tilespmem:s29+$0xFFFFFFD0] =	vst v11  }
0xf2: {  	v11 =	vld [tilespmem:s13+$0x0];
	[tilespmem:s31+$0x0] =	vst v12  }
0xf3: {  	v17 =	vor.u32 s14, v2;
	v12 =	vld [tilespmem:s20+$0xFFFFFEE0]  }
0xf4: {  	v20 =	vor.u32 s22, v5;
	s22 =	smov.u32 s8;
	v19 =	vor.u32 s0, v4;
	v10 =	vld.idx.msk [tilespmem:v10+s4+$0x0], $0xffff  }
0xf5: {  	v21 =	vld [tilespmem:s20+$0xFFFFFF80]  }
0xf6: {  	v14 =	vmul.f32 v14, v15;
	v22 =	vld [tilespmem:s21+$0xFFFFFF50];
	s21 =	smov.u32 s20;
	s20 =	smov.u32 s13  }
0xf7: {  	v15 =	vld [tilespmem:s13+$0xFFFFFFB0]  }
0xf8: {  	v17 =	vld.idx.msk [tilespmem:v17+s4+$0x0], $0xffff;
	[tilespmem:s29+$0x80] =	vst v14  }
0xf9: {  	v14 =	vor.u32 s25, v3;
	v20 =	vld.idx.msk [tilespmem:v20+s4+$0x0], $0xffff  }
0xfa: {  	v11 =	vadd.f32 v18, v11;
	v18 =	vld.idx.msk [tilespmem:v19+s4+$0x0], $0xffff  }
0xfb: {  	v10 =	vmul.f32 v12, v10;
	v19 =	vor.u32 s19, v5;
	s19 =	smov.u32 s14;
	v12 =	vld [tilespmem:s21+$0xFFFFFFC0]  }
0xfc: {  	v24 =	vmul.f32 $2.000000030e-01, v11;
	v25 =	vor.u32 s19, v3;
	v23 =	vld.idx.msk [tilespmem:v6+s23+$0x20 ss:$0x1], $0xffff  }
0xfd: {  	v13 =	vadd.f32 v13, v16;
	v16 =	vor.u32 s0, v5;
	s0 =	smov.u32 s10;
	vm0 =	vge.f32 v11, $0.0e+00;
	[tilespmem:s31+$0xFFFFFF70] =	vst v10;
	v10 =	vld [tilespmem:s21+$0xFFFFFF20]  }
0xfe: {  	v11 =	vsel vm0, v11, v24;
	v17 =	vmul.f32 v21, v17;
	v14 =	vld.idx.msk [tilespmem:v14+s4+$0x0], $0xffff  }
0xff: {  	v21 =	vmul.f32 $2.000000030e-01, v13;
	v24 =	vld [tilespmem:s21+$0xFFFFFEF0];
	[tilespmem:s29+$0x90] =	vst v20  }
0x100: {  	vm0 =	vge.f32 v13, $0.0e+00;
	v11 =	vmul.f32 $1.442695020e+00, v11;
	[tilespmem:s31+$0x10] =	vst v17;
	v17 =	vmul.f32 v22, v18;
	v18 =	vld.idx.msk [tilespmem:v19+s4+$0x0], $0xffff  }
0x101: {  	v13 =	vsel vm0, v13, v21;
	v8 =	vmul.f32 v12, v8;
	v12 =	vor.u32 s22, v2;
	v19 =	vld.idx.msk [tilespmem:v25+s4+$0x0], $0xffff  }
0x102: {  	v13 =	vmul.f32 $1.442695020e+00, v13;
	v15 =	vadd.f32 v23, v15;
	(erf) = vpow2.f32 v11;
	v11 =	vld [tilespmem:s21+$0xFFFFFF90];
	[tilespmem:s29+$0xFFFFFFE0] =	vst v17  }
0x103: {  	v9 =	vmul.f32 v10, v9;
	v10 =	vor.u32 s0, v2;
	v16 =	vld.idx.msk [tilespmem:v16+s4+$0x0], $0xffff  }
0x104: {  	v20 =	vmul.f32 $2.000000030e-01, v15;
	v17 =	vld [tilespmem:s13+$0xFFFFFF60];
	(erf) = vpow2.f32 v13;
	[tilespmem:s31+$0x50] =	vst v8  }
0x105: {  	vm0 =	vge.f32 v15, $0.0e+00;
	v13 =	vmul.f32 v24, v14;
	v14 =	vor.u32 s25, v4;
	v8 =	vld.idx.msk [tilespmem:v6+s23+$0x10 ss:$0x1], $0xffff;
	[tilespmem:s31+$0xFFFFFFB0] =	vst v9  }
0x106: {  	v9 =	vsel vm0, v15, v20;
	v12 =	vld.idx.msk [tilespmem:v12+s4+$0x0], $0xffff;
	[tilespmem:s29+$0x40] =	vst v18  }
0x107: {  	s3 =	sshll.u32 s3, $0x4;
	v15 =	vmul.f32 $1.442695020e+00, v9;
	[tilespmem:s31+$0xFFFFFF80] =	vst v13;
	v11 =	vmul.f32 v11, v19;
	v13 =	vor.u32 s19, v4;
	v18 =	vld [tilespmem:s21+$0xFFFFFFD0]  }
0x108: {  	s8 =	sadd.s32 $0x30, s3;
	s10 =	sadd.s32 $0x10, s3;
	s14 =	sadd.s32 $0x20, s3;
	v10 =	vld.idx.msk [tilespmem:v10+s4+$0x0], $0xffff  }
0x109: {  	v9 =	vor.u32 s8, v4;
	v19 =	vor.u32 s8, v0;
	(erf) = vpow2.f32 v15;
	v15 =	vld [tilespmem:s21+$0xFFFFFF30];
	[tilespmem:s29+$0xFFFFFFF0] =	vst v16;
	s29 =	smov.u32 s31  }
0x10a: {  	v14 =	vld.idx.msk [tilespmem:v14+s4+$0x0], $0xffff;
	[tilespmem:s31+$0x20] =	vst v11;
	v11 =	vor.u32 s22, v3  }
0x10b: {  	v16 =	vadd.f32 v8, v17;
	v8 =	vpop (erf);
	v17 =	vld [tilespmem:s21+$0xFFFFFF00]  }
0x10c: {  	s31 =	sadd.s32 $0x140, s31;
	v13 =	vld.idx.msk [tilespmem:v13+s4+$0x0], $0xffff;
	v12 =	vmul.f32 v18, v12  }
0x10d: {  	v18 =	vmul.f32 $2.000000030e-01, v16;
	[tilespmem:s23+$0xE530] =	vst v8;
	v20 =	vpop (erf);
	v21 =	vld [tilespmem:s21+$0xFFFFFFA0]  }
0x10e: {  	v22 =	vor.u32 s3, v0;
	vm0 =	vge.f32 v16, $0.0e+00;
	v8 =	vld.idx.msk [tilespmem:v19+s4+$0x0], $0xffff;
	v10 =	vmul.f32 v15, v10;
	[tilespmem:s29+$0x60] =	vst v12  }
0x10f: {  	v12 =	vsel vm0, v16, v18;
	v15 =	vor.u32 s25, v5;
	s25 =	smov.u32 s3;
	[tilespmem:s23+$0xE500] =	vst v20;
	v16 =	vld [tilespmem:s21+$0xFFFFFFE0]  }
0x110: {  	v23 =	vmul.f32 $1.442695020e+00, v12;
	v14 =	vmul.f32 v17, v14;
	[tilespmem:s29+$0xFFFFFFC0] =	vst v10;
	v17 =	vor.u32 s0, v3;
	v19 =	vld.idx.msk [tilespmem:v11+s4+$0x0], $0xffff  }
0x111: {  	v20 =	vor.u32 s14, v0;
	v11 =	vld [tilespmem:s21+$0xFFFFFF40]  }
.Ltmp1:
0x112: {  	v12 =	vld [tilespmem:s13+$0xFFFFFED0];
	(erf) = vpow2.f32 v23;
	v18 =	vpop (erf);
	[tilespmem:s29+$0xFFFFFF90] =	vst v14;
	v14 =	vmul.f32 v21, v13;
	(pc) =	sbr.rel @p3 .LBB2_5-.Ltmp1, $4  }
0x113: {  	v13 =	vld.idx.msk [tilespmem:v22+s4+$0x0], $0xffff  }
0x114: {  	v10 =	vld.idx.msk [tilespmem:v15+s4+$0x0], $0xffff;
	[tilespmem:s29+$0x30] =	vst v14  }
0x115: {  	[tilespmem:s23+$0xE520] =	vst v18;
	v14 =	vld.idx.msk [tilespmem:v17+s4+$0x0], $0xffff  }
0x116: {  	s12 =	sadd.s32 $0x100, s12;
	s13 =	sadd.s32 $0x140, s13;
	v16 =	vmul.f32 v16, v19;
	v15 =	vld.idx.msk [tilespmem:v20+s4+$0x0], $0xffff  }
0x117: {  	_ = 	snop  }
0x118: {  	v6 =	vor.u32 s10, v0  }
0x119: {  	v17 =	vld [tilespmem:s20+$0xFFFFFF70]  }
0x11a: {  	v27 =	vld [tilespmem:s20+$0xFFFFFFC0];
	[tilespmem:s29+$0x70] =	vst v16  }
0x11b: {  	v18 =	vor.u32 s25, v2;
	v16 =	vld [tilespmem:s21+$0xFFFFFFF0];
	v19 =	vpop (erf)  }
0x11c: {  	v12 =	vmul.f32 v12, v13;
	v7 =	vld.idx.msk [tilespmem:v7+s4+$0x0], $0xffff;
	[tilespmem:s23+$0xE510] =	vst v19  }
0x11d: {  	v29 =	vor.u32 s14, v2;
	v6 =	vld.idx.msk [tilespmem:v6+s4+$0x0], $0xffff  }
0x11e: {  	[tilespmem:s31+$0xFFFFFF60] =	vst v12;
	v28 =	vmul.f32 v17, v15;
	v30 =	vld [tilespmem:s20+$0xFFFFFF20]  }
0x11f: {  	v32 =	vor.u32 s8, v2;
	v31 =	vld [tilespmem:s20+$0xFFFFFEE0]  }
0x120: {  	v11 =	vmul.f32 v11, v14;
	v33 =	vld.idx.msk [tilespmem:v18+s4+$0x0], $0xffff;
	[tilespmem:s31+$0x0] =	vst v28  }
0x121: {  	v35 =	vor.u32 s10, v2;
	v8 =	vmul.f32 v27, v8;
	v34 =	vld [tilespmem:s20+$0xFFFFFF80]  }
0x122: {  	[tilespmem:s29+$0xFFFFFFD0] =	vst v11;
	v15 =	vld.idx.msk [tilespmem:v29+s4+$0x0], $0xffff  }
0x123: {  	v37 =	vor.u32 s25, v3;
	v36 =	vld [tilespmem:s21+$0xFFFFFF50];
	[tilespmem:s31+$0x50] =	vst v8;
	v6 =	vmul.f32 v30, v6  }
0x124: {  	v7 =	vmul.f32 v16, v7;
	v38 =	vld.idx.msk [tilespmem:v32+s4+$0x0], $0xffff  }
0x125: {  	v39 =	vor.u32 s14, v3;
	v12 =	vmul.f32 v31, v33;
	[tilespmem:s31+$0xFFFFFFB0] =	vst v6;
	v6 =	vld [tilespmem:s20+$0xFFFFFFD0]  }
0x126: {  	[tilespmem:s29+$0x80] =	vst v7;
	v13 =	vld.idx.msk [tilespmem:v35+s4+$0x0], $0xffff  }
0x127: {  	v44 =	vor.u32 s0, v4;
	[tilespmem:s31+$0xFFFFFF70] =	vst v12;
	v11 =	vmul.f32 v34, v15;
	v7 =	vld [tilespmem:s20+$0xFFFFFF30]  }
0x128: {  	v8 =	vld.idx.msk [tilespmem:v37+s4+$0x0], $0xffff  }
0x129: {  	v41 =	vor.u32 s8, v3;
	v42 =	vld [tilespmem:s20+$0xFFFFFEF0];
	[tilespmem:s31+$0x10] =	vst v11  }
0x12a: {  	v11 =	vld.idx.msk [tilespmem:v39+s4+$0x0], $0xffff;
	v6 =	vmul.f32 v6, v38  }
0x12b: {  	v43 =	vor.u32 s10, v3;
	v45 =	vld [tilespmem:s20+$0xFFFFFF90]  }
0x12c: {  	v20 =	vor.u32 s22, v5;
	v17 =	vld.idx.msk [tilespmem:v44+s4+$0x0], $0xffff;
	v7 =	vmul.f32 v7, v13;
	[tilespmem:s31+$0x60] =	vst v6  }
0x12d: {  	v46 =	vld [tilespmem:s20+$0xFFFFFFE0]  }
0x12e: {  	v47 =	vor.u32 s14, v4;
	[tilespmem:s31+$0xFFFFFFC0] =	vst v7;
	v7 =	vld.idx.msk [tilespmem:v41+s4+$0x0], $0xffff  }
0x12f: {  	v8 =	vmul.f32 v42, v8;
	v48 =	vld [tilespmem:s20+$0xFFFFFF40]  }
0x130: {  	v6 =	vor.u32 s25, v4;
	v49 =	vmul.f32 v45, v11;
	v14 =	vld.idx.msk [tilespmem:v43+s4+$0x0], $0xffff  }
0x131: {  	v40 =	vld.idx.msk [tilespmem:v20+s4+$0x0], $0xffff;
	[tilespmem:s31+$0xFFFFFF80] =	vst v8  }
0x132: {  	v50 =	vld [tilespmem:s20+$0xFFFFFF00];
	[tilespmem:s31+$0x20] =	vst v49  }
0x133: {  	v51 =	vld.idx.msk [tilespmem:v47+s4+$0x0], $0xffff;
	v7 =	vmul.f32 v46, v7  }
0x134: {  	v52 =	vor.u32 s10, v4;
	v53 =	vld [tilespmem:s20+$0xFFFFFFA0]  }
0x135: {  	v6 =	vld.idx.msk [tilespmem:v6+s4+$0x0], $0xffff;
	[tilespmem:s31+$0x70] =	vst v7;
	v7 =	vmul.f32 v48, v14  }
0x136: {  	v54 =	vld [tilespmem:s20+$0xFFFFFFF0]  }
0x137: {  	v55 =	vor.u32 s19, v5;
	v9 =	vld.idx.msk [tilespmem:v9+s4+$0x0], $0xffff;
	[tilespmem:s31+$0xFFFFFFD0] =	vst v7  }
0x138: {  	v57 =	vor.u32 s25, v5;
	v56 =	vld [tilespmem:s20+$0xFFFFFF50]  }
0x139: {  	v58 =	vmul.f32 v36, v17;
	v7 =	vor.u32 s0, v5;
	v12 =	vld.idx.msk [tilespmem:v52+s4+$0x0], $0xffff  }
0x13a: {  	v60 =	vor.u32 s14, v5;
	[tilespmem:s29+$0xFFFFFFA0] =	vst v10;
	v6 =	vmul.f32 v50, v6  }
0x13b: {  	v59 =	vor.u32 s8, v5;
	[tilespmem:s29+$0xFFFFFFE0] =	vst v58  }
0x13c: {  	v61 =	vor.u32 s10, v5;
	v15 =	vld.idx.msk [tilespmem:v55+s4+$0x0], $0xffff;
	[tilespmem:s31+$0xFFFFFF90] =	vst v6;
	v6 =	vmul.f32 v53, v51  }
0x13d: {  	[tilespmem:s29+$0x90] =	vst v40;
	v62 =	vld.idx.msk [tilespmem:v57+s4+$0x0], $0xffff;
	v9 =	vmul.f32 v54, v9  }
0x13e: {  	[tilespmem:s31+$0x30] =	vst v6;
	v7 =	vld.idx.msk [tilespmem:v7+s4+$0x0], $0xffff;
	v63 =	vmul.f32 v56, v12  }
0x13f: {  	v8 =	vld.idx.msk [tilespmem:v60+s4+$0x0], $0xffff;
	[tilespmem:s31+$0x80] =	vst v9  }
0x140: {  	v6 =	vld.idx.msk [tilespmem:v59+s4+$0x0], $0xffff;
	[tilespmem:s31+$0xFFFFFFE0] =	vst v63  }
0x141: {  	[tilespmem:s29+$0x40] =	vst v15;
	v9 =	vld.idx.msk [tilespmem:v61+s4+$0x0], $0xffff  }
0x142: {  	[tilespmem:s31+$0xFFFFFFA0] =	vst v62  }
0x143: {  	[tilespmem:s29+$0xFFFFFFF0] =	vst v7  }
0x144: {  	[tilespmem:s31+$0x40] =	vst v8  }
0x145: {  	s0 =	sshll.u32 @!p2 s24, $0x7;
	[tilespmem:s31+$0x90] =	vst v6  }
0x146: {  	s3 =	simm.s32 @!p2 $0x80;
	s8 =	simm.s32 @!p2 $0x9500;
	s0 =	sadd.s32 @!p2 $0x280, s0;
	[tilespmem:s31+$0xFFFFFFF0] =	vst v9  }
0x147: {  	[spmem:s2] =	stream.indirect.scatter.add.f32 @!p2 [tilespmem:s8], [sflag:$0x6], $0x50, s0, s3, $0xb8;
	[tilespmem:$0x1B500] =	vst v63  }
0x148: {  	s16 =	sadd.s32 $0x1, s16;
	s0 =	sshll.u32 @p1 s24, $0x7  }
0x149: {  	s3 =	simm.s32 @p1 $0x80;
	s8 =	simm.s32 @p1 $0xBD00;
	s0 =	sadd.s32 @p1 $0x280, s0  }
0x14a: {  	[spmem:s2] =	stream.indirect.scatter.add.f32 @p1 [tilespmem:s8], [sflag:$0x7], $0x50, s0, s3, $0xb8;
	[tilespmem:$0x1B500] =	vst v63  }
0x14b: {  	p1 =	sne.s32 s16, $0x51  }
.Ltmp2:
0x14c: {  	_ = 	snop;
	(pc) =	sbr.rel @p1 .LBB2_4-.Ltmp2, $2  }
0x14d: {  	_ =	sdelay $0x2  }
0x14e: {  	s17 =	sadd.s32 $0x800, s17;
	s18 =	sadd.s32 $0x2800, s18;
	p0 =	por !p0, !p0  }
0x14f: {  	s0 =	simm.s32 $0x7  }
0x150: {  	_ =	swait.ge [sflag:s0], $0x2800  }
0x151: {  	[sflag:s0] =	ssyncset.done $0x0  }
0x152: {  	s22 =	simm.s32 $0x6;
	[sflag:s0] =	ssyncadd.s32 $0xFFFFD800  }
0x153: {  	_ =	swait.ge [sflag:s22], $0x2800  }
0x154: {  	[sflag:s22] =	ssyncset.done $0x0  }
0x155: {  	[sflag:s22] =	ssyncadd.s32 $0xFFFFD800  }
0x156: {  	[bflag:$0x0] =	sbarrier.arrive $0xFFFF  }
0x157: {  	s16 =	rddreg [dreg:$0x4]  }
0x158: {  	[tilespmem:s26], [sflag:$0x8] =	stream.linear.gather [spmem:s16], $0x2800, $0x38;
	[tilespmem:$0x1B500] =	vst v63  }
0x159: {  	_ =	swait.ge [sflag:s28], $0x2800  }
0x15a: {  	[sflag:s28] =	ssyncset.done $0x0  }
0x15b: {  	s23 =	simm.s32 $0x0;
	s3 =	rddreg [dreg:$0xd];
	[sflag:s28] =	ssyncadd.s32 $0xFFFFD800  }
0x15c: {  	[hbm4b:s3+s23] =	stream.linear.scatter [tilespmem:s26], [sflag:$0x8], $0x2800, $0x38;
	[tilespmem:$0x1B500] =	vst v63  }
0x15d: {  	_ =	swait.ge [sflag:s28], $0x2800  }
0x15e: {  	[sflag:s28] =	ssyncset.done $0x0  }
0x15f: {  	s17 =	rddreg [dreg:$0x5];
	[sflag:s28] =	ssyncadd.s32 $0xFFFFD800  }
0x160: {  	[tilespmem:s26], [sflag:$0x8] =	stream.linear.gather [spmem:s17], $0x2800, $0x38;
	[tilespmem:$0x1B500] =	vst v63  }
0x161: {  	_ =	swait.ge [sflag:s28], $0x2800  }
0x162: {  	[sflag:s28] =	ssyncset.done $0x0  }
0x163: {  	s24 =	rddreg [dreg:$0xe];
	[sflag:s28] =	ssyncadd.s32 $0xFFFFD800  }
0x164: {  	[hbm4b:s24+s23] =	stream.linear.scatter [tilespmem:s26], [sflag:$0x8], $0x2800, $0x38;
	[tilespmem:$0x1B500] =	vst v63  }
0x165: {  	_ =	swait.ge [sflag:s28], $0x2800  }
0x166: {  	[sflag:s28] =	ssyncset.done $0x0  }
0x167: {  	s18 =	rddreg [dreg:$0x6];
	[sflag:s28] =	ssyncadd.s32 $0xFFFFD800  }
0x168: {  	[tilespmem:s26], [sflag:$0x8] =	stream.linear.gather [spmem:s18], $0x2800, $0x38;
	[tilespmem:$0x1B500] =	vst v63  }
0x169: {  	_ =	swait.ge [sflag:s28], $0x2800  }
0x16a: {  	[sflag:s28] =	ssyncset.done $0x0  }
0x16b: {  	s25 =	rddreg [dreg:$0xf];
	[sflag:s28] =	ssyncadd.s32 $0xFFFFD800  }
0x16c: {  	[hbm4b:s25+s23] =	stream.linear.scatter [tilespmem:s26], [sflag:$0x8], $0x2800, $0x38;
	[tilespmem:$0x1B500] =	vst v63  }
0x16d: {  	_ =	swait.ge [sflag:s28], $0x2800  }
0x16e: {  	[sflag:s28] =	ssyncset.done $0x0  }
0x16f: {  	s19 =	rddreg [dreg:$0x7];
	[sflag:s28] =	ssyncadd.s32 $0xFFFFD800  }
0x170: {  	[tilespmem:s26], [sflag:$0x8] =	stream.linear.gather [spmem:s19], $0x2800, $0x38;
	[tilespmem:$0x1B500] =	vst v63  }
0x171: {  	_ =	swait.ge [sflag:s28], $0x2800  }
0x172: {  	[sflag:s28] =	ssyncset.done $0x0  }
0x173: {  	s29 =	rddreg [dreg:$0x10];
	[sflag:s28] =	ssyncadd.s32 $0xFFFFD800  }
0x174: {  	[hbm4b:s29+s23] =	stream.linear.scatter [tilespmem:s26], [sflag:$0x8], $0x2800, $0x38;
	[tilespmem:$0x1B500] =	vst v63  }
0x175: {  	_ =	swait.ge [sflag:s28], $0x2800  }
0x176: {  	[sflag:s28] =	ssyncset.done $0x0  }
0x177: {  	s20 =	rddreg [dreg:$0x8];
	[sflag:s28] =	ssyncadd.s32 $0xFFFFD800  }
0x178: {  	[tilespmem:s26], [sflag:$0x8] =	stream.linear.gather [spmem:s20], $0x2800, $0x38;
	[tilespmem:$0x1B500] =	vst v63  }
0x179: {  	_ =	swait.ge [sflag:s28], $0x2800  }
0x17a: {  	[sflag:s28] =	ssyncset.done $0x0  }
0x17b: {  	s30 =	rddreg [dreg:$0x11];
	[sflag:s28] =	ssyncadd.s32 $0xFFFFD800  }
0x17c: {  	[hbm4b:s30+s23] =	stream.linear.scatter [tilespmem:s26], [sflag:$0x8], $0x2800, $0x38;
	[tilespmem:$0x1B500] =	vst v63  }
0x17d: {  	_ =	swait.ge [sflag:s28], $0x2800  }
0x17e: {  	s15 =	sadd.s32 $0x1, s15;
	s31 =	rddreg [dreg:$0x14]  }
0x17f: {  	p0 =	sne.s32 s15, s31  }
.Ltmp3:
0x180: {  	_ = 	snop;
	(pc) =	sbr.rel @p0 .LBB2_1-.Ltmp3, $3  }
0x181: {  	_ =	sdelay $0x1  }
0x182: {  	[sflag:s28] =	ssyncset.done $0x0  }
0x183: {  	[sflag:s28] =	ssyncadd.s32 $0xFFFFD800  }
0x184: {  	_ =	sfence.sel $0x180000  }
0x185: {  	[bflag:$0x0] =	sbarrier.arrive $0xFFFF  }
0x186: {  	_ =	strace $0x90000047  }
0x187: {  	s0 =	stileid.u32;
	[bflag:$0x2] =	sbarrier.arrive $0xFFFF  }
0x188: {  	p0 =	sne.s32 s0, $0x0;
	s0 =	rddreg [dreg:$0x3]  }
0x189: {  	s0 =	sadd.s32 @!p0 $0x100000, s0  }
0x18a: {  	[sflag:s0] =	ssyncadd.tile.s32 @!p0 $0x1;
	_ =	shalt  }
.Lfunc_end2:
_tile_overlayer_lowered:
.L_overlay_start_2:
0x18b: {  	(tag) =	ssettag $0x2  }
0x18c: {  	s0 =	rddreg [dreg:$0x0];
	s2 =	stileid.u32  }
0x18d: {  	s1 =	rddreg [dreg:$0x1];
	p0 =	sne.s32 s2, $0x0  }
0x18e: {  	s3 =	rddreg [dreg:$0x2];
	[bflag:$0x3] =	sbarrier.arrive $0xFFFF;
	s2 =	simm.s32 @!p0 $0x1C08  }
0x18f: {  	[timem:s3], [sflag:s2] =	dma.local @!p0 [hbm:s0], s1  }
0x190: {  	s0 =	simm.s32 @!p0 $0x8  }
0x191: {  	_ =	swait.ge @!p0 [sflag:s0], s1  }
0x192: {  	s1 =	ssub.s32 @!p0 $0x0, s1;
	[sflag:s0] =	ssyncset.done @!p0 $0x0  }
0x193: {  	[sflag:s0] =	ssyncadd.s32 @!p0 s1  }
0x194: {  	[bflag:$0x3] =	sbarrier.arrive $0xFFFF  }
0x195: {  	_ =	shalt  }

</sc_bundles>
